<compile_context>
chip_gen: v7x
topology: tpu7x:2x2x1
jax: 0.10.2.dev20260603
libtpu: 0.0.44.dev20260713+nightly
codegen_flags: <defaults>
</compile_context>

<pallas_src>
import functools

import jax
import jax.numpy as jnp
from jax import lax
from jax.experimental import pallas as pl
from jax.experimental.pallas import tpu as pltpu
from jax.experimental.pallas import tpu_sc as plsc

G = 64
N = 50000
D = 256
LANES = 16
NUM_TILES = 16
BINS = 128
NACC = 4

ROW_BLOCK = 5120
N_PAD = 51200

CHUNK = 3136
TAIL = N - 15 * CHUNK


def _rowsum_body(p_ref, t_ref, o_ref):
    o_ref[...] = jnp.sum(jnp.abs(p_ref[...] - t_ref[...]), axis=1)


def _per_node_sums(pred, target):
    d = pred.shape[1]
    grid = N_PAD // ROW_BLOCK
    return pl.pallas_call(
        _rowsum_body,
        grid=(grid,),
        in_specs=[
            pl.BlockSpec((ROW_BLOCK, d), lambda i: (i, 0)),
            pl.BlockSpec((ROW_BLOCK, d), lambda i: (i, 0)),
        ],
        out_specs=pl.BlockSpec((ROW_BLOCK,), lambda i: (i,)),
        out_shape=jax.ShapeDtypeStruct((N_PAD,), jnp.float32),
    )(pred, target)


def _zero_accs(acc):
    zeros = jnp.zeros((LANES,), jnp.float32)
    for k in range(NACC):
        for j in range(BINS // LANES):
            acc[k, pl.ds(j * LANES, LANES)] = zeros


def _scatter_rotating(vals_v, ids_v, acc, count, with_vals):
    ones = jnp.ones((LANES,), jnp.float32)
    groups = count // (NACC * LANES)
    rem = (count - groups * NACC * LANES) // LANES

    def body(i, carry):
        base = i * (NACC * LANES)
        for k in range(NACC):
            sl = pl.ds(base + k * LANES, LANES)
            ids = ids_v[sl]
            v = vals_v[sl] if with_vals else ones
            plsc.addupdate_scatter(acc.at[k], [ids], v)
        return carry

    lax.fori_loop(0, groups, body, 0, unroll=2)
    for k in range(rem):
        sl = pl.ds(groups * NACC * LANES + k * LANES, LANES)
        ids = ids_v[sl]
        v = vals_v[sl] if with_vals else ones
        plsc.addupdate_scatter(acc.at[k], [ids], v)


def _merge_accs(acc, out_ref):
    for j in range(BINS // LANES):
        sl = pl.ds(j * LANES, LANES)
        s = acc[0, sl]
        for k in range(1, NACC):
            s = s + acc[k, sl]
        out_ref[sl] = s


@functools.cache
def _make_counts():
    mesh = plsc.VectorSubcoreMesh(core_axis_name="c", subcore_axis_name="s")

    @functools.partial(
        pl.kernel,
        out_type=jax.ShapeDtypeStruct((BINS,), jnp.float32),
        mesh=mesh,
        scratch_types=[
            pltpu.VMEM((CHUNK,), jnp.int32),
            pltpu.VMEM((NACC, BINS), jnp.float32),
            pltpu.VMEM((BINS,), jnp.float32),
            pltpu.VMEM_SHARED((NUM_TILES, BINS), jnp.float32),
            pltpu.VMEM((NUM_TILES, BINS), jnp.float32),
        ],
        compiler_params=pltpu.CompilerParams(needs_layout_passes=False),
    )
    def _counts(ids_hbm, out_hbm, ids_v, acc, acc_m, slab, slab_v):
        cid = lax.axis_index("c")
        sid = lax.axis_index("s")

        @pl.when(cid == 0)
        def _():
            def count_chunk(count):
                pltpu.sync_copy(
                    ids_hbm.at[pl.ds(sid * CHUNK, count)],
                    ids_v.at[pl.ds(0, count)])
                _zero_accs(acc)
                _scatter_rotating(None, ids_v, acc, count, False)
                _merge_accs(acc, acc_m)

            @pl.when(sid < NUM_TILES - 1)
            def _():
                count_chunk(CHUNK)

            @pl.when(sid == NUM_TILES - 1)
            def _():
                count_chunk(TAIL)

            pltpu.sync_copy(acc_m, slab.at[sid])
            plsc.subcore_barrier()

            @pl.when(sid == 0)
            def _():
                pltpu.sync_copy(slab, slab_v)
                for j in range(BINS // LANES):
                    sl = pl.ds(j * LANES, LANES)
                    c = slab_v[0, sl]
                    for t in range(1, NUM_TILES):
                        c = c + slab_v[t, sl]
                    acc_m[sl] = c
                pltpu.sync_copy(acc_m, out_hbm)

    return _counts


@functools.cache
def _make_segment_mean():
    mesh = plsc.VectorSubcoreMesh(core_axis_name="c", subcore_axis_name="s")

    @functools.partial(
        pl.kernel,
        out_type=jax.ShapeDtypeStruct((1,), jnp.float32),
        mesh=mesh,
        scratch_types=[
            pltpu.VMEM((CHUNK,), jnp.float32),
            pltpu.VMEM((CHUNK,), jnp.int32),
            pltpu.VMEM((NACC, BINS), jnp.float32),
            pltpu.VMEM((BINS,), jnp.float32),
            pltpu.VMEM((BINS,), jnp.float32),
            pltpu.VMEM_SHARED((NUM_TILES, BINS), jnp.float32),
            pltpu.VMEM((NUM_TILES, BINS), jnp.float32),
            pltpu.VMEM((LANES,), jnp.float32),
            pltpu.SemaphoreType.DMA,
            pltpu.SemaphoreType.DMA,
        ],
        compiler_params=pltpu.CompilerParams(needs_layout_passes=False),
    )
    def _segment_mean(vals_hbm, ids_hbm, cnt_hbm, out_hbm,
                      vals_v, ids_v, acc, acc_m, cnt_v, slab, slab_v, out_v,
                      sem_a, sem_b):
        cid = lax.axis_index("c")
        sid = lax.axis_index("s")

        @pl.when(cid == 0)
        def _():
            def scatter_chunk(count):
                base = sid * CHUNK
                cp_v = pltpu.async_copy(
                    vals_hbm.at[pl.ds(base, count)],
                    vals_v.at[pl.ds(0, count)], sem_a)
                cp_i = pltpu.async_copy(
                    ids_hbm.at[pl.ds(base, count)],
                    ids_v.at[pl.ds(0, count)], sem_b)
                _zero_accs(acc)
                cp_v.wait()
                cp_i.wait()
                _scatter_rotating(vals_v, ids_v, acc, count, True)
                _merge_accs(acc, acc_m)

            @pl.when(sid < NUM_TILES - 1)
            def _():
                scatter_chunk(CHUNK)

            @pl.when(sid == NUM_TILES - 1)
            def _():
                scatter_chunk(TAIL)

            pltpu.sync_copy(acc_m, slab.at[sid])
            plsc.subcore_barrier()

            @pl.when(sid == 0)
            def _():
                cp_c = pltpu.async_copy(cnt_hbm, cnt_v, sem_a)
                pltpu.sync_copy(slab, slab_v)
                cp_c.wait()

                acc_f = jnp.zeros((LANES,), jnp.float32)
                for j in range(G // LANES):
                    sl = pl.ds(j * LANES, LANES)
                    s = slab_v[0, sl]
                    for t in range(1, NUM_TILES):
                        s = s + slab_v[t, sl]
                    c = cnt_v[sl]
                    acc_f = acc_f + s / (c * float(D))
                res = jnp.sum(acc_f) * (10000.0 / float(G))
                out_v[...] = jnp.broadcast_to(res, (LANES,))
                pltpu.sync_copy(out_v.at[pl.ds(0, 1)], out_hbm)

    return _segment_mean


def kernel(pred, target, batch, x):
    ids = batch.astype(jnp.int32)
    counts = _make_counts()(ids)
    per_node = _per_node_sums(pred, target)
    out = _make_segment_mean()(per_node, ids, counts)
    return out[0]

# --- scband reference (transcript-rebuilt; emitter-appended) ---
"""Pipeline reference for scband-graph-maeloss-40346922778986 (READ-ONLY COPY).

The authoritative reference and input builder live on the scoring server;
editing this copy changes nothing except your own understanding.
"""

import jax, jax.numpy as jnp
import numpy as np

NUM_GRAPHS = 64
N = 50000
D = 256


def setup_inputs(seed: int = 0) -> dict:
    key = jax.random.key(seed)
    k1, k2, k3, k4 = jax.random.split(key, 4)
    pred = jax.random.normal(k1, (N, D), dtype=jnp.float32)
    target = jax.random.normal(k2, (N, D), dtype=jnp.float32)
    batch = jnp.sort(jax.random.randint(k3, (N,), 0, NUM_GRAPHS))
    x = jax.random.normal(k4, (N, D), dtype=jnp.float32)
    return {"pred": pred, "target": target, "batch": batch, "x": x}


def reference(pred, target, batch, x):
    # Faithful translation of GraphMAELoss.forward with batch != None.
    # num_graphs = batch.max()+1 in torch; with sorted_randint over [0,64) and
    # N=50000 nodes, max == 63 with overwhelming probability, so the static
    # constant NUM_GRAPHS is used (required for jit-able segment ops).
    abs_diff = jnp.abs(pred - target)  # [N, D]
    per_node_sum = jnp.sum(abs_diff, axis=1)  # [N]
    sum_per_graph = jax.ops.segment_sum(per_node_sum, batch, num_segments=NUM_GRAPHS)
    node_cnt = jax.ops.segment_sum(jnp.ones((pred.shape[0],), dtype=jnp.float32), batch, num_segments=NUM_GRAPHS)
    elem_cnt = node_cnt * pred.shape[1]
    graph_losses = sum_per_graph / elem_cnt  # per-graph mean absolute error
    return jnp.mean(graph_losses) * 10000.0

if __name__ == "__main__":
    import jax
    _d = setup_inputs()
    print(jax.jit(kernel)(*tuple(_d.values())))

</pallas_src>

<mosaic_0001>
#map = affine_map<(d0, d1) -> (0)>
module attributes {stable_mosaic.version = 14 : i64} {
  func.func @_segment_mean(%arg0: i32, %arg1: i32, %arg2: memref<51200xf32, #tpu.memory_space<hbm>>, %arg3: memref<50000xi32, #tpu.memory_space<hbm>>, %arg4: memref<128xf32, #tpu.memory_space<hbm>>, %arg5: memref<1xf32, #tpu.memory_space<hbm>>, %arg6: memref<3136xf32, #tpu.memory_space<vmem>>, %arg7: memref<3136xi32, #tpu.memory_space<vmem>>, %arg8: memref<4x128xf32, #tpu.memory_space<vmem>>, %arg9: memref<128xf32, #tpu.memory_space<vmem>>, %arg10: memref<128xf32, #tpu.memory_space<vmem>>, %arg11: memref<16x128xf32, #tpu.memory_space<vmem_shared>>, %arg12: memref<16x128xf32, #tpu.memory_space<vmem>>, %arg13: memref<16xf32, #tpu.memory_space<vmem>>, %arg14: memref<!tpu.dma_semaphore, #tpu.memory_space<semaphore_mem>>, %arg15: memref<!tpu.dma_semaphore, #tpu.memory_space<semaphore_mem>>) attributes {dimension_semantics = [#tpu.dimension_semantics<core_parallel>, #tpu.dimension_semantics<subcore_parallel>], iteration_bounds = array<i64: 2, 16>, scalar_prefetch = 0 : i64, scratch_operands = 10 : i64, tpu.core_type = #tpu.core_type<sc_vector_subcore>, window_params = [{transform_indices = #map}, {transform_indices = #map}, {transform_indices = #map}, {transform_indices = #map}]} {
    %eq3A = arith.constant 0 : i32
    %eq3A_0 = arith.cmpi eq, %arg0, %eq3A : i32
    %convert_element_type3A = arith.extui %eq3A_0 : i1 to i32
    %cond3A = arith.constant 0 : i32
    %cond3A_1 = arith.cmpi ne, %convert_element_type3A, %cond3A : i32
    scf.if %cond3A_1 {
      %lt3A = arith.constant 15 : i32
      %lt3A_2 = arith.cmpi slt, %arg1, %lt3A : i32
      %convert_element_type3A_3 = arith.extui %lt3A_2 : i1 to i32
      %cond3A_4 = arith.constant 0 : i32
      %cond3A_5 = arith.cmpi ne, %convert_element_type3A_3, %cond3A_4 : i32
      scf.if %cond3A_5 {
        %mul3A = arith.constant 3136 : i32
        %mul3A_16 = arith.muli %arg1, %mul3A : i32
        %dma_start3A = arith.constant 0 : i32
        %dma_start3A_17 = tpu.memref_slice %arg6[%dma_start3A] : memref<3136xf32, #tpu.memory_space<vmem>> -> memref<3136xf32, #tpu.memory_space<vmem>>
        %dma_start3A_18 = tpu.memref_slice %arg2[%mul3A_16] : memref<51200xf32, #tpu.memory_space<hbm>> -> memref<3136xf32, #tpu.memory_space<hbm>>
        %dma_start3A_19 = arith.constant 0 : i32
        %dma_start3A_20 = tpu.memref_slice %arg6[%dma_start3A_19] : memref<3136xf32, #tpu.memory_space<vmem>> -> memref<3136xf32, #tpu.memory_space<vmem>>
        %dma_start3A_21 = tpu.memref_slice %arg2[%mul3A_16] : memref<51200xf32, #tpu.memory_space<hbm>> -> memref<3136xf32, #tpu.memory_space<hbm>>
        tpu.enqueue_dma source(%dma_start3A_21 : memref<3136xf32, #tpu.memory_space<hbm>>) target(%dma_start3A_20 : memref<3136xf32, #tpu.memory_space<vmem>>) target_semaphore(%arg14 : memref<!tpu.dma_semaphore, #tpu.memory_space<semaphore_mem>>)
        %dma_start3A_22 = arith.constant 0 : i32
        %dma_start3A_23 = tpu.memref_slice %arg7[%dma_start3A_22] : memref<3136xi32, #tpu.memory_space<vmem>> -> memref<3136xi32, #tpu.memory_space<vmem>>
        %dma_start3A_24 = tpu.memref_slice %arg3[%mul3A_16] : memref<50000xi32, #tpu.memory_space<hbm>> -> memref<3136xi32, #tpu.memory_space<hbm>>
        %dma_start3A_25 = arith.constant 0 : i32
        %dma_start3A_26 = tpu.memref_slice %arg7[%dma_start3A_25] : memref<3136xi32, #tpu.memory_space<vmem>> -> memref<3136xi32, #tpu.memory_space<vmem>>
        %dma_start3A_27 = tpu.memref_slice %arg3[%mul3A_16] : memref<50000xi32, #tpu.memory_space<hbm>> -> memref<3136xi32, #tpu.memory_space<hbm>>
        tpu.enqueue_dma source(%dma_start3A_27 : memref<3136xi32, #tpu.memory_space<hbm>>) target(%dma_start3A_26 : memref<3136xi32, #tpu.memory_space<vmem>>) target_semaphore(%arg15 : memref<!tpu.dma_semaphore, #tpu.memory_space<semaphore_mem>>)
        %broadcast_in_dim3A = arith.constant 0.000000e+00 : f32
        %broadcast_in_dim3A_28 = vector.broadcast %broadcast_in_dim3A : f32 to vector<16xf32>
        %swap3A = arith.constant 0 : i32
        %swap3A_29 = arith.index_cast %swap3A : i32 to index
        %swap3A_30 = arith.constant 0 : index
        %swap3A_31 = tpu.vector_load %arg8[%swap3A_29, %swap3A_30] {strides = array<i32>} : memref<4x128xf32, #tpu.memory_space<vmem>>, vector<16xf32>,
        tpu.vector_store %arg8[%swap3A_29, %swap3A_30], %broadcast_in_dim3A_28 {strides = array<i32>} : memref<4x128xf32, #tpu.memory_space<vmem>>, vector<16xf32>,
        %swap3A_32 = arith.constant 0 : i32
        %swap3A_33 = arith.index_cast %swap3A_32 : i32 to index
        %swap3A_34 = arith.constant 16 : index
        %swap3A_35 = tpu.vector_load %arg8[%swap3A_33, %swap3A_34] {strides = array<i32>} : memref<4x128xf32, #tpu.memory_space<vmem>>, vector<16xf32>,
        tpu.vector_store %arg8[%swap3A_33, %swap3A_34], %broadcast_in_dim3A_28 {strides = array<i32>} : memref<4x128xf32, #tpu.memory_space<vmem>>, vector<16xf32>,
        %swap3A_36 = arith.constant 0 : i32
        %swap3A_37 = arith.index_cast %swap3A_36 : i32 to index
        %swap3A_38 = arith.constant 32 : index
        %swap3A_39 = tpu.vector_load %arg8[%swap3A_37, %swap3A_38] {strides = array<i32>} : memref<4x128xf32, #tpu.memory_space<vmem>>, vector<16xf32>,
        tpu.vector_store %arg8[%swap3A_37, %swap3A_38], %broadcast_in_dim3A_28 {strides = array<i32>} : memref<4x128xf32, #tpu.memory_space<vmem>>, vector<16xf32>,
        %swap3A_40 = arith.constant 0 : i32
        %swap3A_41 = arith.index_cast %swap3A_40 : i32 to index
        %swap3A_42 = arith.constant 48 : index
        %swap3A_43 = tpu.vector_load %arg8[%swap3A_41, %swap3A_42] {strides = array<i32>} : memref<4x128xf32, #tpu.memory_space<vmem>>, vector<16xf32>,
        tpu.vector_store %arg8[%swap3A_41, %swap3A_42], %broadcast_in_dim3A_28 {strides = array<i32>} : memref<4x128xf32, #tpu.memory_space<vmem>>, vector<16xf32>,
        %swap3A_44 = arith.constant 0 : i32
        %swap3A_45 = arith.index_cast %swap3A_44 : i32 to index
        %swap3A_46 = arith.constant 64 : index
        %swap3A_47 = tpu.vector_load %arg8[%swap3A_45, %swap3A_46] {strides = array<i32>} : memref<4x128xf32, #tpu.memory_space<vmem>>, vector<16xf32>,
        tpu.vector_store %arg8[%swap3A_45, %swap3A_46], %broadcast_in_dim3A_28 {strides = array<i32>} : memref<4x128xf32, #tpu.memory_space<vmem>>, vector<16xf32>,
        %swap3A_48 = arith.constant 0 : i32
        %swap3A_49 = arith.index_cast %swap3A_48 : i32 to index
        %swap3A_50 = arith.constant 80 : index
        %swap3A_51 = tpu.vector_load %arg8[%swap3A_49, %swap3A_50] {strides = array<i32>} : memref<4x128xf32, #tpu.memory_space<vmem>>, vector<16xf32>,
        tpu.vector_store %arg8[%swap3A_49, %swap3A_50], %broadcast_in_dim3A_28 {strides = array<i32>} : memref<4x128xf32, #tpu.memory_space<vmem>>, vector<16xf32>,
        %swap3A_52 = arith.constant 0 : i32
        %swap3A_53 = arith.index_cast %swap3A_52 : i32 to index
        %swap3A_54 = arith.constant 96 : index
        %swap3A_55 = tpu.vector_load %arg8[%swap3A_53, %swap3A_54] {strides = array<i32>} : memref<4x128xf32, #tpu.memory_space<vmem>>, vector<16xf32>,
        tpu.vector_store %arg8[%swap3A_53, %swap3A_54], %broadcast_in_dim3A_28 {strides = array<i32>} : memref<4x128xf32, #tpu.memory_space<vmem>>, vector<16xf32>,
        %swap3A_56 = arith.constant 0 : i32
        %swap3A_57 = arith.index_cast %swap3A_56 : i32 to index
        %swap3A_58 = arith.constant 112 : index
        %swap3A_59 = tpu.vector_load %arg8[%swap3A_57, %swap3A_58] {strides = array<i32>} : memref<4x128xf32, #tpu.memory_space<vmem>>, vector<16xf32>,
        tpu.vector_store %arg8[%swap3A_57, %swap3A_58], %broadcast_in_dim3A_28 {strides = array<i32>} : memref<4x128xf32, #tpu.memory_space<vmem>>, vector<16xf32>,
        %swap3A_60 = arith.constant 1 : i32
        %swap3A_61 = arith.index_cast %swap3A_60 : i32 to index
        %swap3A_62 = arith.constant 0 : index
        %swap3A_63 = tpu.vector_load %arg8[%swap3A_61, %swap3A_62] {strides = array<i32>} : memref<4x128xf32, #tpu.memory_space<vmem>>, vector<16xf32>,
        tpu.vector_store %arg8[%swap3A_61, %swap3A_62], %broadcast_in_dim3A_28 {strides = array<i32>} : memref<4x128xf32, #tpu.memory_space<vmem>>, vector<16xf32>,
        %swap3A_64 = arith.constant 1 : i32
        %swap3A_65 = arith.index_cast %swap3A_64 : i32 to index
        %swap3A_66 = arith.constant 16 : index
        %swap3A_67 = tpu.vector_load %arg8[%swap3A_65, %swap3A_66] {strides = array<i32>} : memref<4x128xf32, #tpu.memory_space<vmem>>, vector<16xf32>,
        tpu.vector_store %arg8[%swap3A_65, %swap3A_66], %broadcast_in_dim3A_28 {strides = array<i32>} : memref<4x128xf32, #tpu.memory_space<vmem>>, vector<16xf32>,
        %swap3A_68 = arith.constant 1 : i32
        %swap3A_69 = arith.index_cast %swap3A_68 : i32 to index
        %swap3A_70 = arith.constant 32 : index
        %swap3A_71 = tpu.vector_load %arg8[%swap3A_69, %swap3A_70] {strides = array<i32>} : memref<4x128xf32, #tpu.memory_space<vmem>>, vector<16xf32>,
        tpu.vector_store %arg8[%swap3A_69, %swap3A_70], %broadcast_in_dim3A_28 {strides = array<i32>} : memref<4x128xf32, #tpu.memory_space<vmem>>, vector<16xf32>,
        %swap3A_72 = arith.constant 1 : i32
        %swap3A_73 = arith.index_cast %swap3A_72 : i32 to index
        %swap3A_74 = arith.constant 48 : index
        %swap3A_75 = tpu.vector_load %arg8[%swap3A_73, %swap3A_74] {strides = array<i32>} : memref<4x128xf32, #tpu.memory_space<vmem>>, vector<16xf32>,
        tpu.vector_store %arg8[%swap3A_73, %swap3A_74], %broadcast_in_dim3A_28 {strides = array<i32>} : memref<4x128xf32, #tpu.memory_space<vmem>>, vector<16xf32>,
        %swap3A_76 = arith.constant 1 : i32
        %swap3A_77 = arith.index_cast %swap3A_76 : i32 to index
        %swap3A_78 = arith.constant 64 : index
        %swap3A_79 = tpu.vector_load %arg8[%swap3A_77, %swap3A_78] {strides = array<i32>} : memref<4x128xf32, #tpu.memory_space<vmem>>, vector<16xf32>,
        tpu.vector_store %arg8[%swap3A_77, %swap3A_78], %broadcast_in_dim3A_28 {strides = array<i32>} : memref<4x128xf32, #tpu.memory_space<vmem>>, vector<16xf32>,
        %swap3A_80 = arith.constant 1 : i32
        %swap3A_81 = arith.index_cast %swap3A_80 : i32 to index
        %swap3A_82 = arith.constant 80 : index
        %swap3A_83 = tpu.vector_load %arg8[%swap3A_81, %swap3A_82] {strides = array<i32>} : memref<4x128xf32, #tpu.memory_space<vmem>>, vector<16xf32>,
        tpu.vector_store %arg8[%swap3A_81, %swap3A_82], %broadcast_in_dim3A_28 {strides = array<i32>} : memref<4x128xf32, #tpu.memory_space<vmem>>, vector<16xf32>,
        %swap3A_84 = arith.constant 1 : i32
        %swap3A_85 = arith.index_cast %swap3A_84 : i32 to index
        %swap3A_86 = arith.constant 96 : index
        %swap3A_87 = tpu.vector_load %arg8[%swap3A_85, %swap3A_86] {strides = array<i32>} : memref<4x128xf32, #tpu.memory_space<vmem>>, vector<16xf32>,
        tpu.vector_store %arg8[%swap3A_85, %swap3A_86], %broadcast_in_dim3A_28 {strides = array<i32>} : memref<4x128xf32, #tpu.memory_space<vmem>>, vector<16xf32>,
        %swap3A_88 = arith.constant 1 : i32
        %swap3A_89 = arith.index_cast %swap3A_88 : i32 to index
        %swap3A_90 = arith.constant 112 : index
        %swap3A_91 = tpu.vector_load %arg8[%swap3A_89, %swap3A_90] {strides = array<i32>} : memref<4x128xf32, #tpu.memory_space<vmem>>, vector<16xf32>,
        tpu.vector_store %arg8[%swap3A_89, %swap3A_90], %broadcast_in_dim3A_28 {strides = array<i32>} : memref<4x128xf32, #tpu.memory_space<vmem>>, vector<16xf32>,
        %swap3A_92 = arith.constant 2 : i32
        %swap3A_93 = arith.index_cast %swap3A_92 : i32 to index
        %swap3A_94 = arith.constant 0 : index
        %swap3A_95 = tpu.vector_load %arg8[%swap3A_93, %swap3A_94] {strides = array<i32>} : memref<4x128xf32, #tpu.memory_space<vmem>>, vector<16xf32>,
        tpu.vector_store %arg8[%swap3A_93, %swap3A_94], %broadcast_in_dim3A_28 {strides = array<i32>} : memref<4x128xf32, #tpu.memory_space<vmem>>, vector<16xf32>,
        %swap3A_96 = arith.constant 2 : i32
        %swap3A_97 = arith.index_cast %swap3A_96 : i32 to index
        %swap3A_98 = arith.constant 16 : index
        %swap3A_99 = tpu.vector_load %arg8[%swap3A_97, %swap3A_98] {strides = array<i32>} : memref<4x128xf32, #tpu.memory_space<vmem>>, vector<16xf32>,
        tpu.vector_store %arg8[%swap3A_97, %swap3A_98], %broadcast_in_dim3A_28 {strides = array<i32>} : memref<4x128xf32, #tpu.memory_space<vmem>>, vector<16xf32>,
        %swap3A_100 = arith.constant 2 : i32
        %swap3A_101 = arith.index_cast %swap3A_100 : i32 to index
        %swap3A_102 = arith.constant 32 : index
        %swap3A_103 = tpu.vector_load %arg8[%swap3A_101, %swap3A_102] {strides = array<i32>} : memref<4x128xf32, #tpu.memory_space<vmem>>, vector<16xf32>,
        tpu.vector_store %arg8[%swap3A_101, %swap3A_102], %broadcast_in_dim3A_28 {strides = array<i32>} : memref<4x128xf32, #tpu.memory_space<vmem>>, vector<16xf32>,
        %swap3A_104 = arith.constant 2 : i32
        %swap3A_105 = arith.index_cast %swap3A_104 : i32 to index
        %swap3A_106 = arith.constant 48 : index
        %swap3A_107 = tpu.vector_load %arg8[%swap3A_105, %swap3A_106] {strides = array<i32>} : memref<4x128xf32, #tpu.memory_space<vmem>>, vector<16xf32>,
        tpu.vector_store %arg8[%swap3A_105, %swap3A_106], %broadcast_in_dim3A_28 {strides = array<i32>} : memref<4x128xf32, #tpu.memory_space<vmem>>, vector<16xf32>,
        %swap3A_108 = arith.constant 2 : i32
        %swap3A_109 = arith.index_cast %swap3A_108 : i32 to index
        %swap3A_110 = arith.constant 64 : index
        %swap3A_111 = tpu.vector_load %arg8[%swap3A_109, %swap3A_110] {strides = array<i32>} : memref<4x128xf32, #tpu.memory_space<vmem>>, vector<16xf32>,
        tpu.vector_store %arg8[%swap3A_109, %swap3A_110], %broadcast_in_dim3A_28 {strides = array<i32>} : memref<4x128xf32, #tpu.memory_space<vmem>>, vector<16xf32>,
        %swap3A_112 = arith.constant 2 : i32
        %swap3A_113 = arith.index_cast %swap3A_112 : i32 to index
        %swap3A_114 = arith.constant 80 : index
        %swap3A_115 = tpu.vector_load %arg8[%swap3A_113, %swap3A_114] {strides = array<i32>} : memref<4x128xf32, #tpu.memory_space<vmem>>, vector<16xf32>,
        tpu.vector_store %arg8[%swap3A_113, %swap3A_114], %broadcast_in_dim3A_28 {strides = array<i32>} : memref<4x128xf32, #tpu.memory_space<vmem>>, vector<16xf32>,
        %swap3A_116 = arith.constant 2 : i32
        %swap3A_117 = arith.index_cast %swap3A_116 : i32 to index
        %swap3A_118 = arith.constant 96 : index
        %swap3A_119 = tpu.vector_load %arg8[%swap3A_117, %swap3A_118] {strides = array<i32>} : memref<4x128xf32, #tpu.memory_space<vmem>>, vector<16xf32>,
        tpu.vector_store %arg8[%swap3A_117, %swap3A_118], %broadcast_in_dim3A_28 {strides = array<i32>} : memref<4x128xf32, #tpu.memory_space<vmem>>, vector<16xf32>,
        %swap3A_120 = arith.constant 2 : i32
        %swap3A_121 = arith.index_cast %swap3A_120 : i32 to index
        %swap3A_122 = arith.constant 112 : index
        %swap3A_123 = tpu.vector_load %arg8[%swap3A_121, %swap3A_122] {strides = array<i32>} : memref<4x128xf32, #tpu.memory_space<vmem>>, vector<16xf32>,
        tpu.vector_store %arg8[%swap3A_121, %swap3A_122], %broadcast_in_dim3A_28 {strides = array<i32>} : memref<4x128xf32, #tpu.memory_space<vmem>>, vector<16xf32>,
        %swap3A_124 = arith.constant 3 : i32
        %swap3A_125 = arith.index_cast %swap3A_124 : i32 to index
        %swap3A_126 = arith.constant 0 : index
        %swap3A_127 = tpu.vector_load %arg8[%swap3A_125, %swap3A_126] {strides = array<i32>} : memref<4x128xf32, #tpu.memory_space<vmem>>, vector<16xf32>,
        tpu.vector_store %arg8[%swap3A_125, %swap3A_126], %broadcast_in_dim3A_28 {strides = array<i32>} : memref<4x128xf32, #tpu.memory_space<vmem>>, vector<16xf32>,
        %swap3A_128 = arith.constant 3 : i32
        %swap3A_129 = arith.index_cast %swap3A_128 : i32 to index
        %swap3A_130 = arith.constant 16 : index
        %swap3A_131 = tpu.vector_load %arg8[%swap3A_129, %swap3A_130] {strides = array<i32>} : memref<4x128xf32, #tpu.memory_space<vmem>>, vector<16xf32>,
        tpu.vector_store %arg8[%swap3A_129, %swap3A_130], %broadcast_in_dim3A_28 {strides = array<i32>} : memref<4x128xf32, #tpu.memory_space<vmem>>, vector<16xf32>,
        %swap3A_132 = arith.constant 3 : i32
        %swap3A_133 = arith.index_cast %swap3A_132 : i32 to index
        %swap3A_134 = arith.constant 32 : index
        %swap3A_135 = tpu.vector_load %arg8[%swap3A_133, %swap3A_134] {strides = array<i32>} : memref<4x128xf32, #tpu.memory_space<vmem>>, vector<16xf32>,
        tpu.vector_store %arg8[%swap3A_133, %swap3A_134], %broadcast_in_dim3A_28 {strides = array<i32>} : memref<4x128xf32, #tpu.memory_space<vmem>>, vector<16xf32>,
        %swap3A_136 = arith.constant 3 : i32
        %swap3A_137 = arith.index_cast %swap3A_136 : i32 to index
        %swap3A_138 = arith.constant 48 : index
        %swap3A_139 = tpu.vector_load %arg8[%swap3A_137, %swap3A_138] {strides = array<i32>} : memref<4x128xf32, #tpu.memory_space<vmem>>, vector<16xf32>,
        tpu.vector_store %arg8[%swap3A_137, %swap3A_138], %broadcast_in_dim3A_28 {strides = array<i32>} : memref<4x128xf32, #tpu.memory_space<vmem>>, vector<16xf32>,
        %swap3A_140 = arith.constant 3 : i32
        %swap3A_141 = arith.index_cast %swap3A_140 : i32 to index
        %swap3A_142 = arith.constant 64 : index
        %swap3A_143 = tpu.vector_load %arg8[%swap3A_141, %swap3A_142] {strides = array<i32>} : memref<4x128xf32, #tpu.memory_space<vmem>>, vector<16xf32>,
        tpu.vector_store %arg8[%swap3A_141, %swap3A_142], %broadcast_in_dim3A_28 {strides = array<i32>} : memref<4x128xf32, #tpu.memory_space<vmem>>, vector<16xf32>,
        %swap3A_144 = arith.constant 3 : i32
        %swap3A_145 = arith.index_cast %swap3A_144 : i32 to index
        %swap3A_146 = arith.constant 80 : index
        %swap3A_147 = tpu.vector_load %arg8[%swap3A_145, %swap3A_146] {strides = array<i32>} : memref<4x128xf32, #tpu.memory_space<vmem>>, vector<16xf32>,
        tpu.vector_store %arg8[%swap3A_145, %swap3A_146], %broadcast_in_dim3A_28 {strides = array<i32>} : memref<4x128xf32, #tpu.memory_space<vmem>>, vector<16xf32>,
        %swap3A_148 = arith.constant 3 : i32
        %swap3A_149 = arith.index_cast %swap3A_148 : i32 to index
        %swap3A_150 = arith.constant 96 : index
        %swap3A_151 = tpu.vector_load %arg8[%swap3A_149, %swap3A_150] {strides = array<i32>} : memref<4x128xf32, #tpu.memory_space<vmem>>, vector<16xf32>,
        tpu.vector_store %arg8[%swap3A_149, %swap3A_150], %broadcast_in_dim3A_28 {strides = array<i32>} : memref<4x128xf32, #tpu.memory_space<vmem>>, vector<16xf32>,
        %swap3A_152 = arith.constant 3 : i32
        %swap3A_153 = arith.index_cast %swap3A_152 : i32 to index
        %swap3A_154 = arith.constant 112 : index
        %swap3A_155 = tpu.vector_load %arg8[%swap3A_153, %swap3A_154] {strides = array<i32>} : memref<4x128xf32, #tpu.memory_space<vmem>>, vector<16xf32>,
        tpu.vector_store %arg8[%swap3A_153, %swap3A_154], %broadcast_in_dim3A_28 {strides = array<i32>} : memref<4x128xf32, #tpu.memory_space<vmem>>, vector<16xf32>,
        %dma_wait3A = arith.constant 0 : i32
        %dma_wait3A_156 = tpu.memref_slice %arg6[%dma_wait3A] : memref<3136xf32, #tpu.memory_space<vmem>> -> memref<3136xf32, #tpu.memory_space<vmem>>
        %dma_wait3A_157 = tpu.memref_slice %arg2[%mul3A_16] : memref<51200xf32, #tpu.memory_space<hbm>> -> memref<3136xf32, #tpu.memory_space<hbm>>
        %dma_wait3A_158 = arith.constant 0 : i32
        %dma_wait3A_159 = tpu.memref_slice %arg6[%dma_wait3A_158] : memref<3136xf32, #tpu.memory_space<vmem>> -> memref<3136xf32, #tpu.memory_space<vmem>>
        %dma_wait3A_160 = tpu.memref_slice %arg2[%mul3A_16] : memref<51200xf32, #tpu.memory_space<hbm>> -> memref<3136xf32, #tpu.memory_space<hbm>>
        tpu.wait_dma2 semaphore(%arg14 : memref<!tpu.dma_semaphore, #tpu.memory_space<semaphore_mem>>) src(%dma_wait3A_160 : memref<3136xf32, #tpu.memory_space<hbm>>) dst(%dma_wait3A_159 : memref<3136xf32, #tpu.memory_space<vmem>>)
        %dma_wait3A_161 = arith.constant 0 : i32
        %dma_wait3A_162 = tpu.memref_slice %arg7[%dma_wait3A_161] : memref<3136xi32, #tpu.memory_space<vmem>> -> memref<3136xi32, #tpu.memory_space<vmem>>
        %dma_wait3A_163 = tpu.memref_slice %arg3[%mul3A_16] : memref<50000xi32, #tpu.memory_space<hbm>> -> memref<3136xi32, #tpu.memory_space<hbm>>
        %dma_wait3A_164 = arith.constant 0 : i32
        %dma_wait3A_165 = tpu.memref_slice %arg7[%dma_wait3A_164] : memref<3136xi32, #tpu.memory_space<vmem>> -> memref<3136xi32, #tpu.memory_space<vmem>>
        %dma_wait3A_166 = tpu.memref_slice %arg3[%mul3A_16] : memref<50000xi32, #tpu.memory_space<hbm>> -> memref<3136xi32, #tpu.memory_space<hbm>>
        tpu.wait_dma2 semaphore(%arg15 : memref<!tpu.dma_semaphore, #tpu.memory_space<semaphore_mem>>) src(%dma_wait3A_166 : memref<3136xi32, #tpu.memory_space<hbm>>) dst(%dma_wait3A_165 : memref<3136xi32, #tpu.memory_space<vmem>>)
        %broadcast_in_dim3A_167 = arith.constant 1.000000e+00 : f32
        %broadcast_in_dim3A_168 = vector.broadcast %broadcast_in_dim3A_167 : f32 to vector<16xf32>
        %scan3A = arith.constant 0 : i32
        %scan3A_169 = arith.constant 0 : i32
        %scan3A_170 = arith.constant 48 : i32
        %scan3A_171 = arith.addi %scan3A_169, %scan3A_170 : i32
        %scan3A_172 = arith.constant 2 : i32
        scf.for %scan3A_383 = %scan3A_169 to %scan3A_171 step %scan3A_172  : i32 {
          %mul3A_384 = arith.constant 64 : i32
          %mul3A_385 = arith.muli %scan3A_383, %mul3A_384 : i32
          %add3A_386 = arith.constant 0 : i32
          %add3A_387 = arith.addi %mul3A_385, %add3A_386 : i32
          %get3A_388 = arith.index_cast %add3A_387 : i32 to index
          %get3A_389 = tpu.vector_load %arg7[%get3A_388] {strides = array<i32>} : memref<3136xi32, #tpu.memory_space<vmem>>, vector<16xi32>,
          %get3A_390 = arith.index_cast %add3A_387 : i32 to index
          %get3A_391 = tpu.vector_load %arg6[%get3A_390] {strides = array<i32>} : memref<3136xf32, #tpu.memory_space<vmem>>, vector<16xf32>,
          %scatter3A_392 = arith.constant 0 : i32
          %scatter3A_393 = arith.constant 0 : i32
          %scatter3A_394 = tpu.memref_slice %arg8[%scatter3A_392, %scatter3A_393] : memref<4x128xf32, #tpu.memory_space<vmem>> -> memref<1x128xf32, #tpu.memory_space<vmem>>
          %scatter3A_395 = tpu.memref_squeeze %scatter3A_394 : memref<1x128xf32, #tpu.memory_space<vmem>> -> memref<128xf32, #tpu.memory_space<vmem>>
          tpu.vector_store_idx %scatter3A_395[%get3A_389], %get3A_391 {add = true} : memref<128xf32, #tpu.memory_space<vmem>>[vector<16xi32>], vector<16xf32>,
          %add3A_396 = arith.constant 16 : i32
          %add3A_397 = arith.addi %mul3A_385, %add3A_396 : i32
          %get3A_398 = arith.index_cast %add3A_397 : i32 to index
          %get3A_399 = tpu.vector_load %arg7[%get3A_398] {strides = array<i32>} : memref<3136xi32, #tpu.memory_space<vmem>>, vector<16xi32>,
          %get3A_400 = arith.index_cast %add3A_397 : i32 to index
          %get3A_401 = tpu.vector_load %arg6[%get3A_400] {strides = array<i32>} : memref<3136xf32, #tpu.memory_space<vmem>>, vector<16xf32>,
          %scatter3A_402 = arith.constant 1 : i32
          %scatter3A_403 = arith.constant 0 : i32
          %scatter3A_404 = tpu.memref_slice %arg8[%scatter3A_402, %scatter3A_403] : memref<4x128xf32, #tpu.memory_space<vmem>> -> memref<1x128xf32, #tpu.memory_space<vmem>>
          %scatter3A_405 = tpu.memref_squeeze %scatter3A_404 : memref<1x128xf32, #tpu.memory_space<vmem>> -> memref<128xf32, #tpu.memory_space<vmem>>
          tpu.vector_store_idx %scatter3A_405[%get3A_399], %get3A_401 {add = true} : memref<128xf32, #tpu.memory_space<vmem>>[vector<16xi32>], vector<16xf32>,
          %add3A_406 = arith.constant 32 : i32
          %add3A_407 = arith.addi %mul3A_385, %add3A_406 : i32
          %get3A_408 = arith.index_cast %add3A_407 : i32 to index
          %get3A_409 = tpu.vector_load %arg7[%get3A_408] {strides = array<i32>} : memref<3136xi32, #tpu.memory_space<vmem>>, vector<16xi32>,
          %get3A_410 = arith.index_cast %add3A_407 : i32 to index
          %get3A_411 = tpu.vector_load %arg6[%get3A_410] {strides = array<i32>} : memref<3136xf32, #tpu.memory_space<vmem>>, vector<16xf32>,
          %scatter3A_412 = arith.constant 2 : i32
          %scatter3A_413 = arith.constant 0 : i32
          %scatter3A_414 = tpu.memref_slice %arg8[%scatter3A_412, %scatter3A_413] : memref<4x128xf32, #tpu.memory_space<vmem>> -> memref<1x128xf32, #tpu.memory_space<vmem>>
          %scatter3A_415 = tpu.memref_squeeze %scatter3A_414 : memref<1x128xf32, #tpu.memory_space<vmem>> -> memref<128xf32, #tpu.memory_space<vmem>>
          tpu.vector_store_idx %scatter3A_415[%get3A_409], %get3A_411 {add = true} : memref<128xf32, #tpu.memory_space<vmem>>[vector<16xi32>], vector<16xf32>,
          %add3A_416 = arith.constant 48 : i32
          %add3A_417 = arith.addi %mul3A_385, %add3A_416 : i32
          %get3A_418 = arith.index_cast %add3A_417 : i32 to index
          %get3A_419 = tpu.vector_load %arg7[%get3A_418] {strides = array<i32>} : memref<3136xi32, #tpu.memory_space<vmem>>, vector<16xi32>,
          %get3A_420 = arith.index_cast %add3A_417 : i32 to index
          %get3A_421 = tpu.vector_load %arg6[%get3A_420] {strides = array<i32>} : memref<3136xf32, #tpu.memory_space<vmem>>, vector<16xf32>,
          %scatter3A_422 = arith.constant 3 : i32
          %scatter3A_423 = arith.constant 0 : i32
          %scatter3A_424 = tpu.memref_slice %arg8[%scatter3A_422, %scatter3A_423] : memref<4x128xf32, #tpu.memory_space<vmem>> -> memref<1x128xf32, #tpu.memory_space<vmem>>
          %scatter3A_425 = tpu.memref_squeeze %scatter3A_424 : memref<1x128xf32, #tpu.memory_space<vmem>> -> memref<128xf32, #tpu.memory_space<vmem>>
          tpu.vector_store_idx %scatter3A_425[%get3A_419], %get3A_421 {add = true} : memref<128xf32, #tpu.memory_space<vmem>>[vector<16xi32>], vector<16xf32>,
          %scan3A_426 = arith.constant 1 : i32
          %scan3A_427 = arith.addi %scan3A_383, %scan3A_426 : i32
          %mul3A_428 = arith.constant 64 : i32
          %mul3A_429 = arith.muli %scan3A_427, %mul3A_428 : i32
          %add3A_430 = arith.constant 0 : i32
          %add3A_431 = arith.addi %mul3A_429, %add3A_430 : i32
          %get3A_432 = arith.index_cast %add3A_431 : i32 to index
          %get3A_433 = tpu.vector_load %arg7[%get3A_432] {strides = array<i32>} : memref<3136xi32, #tpu.memory_space<vmem>>, vector<16xi32>,
          %get3A_434 = arith.index_cast %add3A_431 : i32 to index
          %get3A_435 = tpu.vector_load %arg6[%get3A_434] {strides = array<i32>} : memref<3136xf32, #tpu.memory_space<vmem>>, vector<16xf32>,
          %scatter3A_436 = arith.constant 0 : i32
          %scatter3A_437 = arith.constant 0 : i32
          %scatter3A_438 = tpu.memref_slice %arg8[%scatter3A_436, %scatter3A_437] : memref<4x128xf32, #tpu.memory_space<vmem>> -> memref<1x128xf32, #tpu.memory_space<vmem>>
          %scatter3A_439 = tpu.memref_squeeze %scatter3A_438 : memref<1x128xf32, #tpu.memory_space<vmem>> -> memref<128xf32, #tpu.memory_space<vmem>>
          tpu.vector_store_idx %scatter3A_439[%get3A_433], %get3A_435 {add = true} : memref<128xf32, #tpu.memory_space<vmem>>[vector<16xi32>], vector<16xf32>,
          %add3A_440 = arith.constant 16 : i32
          %add3A_441 = arith.addi %mul3A_429, %add3A_440 : i32
          %get3A_442 = arith.index_cast %add3A_441 : i32 to index
          %get3A_443 = tpu.vector_load %arg7[%get3A_442] {strides = array<i32>} : memref<3136xi32, #tpu.memory_space<vmem>>, vector<16xi32>,
          %get3A_444 = arith.index_cast %add3A_441 : i32 to index
          %get3A_445 = tpu.vector_load %arg6[%get3A_444] {strides = array<i32>} : memref<3136xf32, #tpu.memory_space<vmem>>, vector<16xf32>,
          %scatter3A_446 = arith.constant 1 : i32
          %scatter3A_447 = arith.constant 0 : i32
          %scatter3A_448 = tpu.memref_slice %arg8[%scatter3A_446, %scatter3A_447] : memref<4x128xf32, #tpu.memory_space<vmem>> -> memref<1x128xf32, #tpu.memory_space<vmem>>
          %scatter3A_449 = tpu.memref_squeeze %scatter3A_448 : memref<1x128xf32, #tpu.memory_space<vmem>> -> memref<128xf32, #tpu.memory_space<vmem>>
          tpu.vector_store_idx %scatter3A_449[%get3A_443], %get3A_445 {add = true} : memref<128xf32, #tpu.memory_space<vmem>>[vector<16xi32>], vector<16xf32>,
          %add3A_450 = arith.constant 32 : i32
          %add3A_451 = arith.addi %mul3A_429, %add3A_450 : i32
          %get3A_452 = arith.index_cast %add3A_451 : i32 to index
          %get3A_453 = tpu.vector_load %arg7[%get3A_452] {strides = array<i32>} : memref<3136xi32, #tpu.memory_space<vmem>>, vector<16xi32>,
          %get3A_454 = arith.index_cast %add3A_451 : i32 to index
          %get3A_455 = tpu.vector_load %arg6[%get3A_454] {strides = array<i32>} : memref<3136xf32, #tpu.memory_space<vmem>>, vector<16xf32>,
          %scatter3A_456 = arith.constant 2 : i32
          %scatter3A_457 = arith.constant 0 : i32
          %scatter3A_458 = tpu.memref_slice %arg8[%scatter3A_456, %scatter3A_457] : memref<4x128xf32, #tpu.memory_space<vmem>> -> memref<1x128xf32, #tpu.memory_space<vmem>>
          %scatter3A_459 = tpu.memref_squeeze %scatter3A_458 : memref<1x128xf32, #tpu.memory_space<vmem>> -> memref<128xf32, #tpu.memory_space<vmem>>
          tpu.vector_store_idx %scatter3A_459[%get3A_453], %get3A_455 {add = true} : memref<128xf32, #tpu.memory_space<vmem>>[vector<16xi32>], vector<16xf32>,
          %add3A_460 = arith.constant 48 : i32
          %add3A_461 = arith.addi %mul3A_429, %add3A_460 : i32
          %get3A_462 = arith.index_cast %add3A_461 : i32 to index
          %get3A_463 = tpu.vector_load %arg7[%get3A_462] {strides = array<i32>} : memref<3136xi32, #tpu.memory_space<vmem>>, vector<16xi32>,
          %get3A_464 = arith.index_cast %add3A_461 : i32 to index
          %get3A_465 = tpu.vector_load %arg6[%get3A_464] {strides = array<i32>} : memref<3136xf32, #tpu.memory_space<vmem>>, vector<16xf32>,
          %scatter3A_466 = arith.constant 3 : i32
          %scatter3A_467 = arith.constant 0 : i32
          %scatter3A_468 = tpu.memref_slice %arg8[%scatter3A_466, %scatter3A_467] : memref<4x128xf32, #tpu.memory_space<vmem>> -> memref<1x128xf32, #tpu.memory_space<vmem>>
          %scatter3A_469 = tpu.memref_squeeze %scatter3A_468 : memref<1x128xf32, #tpu.memory_space<vmem>> -> memref<128xf32, #tpu.memory_space<vmem>>
          tpu.vector_store_idx %scatter3A_469[%get3A_463], %get3A_465 {add = true} : memref<128xf32, #tpu.memory_space<vmem>>[vector<16xi32>], vector<16xf32>,
        }
        %scan3A_173 = arith.constant 48 : i32
        %scan3A_174 = arith.addi %scan3A_169, %scan3A_173 : i32
        %mul3A_175 = arith.constant 64 : i32
        %mul3A_176 = arith.muli %scan3A_174, %mul3A_175 : i32
        %add3A = arith.constant 0 : i32
        %add3A_177 = arith.addi %mul3A_176, %add3A : i32
        %get3A = arith.index_cast %add3A_177 : i32 to index
        %get3A_178 = tpu.vector_load %arg7[%get3A] {strides = array<i32>} : memref<3136xi32, #tpu.memory_space<vmem>>, vector<16xi32>,
        %get3A_179 = arith.index_cast %add3A_177 : i32 to index
        %get3A_180 = tpu.vector_load %arg6[%get3A_179] {strides = array<i32>} : memref<3136xf32, #tpu.memory_space<vmem>>, vector<16xf32>,
        %scatter3A = arith.constant 0 : i32
        %scatter3A_181 = arith.constant 0 : i32
        %scatter3A_182 = tpu.memref_slice %arg8[%scatter3A, %scatter3A_181] : memref<4x128xf32, #tpu.memory_space<vmem>> -> memref<1x128xf32, #tpu.memory_space<vmem>>
        %scatter3A_183 = tpu.memref_squeeze %scatter3A_182 : memref<1x128xf32, #tpu.memory_space<vmem>> -> memref<128xf32, #tpu.memory_space<vmem>>
        tpu.vector_store_idx %scatter3A_183[%get3A_178], %get3A_180 {add = true} : memref<128xf32, #tpu.memory_space<vmem>>[vector<16xi32>], vector<16xf32>,
        %add3A_184 = arith.constant 16 : i32
        %add3A_185 = arith.addi %mul3A_176, %add3A_184 : i32
        %get3A_186 = arith.index_cast %add3A_185 : i32 to index
        %get3A_187 = tpu.vector_load %arg7[%get3A_186] {strides = array<i32>} : memref<3136xi32, #tpu.memory_space<vmem>>, vector<16xi32>,
        %get3A_188 = arith.index_cast %add3A_185 : i32 to index
        %get3A_189 = tpu.vector_load %arg6[%get3A_188] {strides = array<i32>} : memref<3136xf32, #tpu.memory_space<vmem>>, vector<16xf32>,
        %scatter3A_190 = arith.constant 1 : i32
        %scatter3A_191 = arith.constant 0 : i32
        %scatter3A_192 = tpu.memref_slice %arg8[%scatter3A_190, %scatter3A_191] : memref<4x128xf32, #tpu.memory_space<vmem>> -> memref<1x128xf32, #tpu.memory_space<vmem>>
        %scatter3A_193 = tpu.memref_squeeze %scatter3A_192 : memref<1x128xf32, #tpu.memory_space<vmem>> -> memref<128xf32, #tpu.memory_space<vmem>>
        tpu.vector_store_idx %scatter3A_193[%get3A_187], %get3A_189 {add = true} : memref<128xf32, #tpu.memory_space<vmem>>[vector<16xi32>], vector<16xf32>,
        %add3A_194 = arith.constant 32 : i32
        %add3A_195 = arith.addi %mul3A_176, %add3A_194 : i32
        %get3A_196 = arith.index_cast %add3A_195 : i32 to index
        %get3A_197 = tpu.vector_load %arg7[%get3A_196] {strides = array<i32>} : memref<3136xi32, #tpu.memory_space<vmem>>, vector<16xi32>,
        %get3A_198 = arith.index_cast %add3A_195 : i32 to index
        %get3A_199 = tpu.vector_load %arg6[%get3A_198] {strides = array<i32>} : memref<3136xf32, #tpu.memory_space<vmem>>, vector<16xf32>,
        %scatter3A_200 = arith.constant 2 : i32
        %scatter3A_201 = arith.constant 0 : i32
        %scatter3A_202 = tpu.memref_slice %arg8[%scatter3A_200, %scatter3A_201] : memref<4x128xf32, #tpu.memory_space<vmem>> -> memref<1x128xf32, #tpu.memory_space<vmem>>
        %scatter3A_203 = tpu.memref_squeeze %scatter3A_202 : memref<1x128xf32, #tpu.memory_space<vmem>> -> memref<128xf32, #tpu.memory_space<vmem>>
        tpu.vector_store_idx %scatter3A_203[%get3A_197], %get3A_199 {add = true} : memref<128xf32, #tpu.memory_space<vmem>>[vector<16xi32>], vector<16xf32>,
        %add3A_204 = arith.constant 48 : i32
        %add3A_205 = arith.addi %mul3A_176, %add3A_204 : i32
        %get3A_206 = arith.index_cast %add3A_205 : i32 to index
        %get3A_207 = tpu.vector_load %arg7[%get3A_206] {strides = array<i32>} : memref<3136xi32, #tpu.memory_space<vmem>>, vector<16xi32>,
        %get3A_208 = arith.index_cast %add3A_205 : i32 to index
        %get3A_209 = tpu.vector_load %arg6[%get3A_208] {strides = array<i32>} : memref<3136xf32, #tpu.memory_space<vmem>>, vector<16xf32>,
        %scatter3A_210 = arith.constant 3 : i32
        %scatter3A_211 = arith.constant 0 : i32
        %scatter3A_212 = tpu.memref_slice %arg8[%scatter3A_210, %scatter3A_211] : memref<4x128xf32, #tpu.memory_space<vmem>> -> memref<1x128xf32, #tpu.memory_space<vmem>>
        %scatter3A_213 = tpu.memref_squeeze %scatter3A_212 : memref<1x128xf32, #tpu.memory_space<vmem>> -> memref<128xf32, #tpu.memory_space<vmem>>
        tpu.vector_store_idx %scatter3A_213[%get3A_207], %get3A_209 {add = true} : memref<128xf32, #tpu.memory_space<vmem>>[vector<16xi32>], vector<16xf32>,
        %scan3A_214 = arith.constant 49 : i32
        %get3A_215 = arith.constant 0 : i32
        %get3A_216 = arith.index_cast %get3A_215 : i32 to index
        %get3A_217 = arith.constant 0 : index
        %get3A_218 = tpu.vector_load %arg8[%get3A_216, %get3A_217] {strides = array<i32>} : memref<4x128xf32, #tpu.memory_space<vmem>>, vector<16xf32>,
        %get3A_219 = arith.constant 1 : i32
        %get3A_220 = arith.index_cast %get3A_219 : i32 to index
        %get3A_221 = arith.constant 0 : index
        %get3A_222 = tpu.vector_load %arg8[%get3A_220, %get3A_221] {strides = array<i32>} : memref<4x128xf32, #tpu.memory_space<vmem>>, vector<16xf32>,
        %add3A_223 = arith.addf %get3A_218, %get3A_222 : vector<16xf32>
        %get3A_224 = arith.constant 2 : i32
        %get3A_225 = arith.index_cast %get3A_224 : i32 to index
        %get3A_226 = arith.constant 0 : index
        %get3A_227 = tpu.vector_load %arg8[%get3A_225, %get3A_226] {strides = array<i32>} : memref<4x128xf32, #tpu.memory_space<vmem>>, vector<16xf32>,
        %add3A_228 = arith.addf %add3A_223, %get3A_227 : vector<16xf32>
        %get3A_229 = arith.constant 3 : i32
        %get3A_230 = arith.index_cast %get3A_229 : i32 to index
        %get3A_231 = arith.constant 0 : index
        %get3A_232 = tpu.vector_load %arg8[%get3A_230, %get3A_231] {strides = array<i32>} : memref<4x128xf32, #tpu.memory_space<vmem>>, vector<16xf32>,
        %add3A_233 = arith.addf %add3A_228, %get3A_232 : vector<16xf32>
        %swap3A_234 = arith.constant 0 : index
        %swap3A_235 = tpu.vector_load %arg9[%swap3A_234] {strides = array<i32>} : memref<128xf32, #tpu.memory_space<vmem>>, vector<16xf32>,
        tpu.vector_store %arg9[%swap3A_234], %add3A_233 {strides = array<i32>} : memref<128xf32, #tpu.memory_space<vmem>>, vector<16xf32>,
        %get3A_236 = arith.constant 0 : i32
        %get3A_237 = arith.index_cast %get3A_236 : i32 to index
        %get3A_238 = arith.constant 16 : index
        %get3A_239 = tpu.vector_load %arg8[%get3A_237, %get3A_238] {strides = array<i32>} : memref<4x128xf32, #tpu.memory_space<vmem>>, vector<16xf32>,
        %get3A_240 = arith.constant 1 : i32
        %get3A_241 = arith.index_cast %get3A_240 : i32 to index
        %get3A_242 = arith.constant 16 : index
        %get3A_243 = tpu.vector_load %arg8[%get3A_241, %get3A_242] {strides = array<i32>} : memref<4x128xf32, #tpu.memory_space<vmem>>, vector<16xf32>,
        %add3A_244 = arith.addf %get3A_239, %get3A_243 : vector<16xf32>
        %get3A_245 = arith.constant 2 : i32
        %get3A_246 = arith.index_cast %get3A_245 : i32 to index
        %get3A_247 = arith.constant 16 : index
        %get3A_248 = tpu.vector_load %arg8[%get3A_246, %get3A_247] {strides = array<i32>} : memref<4x128xf32, #tpu.memory_space<vmem>>, vector<16xf32>,
        %add3A_249 = arith.addf %add3A_244, %get3A_248 : vector<16xf32>
        %get3A_250 = arith.constant 3 : i32
        %get3A_251 = arith.index_cast %get3A_250 : i32 to index
        %get3A_252 = arith.constant 16 : index
        %get3A_253 = tpu.vector_load %arg8[%get3A_251, %get3A_252] {strides = array<i32>} : memref<4x128xf32, #tpu.memory_space<vmem>>, vector<16xf32>,
        %add3A_254 = arith.addf %add3A_249, %get3A_253 : vector<16xf32>
        %swap3A_255 = arith.constant 16 : index
        %swap3A_256 = tpu.vector_load %arg9[%swap3A_255] {strides = array<i32>} : memref<128xf32, #tpu.memory_space<vmem>>, vector<16xf32>,
        tpu.vector_store %arg9[%swap3A_255], %add3A_254 {strides = array<i32>} : memref<128xf32, #tpu.memory_space<vmem>>, vector<16xf32>,
        %get3A_257 = arith.constant 0 : i32
        %get3A_258 = arith.index_cast %get3A_257 : i32 to index
        %get3A_259 = arith.constant 32 : index
        %get3A_260 = tpu.vector_load %arg8[%get3A_258, %get3A_259] {strides = array<i32>} : memref<4x128xf32, #tpu.memory_space<vmem>>, vector<16xf32>,
        %get3A_261 = arith.constant 1 : i32
        %get3A_262 = arith.index_cast %get3A_261 : i32 to index
        %get3A_263 = arith.constant 32 : index
        %get3A_264 = tpu.vector_load %arg8[%get3A_262, %get3A_263] {strides = array<i32>} : memref<4x128xf32, #tpu.memory_space<vmem>>, vector<16xf32>,
        %add3A_265 = arith.addf %get3A_260, %get3A_264 : vector<16xf32>
        %get3A_266 = arith.constant 2 : i32
        %get3A_267 = arith.index_cast %get3A_266 : i32 to index
        %get3A_268 = arith.constant 32 : index
        %get3A_269 = tpu.vector_load %arg8[%get3A_267, %get3A_268] {strides = array<i32>} : memref<4x128xf32, #tpu.memory_space<vmem>>, vector<16xf32>,
        %add3A_270 = arith.addf %add3A_265, %get3A_269 : vector<16xf32>
        %get3A_271 = arith.constant 3 : i32
        %get3A_272 = arith.index_cast %get3A_271 : i32 to index
        %get3A_273 = arith.constant 32 : index
        %get3A_274 = tpu.vector_load %arg8[%get3A_272, %get3A_273] {strides = array<i32>} : memref<4x128xf32, #tpu.memory_space<vmem>>, vector<16xf32>,
        %add3A_275 = arith.addf %add3A_270, %get3A_274 : vector<16xf32>
        %swap3A_276 = arith.constant 32 : index
        %swap3A_277 = tpu.vector_load %arg9[%swap3A_276] {strides = array<i32>} : memref<128xf32, #tpu.memory_space<vmem>>, vector<16xf32>,
        tpu.vector_store %arg9[%swap3A_276], %add3A_275 {strides = array<i32>} : memref<128xf32, #tpu.memory_space<vmem>>, vector<16xf32>,
        %get3A_278 = arith.constant 0 : i32
        %get3A_279 = arith.index_cast %get3A_278 : i32 to index
        %get3A_280 = arith.constant 48 : index
        %get3A_281 = tpu.vector_load %arg8[%get3A_279, %get3A_280] {strides = array<i32>} : memref<4x128xf32, #tpu.memory_space<vmem>>, vector<16xf32>,
        %get3A_282 = arith.constant 1 : i32
        %get3A_283 = arith.index_cast %get3A_282 : i32 to index
        %get3A_284 = arith.constant 48 : index
        %get3A_285 = tpu.vector_load %arg8[%get3A_283, %get3A_284] {strides = array<i32>} : memref<4x128xf32, #tpu.memory_space<vmem>>, vector<16xf32>,
        %add3A_286 = arith.addf %get3A_281, %get3A_285 : vector<16xf32>
        %get3A_287 = arith.constant 2 : i32
        %get3A_288 = arith.index_cast %get3A_287 : i32 to index
        %get3A_289 = arith.constant 48 : index
        %get3A_290 = tpu.vector_load %arg8[%get3A_288, %get3A_289] {strides = array<i32>} : memref<4x128xf32, #tpu.memory_space<vmem>>, vector<16xf32>,
        %add3A_291 = arith.addf %add3A_286, %get3A_290 : vector<16xf32>
        %get3A_292 = arith.constant 3 : i32
        %get3A_293 = arith.index_cast %get3A_292 : i32 to index
        %get3A_294 = arith.constant 48 : index
        %get3A_295 = tpu.vector_load %arg8[%get3A_293, %get3A_294] {strides = array<i32>} : memref<4x128xf32, #tpu.memory_space<vmem>>, vector<16xf32>,
        %add3A_296 = arith.addf %add3A_291, %get3A_295 : vector<16xf32>
        %swap3A_297 = arith.constant 48 : index
        %swap3A_298 = tpu.vector_load %arg9[%swap3A_297] {strides = array<i32>} : memref<128xf32, #tpu.memory_space<vmem>>, vector<16xf32>,
        tpu.vector_store %arg9[%swap3A_297], %add3A_296 {strides = array<i32>} : memref<128xf32, #tpu.memory_space<vmem>>, vector<16xf32>,
        %get3A_299 = arith.constant 0 : i32
        %get3A_300 = arith.index_cast %get3A_299 : i32 to index
        %get3A_301 = arith.constant 64 : index
        %get3A_302 = tpu.vector_load %arg8[%get3A_300, %get3A_301] {strides = array<i32>} : memref<4x128xf32, #tpu.memory_space<vmem>>, vector<16xf32>,
        %get3A_303 = arith.constant 1 : i32
        %get3A_304 = arith.index_cast %get3A_303 : i32 to index
        %get3A_305 = arith.constant 64 : index
        %get3A_306 = tpu.vector_load %arg8[%get3A_304, %get3A_305] {strides = array<i32>} : memref<4x128xf32, #tpu.memory_space<vmem>>, vector<16xf32>,
        %add3A_307 = arith.addf %get3A_302, %get3A_306 : vector<16xf32>
        %get3A_308 = arith.constant 2 : i32
        %get3A_309 = arith.index_cast %get3A_308 : i32 to index
        %get3A_310 = arith.constant 64 : index
        %get3A_311 = tpu.vector_load %arg8[%get3A_309, %get3A_310] {strides = array<i32>} : memref<4x128xf32, #tpu.memory_space<vmem>>, vector<16xf32>,
        %add3A_312 = arith.addf %add3A_307, %get3A_311 : vector<16xf32>
        %get3A_313 = arith.constant 3 : i32
        %get3A_314 = arith.index_cast %get3A_313 : i32 to index
        %get3A_315 = arith.constant 64 : index
        %get3A_316 = tpu.vector_load %arg8[%get3A_314, %get3A_315] {strides = array<i32>} : memref<4x128xf32, #tpu.memory_space<vmem>>, vector<16xf32>,
        %add3A_317 = arith.addf %add3A_312, %get3A_316 : vector<16xf32>
        %swap3A_318 = arith.constant 64 : index
        %swap3A_319 = tpu.vector_load %arg9[%swap3A_318] {strides = array<i32>} : memref<128xf32, #tpu.memory_space<vmem>>, vector<16xf32>,
        tpu.vector_store %arg9[%swap3A_318], %add3A_317 {strides = array<i32>} : memref<128xf32, #tpu.memory_space<vmem>>, vector<16xf32>,
        %get3A_320 = arith.constant 0 : i32
        %get3A_321 = arith.index_cast %get3A_320 : i32 to index
        %get3A_322 = arith.constant 80 : index
        %get3A_323 = tpu.vector_load %arg8[%get3A_321, %get3A_322] {strides = array<i32>} : memref<4x128xf32, #tpu.memory_space<vmem>>, vector<16xf32>,
        %get3A_324 = arith.constant 1 : i32
        %get3A_325 = arith.index_cast %get3A_324 : i32 to index
        %get3A_326 = arith.constant 80 : index
        %get3A_327 = tpu.vector_load %arg8[%get3A_325, %get3A_326] {strides = array<i32>} : memref<4x128xf32, #tpu.memory_space<vmem>>, vector<16xf32>,
        %add3A_328 = arith.addf %get3A_323, %get3A_327 : vector<16xf32>
        %get3A_329 = arith.constant 2 : i32
        %get3A_330 = arith.index_cast %get3A_329 : i32 to index
        %get3A_331 = arith.constant 80 : index
        %get3A_332 = tpu.vector_load %arg8[%get3A_330, %get3A_331] {strides = array<i32>} : memref<4x128xf32, #tpu.memory_space<vmem>>, vector<16xf32>,
        %add3A_333 = arith.addf %add3A_328, %get3A_332 : vector<16xf32>
        %get3A_334 = arith.constant 3 : i32
        %get3A_335 = arith.index_cast %get3A_334 : i32 to index
        %get3A_336 = arith.constant 80 : index
        %get3A_337 = tpu.vector_load %arg8[%get3A_335, %get3A_336] {strides = array<i32>} : memref<4x128xf32, #tpu.memory_space<vmem>>, vector<16xf32>,
        %add3A_338 = arith.addf %add3A_333, %get3A_337 : vector<16xf32>
        %swap3A_339 = arith.constant 80 : index
        %swap3A_340 = tpu.vector_load %arg9[%swap3A_339] {strides = array<i32>} : memref<128xf32, #tpu.memory_space<vmem>>, vector<16xf32>,
        tpu.vector_store %arg9[%swap3A_339], %add3A_338 {strides = array<i32>} : memref<128xf32, #tpu.memory_space<vmem>>, vector<16xf32>,
        %get3A_341 = arith.constant 0 : i32
        %get3A_342 = arith.index_cast %get3A_341 : i32 to index
        %get3A_343 = arith.constant 96 : index
        %get3A_344 = tpu.vector_load %arg8[%get3A_342, %get3A_343] {strides = array<i32>} : memref<4x128xf32, #tpu.memory_space<vmem>>, vector<16xf32>,
        %get3A_345 = arith.constant 1 : i32
        %get3A_346 = arith.index_cast %get3A_345 : i32 to index
        %get3A_347 = arith.constant 96 : index
        %get3A_348 = tpu.vector_load %arg8[%get3A_346, %get3A_347] {strides = array<i32>} : memref<4x128xf32, #tpu.memory_space<vmem>>, vector<16xf32>,
        %add3A_349 = arith.addf %get3A_344, %get3A_348 : vector<16xf32>
        %get3A_350 = arith.constant 2 : i32
        %get3A_351 = arith.index_cast %get3A_350 : i32 to index
        %get3A_352 = arith.constant 96 : index
        %get3A_353 = tpu.vector_load %arg8[%get3A_351, %get3A_352] {strides = array<i32>} : memref<4x128xf32, #tpu.memory_space<vmem>>, vector<16xf32>,
        %add3A_354 = arith.addf %add3A_349, %get3A_353 : vector<16xf32>
        %get3A_355 = arith.constant 3 : i32
        %get3A_356 = arith.index_cast %get3A_355 : i32 to index
        %get3A_357 = arith.constant 96 : index
        %get3A_358 = tpu.vector_load %arg8[%get3A_356, %get3A_357] {strides = array<i32>} : memref<4x128xf32, #tpu.memory_space<vmem>>, vector<16xf32>,
        %add3A_359 = arith.addf %add3A_354, %get3A_358 : vector<16xf32>
        %swap3A_360 = arith.constant 96 : index
        %swap3A_361 = tpu.vector_load %arg9[%swap3A_360] {strides = array<i32>} : memref<128xf32, #tpu.memory_space<vmem>>, vector<16xf32>,
        tpu.vector_store %arg9[%swap3A_360], %add3A_359 {strides = array<i32>} : memref<128xf32, #tpu.memory_space<vmem>>, vector<16xf32>,
        %get3A_362 = arith.constant 0 : i32
        %get3A_363 = arith.index_cast %get3A_362 : i32 to index
        %get3A_364 = arith.constant 112 : index
        %get3A_365 = tpu.vector_load %arg8[%get3A_363, %get3A_364] {strides = array<i32>} : memref<4x128xf32, #tpu.memory_space<vmem>>, vector<16xf32>,
        %get3A_366 = arith.constant 1 : i32
        %get3A_367 = arith.index_cast %get3A_366 : i32 to index
        %get3A_368 = arith.constant 112 : index
        %get3A_369 = tpu.vector_load %arg8[%get3A_367, %get3A_368] {strides = array<i32>} : memref<4x128xf32, #tpu.memory_space<vmem>>, vector<16xf32>,
        %add3A_370 = arith.addf %get3A_365, %get3A_369 : vector<16xf32>
        %get3A_371 = arith.constant 2 : i32
        %get3A_372 = arith.index_cast %get3A_371 : i32 to index
        %get3A_373 = arith.constant 112 : index
        %get3A_374 = tpu.vector_load %arg8[%get3A_372, %get3A_373] {strides = array<i32>} : memref<4x128xf32, #tpu.memory_space<vmem>>, vector<16xf32>,
        %add3A_375 = arith.addf %add3A_370, %get3A_374 : vector<16xf32>
        %get3A_376 = arith.constant 3 : i32
        %get3A_377 = arith.index_cast %get3A_376 : i32 to index
        %get3A_378 = arith.constant 112 : index
        %get3A_379 = tpu.vector_load %arg8[%get3A_377, %get3A_378] {strides = array<i32>} : memref<4x128xf32, #tpu.memory_space<vmem>>, vector<16xf32>,
        %add3A_380 = arith.addf %add3A_375, %get3A_379 : vector<16xf32>
        %swap3A_381 = arith.constant 112 : index
        %swap3A_382 = tpu.vector_load %arg9[%swap3A_381] {strides = array<i32>} : memref<128xf32, #tpu.memory_space<vmem>>, vector<16xf32>,
        tpu.vector_store %arg9[%swap3A_381], %add3A_380 {strides = array<i32>} : memref<128xf32, #tpu.memory_space<vmem>>, vector<16xf32>,
      } else {
      }
      %eq3A_6 = arith.constant 15 : i32
      %eq3A_7 = arith.cmpi eq, %arg1, %eq3A_6 : i32
      %convert_element_type3A_8 = arith.extui %eq3A_7 : i1 to i32
      %cond3A_9 = arith.constant 0 : i32
      %cond3A_10 = arith.cmpi ne, %convert_element_type3A_8, %cond3A_9 : i32
      scf.if %cond3A_10 {
        %mul3A = arith.constant 3136 : i32
        %mul3A_16 = arith.muli %arg1, %mul3A : i32
        %dma_start3A = arith.constant 0 : i32
        %dma_start3A_17 = tpu.memref_slice %arg6[%dma_start3A] : memref<3136xf32, #tpu.memory_space<vmem>> -> memref<2960xf32, #tpu.memory_space<vmem>>
        %dma_start3A_18 = tpu.memref_slice %arg2[%mul3A_16] : memref<51200xf32, #tpu.memory_space<hbm>> -> memref<2960xf32, #tpu.memory_space<hbm>>
        %dma_start3A_19 = arith.constant 0 : i32
        %dma_start3A_20 = tpu.memref_slice %arg6[%dma_start3A_19] : memref<3136xf32, #tpu.memory_space<vmem>> -> memref<2960xf32, #tpu.memory_space<vmem>>
        %dma_start3A_21 = tpu.memref_slice %arg2[%mul3A_16] : memref<51200xf32, #tpu.memory_space<hbm>> -> memref<2960xf32, #tpu.memory_space<hbm>>
        tpu.enqueue_dma source(%dma_start3A_21 : memref<2960xf32, #tpu.memory_space<hbm>>) target(%dma_start3A_20 : memref<2960xf32, #tpu.memory_space<vmem>>) target_semaphore(%arg14 : memref<!tpu.dma_semaphore, #tpu.memory_space<semaphore_mem>>)
        %dma_start3A_22 = arith.constant 0 : i32
        %dma_start3A_23 = tpu.memref_slice %arg7[%dma_start3A_22] : memref<3136xi32, #tpu.memory_space<vmem>> -> memref<2960xi32, #tpu.memory_space<vmem>>
        %dma_start3A_24 = tpu.memref_slice %arg3[%mul3A_16] : memref<50000xi32, #tpu.memory_space<hbm>> -> memref<2960xi32, #tpu.memory_space<hbm>>
        %dma_start3A_25 = arith.constant 0 : i32
        %dma_start3A_26 = tpu.memref_slice %arg7[%dma_start3A_25] : memref<3136xi32, #tpu.memory_space<vmem>> -> memref<2960xi32, #tpu.memory_space<vmem>>
        %dma_start3A_27 = tpu.memref_slice %arg3[%mul3A_16] : memref<50000xi32, #tpu.memory_space<hbm>> -> memref<2960xi32, #tpu.memory_space<hbm>>
        tpu.enqueue_dma source(%dma_start3A_27 : memref<2960xi32, #tpu.memory_space<hbm>>) target(%dma_start3A_26 : memref<2960xi32, #tpu.memory_space<vmem>>) target_semaphore(%arg15 : memref<!tpu.dma_semaphore, #tpu.memory_space<semaphore_mem>>)
        %broadcast_in_dim3A = arith.constant 0.000000e+00 : f32
        %broadcast_in_dim3A_28 = vector.broadcast %broadcast_in_dim3A : f32 to vector<16xf32>
        %swap3A = arith.constant 0 : i32
        %swap3A_29 = arith.index_cast %swap3A : i32 to index
        %swap3A_30 = arith.constant 0 : index
        %swap3A_31 = tpu.vector_load %arg8[%swap3A_29, %swap3A_30] {strides = array<i32>} : memref<4x128xf32, #tpu.memory_space<vmem>>, vector<16xf32>,
        tpu.vector_store %arg8[%swap3A_29, %swap3A_30], %broadcast_in_dim3A_28 {strides = array<i32>} : memref<4x128xf32, #tpu.memory_space<vmem>>, vector<16xf32>,
        %swap3A_32 = arith.constant 0 : i32
        %swap3A_33 = arith.index_cast %swap3A_32 : i32 to index
        %swap3A_34 = arith.constant 16 : index
        %swap3A_35 = tpu.vector_load %arg8[%swap3A_33, %swap3A_34] {strides = array<i32>} : memref<4x128xf32, #tpu.memory_space<vmem>>, vector<16xf32>,
        tpu.vector_store %arg8[%swap3A_33, %swap3A_34], %broadcast_in_dim3A_28 {strides = array<i32>} : memref<4x128xf32, #tpu.memory_space<vmem>>, vector<16xf32>,
        %swap3A_36 = arith.constant 0 : i32
        %swap3A_37 = arith.index_cast %swap3A_36 : i32 to index
        %swap3A_38 = arith.constant 32 : index
        %swap3A_39 = tpu.vector_load %arg8[%swap3A_37, %swap3A_38] {strides = array<i32>} : memref<4x128xf32, #tpu.memory_space<vmem>>, vector<16xf32>,
        tpu.vector_store %arg8[%swap3A_37, %swap3A_38], %broadcast_in_dim3A_28 {strides = array<i32>} : memref<4x128xf32, #tpu.memory_space<vmem>>, vector<16xf32>,
        %swap3A_40 = arith.constant 0 : i32
        %swap3A_41 = arith.index_cast %swap3A_40 : i32 to index
        %swap3A_42 = arith.constant 48 : index
        %swap3A_43 = tpu.vector_load %arg8[%swap3A_41, %swap3A_42] {strides = array<i32>} : memref<4x128xf32, #tpu.memory_space<vmem>>, vector<16xf32>,
        tpu.vector_store %arg8[%swap3A_41, %swap3A_42], %broadcast_in_dim3A_28 {strides = array<i32>} : memref<4x128xf32, #tpu.memory_space<vmem>>, vector<16xf32>,
        %swap3A_44 = arith.constant 0 : i32
        %swap3A_45 = arith.index_cast %swap3A_44 : i32 to index
        %swap3A_46 = arith.constant 64 : index
        %swap3A_47 = tpu.vector_load %arg8[%swap3A_45, %swap3A_46] {strides = array<i32>} : memref<4x128xf32, #tpu.memory_space<vmem>>, vector<16xf32>,
        tpu.vector_store %arg8[%swap3A_45, %swap3A_46], %broadcast_in_dim3A_28 {strides = array<i32>} : memref<4x128xf32, #tpu.memory_space<vmem>>, vector<16xf32>,
        %swap3A_48 = arith.constant 0 : i32
        %swap3A_49 = arith.index_cast %swap3A_48 : i32 to index
        %swap3A_50 = arith.constant 80 : index
        %swap3A_51 = tpu.vector_load %arg8[%swap3A_49, %swap3A_50] {strides = array<i32>} : memref<4x128xf32, #tpu.memory_space<vmem>>, vector<16xf32>,
        tpu.vector_store %arg8[%swap3A_49, %swap3A_50], %broadcast_in_dim3A_28 {strides = array<i32>} : memref<4x128xf32, #tpu.memory_space<vmem>>, vector<16xf32>,
        %swap3A_52 = arith.constant 0 : i32
        %swap3A_53 = arith.index_cast %swap3A_52 : i32 to index
        %swap3A_54 = arith.constant 96 : index
        %swap3A_55 = tpu.vector_load %arg8[%swap3A_53, %swap3A_54] {strides = array<i32>} : memref<4x128xf32, #tpu.memory_space<vmem>>, vector<16xf32>,
        tpu.vector_store %arg8[%swap3A_53, %swap3A_54], %broadcast_in_dim3A_28 {strides = array<i32>} : memref<4x128xf32, #tpu.memory_space<vmem>>, vector<16xf32>,
        %swap3A_56 = arith.constant 0 : i32
        %swap3A_57 = arith.index_cast %swap3A_56 : i32 to index
        %swap3A_58 = arith.constant 112 : index
        %swap3A_59 = tpu.vector_load %arg8[%swap3A_57, %swap3A_58] {strides = array<i32>} : memref<4x128xf32, #tpu.memory_space<vmem>>, vector<16xf32>,
        tpu.vector_store %arg8[%swap3A_57, %swap3A_58], %broadcast_in_dim3A_28 {strides = array<i32>} : memref<4x128xf32, #tpu.memory_space<vmem>>, vector<16xf32>,
        %swap3A_60 = arith.constant 1 : i32
        %swap3A_61 = arith.index_cast %swap3A_60 : i32 to index
        %swap3A_62 = arith.constant 0 : index
        %swap3A_63 = tpu.vector_load %arg8[%swap3A_61, %swap3A_62] {strides = array<i32>} : memref<4x128xf32, #tpu.memory_space<vmem>>, vector<16xf32>,
        tpu.vector_store %arg8[%swap3A_61, %swap3A_62], %broadcast_in_dim3A_28 {strides = array<i32>} : memref<4x128xf32, #tpu.memory_space<vmem>>, vector<16xf32>,
        %swap3A_64 = arith.constant 1 : i32
        %swap3A_65 = arith.index_cast %swap3A_64 : i32 to index
        %swap3A_66 = arith.constant 16 : index
        %swap3A_67 = tpu.vector_load %arg8[%swap3A_65, %swap3A_66] {strides = array<i32>} : memref<4x128xf32, #tpu.memory_space<vmem>>, vector<16xf32>,
        tpu.vector_store %arg8[%swap3A_65, %swap3A_66], %broadcast_in_dim3A_28 {strides = array<i32>} : memref<4x128xf32, #tpu.memory_space<vmem>>, vector<16xf32>,
        %swap3A_68 = arith.constant 1 : i32
        %swap3A_69 = arith.index_cast %swap3A_68 : i32 to index
        %swap3A_70 = arith.constant 32 : index
        %swap3A_71 = tpu.vector_load %arg8[%swap3A_69, %swap3A_70] {strides = array<i32>} : memref<4x128xf32, #tpu.memory_space<vmem>>, vector<16xf32>,
        tpu.vector_store %arg8[%swap3A_69, %swap3A_70], %broadcast_in_dim3A_28 {strides = array<i32>} : memref<4x128xf32, #tpu.memory_space<vmem>>, vector<16xf32>,
        %swap3A_72 = arith.constant 1 : i32
        %swap3A_73 = arith.index_cast %swap3A_72 : i32 to index
        %swap3A_74 = arith.constant 48 : index
        %swap3A_75 = tpu.vector_load %arg8[%swap3A_73, %swap3A_74] {strides = array<i32>} : memref<4x128xf32, #tpu.memory_space<vmem>>, vector<16xf32>,
        tpu.vector_store %arg8[%swap3A_73, %swap3A_74], %broadcast_in_dim3A_28 {strides = array<i32>} : memref<4x128xf32, #tpu.memory_space<vmem>>, vector<16xf32>,
        %swap3A_76 = arith.constant 1 : i32
        %swap3A_77 = arith.index_cast %swap3A_76 : i32 to index
        %swap3A_78 = arith.constant 64 : index
        %swap3A_79 = tpu.vector_load %arg8[%swap3A_77, %swap3A_78] {strides = array<i32>} : memref<4x128xf32, #tpu.memory_space<vmem>>, vector<16xf32>,
        tpu.vector_store %arg8[%swap3A_77, %swap3A_78], %broadcast_in_dim3A_28 {strides = array<i32>} : memref<4x128xf32, #tpu.memory_space<vmem>>, vector<16xf32>,
        %swap3A_80 = arith.constant 1 : i32
        %swap3A_81 = arith.index_cast %swap3A_80 : i32 to index
        %swap3A_82 = arith.constant 80 : index
        %swap3A_83 = tpu.vector_load %arg8[%swap3A_81, %swap3A_82] {strides = array<i32>} : memref<4x128xf32, #tpu.memory_space<vmem>>, vector<16xf32>,
        tpu.vector_store %arg8[%swap3A_81, %swap3A_82], %broadcast_in_dim3A_28 {strides = array<i32>} : memref<4x128xf32, #tpu.memory_space<vmem>>, vector<16xf32>,
        %swap3A_84 = arith.constant 1 : i32
        %swap3A_85 = arith.index_cast %swap3A_84 : i32 to index
        %swap3A_86 = arith.constant 96 : index
        %swap3A_87 = tpu.vector_load %arg8[%swap3A_85, %swap3A_86] {strides = array<i32>} : memref<4x128xf32, #tpu.memory_space<vmem>>, vector<16xf32>,
        tpu.vector_store %arg8[%swap3A_85, %swap3A_86], %broadcast_in_dim3A_28 {strides = array<i32>} : memref<4x128xf32, #tpu.memory_space<vmem>>, vector<16xf32>,
        %swap3A_88 = arith.constant 1 : i32
        %swap3A_89 = arith.index_cast %swap3A_88 : i32 to index
        %swap3A_90 = arith.constant 112 : index
        %swap3A_91 = tpu.vector_load %arg8[%swap3A_89, %swap3A_90] {strides = array<i32>} : memref<4x128xf32, #tpu.memory_space<vmem>>, vector<16xf32>,
        tpu.vector_store %arg8[%swap3A_89, %swap3A_90], %broadcast_in_dim3A_28 {strides = array<i32>} : memref<4x128xf32, #tpu.memory_space<vmem>>, vector<16xf32>,
        %swap3A_92 = arith.constant 2 : i32
        %swap3A_93 = arith.index_cast %swap3A_92 : i32 to index
        %swap3A_94 = arith.constant 0 : index
        %swap3A_95 = tpu.vector_load %arg8[%swap3A_93, %swap3A_94] {strides = array<i32>} : memref<4x128xf32, #tpu.memory_space<vmem>>, vector<16xf32>,
        tpu.vector_store %arg8[%swap3A_93, %swap3A_94], %broadcast_in_dim3A_28 {strides = array<i32>} : memref<4x128xf32, #tpu.memory_space<vmem>>, vector<16xf32>,
        %swap3A_96 = arith.constant 2 : i32
        %swap3A_97 = arith.index_cast %swap3A_96 : i32 to index
        %swap3A_98 = arith.constant 16 : index
        %swap3A_99 = tpu.vector_load %arg8[%swap3A_97, %swap3A_98] {strides = array<i32>} : memref<4x128xf32, #tpu.memory_space<vmem>>, vector<16xf32>,
        tpu.vector_store %arg8[%swap3A_97, %swap3A_98], %broadcast_in_dim3A_28 {strides = array<i32>} : memref<4x128xf32, #tpu.memory_space<vmem>>, vector<16xf32>,
        %swap3A_100 = arith.constant 2 : i32
        %swap3A_101 = arith.index_cast %swap3A_100 : i32 to index
        %swap3A_102 = arith.constant 32 : index
        %swap3A_103 = tpu.vector_load %arg8[%swap3A_101, %swap3A_102] {strides = array<i32>} : memref<4x128xf32, #tpu.memory_space<vmem>>, vector<16xf32>,
        tpu.vector_store %arg8[%swap3A_101, %swap3A_102], %broadcast_in_dim3A_28 {strides = array<i32>} : memref<4x128xf32, #tpu.memory_space<vmem>>, vector<16xf32>,
        %swap3A_104 = arith.constant 2 : i32
        %swap3A_105 = arith.index_cast %swap3A_104 : i32 to index
        %swap3A_106 = arith.constant 48 : index
        %swap3A_107 = tpu.vector_load %arg8[%swap3A_105, %swap3A_106] {strides = array<i32>} : memref<4x128xf32, #tpu.memory_space<vmem>>, vector<16xf32>,
        tpu.vector_store %arg8[%swap3A_105, %swap3A_106], %broadcast_in_dim3A_28 {strides = array<i32>} : memref<4x128xf32, #tpu.memory_space<vmem>>, vector<16xf32>,
        %swap3A_108 = arith.constant 2 : i32
        %swap3A_109 = arith.index_cast %swap3A_108 : i32 to index
        %swap3A_110 = arith.constant 64 : index
        %swap3A_111 = tpu.vector_load %arg8[%swap3A_109, %swap3A_110] {strides = array<i32>} : memref<4x128xf32, #tpu.memory_space<vmem>>, vector<16xf32>,
        tpu.vector_store %arg8[%swap3A_109, %swap3A_110], %broadcast_in_dim3A_28 {strides = array<i32>} : memref<4x128xf32, #tpu.memory_space<vmem>>, vector<16xf32>,
        %swap3A_112 = arith.constant 2 : i32
        %swap3A_113 = arith.index_cast %swap3A_112 : i32 to index
        %swap3A_114 = arith.constant 80 : index
        %swap3A_115 = tpu.vector_load %arg8[%swap3A_113, %swap3A_114] {strides = array<i32>} : memref<4x128xf32, #tpu.memory_space<vmem>>, vector<16xf32>,
        tpu.vector_store %arg8[%swap3A_113, %swap3A_114], %broadcast_in_dim3A_28 {strides = array<i32>} : memref<4x128xf32, #tpu.memory_space<vmem>>, vector<16xf32>,
        %swap3A_116 = arith.constant 2 : i32
        %swap3A_117 = arith.index_cast %swap3A_116 : i32 to index
        %swap3A_118 = arith.constant 96 : index
        %swap3A_119 = tpu.vector_load %arg8[%swap3A_117, %swap3A_118] {strides = array<i32>} : memref<4x128xf32, #tpu.memory_space<vmem>>, vector<16xf32>,
        tpu.vector_store %arg8[%swap3A_117, %swap3A_118], %broadcast_in_dim3A_28 {strides = array<i32>} : memref<4x128xf32, #tpu.memory_space<vmem>>, vector<16xf32>,
        %swap3A_120 = arith.constant 2 : i32
        %swap3A_121 = arith.index_cast %swap3A_120 : i32 to index
        %swap3A_122 = arith.constant 112 : index
        %swap3A_123 = tpu.vector_load %arg8[%swap3A_121, %swap3A_122] {strides = array<i32>} : memref<4x128xf32, #tpu.memory_space<vmem>>, vector<16xf32>,
        tpu.vector_store %arg8[%swap3A_121, %swap3A_122], %broadcast_in_dim3A_28 {strides = array<i32>} : memref<4x128xf32, #tpu.memory_space<vmem>>, vector<16xf32>,
        %swap3A_124 = arith.constant 3 : i32
        %swap3A_125 = arith.index_cast %swap3A_124 : i32 to index
        %swap3A_126 = arith.constant 0 : index
        %swap3A_127 = tpu.vector_load %arg8[%swap3A_125, %swap3A_126] {strides = array<i32>} : memref<4x128xf32, #tpu.memory_space<vmem>>, vector<16xf32>,
        tpu.vector_store %arg8[%swap3A_125, %swap3A_126], %broadcast_in_dim3A_28 {strides = array<i32>} : memref<4x128xf32, #tpu.memory_space<vmem>>, vector<16xf32>,
        %swap3A_128 = arith.constant 3 : i32
        %swap3A_129 = arith.index_cast %swap3A_128 : i32 to index
        %swap3A_130 = arith.constant 16 : index
        %swap3A_131 = tpu.vector_load %arg8[%swap3A_129, %swap3A_130] {strides = array<i32>} : memref<4x128xf32, #tpu.memory_space<vmem>>, vector<16xf32>,
        tpu.vector_store %arg8[%swap3A_129, %swap3A_130], %broadcast_in_dim3A_28 {strides = array<i32>} : memref<4x128xf32, #tpu.memory_space<vmem>>, vector<16xf32>,
        %swap3A_132 = arith.constant 3 : i32
        %swap3A_133 = arith.index_cast %swap3A_132 : i32 to index
        %swap3A_134 = arith.constant 32 : index
        %swap3A_135 = tpu.vector_load %arg8[%swap3A_133, %swap3A_134] {strides = array<i32>} : memref<4x128xf32, #tpu.memory_space<vmem>>, vector<16xf32>,
        tpu.vector_store %arg8[%swap3A_133, %swap3A_134], %broadcast_in_dim3A_28 {strides = array<i32>} : memref<4x128xf32, #tpu.memory_space<vmem>>, vector<16xf32>,
        %swap3A_136 = arith.constant 3 : i32
        %swap3A_137 = arith.index_cast %swap3A_136 : i32 to index
        %swap3A_138 = arith.constant 48 : index
        %swap3A_139 = tpu.vector_load %arg8[%swap3A_137, %swap3A_138] {strides = array<i32>} : memref<4x128xf32, #tpu.memory_space<vmem>>, vector<16xf32>,
        tpu.vector_store %arg8[%swap3A_137, %swap3A_138], %broadcast_in_dim3A_28 {strides = array<i32>} : memref<4x128xf32, #tpu.memory_space<vmem>>, vector<16xf32>,
        %swap3A_140 = arith.constant 3 : i32
        %swap3A_141 = arith.index_cast %swap3A_140 : i32 to index
        %swap3A_142 = arith.constant 64 : index
        %swap3A_143 = tpu.vector_load %arg8[%swap3A_141, %swap3A_142] {strides = array<i32>} : memref<4x128xf32, #tpu.memory_space<vmem>>, vector<16xf32>,
        tpu.vector_store %arg8[%swap3A_141, %swap3A_142], %broadcast_in_dim3A_28 {strides = array<i32>} : memref<4x128xf32, #tpu.memory_space<vmem>>, vector<16xf32>,
        %swap3A_144 = arith.constant 3 : i32
        %swap3A_145 = arith.index_cast %swap3A_144 : i32 to index
        %swap3A_146 = arith.constant 80 : index
        %swap3A_147 = tpu.vector_load %arg8[%swap3A_145, %swap3A_146] {strides = array<i32>} : memref<4x128xf32, #tpu.memory_space<vmem>>, vector<16xf32>,
        tpu.vector_store %arg8[%swap3A_145, %swap3A_146], %broadcast_in_dim3A_28 {strides = array<i32>} : memref<4x128xf32, #tpu.memory_space<vmem>>, vector<16xf32>,
        %swap3A_148 = arith.constant 3 : i32
        %swap3A_149 = arith.index_cast %swap3A_148 : i32 to index
        %swap3A_150 = arith.constant 96 : index
        %swap3A_151 = tpu.vector_load %arg8[%swap3A_149, %swap3A_150] {strides = array<i32>} : memref<4x128xf32, #tpu.memory_space<vmem>>, vector<16xf32>,
        tpu.vector_store %arg8[%swap3A_149, %swap3A_150], %broadcast_in_dim3A_28 {strides = array<i32>} : memref<4x128xf32, #tpu.memory_space<vmem>>, vector<16xf32>,
        %swap3A_152 = arith.constant 3 : i32
        %swap3A_153 = arith.index_cast %swap3A_152 : i32 to index
        %swap3A_154 = arith.constant 112 : index
        %swap3A_155 = tpu.vector_load %arg8[%swap3A_153, %swap3A_154] {strides = array<i32>} : memref<4x128xf32, #tpu.memory_space<vmem>>, vector<16xf32>,
        tpu.vector_store %arg8[%swap3A_153, %swap3A_154], %broadcast_in_dim3A_28 {strides = array<i32>} : memref<4x128xf32, #tpu.memory_space<vmem>>, vector<16xf32>,
        %dma_wait3A = arith.constant 0 : i32
        %dma_wait3A_156 = tpu.memref_slice %arg6[%dma_wait3A] : memref<3136xf32, #tpu.memory_space<vmem>> -> memref<2960xf32, #tpu.memory_space<vmem>>
        %dma_wait3A_157 = tpu.memref_slice %arg2[%mul3A_16] : memref<51200xf32, #tpu.memory_space<hbm>> -> memref<2960xf32, #tpu.memory_space<hbm>>
        %dma_wait3A_158 = arith.constant 0 : i32
        %dma_wait3A_159 = tpu.memref_slice %arg6[%dma_wait3A_158] : memref<3136xf32, #tpu.memory_space<vmem>> -> memref<2960xf32, #tpu.memory_space<vmem>>
        %dma_wait3A_160 = tpu.memref_slice %arg2[%mul3A_16] : memref<51200xf32, #tpu.memory_space<hbm>> -> memref<2960xf32, #tpu.memory_space<hbm>>
        tpu.wait_dma2 semaphore(%arg14 : memref<!tpu.dma_semaphore, #tpu.memory_space<semaphore_mem>>) src(%dma_wait3A_160 : memref<2960xf32, #tpu.memory_space<hbm>>) dst(%dma_wait3A_159 : memref<2960xf32, #tpu.memory_space<vmem>>)
        %dma_wait3A_161 = arith.constant 0 : i32
        %dma_wait3A_162 = tpu.memref_slice %arg7[%dma_wait3A_161] : memref<3136xi32, #tpu.memory_space<vmem>> -> memref<2960xi32, #tpu.memory_space<vmem>>
        %dma_wait3A_163 = tpu.memref_slice %arg3[%mul3A_16] : memref<50000xi32, #tpu.memory_space<hbm>> -> memref<2960xi32, #tpu.memory_space<hbm>>
        %dma_wait3A_164 = arith.constant 0 : i32
        %dma_wait3A_165 = tpu.memref_slice %arg7[%dma_wait3A_164] : memref<3136xi32, #tpu.memory_space<vmem>> -> memref<2960xi32, #tpu.memory_space<vmem>>
        %dma_wait3A_166 = tpu.memref_slice %arg3[%mul3A_16] : memref<50000xi32, #tpu.memory_space<hbm>> -> memref<2960xi32, #tpu.memory_space<hbm>>
        tpu.wait_dma2 semaphore(%arg15 : memref<!tpu.dma_semaphore, #tpu.memory_space<semaphore_mem>>) src(%dma_wait3A_166 : memref<2960xi32, #tpu.memory_space<hbm>>) dst(%dma_wait3A_165 : memref<2960xi32, #tpu.memory_space<vmem>>)
        %broadcast_in_dim3A_167 = arith.constant 1.000000e+00 : f32
        %broadcast_in_dim3A_168 = vector.broadcast %broadcast_in_dim3A_167 : f32 to vector<16xf32>
        %scan3A = arith.constant 0 : i32
        %scan3A_169 = arith.constant 0 : i32
        %scan3A_170 = arith.constant 46 : i32
        %scan3A_171 = arith.addi %scan3A_169, %scan3A_170 : i32
        %scan3A_172 = arith.constant 2 : i32
        scf.for %scan3A_347 = %scan3A_169 to %scan3A_171 step %scan3A_172  : i32 {
          %mul3A_348 = arith.constant 64 : i32
          %mul3A_349 = arith.muli %scan3A_347, %mul3A_348 : i32
          %add3A_350 = arith.constant 0 : i32
          %add3A_351 = arith.addi %mul3A_349, %add3A_350 : i32
          %get3A_352 = arith.index_cast %add3A_351 : i32 to index
          %get3A_353 = tpu.vector_load %arg7[%get3A_352] {strides = array<i32>} : memref<3136xi32, #tpu.memory_space<vmem>>, vector<16xi32>,
          %get3A_354 = arith.index_cast %add3A_351 : i32 to index
          %get3A_355 = tpu.vector_load %arg6[%get3A_354] {strides = array<i32>} : memref<3136xf32, #tpu.memory_space<vmem>>, vector<16xf32>,
          %scatter3A_356 = arith.constant 0 : i32
          %scatter3A_357 = arith.constant 0 : i32
          %scatter3A_358 = tpu.memref_slice %arg8[%scatter3A_356, %scatter3A_357] : memref<4x128xf32, #tpu.memory_space<vmem>> -> memref<1x128xf32, #tpu.memory_space<vmem>>
          %scatter3A_359 = tpu.memref_squeeze %scatter3A_358 : memref<1x128xf32, #tpu.memory_space<vmem>> -> memref<128xf32, #tpu.memory_space<vmem>>
          tpu.vector_store_idx %scatter3A_359[%get3A_353], %get3A_355 {add = true} : memref<128xf32, #tpu.memory_space<vmem>>[vector<16xi32>], vector<16xf32>,
          %add3A_360 = arith.constant 16 : i32
          %add3A_361 = arith.addi %mul3A_349, %add3A_360 : i32
          %get3A_362 = arith.index_cast %add3A_361 : i32 to index
          %get3A_363 = tpu.vector_load %arg7[%get3A_362] {strides = array<i32>} : memref<3136xi32, #tpu.memory_space<vmem>>, vector<16xi32>,
          %get3A_364 = arith.index_cast %add3A_361 : i32 to index
          %get3A_365 = tpu.vector_load %arg6[%get3A_364] {strides = array<i32>} : memref<3136xf32, #tpu.memory_space<vmem>>, vector<16xf32>,
          %scatter3A_366 = arith.constant 1 : i32
          %scatter3A_367 = arith.constant 0 : i32
          %scatter3A_368 = tpu.memref_slice %arg8[%scatter3A_366, %scatter3A_367] : memref<4x128xf32, #tpu.memory_space<vmem>> -> memref<1x128xf32, #tpu.memory_space<vmem>>
          %scatter3A_369 = tpu.memref_squeeze %scatter3A_368 : memref<1x128xf32, #tpu.memory_space<vmem>> -> memref<128xf32, #tpu.memory_space<vmem>>
          tpu.vector_store_idx %scatter3A_369[%get3A_363], %get3A_365 {add = true} : memref<128xf32, #tpu.memory_space<vmem>>[vector<16xi32>], vector<16xf32>,
          %add3A_370 = arith.constant 32 : i32
          %add3A_371 = arith.addi %mul3A_349, %add3A_370 : i32
          %get3A_372 = arith.index_cast %add3A_371 : i32 to index
          %get3A_373 = tpu.vector_load %arg7[%get3A_372] {strides = array<i32>} : memref<3136xi32, #tpu.memory_space<vmem>>, vector<16xi32>,
          %get3A_374 = arith.index_cast %add3A_371 : i32 to index
          %get3A_375 = tpu.vector_load %arg6[%get3A_374] {strides = array<i32>} : memref<3136xf32, #tpu.memory_space<vmem>>, vector<16xf32>,
          %scatter3A_376 = arith.constant 2 : i32
          %scatter3A_377 = arith.constant 0 : i32
          %scatter3A_378 = tpu.memref_slice %arg8[%scatter3A_376, %scatter3A_377] : memref<4x128xf32, #tpu.memory_space<vmem>> -> memref<1x128xf32, #tpu.memory_space<vmem>>
          %scatter3A_379 = tpu.memref_squeeze %scatter3A_378 : memref<1x128xf32, #tpu.memory_space<vmem>> -> memref<128xf32, #tpu.memory_space<vmem>>
          tpu.vector_store_idx %scatter3A_379[%get3A_373], %get3A_375 {add = true} : memref<128xf32, #tpu.memory_space<vmem>>[vector<16xi32>], vector<16xf32>,
          %add3A_380 = arith.constant 48 : i32
          %add3A_381 = arith.addi %mul3A_349, %add3A_380 : i32
          %get3A_382 = arith.index_cast %add3A_381 : i32 to index
          %get3A_383 = tpu.vector_load %arg7[%get3A_382] {strides = array<i32>} : memref<3136xi32, #tpu.memory_space<vmem>>, vector<16xi32>,
          %get3A_384 = arith.index_cast %add3A_381 : i32 to index
          %get3A_385 = tpu.vector_load %arg6[%get3A_384] {strides = array<i32>} : memref<3136xf32, #tpu.memory_space<vmem>>, vector<16xf32>,
          %scatter3A_386 = arith.constant 3 : i32
          %scatter3A_387 = arith.constant 0 : i32
          %scatter3A_388 = tpu.memref_slice %arg8[%scatter3A_386, %scatter3A_387] : memref<4x128xf32, #tpu.memory_space<vmem>> -> memref<1x128xf32, #tpu.memory_space<vmem>>
          %scatter3A_389 = tpu.memref_squeeze %scatter3A_388 : memref<1x128xf32, #tpu.memory_space<vmem>> -> memref<128xf32, #tpu.memory_space<vmem>>
          tpu.vector_store_idx %scatter3A_389[%get3A_383], %get3A_385 {add = true} : memref<128xf32, #tpu.memory_space<vmem>>[vector<16xi32>], vector<16xf32>,
          %scan3A_390 = arith.constant 1 : i32
          %scan3A_391 = arith.addi %scan3A_347, %scan3A_390 : i32
          %mul3A_392 = arith.constant 64 : i32
          %mul3A_393 = arith.muli %scan3A_391, %mul3A_392 : i32
          %add3A_394 = arith.constant 0 : i32
          %add3A_395 = arith.addi %mul3A_393, %add3A_394 : i32
          %get3A_396 = arith.index_cast %add3A_395 : i32 to index
          %get3A_397 = tpu.vector_load %arg7[%get3A_396] {strides = array<i32>} : memref<3136xi32, #tpu.memory_space<vmem>>, vector<16xi32>,
          %get3A_398 = arith.index_cast %add3A_395 : i32 to index
          %get3A_399 = tpu.vector_load %arg6[%get3A_398] {strides = array<i32>} : memref<3136xf32, #tpu.memory_space<vmem>>, vector<16xf32>,
          %scatter3A_400 = arith.constant 0 : i32
          %scatter3A_401 = arith.constant 0 : i32
          %scatter3A_402 = tpu.memref_slice %arg8[%scatter3A_400, %scatter3A_401] : memref<4x128xf32, #tpu.memory_space<vmem>> -> memref<1x128xf32, #tpu.memory_space<vmem>>
          %scatter3A_403 = tpu.memref_squeeze %scatter3A_402 : memref<1x128xf32, #tpu.memory_space<vmem>> -> memref<128xf32, #tpu.memory_space<vmem>>
          tpu.vector_store_idx %scatter3A_403[%get3A_397], %get3A_399 {add = true} : memref<128xf32, #tpu.memory_space<vmem>>[vector<16xi32>], vector<16xf32>,
          %add3A_404 = arith.constant 16 : i32
          %add3A_405 = arith.addi %mul3A_393, %add3A_404 : i32
          %get3A_406 = arith.index_cast %add3A_405 : i32 to index
          %get3A_407 = tpu.vector_load %arg7[%get3A_406] {strides = array<i32>} : memref<3136xi32, #tpu.memory_space<vmem>>, vector<16xi32>,
          %get3A_408 = arith.index_cast %add3A_405 : i32 to index
          %get3A_409 = tpu.vector_load %arg6[%get3A_408] {strides = array<i32>} : memref<3136xf32, #tpu.memory_space<vmem>>, vector<16xf32>,
          %scatter3A_410 = arith.constant 1 : i32
          %scatter3A_411 = arith.constant 0 : i32
          %scatter3A_412 = tpu.memref_slice %arg8[%scatter3A_410, %scatter3A_411] : memref<4x128xf32, #tpu.memory_space<vmem>> -> memref<1x128xf32, #tpu.memory_space<vmem>>
          %scatter3A_413 = tpu.memref_squeeze %scatter3A_412 : memref<1x128xf32, #tpu.memory_space<vmem>> -> memref<128xf32, #tpu.memory_space<vmem>>
          tpu.vector_store_idx %scatter3A_413[%get3A_407], %get3A_409 {add = true} : memref<128xf32, #tpu.memory_space<vmem>>[vector<16xi32>], vector<16xf32>,
          %add3A_414 = arith.constant 32 : i32
          %add3A_415 = arith.addi %mul3A_393, %add3A_414 : i32
          %get3A_416 = arith.index_cast %add3A_415 : i32 to index
          %get3A_417 = tpu.vector_load %arg7[%get3A_416] {strides = array<i32>} : memref<3136xi32, #tpu.memory_space<vmem>>, vector<16xi32>,
          %get3A_418 = arith.index_cast %add3A_415 : i32 to index
          %get3A_419 = tpu.vector_load %arg6[%get3A_418] {strides = array<i32>} : memref<3136xf32, #tpu.memory_space<vmem>>, vector<16xf32>,
          %scatter3A_420 = arith.constant 2 : i32
          %scatter3A_421 = arith.constant 0 : i32
          %scatter3A_422 = tpu.memref_slice %arg8[%scatter3A_420, %scatter3A_421] : memref<4x128xf32, #tpu.memory_space<vmem>> -> memref<1x128xf32, #tpu.memory_space<vmem>>
          %scatter3A_423 = tpu.memref_squeeze %scatter3A_422 : memref<1x128xf32, #tpu.memory_space<vmem>> -> memref<128xf32, #tpu.memory_space<vmem>>
          tpu.vector_store_idx %scatter3A_423[%get3A_417], %get3A_419 {add = true} : memref<128xf32, #tpu.memory_space<vmem>>[vector<16xi32>], vector<16xf32>,
          %add3A_424 = arith.constant 48 : i32
          %add3A_425 = arith.addi %mul3A_393, %add3A_424 : i32
          %get3A_426 = arith.index_cast %add3A_425 : i32 to index
          %get3A_427 = tpu.vector_load %arg7[%get3A_426] {strides = array<i32>} : memref<3136xi32, #tpu.memory_space<vmem>>, vector<16xi32>,
          %get3A_428 = arith.index_cast %add3A_425 : i32 to index
          %get3A_429 = tpu.vector_load %arg6[%get3A_428] {strides = array<i32>} : memref<3136xf32, #tpu.memory_space<vmem>>, vector<16xf32>,
          %scatter3A_430 = arith.constant 3 : i32
          %scatter3A_431 = arith.constant 0 : i32
          %scatter3A_432 = tpu.memref_slice %arg8[%scatter3A_430, %scatter3A_431] : memref<4x128xf32, #tpu.memory_space<vmem>> -> memref<1x128xf32, #tpu.memory_space<vmem>>
          %scatter3A_433 = tpu.memref_squeeze %scatter3A_432 : memref<1x128xf32, #tpu.memory_space<vmem>> -> memref<128xf32, #tpu.memory_space<vmem>>
          tpu.vector_store_idx %scatter3A_433[%get3A_427], %get3A_429 {add = true} : memref<128xf32, #tpu.memory_space<vmem>>[vector<16xi32>], vector<16xf32>,
        }
        %scan3A_173 = arith.constant 46 : i32
        %get3A = arith.constant 2944 : index
        %get3A_174 = tpu.vector_load %arg7[%get3A] {strides = array<i32>} : memref<3136xi32, #tpu.memory_space<vmem>>, vector<16xi32>,
        %get3A_175 = arith.constant 2944 : index
        %get3A_176 = tpu.vector_load %arg6[%get3A_175] {strides = array<i32>} : memref<3136xf32, #tpu.memory_space<vmem>>, vector<16xf32>,
        %scatter3A = arith.constant 0 : i32
        %scatter3A_177 = arith.constant 0 : i32
        %scatter3A_178 = tpu.memref_slice %arg8[%scatter3A, %scatter3A_177] : memref<4x128xf32, #tpu.memory_space<vmem>> -> memref<1x128xf32, #tpu.memory_space<vmem>>
        %scatter3A_179 = tpu.memref_squeeze %scatter3A_178 : memref<1x128xf32, #tpu.memory_space<vmem>> -> memref<128xf32, #tpu.memory_space<vmem>>
        tpu.vector_store_idx %scatter3A_179[%get3A_174], %get3A_176 {add = true} : memref<128xf32, #tpu.memory_space<vmem>>[vector<16xi32>], vector<16xf32>,
        %get3A_180 = arith.constant 0 : i32
        %get3A_181 = arith.index_cast %get3A_180 : i32 to index
        %get3A_182 = arith.constant 0 : index
        %get3A_183 = tpu.vector_load %arg8[%get3A_181, %get3A_182] {strides = array<i32>} : memref<4x128xf32, #tpu.memory_space<vmem>>, vector<16xf32>,
        %get3A_184 = arith.constant 1 : i32
        %get3A_185 = arith.index_cast %get3A_184 : i32 to index
        %get3A_186 = arith.constant 0 : index
        %get3A_187 = tpu.vector_load %arg8[%get3A_185, %get3A_186] {strides = array<i32>} : memref<4x128xf32, #tpu.memory_space<vmem>>, vector<16xf32>,
        %add3A = arith.addf %get3A_183, %get3A_187 : vector<16xf32>
        %get3A_188 = arith.constant 2 : i32
        %get3A_189 = arith.index_cast %get3A_188 : i32 to index
        %get3A_190 = arith.constant 0 : index
        %get3A_191 = tpu.vector_load %arg8[%get3A_189, %get3A_190] {strides = array<i32>} : memref<4x128xf32, #tpu.memory_space<vmem>>, vector<16xf32>,
        %add3A_192 = arith.addf %add3A, %get3A_191 : vector<16xf32>
        %get3A_193 = arith.constant 3 : i32
        %get3A_194 = arith.index_cast %get3A_193 : i32 to index
        %get3A_195 = arith.constant 0 : index
        %get3A_196 = tpu.vector_load %arg8[%get3A_194, %get3A_195] {strides = array<i32>} : memref<4x128xf32, #tpu.memory_space<vmem>>, vector<16xf32>,
        %add3A_197 = arith.addf %add3A_192, %get3A_196 : vector<16xf32>
        %swap3A_198 = arith.constant 0 : index
        %swap3A_199 = tpu.vector_load %arg9[%swap3A_198] {strides = array<i32>} : memref<128xf32, #tpu.memory_space<vmem>>, vector<16xf32>,
        tpu.vector_store %arg9[%swap3A_198], %add3A_197 {strides = array<i32>} : memref<128xf32, #tpu.memory_space<vmem>>, vector<16xf32>,
        %get3A_200 = arith.constant 0 : i32
        %get3A_201 = arith.index_cast %get3A_200 : i32 to index
        %get3A_202 = arith.constant 16 : index
        %get3A_203 = tpu.vector_load %arg8[%get3A_201, %get3A_202] {strides = array<i32>} : memref<4x128xf32, #tpu.memory_space<vmem>>, vector<16xf32>,
        %get3A_204 = arith.constant 1 : i32
        %get3A_205 = arith.index_cast %get3A_204 : i32 to index
        %get3A_206 = arith.constant 16 : index
        %get3A_207 = tpu.vector_load %arg8[%get3A_205, %get3A_206] {strides = array<i32>} : memref<4x128xf32, #tpu.memory_space<vmem>>, vector<16xf32>,
        %add3A_208 = arith.addf %get3A_203, %get3A_207 : vector<16xf32>
        %get3A_209 = arith.constant 2 : i32
        %get3A_210 = arith.index_cast %get3A_209 : i32 to index
        %get3A_211 = arith.constant 16 : index
        %get3A_212 = tpu.vector_load %arg8[%get3A_210, %get3A_211] {strides = array<i32>} : memref<4x128xf32, #tpu.memory_space<vmem>>, vector<16xf32>,
        %add3A_213 = arith.addf %add3A_208, %get3A_212 : vector<16xf32>
        %get3A_214 = arith.constant 3 : i32
        %get3A_215 = arith.index_cast %get3A_214 : i32 to index
        %get3A_216 = arith.constant 16 : index
        %get3A_217 = tpu.vector_load %arg8[%get3A_215, %get3A_216] {strides = array<i32>} : memref<4x128xf32, #tpu.memory_space<vmem>>, vector<16xf32>,
        %add3A_218 = arith.addf %add3A_213, %get3A_217 : vector<16xf32>
        %swap3A_219 = arith.constant 16 : index
        %swap3A_220 = tpu.vector_load %arg9[%swap3A_219] {strides = array<i32>} : memref<128xf32, #tpu.memory_space<vmem>>, vector<16xf32>,
        tpu.vector_store %arg9[%swap3A_219], %add3A_218 {strides = array<i32>} : memref<128xf32, #tpu.memory_space<vmem>>, vector<16xf32>,
        %get3A_221 = arith.constant 0 : i32
        %get3A_222 = arith.index_cast %get3A_221 : i32 to index
        %get3A_223 = arith.constant 32 : index
        %get3A_224 = tpu.vector_load %arg8[%get3A_222, %get3A_223] {strides = array<i32>} : memref<4x128xf32, #tpu.memory_space<vmem>>, vector<16xf32>,
        %get3A_225 = arith.constant 1 : i32
        %get3A_226 = arith.index_cast %get3A_225 : i32 to index
        %get3A_227 = arith.constant 32 : index
        %get3A_228 = tpu.vector_load %arg8[%get3A_226, %get3A_227] {strides = array<i32>} : memref<4x128xf32, #tpu.memory_space<vmem>>, vector<16xf32>,
        %add3A_229 = arith.addf %get3A_224, %get3A_228 : vector<16xf32>
        %get3A_230 = arith.constant 2 : i32
        %get3A_231 = arith.index_cast %get3A_230 : i32 to index
        %get3A_232 = arith.constant 32 : index
        %get3A_233 = tpu.vector_load %arg8[%get3A_231, %get3A_232] {strides = array<i32>} : memref<4x128xf32, #tpu.memory_space<vmem>>, vector<16xf32>,
        %add3A_234 = arith.addf %add3A_229, %get3A_233 : vector<16xf32>
        %get3A_235 = arith.constant 3 : i32
        %get3A_236 = arith.index_cast %get3A_235 : i32 to index
        %get3A_237 = arith.constant 32 : index
        %get3A_238 = tpu.vector_load %arg8[%get3A_236, %get3A_237] {strides = array<i32>} : memref<4x128xf32, #tpu.memory_space<vmem>>, vector<16xf32>,
        %add3A_239 = arith.addf %add3A_234, %get3A_238 : vector<16xf32>
        %swap3A_240 = arith.constant 32 : index
        %swap3A_241 = tpu.vector_load %arg9[%swap3A_240] {strides = array<i32>} : memref<128xf32, #tpu.memory_space<vmem>>, vector<16xf32>,
        tpu.vector_store %arg9[%swap3A_240], %add3A_239 {strides = array<i32>} : memref<128xf32, #tpu.memory_space<vmem>>, vector<16xf32>,
        %get3A_242 = arith.constant 0 : i32
        %get3A_243 = arith.index_cast %get3A_242 : i32 to index
        %get3A_244 = arith.constant 48 : index
        %get3A_245 = tpu.vector_load %arg8[%get3A_243, %get3A_244] {strides = array<i32>} : memref<4x128xf32, #tpu.memory_space<vmem>>, vector<16xf32>,
        %get3A_246 = arith.constant 1 : i32
        %get3A_247 = arith.index_cast %get3A_246 : i32 to index
        %get3A_248 = arith.constant 48 : index
        %get3A_249 = tpu.vector_load %arg8[%get3A_247, %get3A_248] {strides = array<i32>} : memref<4x128xf32, #tpu.memory_space<vmem>>, vector<16xf32>,
        %add3A_250 = arith.addf %get3A_245, %get3A_249 : vector<16xf32>
        %get3A_251 = arith.constant 2 : i32
        %get3A_252 = arith.index_cast %get3A_251 : i32 to index
        %get3A_253 = arith.constant 48 : index
        %get3A_254 = tpu.vector_load %arg8[%get3A_252, %get3A_253] {strides = array<i32>} : memref<4x128xf32, #tpu.memory_space<vmem>>, vector<16xf32>,
        %add3A_255 = arith.addf %add3A_250, %get3A_254 : vector<16xf32>
        %get3A_256 = arith.constant 3 : i32
        %get3A_257 = arith.index_cast %get3A_256 : i32 to index
        %get3A_258 = arith.constant 48 : index
        %get3A_259 = tpu.vector_load %arg8[%get3A_257, %get3A_258] {strides = array<i32>} : memref<4x128xf32, #tpu.memory_space<vmem>>, vector<16xf32>,
        %add3A_260 = arith.addf %add3A_255, %get3A_259 : vector<16xf32>
        %swap3A_261 = arith.constant 48 : index
        %swap3A_262 = tpu.vector_load %arg9[%swap3A_261] {strides = array<i32>} : memref<128xf32, #tpu.memory_space<vmem>>, vector<16xf32>,
        tpu.vector_store %arg9[%swap3A_261], %add3A_260 {strides = array<i32>} : memref<128xf32, #tpu.memory_space<vmem>>, vector<16xf32>,
        %get3A_263 = arith.constant 0 : i32
        %get3A_264 = arith.index_cast %get3A_263 : i32 to index
        %get3A_265 = arith.constant 64 : index
        %get3A_266 = tpu.vector_load %arg8[%get3A_264, %get3A_265] {strides = array<i32>} : memref<4x128xf32, #tpu.memory_space<vmem>>, vector<16xf32>,
        %get3A_267 = arith.constant 1 : i32
        %get3A_268 = arith.index_cast %get3A_267 : i32 to index
        %get3A_269 = arith.constant 64 : index
        %get3A_270 = tpu.vector_load %arg8[%get3A_268, %get3A_269] {strides = array<i32>} : memref<4x128xf32, #tpu.memory_space<vmem>>, vector<16xf32>,
        %add3A_271 = arith.addf %get3A_266, %get3A_270 : vector<16xf32>
        %get3A_272 = arith.constant 2 : i32
        %get3A_273 = arith.index_cast %get3A_272 : i32 to index
        %get3A_274 = arith.constant 64 : index
        %get3A_275 = tpu.vector_load %arg8[%get3A_273, %get3A_274] {strides = array<i32>} : memref<4x128xf32, #tpu.memory_space<vmem>>, vector<16xf32>,
        %add3A_276 = arith.addf %add3A_271, %get3A_275 : vector<16xf32>
        %get3A_277 = arith.constant 3 : i32
        %get3A_278 = arith.index_cast %get3A_277 : i32 to index
        %get3A_279 = arith.constant 64 : index
        %get3A_280 = tpu.vector_load %arg8[%get3A_278, %get3A_279] {strides = array<i32>} : memref<4x128xf32, #tpu.memory_space<vmem>>, vector<16xf32>,
        %add3A_281 = arith.addf %add3A_276, %get3A_280 : vector<16xf32>
        %swap3A_282 = arith.constant 64 : index
        %swap3A_283 = tpu.vector_load %arg9[%swap3A_282] {strides = array<i32>} : memref<128xf32, #tpu.memory_space<vmem>>, vector<16xf32>,
        tpu.vector_store %arg9[%swap3A_282], %add3A_281 {strides = array<i32>} : memref<128xf32, #tpu.memory_space<vmem>>, vector<16xf32>,
        %get3A_284 = arith.constant 0 : i32
        %get3A_285 = arith.index_cast %get3A_284 : i32 to index
        %get3A_286 = arith.constant 80 : index
        %get3A_287 = tpu.vector_load %arg8[%get3A_285, %get3A_286] {strides = array<i32>} : memref<4x128xf32, #tpu.memory_space<vmem>>, vector<16xf32>,
        %get3A_288 = arith.constant 1 : i32
        %get3A_289 = arith.index_cast %get3A_288 : i32 to index
        %get3A_290 = arith.constant 80 : index
        %get3A_291 = tpu.vector_load %arg8[%get3A_289, %get3A_290] {strides = array<i32>} : memref<4x128xf32, #tpu.memory_space<vmem>>, vector<16xf32>,
        %add3A_292 = arith.addf %get3A_287, %get3A_291 : vector<16xf32>
        %get3A_293 = arith.constant 2 : i32
        %get3A_294 = arith.index_cast %get3A_293 : i32 to index
        %get3A_295 = arith.constant 80 : index
        %get3A_296 = tpu.vector_load %arg8[%get3A_294, %get3A_295] {strides = array<i32>} : memref<4x128xf32, #tpu.memory_space<vmem>>, vector<16xf32>,
        %add3A_297 = arith.addf %add3A_292, %get3A_296 : vector<16xf32>
        %get3A_298 = arith.constant 3 : i32
        %get3A_299 = arith.index_cast %get3A_298 : i32 to index
        %get3A_300 = arith.constant 80 : index
        %get3A_301 = tpu.vector_load %arg8[%get3A_299, %get3A_300] {strides = array<i32>} : memref<4x128xf32, #tpu.memory_space<vmem>>, vector<16xf32>,
        %add3A_302 = arith.addf %add3A_297, %get3A_301 : vector<16xf32>
        %swap3A_303 = arith.constant 80 : index
        %swap3A_304 = tpu.vector_load %arg9[%swap3A_303] {strides = array<i32>} : memref<128xf32, #tpu.memory_space<vmem>>, vector<16xf32>,
        tpu.vector_store %arg9[%swap3A_303], %add3A_302 {strides = array<i32>} : memref<128xf32, #tpu.memory_space<vmem>>, vector<16xf32>,
        %get3A_305 = arith.constant 0 : i32
        %get3A_306 = arith.index_cast %get3A_305 : i32 to index
        %get3A_307 = arith.constant 96 : index
        %get3A_308 = tpu.vector_load %arg8[%get3A_306, %get3A_307] {strides = array<i32>} : memref<4x128xf32, #tpu.memory_space<vmem>>, vector<16xf32>,
        %get3A_309 = arith.constant 1 : i32
        %get3A_310 = arith.index_cast %get3A_309 : i32 to index
        %get3A_311 = arith.constant 96 : index
        %get3A_312 = tpu.vector_load %arg8[%get3A_310, %get3A_311] {strides = array<i32>} : memref<4x128xf32, #tpu.memory_space<vmem>>, vector<16xf32>,
        %add3A_313 = arith.addf %get3A_308, %get3A_312 : vector<16xf32>
        %get3A_314 = arith.constant 2 : i32
        %get3A_315 = arith.index_cast %get3A_314 : i32 to index
        %get3A_316 = arith.constant 96 : index
        %get3A_317 = tpu.vector_load %arg8[%get3A_315, %get3A_316] {strides = array<i32>} : memref<4x128xf32, #tpu.memory_space<vmem>>, vector<16xf32>,
        %add3A_318 = arith.addf %add3A_313, %get3A_317 : vector<16xf32>
        %get3A_319 = arith.constant 3 : i32
        %get3A_320 = arith.index_cast %get3A_319 : i32 to index
        %get3A_321 = arith.constant 96 : index
        %get3A_322 = tpu.vector_load %arg8[%get3A_320, %get3A_321] {strides = array<i32>} : memref<4x128xf32, #tpu.memory_space<vmem>>, vector<16xf32>,
        %add3A_323 = arith.addf %add3A_318, %get3A_322 : vector<16xf32>
        %swap3A_324 = arith.constant 96 : index
        %swap3A_325 = tpu.vector_load %arg9[%swap3A_324] {strides = array<i32>} : memref<128xf32, #tpu.memory_space<vmem>>, vector<16xf32>,
        tpu.vector_store %arg9[%swap3A_324], %add3A_323 {strides = array<i32>} : memref<128xf32, #tpu.memory_space<vmem>>, vector<16xf32>,
        %get3A_326 = arith.constant 0 : i32
        %get3A_327 = arith.index_cast %get3A_326 : i32 to index
        %get3A_328 = arith.constant 112 : index
        %get3A_329 = tpu.vector_load %arg8[%get3A_327, %get3A_328] {strides = array<i32>} : memref<4x128xf32, #tpu.memory_space<vmem>>, vector<16xf32>,
        %get3A_330 = arith.constant 1 : i32
        %get3A_331 = arith.index_cast %get3A_330 : i32 to index
        %get3A_332 = arith.constant 112 : index
        %get3A_333 = tpu.vector_load %arg8[%get3A_331, %get3A_332] {strides = array<i32>} : memref<4x128xf32, #tpu.memory_space<vmem>>, vector<16xf32>,
        %add3A_334 = arith.addf %get3A_329, %get3A_333 : vector<16xf32>
        %get3A_335 = arith.constant 2 : i32
        %get3A_336 = arith.index_cast %get3A_335 : i32 to index
        %get3A_337 = arith.constant 112 : index
        %get3A_338 = tpu.vector_load %arg8[%get3A_336, %get3A_337] {strides = array<i32>} : memref<4x128xf32, #tpu.memory_space<vmem>>, vector<16xf32>,
        %add3A_339 = arith.addf %add3A_334, %get3A_338 : vector<16xf32>
        %get3A_340 = arith.constant 3 : i32
        %get3A_341 = arith.index_cast %get3A_340 : i32 to index
        %get3A_342 = arith.constant 112 : index
        %get3A_343 = tpu.vector_load %arg8[%get3A_341, %get3A_342] {strides = array<i32>} : memref<4x128xf32, #tpu.memory_space<vmem>>, vector<16xf32>,
        %add3A_344 = arith.addf %add3A_339, %get3A_343 : vector<16xf32>
        %swap3A_345 = arith.constant 112 : index
        %swap3A_346 = tpu.vector_load %arg9[%swap3A_345] {strides = array<i32>} : memref<128xf32, #tpu.memory_space<vmem>>, vector<16xf32>,
        tpu.vector_store %arg9[%swap3A_345], %add3A_344 {strides = array<i32>} : memref<128xf32, #tpu.memory_space<vmem>>, vector<16xf32>,
      } else {
      }
      "tpu.region"() ({
        %run_scoped3A = tpu.sem_alloc : memref<!tpu.dma_semaphore, #tpu.memory_space<semaphore_mem>>
        %dma_start3A = arith.constant 0 : i32
        %dma_start3A_16 = tpu.memref_slice %arg11[%arg1, %dma_start3A] : memref<16x128xf32, #tpu.memory_space<vmem_shared>> -> memref<1x128xf32, #tpu.memory_space<vmem_shared>>
        %dma_start3A_17 = tpu.memref_squeeze %dma_start3A_16 : memref<1x128xf32, #tpu.memory_space<vmem_shared>> -> memref<128xf32, #tpu.memory_space<vmem_shared>>
        %dma_start3A_18 = arith.constant 0 : i32
        %dma_start3A_19 = tpu.memref_slice %arg11[%arg1, %dma_start3A_18] : memref<16x128xf32, #tpu.memory_space<vmem_shared>> -> memref<1x128xf32, #tpu.memory_space<vmem_shared>>
        %dma_start3A_20 = tpu.memref_squeeze %dma_start3A_19 : memref<1x128xf32, #tpu.memory_space<vmem_shared>> -> memref<128xf32, #tpu.memory_space<vmem_shared>>
        tpu.enqueue_dma source(%arg9 : memref<128xf32, #tpu.memory_space<vmem>>) target(%dma_start3A_20 : memref<128xf32, #tpu.memory_space<vmem_shared>>) target_semaphore(%run_scoped3A : memref<!tpu.dma_semaphore, #tpu.memory_space<semaphore_mem>>)
        %dma_wait3A = arith.constant 0 : i32
        %dma_wait3A_21 = tpu.memref_slice %arg11[%arg1, %dma_wait3A] : memref<16x128xf32, #tpu.memory_space<vmem_shared>> -> memref<1x128xf32, #tpu.memory_space<vmem_shared>>
        %dma_wait3A_22 = tpu.memref_squeeze %dma_wait3A_21 : memref<1x128xf32, #tpu.memory_space<vmem_shared>> -> memref<128xf32, #tpu.memory_space<vmem_shared>>
        %dma_wait3A_23 = arith.constant 0 : i32
        %dma_wait3A_24 = tpu.memref_slice %arg11[%arg1, %dma_wait3A_23] : memref<16x128xf32, #tpu.memory_space<vmem_shared>> -> memref<1x128xf32, #tpu.memory_space<vmem_shared>>
        %dma_wait3A_25 = tpu.memref_squeeze %dma_wait3A_24 : memref<1x128xf32, #tpu.memory_space<vmem_shared>> -> memref<128xf32, #tpu.memory_space<vmem_shared>>
        tpu.wait_dma2 semaphore(%run_scoped3A : memref<!tpu.dma_semaphore, #tpu.memory_space<semaphore_mem>>) src(%arg9 : memref<128xf32, #tpu.memory_space<vmem>>) dst(%dma_wait3A_25 : memref<128xf32, #tpu.memory_space<vmem_shared>>)
        tpu.yield
      }) : () -> ()
      %barrier3A = arith.constant 0 : index
      tpu.barrier barrier_id(%barrier3A)
      %eq3A_11 = arith.constant 0 : i32
      %eq3A_12 = arith.cmpi eq, %arg1, %eq3A_11 : i32
      %convert_element_type3A_13 = arith.extui %eq3A_12 : i1 to i32
      %cond3A_14 = arith.constant 0 : i32
      %cond3A_15 = arith.cmpi ne, %convert_element_type3A_13, %cond3A_14 : i32
      scf.if %cond3A_15 {
        tpu.enqueue_dma source(%arg4 : memref<128xf32, #tpu.memory_space<hbm>>) target(%arg10 : memref<128xf32, #tpu.memory_space<vmem>>) target_semaphore(%arg14 : memref<!tpu.dma_semaphore, #tpu.memory_space<semaphore_mem>>)
        "tpu.region"() ({
          %run_scoped3A = tpu.sem_alloc : memref<!tpu.dma_semaphore, #tpu.memory_space<semaphore_mem>>
          tpu.enqueue_dma source(%arg11 : memref<16x128xf32, #tpu.memory_space<vmem_shared>>) target(%arg12 : memref<16x128xf32, #tpu.memory_space<vmem>>) target_semaphore(%run_scoped3A : memref<!tpu.dma_semaphore, #tpu.memory_space<semaphore_mem>>)
          tpu.wait_dma2 semaphore(%run_scoped3A : memref<!tpu.dma_semaphore, #tpu.memory_space<semaphore_mem>>) src(%arg11 : memref<16x128xf32, #tpu.memory_space<vmem_shared>>) dst(%arg12 : memref<16x128xf32, #tpu.memory_space<vmem>>)
          tpu.yield
        }) : () -> ()
        tpu.wait_dma2 semaphore(%arg14 : memref<!tpu.dma_semaphore, #tpu.memory_space<semaphore_mem>>) src(%arg4 : memref<128xf32, #tpu.memory_space<hbm>>) dst(%arg10 : memref<128xf32, #tpu.memory_space<vmem>>)
        %broadcast_in_dim3A = arith.constant 0.000000e+00 : f32
        %broadcast_in_dim3A_16 = vector.broadcast %broadcast_in_dim3A : f32 to vector<16xf32>
        %get3A = arith.constant 0 : i32
        %get3A_17 = arith.index_cast %get3A : i32 to index
        %get3A_18 = arith.constant 0 : index
        %get3A_19 = tpu.vector_load %arg12[%get3A_17, %get3A_18] {strides = array<i32>} : memref<16x128xf32, #tpu.memory_space<vmem>>, vector<16xf32>,
        %get3A_20 = arith.constant 1 : i32
        %get3A_21 = arith.index_cast %get3A_20 : i32 to index
        %get3A_22 = arith.constant 0 : index
        %get3A_23 = tpu.vector_load %arg12[%get3A_21, %get3A_22] {strides = array<i32>} : memref<16x128xf32, #tpu.memory_space<vmem>>, vector<16xf32>,
        %add3A = arith.addf %get3A_19, %get3A_23 : vector<16xf32>
        %get3A_24 = arith.constant 2 : i32
        %get3A_25 = arith.index_cast %get3A_24 : i32 to index
        %get3A_26 = arith.constant 0 : index
        %get3A_27 = tpu.vector_load %arg12[%get3A_25, %get3A_26] {strides = array<i32>} : memref<16x128xf32, #tpu.memory_space<vmem>>, vector<16xf32>,
        %add3A_28 = arith.addf %add3A, %get3A_27 : vector<16xf32>
        %get3A_29 = arith.constant 3 : i32
        %get3A_30 = arith.index_cast %get3A_29 : i32 to index
        %get3A_31 = arith.constant 0 : index
        %get3A_32 = tpu.vector_load %arg12[%get3A_30, %get3A_31] {strides = array<i32>} : memref<16x128xf32, #tpu.memory_space<vmem>>, vector<16xf32>,
        %add3A_33 = arith.addf %add3A_28, %get3A_32 : vector<16xf32>
        %get3A_34 = arith.constant 4 : i32
        %get3A_35 = arith.index_cast %get3A_34 : i32 to index
        %get3A_36 = arith.constant 0 : index
        %get3A_37 = tpu.vector_load %arg12[%get3A_35, %get3A_36] {strides = array<i32>} : memref<16x128xf32, #tpu.memory_space<vmem>>, vector<16xf32>,
        %add3A_38 = arith.addf %add3A_33, %get3A_37 : vector<16xf32>
        %get3A_39 = arith.constant 5 : i32
        %get3A_40 = arith.index_cast %get3A_39 : i32 to index
        %get3A_41 = arith.constant 0 : index
        %get3A_42 = tpu.vector_load %arg12[%get3A_40, %get3A_41] {strides = array<i32>} : memref<16x128xf32, #tpu.memory_space<vmem>>, vector<16xf32>,
        %add3A_43 = arith.addf %add3A_38, %get3A_42 : vector<16xf32>
        %get3A_44 = arith.constant 6 : i32
        %get3A_45 = arith.index_cast %get3A_44 : i32 to index
        %get3A_46 = arith.constant 0 : index
        %get3A_47 = tpu.vector_load %arg12[%get3A_45, %get3A_46] {strides = array<i32>} : memref<16x128xf32, #tpu.memory_space<vmem>>, vector<16xf32>,
        %add3A_48 = arith.addf %add3A_43, %get3A_47 : vector<16xf32>
        %get3A_49 = arith.constant 7 : i32
        %get3A_50 = arith.index_cast %get3A_49 : i32 to index
        %get3A_51 = arith.constant 0 : index
        %get3A_52 = tpu.vector_load %arg12[%get3A_50, %get3A_51] {strides = array<i32>} : memref<16x128xf32, #tpu.memory_space<vmem>>, vector<16xf32>,
        %add3A_53 = arith.addf %add3A_48, %get3A_52 : vector<16xf32>
        %get3A_54 = arith.constant 8 : i32
        %get3A_55 = arith.index_cast %get3A_54 : i32 to index
        %get3A_56 = arith.constant 0 : index
        %get3A_57 = tpu.vector_load %arg12[%get3A_55, %get3A_56] {strides = array<i32>} : memref<16x128xf32, #tpu.memory_space<vmem>>, vector<16xf32>,
        %add3A_58 = arith.addf %add3A_53, %get3A_57 : vector<16xf32>
        %get3A_59 = arith.constant 9 : i32
        %get3A_60 = arith.index_cast %get3A_59 : i32 to index
        %get3A_61 = arith.constant 0 : index
        %get3A_62 = tpu.vector_load %arg12[%get3A_60, %get3A_61] {strides = array<i32>} : memref<16x128xf32, #tpu.memory_space<vmem>>, vector<16xf32>,
        %add3A_63 = arith.addf %add3A_58, %get3A_62 : vector<16xf32>
        %get3A_64 = arith.constant 10 : i32
        %get3A_65 = arith.index_cast %get3A_64 : i32 to index
        %get3A_66 = arith.constant 0 : index
        %get3A_67 = tpu.vector_load %arg12[%get3A_65, %get3A_66] {strides = array<i32>} : memref<16x128xf32, #tpu.memory_space<vmem>>, vector<16xf32>,
        %add3A_68 = arith.addf %add3A_63, %get3A_67 : vector<16xf32>
        %get3A_69 = arith.constant 11 : i32
        %get3A_70 = arith.index_cast %get3A_69 : i32 to index
        %get3A_71 = arith.constant 0 : index
        %get3A_72 = tpu.vector_load %arg12[%get3A_70, %get3A_71] {strides = array<i32>} : memref<16x128xf32, #tpu.memory_space<vmem>>, vector<16xf32>,
        %add3A_73 = arith.addf %add3A_68, %get3A_72 : vector<16xf32>
        %get3A_74 = arith.constant 12 : i32
        %get3A_75 = arith.index_cast %get3A_74 : i32 to index
        %get3A_76 = arith.constant 0 : index
        %get3A_77 = tpu.vector_load %arg12[%get3A_75, %get3A_76] {strides = array<i32>} : memref<16x128xf32, #tpu.memory_space<vmem>>, vector<16xf32>,
        %add3A_78 = arith.addf %add3A_73, %get3A_77 : vector<16xf32>
        %get3A_79 = arith.constant 13 : i32
        %get3A_80 = arith.index_cast %get3A_79 : i32 to index
        %get3A_81 = arith.constant 0 : index
        %get3A_82 = tpu.vector_load %arg12[%get3A_80, %get3A_81] {strides = array<i32>} : memref<16x128xf32, #tpu.memory_space<vmem>>, vector<16xf32>,
        %add3A_83 = arith.addf %add3A_78, %get3A_82 : vector<16xf32>
        %get3A_84 = arith.constant 14 : i32
        %get3A_85 = arith.index_cast %get3A_84 : i32 to index
        %get3A_86 = arith.constant 0 : index
        %get3A_87 = tpu.vector_load %arg12[%get3A_85, %get3A_86] {strides = array<i32>} : memref<16x128xf32, #tpu.memory_space<vmem>>, vector<16xf32>,
        %add3A_88 = arith.addf %add3A_83, %get3A_87 : vector<16xf32>
        %get3A_89 = arith.constant 15 : i32
        %get3A_90 = arith.index_cast %get3A_89 : i32 to index
        %get3A_91 = arith.constant 0 : index
        %get3A_92 = tpu.vector_load %arg12[%get3A_90, %get3A_91] {strides = array<i32>} : memref<16x128xf32, #tpu.memory_space<vmem>>, vector<16xf32>,
        %add3A_93 = arith.addf %add3A_88, %get3A_92 : vector<16xf32>
        %get3A_94 = arith.constant 0 : index
        %get3A_95 = tpu.vector_load %arg10[%get3A_94] {strides = array<i32>} : memref<128xf32, #tpu.memory_space<vmem>>, vector<16xf32>,
        %mul3A = arith.constant 2.560000e+02 : f32
        %mul3A_96 = vector.broadcast %mul3A : f32 to vector<16xf32>
        %mul3A_97 = arith.mulf %get3A_95, %mul3A_96 : vector<16xf32>
        %div3A = arith.divf %add3A_93, %mul3A_97 : vector<16xf32>
        %add3A_98 = arith.addf %broadcast_in_dim3A_16, %div3A : vector<16xf32>
        %get3A_99 = arith.constant 0 : i32
        %get3A_100 = arith.index_cast %get3A_99 : i32 to index
        %get3A_101 = arith.constant 16 : index
        %get3A_102 = tpu.vector_load %arg12[%get3A_100, %get3A_101] {strides = array<i32>} : memref<16x128xf32, #tpu.memory_space<vmem>>, vector<16xf32>,
        %get3A_103 = arith.constant 1 : i32
        %get3A_104 = arith.index_cast %get3A_103 : i32 to index
        %get3A_105 = arith.constant 16 : index
        %get3A_106 = tpu.vector_load %arg12[%get3A_104, %get3A_105] {strides = array<i32>} : memref<16x128xf32, #tpu.memory_space<vmem>>, vector<16xf32>,
        %add3A_107 = arith.addf %get3A_102, %get3A_106 : vector<16xf32>
        %get3A_108 = arith.constant 2 : i32
        %get3A_109 = arith.index_cast %get3A_108 : i32 to index
        %get3A_110 = arith.constant 16 : index
        %get3A_111 = tpu.vector_load %arg12[%get3A_109, %get3A_110] {strides = array<i32>} : memref<16x128xf32, #tpu.memory_space<vmem>>, vector<16xf32>,
        %add3A_112 = arith.addf %add3A_107, %get3A_111 : vector<16xf32>
        %get3A_113 = arith.constant 3 : i32
        %get3A_114 = arith.index_cast %get3A_113 : i32 to index
        %get3A_115 = arith.constant 16 : index
        %get3A_116 = tpu.vector_load %arg12[%get3A_114, %get3A_115] {strides = array<i32>} : memref<16x128xf32, #tpu.memory_space<vmem>>, vector<16xf32>,
        %add3A_117 = arith.addf %add3A_112, %get3A_116 : vector<16xf32>
        %get3A_118 = arith.constant 4 : i32
        %get3A_119 = arith.index_cast %get3A_118 : i32 to index
        %get3A_120 = arith.constant 16 : index
        %get3A_121 = tpu.vector_load %arg12[%get3A_119, %get3A_120] {strides = array<i32>} : memref<16x128xf32, #tpu.memory_space<vmem>>, vector<16xf32>,
        %add3A_122 = arith.addf %add3A_117, %get3A_121 : vector<16xf32>
        %get3A_123 = arith.constant 5 : i32
        %get3A_124 = arith.index_cast %get3A_123 : i32 to index
        %get3A_125 = arith.constant 16 : index
        %get3A_126 = tpu.vector_load %arg12[%get3A_124, %get3A_125] {strides = array<i32>} : memref<16x128xf32, #tpu.memory_space<vmem>>, vector<16xf32>,
        %add3A_127 = arith.addf %add3A_122, %get3A_126 : vector<16xf32>
        %get3A_128 = arith.constant 6 : i32
        %get3A_129 = arith.index_cast %get3A_128 : i32 to index
        %get3A_130 = arith.constant 16 : index
        %get3A_131 = tpu.vector_load %arg12[%get3A_129, %get3A_130] {strides = array<i32>} : memref<16x128xf32, #tpu.memory_space<vmem>>, vector<16xf32>,
        %add3A_132 = arith.addf %add3A_127, %get3A_131 : vector<16xf32>
        %get3A_133 = arith.constant 7 : i32
        %get3A_134 = arith.index_cast %get3A_133 : i32 to index
        %get3A_135 = arith.constant 16 : index
        %get3A_136 = tpu.vector_load %arg12[%get3A_134, %get3A_135] {strides = array<i32>} : memref<16x128xf32, #tpu.memory_space<vmem>>, vector<16xf32>,
        %add3A_137 = arith.addf %add3A_132, %get3A_136 : vector<16xf32>
        %get3A_138 = arith.constant 8 : i32
        %get3A_139 = arith.index_cast %get3A_138 : i32 to index
        %get3A_140 = arith.constant 16 : index
        %get3A_141 = tpu.vector_load %arg12[%get3A_139, %get3A_140] {strides = array<i32>} : memref<16x128xf32, #tpu.memory_space<vmem>>, vector<16xf32>,
        %add3A_142 = arith.addf %add3A_137, %get3A_141 : vector<16xf32>
        %get3A_143 = arith.constant 9 : i32
        %get3A_144 = arith.index_cast %get3A_143 : i32 to index
        %get3A_145 = arith.constant 16 : index
        %get3A_146 = tpu.vector_load %arg12[%get3A_144, %get3A_145] {strides = array<i32>} : memref<16x128xf32, #tpu.memory_space<vmem>>, vector<16xf32>,
        %add3A_147 = arith.addf %add3A_142, %get3A_146 : vector<16xf32>
        %get3A_148 = arith.constant 10 : i32
        %get3A_149 = arith.index_cast %get3A_148 : i32 to index
        %get3A_150 = arith.constant 16 : index
        %get3A_151 = tpu.vector_load %arg12[%get3A_149, %get3A_150] {strides = array<i32>} : memref<16x128xf32, #tpu.memory_space<vmem>>, vector<16xf32>,
        %add3A_152 = arith.addf %add3A_147, %get3A_151 : vector<16xf32>
        %get3A_153 = arith.constant 11 : i32
        %get3A_154 = arith.index_cast %get3A_153 : i32 to index
        %get3A_155 = arith.constant 16 : index
        %get3A_156 = tpu.vector_load %arg12[%get3A_154, %get3A_155] {strides = array<i32>} : memref<16x128xf32, #tpu.memory_space<vmem>>, vector<16xf32>,
        %add3A_157 = arith.addf %add3A_152, %get3A_156 : vector<16xf32>
        %get3A_158 = arith.constant 12 : i32
        %get3A_159 = arith.index_cast %get3A_158 : i32 to index
        %get3A_160 = arith.constant 16 : index
        %get3A_161 = tpu.vector_load %arg12[%get3A_159, %get3A_160] {strides = array<i32>} : memref<16x128xf32, #tpu.memory_space<vmem>>, vector<16xf32>,
        %add3A_162 = arith.addf %add3A_157, %get3A_161 : vector<16xf32>
        %get3A_163 = arith.constant 13 : i32
        %get3A_164 = arith.index_cast %get3A_163 : i32 to index
        %get3A_165 = arith.constant 16 : index
        %get3A_166 = tpu.vector_load %arg12[%get3A_164, %get3A_165] {strides = array<i32>} : memref<16x128xf32, #tpu.memory_space<vmem>>, vector<16xf32>,
        %add3A_167 = arith.addf %add3A_162, %get3A_166 : vector<16xf32>
        %get3A_168 = arith.constant 14 : i32
        %get3A_169 = arith.index_cast %get3A_168 : i32 to index
        %get3A_170 = arith.constant 16 : index
        %get3A_171 = tpu.vector_load %arg12[%get3A_169, %get3A_170] {strides = array<i32>} : memref<16x128xf32, #tpu.memory_space<vmem>>, vector<16xf32>,
        %add3A_172 = arith.addf %add3A_167, %get3A_171 : vector<16xf32>
        %get3A_173 = arith.constant 15 : i32
        %get3A_174 = arith.index_cast %get3A_173 : i32 to index
        %get3A_175 = arith.constant 16 : index
        %get3A_176 = tpu.vector_load %arg12[%get3A_174, %get3A_175] {strides = array<i32>} : memref<16x128xf32, #tpu.memory_space<vmem>>, vector<16xf32>,
        %add3A_177 = arith.addf %add3A_172, %get3A_176 : vector<16xf32>
        %get3A_178 = arith.constant 16 : index
        %get3A_179 = tpu.vector_load %arg10[%get3A_178] {strides = array<i32>} : memref<128xf32, #tpu.memory_space<vmem>>, vector<16xf32>,
        %mul3A_180 = arith.constant 2.560000e+02 : f32
        %mul3A_181 = vector.broadcast %mul3A_180 : f32 to vector<16xf32>
        %mul3A_182 = arith.mulf %get3A_179, %mul3A_181 : vector<16xf32>
        %div3A_183 = arith.divf %add3A_177, %mul3A_182 : vector<16xf32>
        %add3A_184 = arith.addf %add3A_98, %div3A_183 : vector<16xf32>
        %get3A_185 = arith.constant 0 : i32
        %get3A_186 = arith.index_cast %get3A_185 : i32 to index
        %get3A_187 = arith.constant 32 : index
        %get3A_188 = tpu.vector_load %arg12[%get3A_186, %get3A_187] {strides = array<i32>} : memref<16x128xf32, #tpu.memory_space<vmem>>, vector<16xf32>,
        %get3A_189 = arith.constant 1 : i32
        %get3A_190 = arith.index_cast %get3A_189 : i32 to index
        %get3A_191 = arith.constant 32 : index
        %get3A_192 = tpu.vector_load %arg12[%get3A_190, %get3A_191] {strides = array<i32>} : memref<16x128xf32, #tpu.memory_space<vmem>>, vector<16xf32>,
        %add3A_193 = arith.addf %get3A_188, %get3A_192 : vector<16xf32>
        %get3A_194 = arith.constant 2 : i32
        %get3A_195 = arith.index_cast %get3A_194 : i32 to index
        %get3A_196 = arith.constant 32 : index
        %get3A_197 = tpu.vector_load %arg12[%get3A_195, %get3A_196] {strides = array<i32>} : memref<16x128xf32, #tpu.memory_space<vmem>>, vector<16xf32>,
        %add3A_198 = arith.addf %add3A_193, %get3A_197 : vector<16xf32>
        %get3A_199 = arith.constant 3 : i32
        %get3A_200 = arith.index_cast %get3A_199 : i32 to index
        %get3A_201 = arith.constant 32 : index
        %get3A_202 = tpu.vector_load %arg12[%get3A_200, %get3A_201] {strides = array<i32>} : memref<16x128xf32, #tpu.memory_space<vmem>>, vector<16xf32>,
        %add3A_203 = arith.addf %add3A_198, %get3A_202 : vector<16xf32>
        %get3A_204 = arith.constant 4 : i32
        %get3A_205 = arith.index_cast %get3A_204 : i32 to index
        %get3A_206 = arith.constant 32 : index
        %get3A_207 = tpu.vector_load %arg12[%get3A_205, %get3A_206] {strides = array<i32>} : memref<16x128xf32, #tpu.memory_space<vmem>>, vector<16xf32>,
        %add3A_208 = arith.addf %add3A_203, %get3A_207 : vector<16xf32>
        %get3A_209 = arith.constant 5 : i32
        %get3A_210 = arith.index_cast %get3A_209 : i32 to index
        %get3A_211 = arith.constant 32 : index
        %get3A_212 = tpu.vector_load %arg12[%get3A_210, %get3A_211] {strides = array<i32>} : memref<16x128xf32, #tpu.memory_space<vmem>>, vector<16xf32>,
        %add3A_213 = arith.addf %add3A_208, %get3A_212 : vector<16xf32>
        %get3A_214 = arith.constant 6 : i32
        %get3A_215 = arith.index_cast %get3A_214 : i32 to index
        %get3A_216 = arith.constant 32 : index
        %get3A_217 = tpu.vector_load %arg12[%get3A_215, %get3A_216] {strides = array<i32>} : memref<16x128xf32, #tpu.memory_space<vmem>>, vector<16xf32>,
        %add3A_218 = arith.addf %add3A_213, %get3A_217 : vector<16xf32>
        %get3A_219 = arith.constant 7 : i32
        %get3A_220 = arith.index_cast %get3A_219 : i32 to index
        %get3A_221 = arith.constant 32 : index
        %get3A_222 = tpu.vector_load %arg12[%get3A_220, %get3A_221] {strides = array<i32>} : memref<16x128xf32, #tpu.memory_space<vmem>>, vector<16xf32>,
        %add3A_223 = arith.addf %add3A_218, %get3A_222 : vector<16xf32>
        %get3A_224 = arith.constant 8 : i32
        %get3A_225 = arith.index_cast %get3A_224 : i32 to index
        %get3A_226 = arith.constant 32 : index
        %get3A_227 = tpu.vector_load %arg12[%get3A_225, %get3A_226] {strides = array<i32>} : memref<16x128xf32, #tpu.memory_space<vmem>>, vector<16xf32>,
        %add3A_228 = arith.addf %add3A_223, %get3A_227 : vector<16xf32>
        %get3A_229 = arith.constant 9 : i32
        %get3A_230 = arith.index_cast %get3A_229 : i32 to index
        %get3A_231 = arith.constant 32 : index
        %get3A_232 = tpu.vector_load %arg12[%get3A_230, %get3A_231] {strides = array<i32>} : memref<16x128xf32, #tpu.memory_space<vmem>>, vector<16xf32>,
        %add3A_233 = arith.addf %add3A_228, %get3A_232 : vector<16xf32>
        %get3A_234 = arith.constant 10 : i32
        %get3A_235 = arith.index_cast %get3A_234 : i32 to index
        %get3A_236 = arith.constant 32 : index
        %get3A_237 = tpu.vector_load %arg12[%get3A_235, %get3A_236] {strides = array<i32>} : memref<16x128xf32, #tpu.memory_space<vmem>>, vector<16xf32>,
        %add3A_238 = arith.addf %add3A_233, %get3A_237 : vector<16xf32>
        %get3A_239 = arith.constant 11 : i32
        %get3A_240 = arith.index_cast %get3A_239 : i32 to index
        %get3A_241 = arith.constant 32 : index
        %get3A_242 = tpu.vector_load %arg12[%get3A_240, %get3A_241] {strides = array<i32>} : memref<16x128xf32, #tpu.memory_space<vmem>>, vector<16xf32>,
        %add3A_243 = arith.addf %add3A_238, %get3A_242 : vector<16xf32>
        %get3A_244 = arith.constant 12 : i32
        %get3A_245 = arith.index_cast %get3A_244 : i32 to index
        %get3A_246 = arith.constant 32 : index
        %get3A_247 = tpu.vector_load %arg12[%get3A_245, %get3A_246] {strides = array<i32>} : memref<16x128xf32, #tpu.memory_space<vmem>>, vector<16xf32>,
        %add3A_248 = arith.addf %add3A_243, %get3A_247 : vector<16xf32>
        %get3A_249 = arith.constant 13 : i32
        %get3A_250 = arith.index_cast %get3A_249 : i32 to index
        %get3A_251 = arith.constant 32 : index
        %get3A_252 = tpu.vector_load %arg12[%get3A_250, %get3A_251] {strides = array<i32>} : memref<16x128xf32, #tpu.memory_space<vmem>>, vector<16xf32>,
        %add3A_253 = arith.addf %add3A_248, %get3A_252 : vector<16xf32>
        %get3A_254 = arith.constant 14 : i32
        %get3A_255 = arith.index_cast %get3A_254 : i32 to index
        %get3A_256 = arith.constant 32 : index
        %get3A_257 = tpu.vector_load %arg12[%get3A_255, %get3A_256] {strides = array<i32>} : memref<16x128xf32, #tpu.memory_space<vmem>>, vector<16xf32>,
        %add3A_258 = arith.addf %add3A_253, %get3A_257 : vector<16xf32>
        %get3A_259 = arith.constant 15 : i32
        %get3A_260 = arith.index_cast %get3A_259 : i32 to index
        %get3A_261 = arith.constant 32 : index
        %get3A_262 = tpu.vector_load %arg12[%get3A_260, %get3A_261] {strides = array<i32>} : memref<16x128xf32, #tpu.memory_space<vmem>>, vector<16xf32>,
        %add3A_263 = arith.addf %add3A_258, %get3A_262 : vector<16xf32>
        %get3A_264 = arith.constant 32 : index
        %get3A_265 = tpu.vector_load %arg10[%get3A_264] {strides = array<i32>} : memref<128xf32, #tpu.memory_space<vmem>>, vector<16xf32>,
        %mul3A_266 = arith.constant 2.560000e+02 : f32
        %mul3A_267 = vector.broadcast %mul3A_266 : f32 to vector<16xf32>
        %mul3A_268 = arith.mulf %get3A_265, %mul3A_267 : vector<16xf32>
        %div3A_269 = arith.divf %add3A_263, %mul3A_268 : vector<16xf32>
        %add3A_270 = arith.addf %add3A_184, %div3A_269 : vector<16xf32>
        %get3A_271 = arith.constant 0 : i32
        %get3A_272 = arith.index_cast %get3A_271 : i32 to index
        %get3A_273 = arith.constant 48 : index
        %get3A_274 = tpu.vector_load %arg12[%get3A_272, %get3A_273] {strides = array<i32>} : memref<16x128xf32, #tpu.memory_space<vmem>>, vector<16xf32>,
        %get3A_275 = arith.constant 1 : i32
        %get3A_276 = arith.index_cast %get3A_275 : i32 to index
        %get3A_277 = arith.constant 48 : index
        %get3A_278 = tpu.vector_load %arg12[%get3A_276, %get3A_277] {strides = array<i32>} : memref<16x128xf32, #tpu.memory_space<vmem>>, vector<16xf32>,
        %add3A_279 = arith.addf %get3A_274, %get3A_278 : vector<16xf32>
        %get3A_280 = arith.constant 2 : i32
        %get3A_281 = arith.index_cast %get3A_280 : i32 to index
        %get3A_282 = arith.constant 48 : index
        %get3A_283 = tpu.vector_load %arg12[%get3A_281, %get3A_282] {strides = array<i32>} : memref<16x128xf32, #tpu.memory_space<vmem>>, vector<16xf32>,
        %add3A_284 = arith.addf %add3A_279, %get3A_283 : vector<16xf32>
        %get3A_285 = arith.constant 3 : i32
        %get3A_286 = arith.index_cast %get3A_285 : i32 to index
        %get3A_287 = arith.constant 48 : index
        %get3A_288 = tpu.vector_load %arg12[%get3A_286, %get3A_287] {strides = array<i32>} : memref<16x128xf32, #tpu.memory_space<vmem>>, vector<16xf32>,
        %add3A_289 = arith.addf %add3A_284, %get3A_288 : vector<16xf32>
        %get3A_290 = arith.constant 4 : i32
        %get3A_291 = arith.index_cast %get3A_290 : i32 to index
        %get3A_292 = arith.constant 48 : index
        %get3A_293 = tpu.vector_load %arg12[%get3A_291, %get3A_292] {strides = array<i32>} : memref<16x128xf32, #tpu.memory_space<vmem>>, vector<16xf32>,
        %add3A_294 = arith.addf %add3A_289, %get3A_293 : vector<16xf32>
        %get3A_295 = arith.constant 5 : i32
        %get3A_296 = arith.index_cast %get3A_295 : i32 to index
        %get3A_297 = arith.constant 48 : index
        %get3A_298 = tpu.vector_load %arg12[%get3A_296, %get3A_297] {strides = array<i32>} : memref<16x128xf32, #tpu.memory_space<vmem>>, vector<16xf32>,
        %add3A_299 = arith.addf %add3A_294, %get3A_298 : vector<16xf32>
        %get3A_300 = arith.constant 6 : i32
        %get3A_301 = arith.index_cast %get3A_300 : i32 to index
        %get3A_302 = arith.constant 48 : index
        %get3A_303 = tpu.vector_load %arg12[%get3A_301, %get3A_302] {strides = array<i32>} : memref<16x128xf32, #tpu.memory_space<vmem>>, vector<16xf32>,
        %add3A_304 = arith.addf %add3A_299, %get3A_303 : vector<16xf32>
        %get3A_305 = arith.constant 7 : i32
        %get3A_306 = arith.index_cast %get3A_305 : i32 to index
        %get3A_307 = arith.constant 48 : index
        %get3A_308 = tpu.vector_load %arg12[%get3A_306, %get3A_307] {strides = array<i32>} : memref<16x128xf32, #tpu.memory_space<vmem>>, vector<16xf32>,
        %add3A_309 = arith.addf %add3A_304, %get3A_308 : vector<16xf32>
        %get3A_310 = arith.constant 8 : i32
        %get3A_311 = arith.index_cast %get3A_310 : i32 to index
        %get3A_312 = arith.constant 48 : index
        %get3A_313 = tpu.vector_load %arg12[%get3A_311, %get3A_312] {strides = array<i32>} : memref<16x128xf32, #tpu.memory_space<vmem>>, vector<16xf32>,
        %add3A_314 = arith.addf %add3A_309, %get3A_313 : vector<16xf32>
        %get3A_315 = arith.constant 9 : i32
        %get3A_316 = arith.index_cast %get3A_315 : i32 to index
        %get3A_317 = arith.constant 48 : index
        %get3A_318 = tpu.vector_load %arg12[%get3A_316, %get3A_317] {strides = array<i32>} : memref<16x128xf32, #tpu.memory_space<vmem>>, vector<16xf32>,
        %add3A_319 = arith.addf %add3A_314, %get3A_318 : vector<16xf32>
        %get3A_320 = arith.constant 10 : i32
        %get3A_321 = arith.index_cast %get3A_320 : i32 to index
        %get3A_322 = arith.constant 48 : index
        %get3A_323 = tpu.vector_load %arg12[%get3A_321, %get3A_322] {strides = array<i32>} : memref<16x128xf32, #tpu.memory_space<vmem>>, vector<16xf32>,
        %add3A_324 = arith.addf %add3A_319, %get3A_323 : vector<16xf32>
        %get3A_325 = arith.constant 11 : i32
        %get3A_326 = arith.index_cast %get3A_325 : i32 to index
        %get3A_327 = arith.constant 48 : index
        %get3A_328 = tpu.vector_load %arg12[%get3A_326, %get3A_327] {strides = array<i32>} : memref<16x128xf32, #tpu.memory_space<vmem>>, vector<16xf32>,
        %add3A_329 = arith.addf %add3A_324, %get3A_328 : vector<16xf32>
        %get3A_330 = arith.constant 12 : i32
        %get3A_331 = arith.index_cast %get3A_330 : i32 to index
        %get3A_332 = arith.constant 48 : index
        %get3A_333 = tpu.vector_load %arg12[%get3A_331, %get3A_332] {strides = array<i32>} : memref<16x128xf32, #tpu.memory_space<vmem>>, vector<16xf32>,
        %add3A_334 = arith.addf %add3A_329, %get3A_333 : vector<16xf32>
        %get3A_335 = arith.constant 13 : i32
        %get3A_336 = arith.index_cast %get3A_335 : i32 to index
        %get3A_337 = arith.constant 48 : index
        %get3A_338 = tpu.vector_load %arg12[%get3A_336, %get3A_337] {strides = array<i32>} : memref<16x128xf32, #tpu.memory_space<vmem>>, vector<16xf32>,
        %add3A_339 = arith.addf %add3A_334, %get3A_338 : vector<16xf32>
        %get3A_340 = arith.constant 14 : i32
        %get3A_341 = arith.index_cast %get3A_340 : i32 to index
        %get3A_342 = arith.constant 48 : index
        %get3A_343 = tpu.vector_load %arg12[%get3A_341, %get3A_342] {strides = array<i32>} : memref<16x128xf32, #tpu.memory_space<vmem>>, vector<16xf32>,
        %add3A_344 = arith.addf %add3A_339, %get3A_343 : vector<16xf32>
        %get3A_345 = arith.constant 15 : i32
        %get3A_346 = arith.index_cast %get3A_345 : i32 to index
        %get3A_347 = arith.constant 48 : index
        %get3A_348 = tpu.vector_load %arg12[%get3A_346, %get3A_347] {strides = array<i32>} : memref<16x128xf32, #tpu.memory_space<vmem>>, vector<16xf32>,
        %add3A_349 = arith.addf %add3A_344, %get3A_348 : vector<16xf32>
        %get3A_350 = arith.constant 48 : index
        %get3A_351 = tpu.vector_load %arg10[%get3A_350] {strides = array<i32>} : memref<128xf32, #tpu.memory_space<vmem>>, vector<16xf32>,
        %mul3A_352 = arith.constant 2.560000e+02 : f32
        %mul3A_353 = vector.broadcast %mul3A_352 : f32 to vector<16xf32>
        %mul3A_354 = arith.mulf %get3A_351, %mul3A_353 : vector<16xf32>
        %div3A_355 = arith.divf %add3A_349, %mul3A_354 : vector<16xf32>
        %add3A_356 = arith.addf %add3A_270, %div3A_355 : vector<16xf32>
        %reduce_sum3A = arith.constant true
        %reduce_sum3A_357 = vector.broadcast %reduce_sum3A : i1 to vector<16xi1>
        %reduce_sum3A_358 = tpu.scan <sum>, %add3A_356 masked %reduce_sum3A_357 : vector<16xf32>, vector<16xi1> -> vector<16xf32>
        %reduce_sum3A_359 = vector.extract %reduce_sum3A_358[15] : f32 from vector<16xf32>
        %mul3A_360 = arith.constant 1.562500e+02 : f32
        %mul3A_361 = arith.mulf %reduce_sum3A_359, %mul3A_360 : f32
        %broadcast_in_dim3A_362 = vector.broadcast %mul3A_361 : f32 to vector<16xf32>
        %swap3A = arith.constant 0 : index
        %swap3A_363 = tpu.vector_load %arg13[%swap3A] {strides = array<i32>} : memref<16xf32, #tpu.memory_space<vmem>>, vector<16xf32>,
        tpu.vector_store %arg13[%swap3A], %broadcast_in_dim3A_362 {strides = array<i32>} : memref<16xf32, #tpu.memory_space<vmem>>, vector<16xf32>,
        "tpu.region"() ({
          %run_scoped3A = tpu.sem_alloc : memref<!tpu.dma_semaphore, #tpu.memory_space<semaphore_mem>>
          %dma_start3A = arith.constant 0 : i32
          %dma_start3A_364 = tpu.memref_slice %arg13[%dma_start3A] : memref<16xf32, #tpu.memory_space<vmem>> -> memref<1xf32, #tpu.memory_space<vmem>>
          %dma_start3A_365 = arith.constant 0 : i32
          %dma_start3A_366 = tpu.memref_slice %arg13[%dma_start3A_365] : memref<16xf32, #tpu.memory_space<vmem>> -> memref<1xf32, #tpu.memory_space<vmem>>
          tpu.enqueue_dma source(%dma_start3A_366 : memref<1xf32, #tpu.memory_space<vmem>>) target(%arg5 : memref<1xf32, #tpu.memory_space<hbm>>) target_semaphore(%run_scoped3A : memref<!tpu.dma_semaphore, #tpu.memory_space<semaphore_mem>>)
          %dma_wait3A = arith.constant 0 : i32
          %dma_wait3A_367 = tpu.memref_slice %arg13[%dma_wait3A] : memref<16xf32, #tpu.memory_space<vmem>> -> memref<1xf32, #tpu.memory_space<vmem>>
          %dma_wait3A_368 = arith.constant 0 : i32
          %dma_wait3A_369 = tpu.memref_slice %arg13[%dma_wait3A_368] : memref<16xf32, #tpu.memory_space<vmem>> -> memref<1xf32, #tpu.memory_space<vmem>>
          tpu.wait_dma2 semaphore(%run_scoped3A : memref<!tpu.dma_semaphore, #tpu.memory_space<semaphore_mem>>) src(%dma_wait3A_369 : memref<1xf32, #tpu.memory_space<vmem>>) dst(%arg5 : memref<1xf32, #tpu.memory_space<hbm>>)
          tpu.yield
        }) : () -> ()
      } else {
      }
    } else {
    }
    return
  }
}

#map = affine_map<(d0, d1) -> (0)>
module attributes {stable_mosaic.version = 14 : i64} {
  func.func @_counts(%arg0: i32, %arg1: i32, %arg2: memref<50000xi32, #tpu.memory_space<hbm>>, %arg3: memref<128xf32, #tpu.memory_space<hbm>>, %arg4: memref<3136xi32, #tpu.memory_space<vmem>>, %arg5: memref<4x128xf32, #tpu.memory_space<vmem>>, %arg6: memref<128xf32, #tpu.memory_space<vmem>>, %arg7: memref<16x128xf32, #tpu.memory_space<vmem_shared>>, %arg8: memref<16x128xf32, #tpu.memory_space<vmem>>) attributes {dimension_semantics = [#tpu.dimension_semantics<core_parallel>, #tpu.dimension_semantics<subcore_parallel>], iteration_bounds = array<i64: 2, 16>, scalar_prefetch = 0 : i64, scratch_operands = 5 : i64, tpu.core_type = #tpu.core_type<sc_vector_subcore>, window_params = [{transform_indices = #map}, {transform_indices = #map}]} {
    %eq3A = arith.constant 0 : i32
    %eq3A_0 = arith.cmpi eq, %arg0, %eq3A : i32
    %convert_element_type3A = arith.extui %eq3A_0 : i1 to i32
    %cond3A = arith.constant 0 : i32
    %cond3A_1 = arith.cmpi ne, %convert_element_type3A, %cond3A : i32
    scf.if %cond3A_1 {
      %lt3A = arith.constant 15 : i32
      %lt3A_2 = arith.cmpi slt, %arg1, %lt3A : i32
      %convert_element_type3A_3 = arith.extui %lt3A_2 : i1 to i32
      %cond3A_4 = arith.constant 0 : i32
      %cond3A_5 = arith.cmpi ne, %convert_element_type3A_3, %cond3A_4 : i32
      scf.if %cond3A_5 {
        %mul3A = arith.constant 3136 : i32
        %mul3A_16 = arith.muli %arg1, %mul3A : i32
        "tpu.region"() ({
          %run_scoped3A = tpu.sem_alloc : memref<!tpu.dma_semaphore, #tpu.memory_space<semaphore_mem>>
          %dma_start3A = arith.constant 0 : i32
          %dma_start3A_353 = tpu.memref_slice %arg4[%dma_start3A] : memref<3136xi32, #tpu.memory_space<vmem>> -> memref<3136xi32, #tpu.memory_space<vmem>>
          %dma_start3A_354 = tpu.memref_slice %arg2[%mul3A_16] : memref<50000xi32, #tpu.memory_space<hbm>> -> memref<3136xi32, #tpu.memory_space<hbm>>
          %dma_start3A_355 = arith.constant 0 : i32
          %dma_start3A_356 = tpu.memref_slice %arg4[%dma_start3A_355] : memref<3136xi32, #tpu.memory_space<vmem>> -> memref<3136xi32, #tpu.memory_space<vmem>>
          %dma_start3A_357 = tpu.memref_slice %arg2[%mul3A_16] : memref<50000xi32, #tpu.memory_space<hbm>> -> memref<3136xi32, #tpu.memory_space<hbm>>
          tpu.enqueue_dma source(%dma_start3A_357 : memref<3136xi32, #tpu.memory_space<hbm>>) target(%dma_start3A_356 : memref<3136xi32, #tpu.memory_space<vmem>>) target_semaphore(%run_scoped3A : memref<!tpu.dma_semaphore, #tpu.memory_space<semaphore_mem>>)
          %dma_wait3A = arith.constant 0 : i32
          %dma_wait3A_358 = tpu.memref_slice %arg4[%dma_wait3A] : memref<3136xi32, #tpu.memory_space<vmem>> -> memref<3136xi32, #tpu.memory_space<vmem>>
          %dma_wait3A_359 = tpu.memref_slice %arg2[%mul3A_16] : memref<50000xi32, #tpu.memory_space<hbm>> -> memref<3136xi32, #tpu.memory_space<hbm>>
          %dma_wait3A_360 = arith.constant 0 : i32
          %dma_wait3A_361 = tpu.memref_slice %arg4[%dma_wait3A_360] : memref<3136xi32, #tpu.memory_space<vmem>> -> memref<3136xi32, #tpu.memory_space<vmem>>
          %dma_wait3A_362 = tpu.memref_slice %arg2[%mul3A_16] : memref<50000xi32, #tpu.memory_space<hbm>> -> memref<3136xi32, #tpu.memory_space<hbm>>
          tpu.wait_dma2 semaphore(%run_scoped3A : memref<!tpu.dma_semaphore, #tpu.memory_space<semaphore_mem>>) src(%dma_wait3A_362 : memref<3136xi32, #tpu.memory_space<hbm>>) dst(%dma_wait3A_361 : memref<3136xi32, #tpu.memory_space<vmem>>)
          tpu.yield
        }) : () -> ()
        %broadcast_in_dim3A = arith.constant 0.000000e+00 : f32
        %broadcast_in_dim3A_17 = vector.broadcast %broadcast_in_dim3A : f32 to vector<16xf32>
        %swap3A = arith.constant 0 : i32
        %swap3A_18 = arith.index_cast %swap3A : i32 to index
        %swap3A_19 = arith.constant 0 : index
        %swap3A_20 = tpu.vector_load %arg5[%swap3A_18, %swap3A_19] {strides = array<i32>} : memref<4x128xf32, #tpu.memory_space<vmem>>, vector<16xf32>,
        tpu.vector_store %arg5[%swap3A_18, %swap3A_19], %broadcast_in_dim3A_17 {strides = array<i32>} : memref<4x128xf32, #tpu.memory_space<vmem>>, vector<16xf32>,
        %swap3A_21 = arith.constant 0 : i32
        %swap3A_22 = arith.index_cast %swap3A_21 : i32 to index
        %swap3A_23 = arith.constant 16 : index
        %swap3A_24 = tpu.vector_load %arg5[%swap3A_22, %swap3A_23] {strides = array<i32>} : memref<4x128xf32, #tpu.memory_space<vmem>>, vector<16xf32>,
        tpu.vector_store %arg5[%swap3A_22, %swap3A_23], %broadcast_in_dim3A_17 {strides = array<i32>} : memref<4x128xf32, #tpu.memory_space<vmem>>, vector<16xf32>,
        %swap3A_25 = arith.constant 0 : i32
        %swap3A_26 = arith.index_cast %swap3A_25 : i32 to index
        %swap3A_27 = arith.constant 32 : index
        %swap3A_28 = tpu.vector_load %arg5[%swap3A_26, %swap3A_27] {strides = array<i32>} : memref<4x128xf32, #tpu.memory_space<vmem>>, vector<16xf32>,
        tpu.vector_store %arg5[%swap3A_26, %swap3A_27], %broadcast_in_dim3A_17 {strides = array<i32>} : memref<4x128xf32, #tpu.memory_space<vmem>>, vector<16xf32>,
        %swap3A_29 = arith.constant 0 : i32
        %swap3A_30 = arith.index_cast %swap3A_29 : i32 to index
        %swap3A_31 = arith.constant 48 : index
        %swap3A_32 = tpu.vector_load %arg5[%swap3A_30, %swap3A_31] {strides = array<i32>} : memref<4x128xf32, #tpu.memory_space<vmem>>, vector<16xf32>,
        tpu.vector_store %arg5[%swap3A_30, %swap3A_31], %broadcast_in_dim3A_17 {strides = array<i32>} : memref<4x128xf32, #tpu.memory_space<vmem>>, vector<16xf32>,
        %swap3A_33 = arith.constant 0 : i32
        %swap3A_34 = arith.index_cast %swap3A_33 : i32 to index
        %swap3A_35 = arith.constant 64 : index
        %swap3A_36 = tpu.vector_load %arg5[%swap3A_34, %swap3A_35] {strides = array<i32>} : memref<4x128xf32, #tpu.memory_space<vmem>>, vector<16xf32>,
        tpu.vector_store %arg5[%swap3A_34, %swap3A_35], %broadcast_in_dim3A_17 {strides = array<i32>} : memref<4x128xf32, #tpu.memory_space<vmem>>, vector<16xf32>,
        %swap3A_37 = arith.constant 0 : i32
        %swap3A_38 = arith.index_cast %swap3A_37 : i32 to index
        %swap3A_39 = arith.constant 80 : index
        %swap3A_40 = tpu.vector_load %arg5[%swap3A_38, %swap3A_39] {strides = array<i32>} : memref<4x128xf32, #tpu.memory_space<vmem>>, vector<16xf32>,
        tpu.vector_store %arg5[%swap3A_38, %swap3A_39], %broadcast_in_dim3A_17 {strides = array<i32>} : memref<4x128xf32, #tpu.memory_space<vmem>>, vector<16xf32>,
        %swap3A_41 = arith.constant 0 : i32
        %swap3A_42 = arith.index_cast %swap3A_41 : i32 to index
        %swap3A_43 = arith.constant 96 : index
        %swap3A_44 = tpu.vector_load %arg5[%swap3A_42, %swap3A_43] {strides = array<i32>} : memref<4x128xf32, #tpu.memory_space<vmem>>, vector<16xf32>,
        tpu.vector_store %arg5[%swap3A_42, %swap3A_43], %broadcast_in_dim3A_17 {strides = array<i32>} : memref<4x128xf32, #tpu.memory_space<vmem>>, vector<16xf32>,
        %swap3A_45 = arith.constant 0 : i32
        %swap3A_46 = arith.index_cast %swap3A_45 : i32 to index
        %swap3A_47 = arith.constant 112 : index
        %swap3A_48 = tpu.vector_load %arg5[%swap3A_46, %swap3A_47] {strides = array<i32>} : memref<4x128xf32, #tpu.memory_space<vmem>>, vector<16xf32>,
        tpu.vector_store %arg5[%swap3A_46, %swap3A_47], %broadcast_in_dim3A_17 {strides = array<i32>} : memref<4x128xf32, #tpu.memory_space<vmem>>, vector<16xf32>,
        %swap3A_49 = arith.constant 1 : i32
        %swap3A_50 = arith.index_cast %swap3A_49 : i32 to index
        %swap3A_51 = arith.constant 0 : index
        %swap3A_52 = tpu.vector_load %arg5[%swap3A_50, %swap3A_51] {strides = array<i32>} : memref<4x128xf32, #tpu.memory_space<vmem>>, vector<16xf32>,
        tpu.vector_store %arg5[%swap3A_50, %swap3A_51], %broadcast_in_dim3A_17 {strides = array<i32>} : memref<4x128xf32, #tpu.memory_space<vmem>>, vector<16xf32>,
        %swap3A_53 = arith.constant 1 : i32
        %swap3A_54 = arith.index_cast %swap3A_53 : i32 to index
        %swap3A_55 = arith.constant 16 : index
        %swap3A_56 = tpu.vector_load %arg5[%swap3A_54, %swap3A_55] {strides = array<i32>} : memref<4x128xf32, #tpu.memory_space<vmem>>, vector<16xf32>,
        tpu.vector_store %arg5[%swap3A_54, %swap3A_55], %broadcast_in_dim3A_17 {strides = array<i32>} : memref<4x128xf32, #tpu.memory_space<vmem>>, vector<16xf32>,
        %swap3A_57 = arith.constant 1 : i32
        %swap3A_58 = arith.index_cast %swap3A_57 : i32 to index
        %swap3A_59 = arith.constant 32 : index
        %swap3A_60 = tpu.vector_load %arg5[%swap3A_58, %swap3A_59] {strides = array<i32>} : memref<4x128xf32, #tpu.memory_space<vmem>>, vector<16xf32>,
        tpu.vector_store %arg5[%swap3A_58, %swap3A_59], %broadcast_in_dim3A_17 {strides = array<i32>} : memref<4x128xf32, #tpu.memory_space<vmem>>, vector<16xf32>,
        %swap3A_61 = arith.constant 1 : i32
        %swap3A_62 = arith.index_cast %swap3A_61 : i32 to index
        %swap3A_63 = arith.constant 48 : index
        %swap3A_64 = tpu.vector_load %arg5[%swap3A_62, %swap3A_63] {strides = array<i32>} : memref<4x128xf32, #tpu.memory_space<vmem>>, vector<16xf32>,
        tpu.vector_store %arg5[%swap3A_62, %swap3A_63], %broadcast_in_dim3A_17 {strides = array<i32>} : memref<4x128xf32, #tpu.memory_space<vmem>>, vector<16xf32>,
        %swap3A_65 = arith.constant 1 : i32
        %swap3A_66 = arith.index_cast %swap3A_65 : i32 to index
        %swap3A_67 = arith.constant 64 : index
        %swap3A_68 = tpu.vector_load %arg5[%swap3A_66, %swap3A_67] {strides = array<i32>} : memref<4x128xf32, #tpu.memory_space<vmem>>, vector<16xf32>,
        tpu.vector_store %arg5[%swap3A_66, %swap3A_67], %broadcast_in_dim3A_17 {strides = array<i32>} : memref<4x128xf32, #tpu.memory_space<vmem>>, vector<16xf32>,
        %swap3A_69 = arith.constant 1 : i32
        %swap3A_70 = arith.index_cast %swap3A_69 : i32 to index
        %swap3A_71 = arith.constant 80 : index
        %swap3A_72 = tpu.vector_load %arg5[%swap3A_70, %swap3A_71] {strides = array<i32>} : memref<4x128xf32, #tpu.memory_space<vmem>>, vector<16xf32>,
        tpu.vector_store %arg5[%swap3A_70, %swap3A_71], %broadcast_in_dim3A_17 {strides = array<i32>} : memref<4x128xf32, #tpu.memory_space<vmem>>, vector<16xf32>,
        %swap3A_73 = arith.constant 1 : i32
        %swap3A_74 = arith.index_cast %swap3A_73 : i32 to index
        %swap3A_75 = arith.constant 96 : index
        %swap3A_76 = tpu.vector_load %arg5[%swap3A_74, %swap3A_75] {strides = array<i32>} : memref<4x128xf32, #tpu.memory_space<vmem>>, vector<16xf32>,
        tpu.vector_store %arg5[%swap3A_74, %swap3A_75], %broadcast_in_dim3A_17 {strides = array<i32>} : memref<4x128xf32, #tpu.memory_space<vmem>>, vector<16xf32>,
        %swap3A_77 = arith.constant 1 : i32
        %swap3A_78 = arith.index_cast %swap3A_77 : i32 to index
        %swap3A_79 = arith.constant 112 : index
        %swap3A_80 = tpu.vector_load %arg5[%swap3A_78, %swap3A_79] {strides = array<i32>} : memref<4x128xf32, #tpu.memory_space<vmem>>, vector<16xf32>,
        tpu.vector_store %arg5[%swap3A_78, %swap3A_79], %broadcast_in_dim3A_17 {strides = array<i32>} : memref<4x128xf32, #tpu.memory_space<vmem>>, vector<16xf32>,
        %swap3A_81 = arith.constant 2 : i32
        %swap3A_82 = arith.index_cast %swap3A_81 : i32 to index
        %swap3A_83 = arith.constant 0 : index
        %swap3A_84 = tpu.vector_load %arg5[%swap3A_82, %swap3A_83] {strides = array<i32>} : memref<4x128xf32, #tpu.memory_space<vmem>>, vector<16xf32>,
        tpu.vector_store %arg5[%swap3A_82, %swap3A_83], %broadcast_in_dim3A_17 {strides = array<i32>} : memref<4x128xf32, #tpu.memory_space<vmem>>, vector<16xf32>,
        %swap3A_85 = arith.constant 2 : i32
        %swap3A_86 = arith.index_cast %swap3A_85 : i32 to index
        %swap3A_87 = arith.constant 16 : index
        %swap3A_88 = tpu.vector_load %arg5[%swap3A_86, %swap3A_87] {strides = array<i32>} : memref<4x128xf32, #tpu.memory_space<vmem>>, vector<16xf32>,
        tpu.vector_store %arg5[%swap3A_86, %swap3A_87], %broadcast_in_dim3A_17 {strides = array<i32>} : memref<4x128xf32, #tpu.memory_space<vmem>>, vector<16xf32>,
        %swap3A_89 = arith.constant 2 : i32
        %swap3A_90 = arith.index_cast %swap3A_89 : i32 to index
        %swap3A_91 = arith.constant 32 : index
        %swap3A_92 = tpu.vector_load %arg5[%swap3A_90, %swap3A_91] {strides = array<i32>} : memref<4x128xf32, #tpu.memory_space<vmem>>, vector<16xf32>,
        tpu.vector_store %arg5[%swap3A_90, %swap3A_91], %broadcast_in_dim3A_17 {strides = array<i32>} : memref<4x128xf32, #tpu.memory_space<vmem>>, vector<16xf32>,
        %swap3A_93 = arith.constant 2 : i32
        %swap3A_94 = arith.index_cast %swap3A_93 : i32 to index
        %swap3A_95 = arith.constant 48 : index
        %swap3A_96 = tpu.vector_load %arg5[%swap3A_94, %swap3A_95] {strides = array<i32>} : memref<4x128xf32, #tpu.memory_space<vmem>>, vector<16xf32>,
        tpu.vector_store %arg5[%swap3A_94, %swap3A_95], %broadcast_in_dim3A_17 {strides = array<i32>} : memref<4x128xf32, #tpu.memory_space<vmem>>, vector<16xf32>,
        %swap3A_97 = arith.constant 2 : i32
        %swap3A_98 = arith.index_cast %swap3A_97 : i32 to index
        %swap3A_99 = arith.constant 64 : index
        %swap3A_100 = tpu.vector_load %arg5[%swap3A_98, %swap3A_99] {strides = array<i32>} : memref<4x128xf32, #tpu.memory_space<vmem>>, vector<16xf32>,
        tpu.vector_store %arg5[%swap3A_98, %swap3A_99], %broadcast_in_dim3A_17 {strides = array<i32>} : memref<4x128xf32, #tpu.memory_space<vmem>>, vector<16xf32>,
        %swap3A_101 = arith.constant 2 : i32
        %swap3A_102 = arith.index_cast %swap3A_101 : i32 to index
        %swap3A_103 = arith.constant 80 : index
        %swap3A_104 = tpu.vector_load %arg5[%swap3A_102, %swap3A_103] {strides = array<i32>} : memref<4x128xf32, #tpu.memory_space<vmem>>, vector<16xf32>,
        tpu.vector_store %arg5[%swap3A_102, %swap3A_103], %broadcast_in_dim3A_17 {strides = array<i32>} : memref<4x128xf32, #tpu.memory_space<vmem>>, vector<16xf32>,
        %swap3A_105 = arith.constant 2 : i32
        %swap3A_106 = arith.index_cast %swap3A_105 : i32 to index
        %swap3A_107 = arith.constant 96 : index
        %swap3A_108 = tpu.vector_load %arg5[%swap3A_106, %swap3A_107] {strides = array<i32>} : memref<4x128xf32, #tpu.memory_space<vmem>>, vector<16xf32>,
        tpu.vector_store %arg5[%swap3A_106, %swap3A_107], %broadcast_in_dim3A_17 {strides = array<i32>} : memref<4x128xf32, #tpu.memory_space<vmem>>, vector<16xf32>,
        %swap3A_109 = arith.constant 2 : i32
        %swap3A_110 = arith.index_cast %swap3A_109 : i32 to index
        %swap3A_111 = arith.constant 112 : index
        %swap3A_112 = tpu.vector_load %arg5[%swap3A_110, %swap3A_111] {strides = array<i32>} : memref<4x128xf32, #tpu.memory_space<vmem>>, vector<16xf32>,
        tpu.vector_store %arg5[%swap3A_110, %swap3A_111], %broadcast_in_dim3A_17 {strides = array<i32>} : memref<4x128xf32, #tpu.memory_space<vmem>>, vector<16xf32>,
        %swap3A_113 = arith.constant 3 : i32
        %swap3A_114 = arith.index_cast %swap3A_113 : i32 to index
        %swap3A_115 = arith.constant 0 : index
        %swap3A_116 = tpu.vector_load %arg5[%swap3A_114, %swap3A_115] {strides = array<i32>} : memref<4x128xf32, #tpu.memory_space<vmem>>, vector<16xf32>,
        tpu.vector_store %arg5[%swap3A_114, %swap3A_115], %broadcast_in_dim3A_17 {strides = array<i32>} : memref<4x128xf32, #tpu.memory_space<vmem>>, vector<16xf32>,
        %swap3A_117 = arith.constant 3 : i32
        %swap3A_118 = arith.index_cast %swap3A_117 : i32 to index
        %swap3A_119 = arith.constant 16 : index
        %swap3A_120 = tpu.vector_load %arg5[%swap3A_118, %swap3A_119] {strides = array<i32>} : memref<4x128xf32, #tpu.memory_space<vmem>>, vector<16xf32>,
        tpu.vector_store %arg5[%swap3A_118, %swap3A_119], %broadcast_in_dim3A_17 {strides = array<i32>} : memref<4x128xf32, #tpu.memory_space<vmem>>, vector<16xf32>,
        %swap3A_121 = arith.constant 3 : i32
        %swap3A_122 = arith.index_cast %swap3A_121 : i32 to index
        %swap3A_123 = arith.constant 32 : index
        %swap3A_124 = tpu.vector_load %arg5[%swap3A_122, %swap3A_123] {strides = array<i32>} : memref<4x128xf32, #tpu.memory_space<vmem>>, vector<16xf32>,
        tpu.vector_store %arg5[%swap3A_122, %swap3A_123], %broadcast_in_dim3A_17 {strides = array<i32>} : memref<4x128xf32, #tpu.memory_space<vmem>>, vector<16xf32>,
        %swap3A_125 = arith.constant 3 : i32
        %swap3A_126 = arith.index_cast %swap3A_125 : i32 to index
        %swap3A_127 = arith.constant 48 : index
        %swap3A_128 = tpu.vector_load %arg5[%swap3A_126, %swap3A_127] {strides = array<i32>} : memref<4x128xf32, #tpu.memory_space<vmem>>, vector<16xf32>,
        tpu.vector_store %arg5[%swap3A_126, %swap3A_127], %broadcast_in_dim3A_17 {strides = array<i32>} : memref<4x128xf32, #tpu.memory_space<vmem>>, vector<16xf32>,
        %swap3A_129 = arith.constant 3 : i32
        %swap3A_130 = arith.index_cast %swap3A_129 : i32 to index
        %swap3A_131 = arith.constant 64 : index
        %swap3A_132 = tpu.vector_load %arg5[%swap3A_130, %swap3A_131] {strides = array<i32>} : memref<4x128xf32, #tpu.memory_space<vmem>>, vector<16xf32>,
        tpu.vector_store %arg5[%swap3A_130, %swap3A_131], %broadcast_in_dim3A_17 {strides = array<i32>} : memref<4x128xf32, #tpu.memory_space<vmem>>, vector<16xf32>,
        %swap3A_133 = arith.constant 3 : i32
        %swap3A_134 = arith.index_cast %swap3A_133 : i32 to index
        %swap3A_135 = arith.constant 80 : index
        %swap3A_136 = tpu.vector_load %arg5[%swap3A_134, %swap3A_135] {strides = array<i32>} : memref<4x128xf32, #tpu.memory_space<vmem>>, vector<16xf32>,
        tpu.vector_store %arg5[%swap3A_134, %swap3A_135], %broadcast_in_dim3A_17 {strides = array<i32>} : memref<4x128xf32, #tpu.memory_space<vmem>>, vector<16xf32>,
        %swap3A_137 = arith.constant 3 : i32
        %swap3A_138 = arith.index_cast %swap3A_137 : i32 to index
        %swap3A_139 = arith.constant 96 : index
        %swap3A_140 = tpu.vector_load %arg5[%swap3A_138, %swap3A_139] {strides = array<i32>} : memref<4x128xf32, #tpu.memory_space<vmem>>, vector<16xf32>,
        tpu.vector_store %arg5[%swap3A_138, %swap3A_139], %broadcast_in_dim3A_17 {strides = array<i32>} : memref<4x128xf32, #tpu.memory_space<vmem>>, vector<16xf32>,
        %swap3A_141 = arith.constant 3 : i32
        %swap3A_142 = arith.index_cast %swap3A_141 : i32 to index
        %swap3A_143 = arith.constant 112 : index
        %swap3A_144 = tpu.vector_load %arg5[%swap3A_142, %swap3A_143] {strides = array<i32>} : memref<4x128xf32, #tpu.memory_space<vmem>>, vector<16xf32>,
        tpu.vector_store %arg5[%swap3A_142, %swap3A_143], %broadcast_in_dim3A_17 {strides = array<i32>} : memref<4x128xf32, #tpu.memory_space<vmem>>, vector<16xf32>,
        %broadcast_in_dim3A_145 = arith.constant 1.000000e+00 : f32
        %broadcast_in_dim3A_146 = vector.broadcast %broadcast_in_dim3A_145 : f32 to vector<16xf32>
        %scan3A = arith.constant 0 : i32
        %scan3A_147 = arith.constant 0 : i32
        %scan3A_148 = arith.constant 48 : i32
        %scan3A_149 = arith.addi %scan3A_147, %scan3A_148 : i32
        %scan3A_150 = arith.constant 2 : i32
        scf.for %scan3A_353 = %scan3A_147 to %scan3A_149 step %scan3A_150  : i32 {
          %mul3A_354 = arith.constant 64 : i32
          %mul3A_355 = arith.muli %scan3A_353, %mul3A_354 : i32
          %add3A_356 = arith.constant 0 : i32
          %add3A_357 = arith.addi %mul3A_355, %add3A_356 : i32
          %get3A_358 = arith.index_cast %add3A_357 : i32 to index
          %get3A_359 = tpu.vector_load %arg4[%get3A_358] {strides = array<i32>} : memref<3136xi32, #tpu.memory_space<vmem>>, vector<16xi32>,
          %scatter3A_360 = arith.constant 0 : i32
          %scatter3A_361 = arith.constant 0 : i32
          %scatter3A_362 = tpu.memref_slice %arg5[%scatter3A_360, %scatter3A_361] : memref<4x128xf32, #tpu.memory_space<vmem>> -> memref<1x128xf32, #tpu.memory_space<vmem>>
          %scatter3A_363 = tpu.memref_squeeze %scatter3A_362 : memref<1x128xf32, #tpu.memory_space<vmem>> -> memref<128xf32, #tpu.memory_space<vmem>>
          tpu.vector_store_idx %scatter3A_363[%get3A_359], %broadcast_in_dim3A_146 {add = true} : memref<128xf32, #tpu.memory_space<vmem>>[vector<16xi32>], vector<16xf32>,
          %add3A_364 = arith.constant 16 : i32
          %add3A_365 = arith.addi %mul3A_355, %add3A_364 : i32
          %get3A_366 = arith.index_cast %add3A_365 : i32 to index
          %get3A_367 = tpu.vector_load %arg4[%get3A_366] {strides = array<i32>} : memref<3136xi32, #tpu.memory_space<vmem>>, vector<16xi32>,
          %scatter3A_368 = arith.constant 1 : i32
          %scatter3A_369 = arith.constant 0 : i32
          %scatter3A_370 = tpu.memref_slice %arg5[%scatter3A_368, %scatter3A_369] : memref<4x128xf32, #tpu.memory_space<vmem>> -> memref<1x128xf32, #tpu.memory_space<vmem>>
          %scatter3A_371 = tpu.memref_squeeze %scatter3A_370 : memref<1x128xf32, #tpu.memory_space<vmem>> -> memref<128xf32, #tpu.memory_space<vmem>>
          tpu.vector_store_idx %scatter3A_371[%get3A_367], %broadcast_in_dim3A_146 {add = true} : memref<128xf32, #tpu.memory_space<vmem>>[vector<16xi32>], vector<16xf32>,
          %add3A_372 = arith.constant 32 : i32
          %add3A_373 = arith.addi %mul3A_355, %add3A_372 : i32
          %get3A_374 = arith.index_cast %add3A_373 : i32 to index
          %get3A_375 = tpu.vector_load %arg4[%get3A_374] {strides = array<i32>} : memref<3136xi32, #tpu.memory_space<vmem>>, vector<16xi32>,
          %scatter3A_376 = arith.constant 2 : i32
          %scatter3A_377 = arith.constant 0 : i32
          %scatter3A_378 = tpu.memref_slice %arg5[%scatter3A_376, %scatter3A_377] : memref<4x128xf32, #tpu.memory_space<vmem>> -> memref<1x128xf32, #tpu.memory_space<vmem>>
          %scatter3A_379 = tpu.memref_squeeze %scatter3A_378 : memref<1x128xf32, #tpu.memory_space<vmem>> -> memref<128xf32, #tpu.memory_space<vmem>>
          tpu.vector_store_idx %scatter3A_379[%get3A_375], %broadcast_in_dim3A_146 {add = true} : memref<128xf32, #tpu.memory_space<vmem>>[vector<16xi32>], vector<16xf32>,
          %add3A_380 = arith.constant 48 : i32
          %add3A_381 = arith.addi %mul3A_355, %add3A_380 : i32
          %get3A_382 = arith.index_cast %add3A_381 : i32 to index
          %get3A_383 = tpu.vector_load %arg4[%get3A_382] {strides = array<i32>} : memref<3136xi32, #tpu.memory_space<vmem>>, vector<16xi32>,
          %scatter3A_384 = arith.constant 3 : i32
          %scatter3A_385 = arith.constant 0 : i32
          %scatter3A_386 = tpu.memref_slice %arg5[%scatter3A_384, %scatter3A_385] : memref<4x128xf32, #tpu.memory_space<vmem>> -> memref<1x128xf32, #tpu.memory_space<vmem>>
          %scatter3A_387 = tpu.memref_squeeze %scatter3A_386 : memref<1x128xf32, #tpu.memory_space<vmem>> -> memref<128xf32, #tpu.memory_space<vmem>>
          tpu.vector_store_idx %scatter3A_387[%get3A_383], %broadcast_in_dim3A_146 {add = true} : memref<128xf32, #tpu.memory_space<vmem>>[vector<16xi32>], vector<16xf32>,
          %scan3A_388 = arith.constant 1 : i32
          %scan3A_389 = arith.addi %scan3A_353, %scan3A_388 : i32
          %mul3A_390 = arith.constant 64 : i32
          %mul3A_391 = arith.muli %scan3A_389, %mul3A_390 : i32
          %add3A_392 = arith.constant 0 : i32
          %add3A_393 = arith.addi %mul3A_391, %add3A_392 : i32
          %get3A_394 = arith.index_cast %add3A_393 : i32 to index
          %get3A_395 = tpu.vector_load %arg4[%get3A_394] {strides = array<i32>} : memref<3136xi32, #tpu.memory_space<vmem>>, vector<16xi32>,
          %scatter3A_396 = arith.constant 0 : i32
          %scatter3A_397 = arith.constant 0 : i32
          %scatter3A_398 = tpu.memref_slice %arg5[%scatter3A_396, %scatter3A_397] : memref<4x128xf32, #tpu.memory_space<vmem>> -> memref<1x128xf32, #tpu.memory_space<vmem>>
          %scatter3A_399 = tpu.memref_squeeze %scatter3A_398 : memref<1x128xf32, #tpu.memory_space<vmem>> -> memref<128xf32, #tpu.memory_space<vmem>>
          tpu.vector_store_idx %scatter3A_399[%get3A_395], %broadcast_in_dim3A_146 {add = true} : memref<128xf32, #tpu.memory_space<vmem>>[vector<16xi32>], vector<16xf32>,
          %add3A_400 = arith.constant 16 : i32
          %add3A_401 = arith.addi %mul3A_391, %add3A_400 : i32
          %get3A_402 = arith.index_cast %add3A_401 : i32 to index
          %get3A_403 = tpu.vector_load %arg4[%get3A_402] {strides = array<i32>} : memref<3136xi32, #tpu.memory_space<vmem>>, vector<16xi32>,
          %scatter3A_404 = arith.constant 1 : i32
          %scatter3A_405 = arith.constant 0 : i32
          %scatter3A_406 = tpu.memref_slice %arg5[%scatter3A_404, %scatter3A_405] : memref<4x128xf32, #tpu.memory_space<vmem>> -> memref<1x128xf32, #tpu.memory_space<vmem>>
          %scatter3A_407 = tpu.memref_squeeze %scatter3A_406 : memref<1x128xf32, #tpu.memory_space<vmem>> -> memref<128xf32, #tpu.memory_space<vmem>>
          tpu.vector_store_idx %scatter3A_407[%get3A_403], %broadcast_in_dim3A_146 {add = true} : memref<128xf32, #tpu.memory_space<vmem>>[vector<16xi32>], vector<16xf32>,
          %add3A_408 = arith.constant 32 : i32
          %add3A_409 = arith.addi %mul3A_391, %add3A_408 : i32
          %get3A_410 = arith.index_cast %add3A_409 : i32 to index
          %get3A_411 = tpu.vector_load %arg4[%get3A_410] {strides = array<i32>} : memref<3136xi32, #tpu.memory_space<vmem>>, vector<16xi32>,
          %scatter3A_412 = arith.constant 2 : i32
          %scatter3A_413 = arith.constant 0 : i32
          %scatter3A_414 = tpu.memref_slice %arg5[%scatter3A_412, %scatter3A_413] : memref<4x128xf32, #tpu.memory_space<vmem>> -> memref<1x128xf32, #tpu.memory_space<vmem>>
          %scatter3A_415 = tpu.memref_squeeze %scatter3A_414 : memref<1x128xf32, #tpu.memory_space<vmem>> -> memref<128xf32, #tpu.memory_space<vmem>>
          tpu.vector_store_idx %scatter3A_415[%get3A_411], %broadcast_in_dim3A_146 {add = true} : memref<128xf32, #tpu.memory_space<vmem>>[vector<16xi32>], vector<16xf32>,
          %add3A_416 = arith.constant 48 : i32
          %add3A_417 = arith.addi %mul3A_391, %add3A_416 : i32
          %get3A_418 = arith.index_cast %add3A_417 : i32 to index
          %get3A_419 = tpu.vector_load %arg4[%get3A_418] {strides = array<i32>} : memref<3136xi32, #tpu.memory_space<vmem>>, vector<16xi32>,
          %scatter3A_420 = arith.constant 3 : i32
          %scatter3A_421 = arith.constant 0 : i32
          %scatter3A_422 = tpu.memref_slice %arg5[%scatter3A_420, %scatter3A_421] : memref<4x128xf32, #tpu.memory_space<vmem>> -> memref<1x128xf32, #tpu.memory_space<vmem>>
          %scatter3A_423 = tpu.memref_squeeze %scatter3A_422 : memref<1x128xf32, #tpu.memory_space<vmem>> -> memref<128xf32, #tpu.memory_space<vmem>>
          tpu.vector_store_idx %scatter3A_423[%get3A_419], %broadcast_in_dim3A_146 {add = true} : memref<128xf32, #tpu.memory_space<vmem>>[vector<16xi32>], vector<16xf32>,
        }
        %scan3A_151 = arith.constant 48 : i32
        %scan3A_152 = arith.addi %scan3A_147, %scan3A_151 : i32
        %mul3A_153 = arith.constant 64 : i32
        %mul3A_154 = arith.muli %scan3A_152, %mul3A_153 : i32
        %add3A = arith.constant 0 : i32
        %add3A_155 = arith.addi %mul3A_154, %add3A : i32
        %get3A = arith.index_cast %add3A_155 : i32 to index
        %get3A_156 = tpu.vector_load %arg4[%get3A] {strides = array<i32>} : memref<3136xi32, #tpu.memory_space<vmem>>, vector<16xi32>,
        %scatter3A = arith.constant 0 : i32
        %scatter3A_157 = arith.constant 0 : i32
        %scatter3A_158 = tpu.memref_slice %arg5[%scatter3A, %scatter3A_157] : memref<4x128xf32, #tpu.memory_space<vmem>> -> memref<1x128xf32, #tpu.memory_space<vmem>>
        %scatter3A_159 = tpu.memref_squeeze %scatter3A_158 : memref<1x128xf32, #tpu.memory_space<vmem>> -> memref<128xf32, #tpu.memory_space<vmem>>
        tpu.vector_store_idx %scatter3A_159[%get3A_156], %broadcast_in_dim3A_146 {add = true} : memref<128xf32, #tpu.memory_space<vmem>>[vector<16xi32>], vector<16xf32>,
        %add3A_160 = arith.constant 16 : i32
        %add3A_161 = arith.addi %mul3A_154, %add3A_160 : i32
        %get3A_162 = arith.index_cast %add3A_161 : i32 to index
        %get3A_163 = tpu.vector_load %arg4[%get3A_162] {strides = array<i32>} : memref<3136xi32, #tpu.memory_space<vmem>>, vector<16xi32>,
        %scatter3A_164 = arith.constant 1 : i32
        %scatter3A_165 = arith.constant 0 : i32
        %scatter3A_166 = tpu.memref_slice %arg5[%scatter3A_164, %scatter3A_165] : memref<4x128xf32, #tpu.memory_space<vmem>> -> memref<1x128xf32, #tpu.memory_space<vmem>>
        %scatter3A_167 = tpu.memref_squeeze %scatter3A_166 : memref<1x128xf32, #tpu.memory_space<vmem>> -> memref<128xf32, #tpu.memory_space<vmem>>
        tpu.vector_store_idx %scatter3A_167[%get3A_163], %broadcast_in_dim3A_146 {add = true} : memref<128xf32, #tpu.memory_space<vmem>>[vector<16xi32>], vector<16xf32>,
        %add3A_168 = arith.constant 32 : i32
        %add3A_169 = arith.addi %mul3A_154, %add3A_168 : i32
        %get3A_170 = arith.index_cast %add3A_169 : i32 to index
        %get3A_171 = tpu.vector_load %arg4[%get3A_170] {strides = array<i32>} : memref<3136xi32, #tpu.memory_space<vmem>>, vector<16xi32>,
        %scatter3A_172 = arith.constant 2 : i32
        %scatter3A_173 = arith.constant 0 : i32
        %scatter3A_174 = tpu.memref_slice %arg5[%scatter3A_172, %scatter3A_173] : memref<4x128xf32, #tpu.memory_space<vmem>> -> memref<1x128xf32, #tpu.memory_space<vmem>>
        %scatter3A_175 = tpu.memref_squeeze %scatter3A_174 : memref<1x128xf32, #tpu.memory_space<vmem>> -> memref<128xf32, #tpu.memory_space<vmem>>
        tpu.vector_store_idx %scatter3A_175[%get3A_171], %broadcast_in_dim3A_146 {add = true} : memref<128xf32, #tpu.memory_space<vmem>>[vector<16xi32>], vector<16xf32>,
        %add3A_176 = arith.constant 48 : i32
        %add3A_177 = arith.addi %mul3A_154, %add3A_176 : i32
        %get3A_178 = arith.index_cast %add3A_177 : i32 to index
        %get3A_179 = tpu.vector_load %arg4[%get3A_178] {strides = array<i32>} : memref<3136xi32, #tpu.memory_space<vmem>>, vector<16xi32>,
        %scatter3A_180 = arith.constant 3 : i32
        %scatter3A_181 = arith.constant 0 : i32
        %scatter3A_182 = tpu.memref_slice %arg5[%scatter3A_180, %scatter3A_181] : memref<4x128xf32, #tpu.memory_space<vmem>> -> memref<1x128xf32, #tpu.memory_space<vmem>>
        %scatter3A_183 = tpu.memref_squeeze %scatter3A_182 : memref<1x128xf32, #tpu.memory_space<vmem>> -> memref<128xf32, #tpu.memory_space<vmem>>
        tpu.vector_store_idx %scatter3A_183[%get3A_179], %broadcast_in_dim3A_146 {add = true} : memref<128xf32, #tpu.memory_space<vmem>>[vector<16xi32>], vector<16xf32>,
        %scan3A_184 = arith.constant 49 : i32
        %get3A_185 = arith.constant 0 : i32
        %get3A_186 = arith.index_cast %get3A_185 : i32 to index
        %get3A_187 = arith.constant 0 : index
        %get3A_188 = tpu.vector_load %arg5[%get3A_186, %get3A_187] {strides = array<i32>} : memref<4x128xf32, #tpu.memory_space<vmem>>, vector<16xf32>,
        %get3A_189 = arith.constant 1 : i32
        %get3A_190 = arith.index_cast %get3A_189 : i32 to index
        %get3A_191 = arith.constant 0 : index
        %get3A_192 = tpu.vector_load %arg5[%get3A_190, %get3A_191] {strides = array<i32>} : memref<4x128xf32, #tpu.memory_space<vmem>>, vector<16xf32>,
        %add3A_193 = arith.addf %get3A_188, %get3A_192 : vector<16xf32>
        %get3A_194 = arith.constant 2 : i32
        %get3A_195 = arith.index_cast %get3A_194 : i32 to index
        %get3A_196 = arith.constant 0 : index
        %get3A_197 = tpu.vector_load %arg5[%get3A_195, %get3A_196] {strides = array<i32>} : memref<4x128xf32, #tpu.memory_space<vmem>>, vector<16xf32>,
        %add3A_198 = arith.addf %add3A_193, %get3A_197 : vector<16xf32>
        %get3A_199 = arith.constant 3 : i32
        %get3A_200 = arith.index_cast %get3A_199 : i32 to index
        %get3A_201 = arith.constant 0 : index
        %get3A_202 = tpu.vector_load %arg5[%get3A_200, %get3A_201] {strides = array<i32>} : memref<4x128xf32, #tpu.memory_space<vmem>>, vector<16xf32>,
        %add3A_203 = arith.addf %add3A_198, %get3A_202 : vector<16xf32>
        %swap3A_204 = arith.constant 0 : index
        %swap3A_205 = tpu.vector_load %arg6[%swap3A_204] {strides = array<i32>} : memref<128xf32, #tpu.memory_space<vmem>>, vector<16xf32>,
        tpu.vector_store %arg6[%swap3A_204], %add3A_203 {strides = array<i32>} : memref<128xf32, #tpu.memory_space<vmem>>, vector<16xf32>,
        %get3A_206 = arith.constant 0 : i32
        %get3A_207 = arith.index_cast %get3A_206 : i32 to index
        %get3A_208 = arith.constant 16 : index
        %get3A_209 = tpu.vector_load %arg5[%get3A_207, %get3A_208] {strides = array<i32>} : memref<4x128xf32, #tpu.memory_space<vmem>>, vector<16xf32>,
        %get3A_210 = arith.constant 1 : i32
        %get3A_211 = arith.index_cast %get3A_210 : i32 to index
        %get3A_212 = arith.constant 16 : index
        %get3A_213 = tpu.vector_load %arg5[%get3A_211, %get3A_212] {strides = array<i32>} : memref<4x128xf32, #tpu.memory_space<vmem>>, vector<16xf32>,
        %add3A_214 = arith.addf %get3A_209, %get3A_213 : vector<16xf32>
        %get3A_215 = arith.constant 2 : i32
        %get3A_216 = arith.index_cast %get3A_215 : i32 to index
        %get3A_217 = arith.constant 16 : index
        %get3A_218 = tpu.vector_load %arg5[%get3A_216, %get3A_217] {strides = array<i32>} : memref<4x128xf32, #tpu.memory_space<vmem>>, vector<16xf32>,
        %add3A_219 = arith.addf %add3A_214, %get3A_218 : vector<16xf32>
        %get3A_220 = arith.constant 3 : i32
        %get3A_221 = arith.index_cast %get3A_220 : i32 to index
        %get3A_222 = arith.constant 16 : index
        %get3A_223 = tpu.vector_load %arg5[%get3A_221, %get3A_222] {strides = array<i32>} : memref<4x128xf32, #tpu.memory_space<vmem>>, vector<16xf32>,
        %add3A_224 = arith.addf %add3A_219, %get3A_223 : vector<16xf32>
        %swap3A_225 = arith.constant 16 : index
        %swap3A_226 = tpu.vector_load %arg6[%swap3A_225] {strides = array<i32>} : memref<128xf32, #tpu.memory_space<vmem>>, vector<16xf32>,
        tpu.vector_store %arg6[%swap3A_225], %add3A_224 {strides = array<i32>} : memref<128xf32, #tpu.memory_space<vmem>>, vector<16xf32>,
        %get3A_227 = arith.constant 0 : i32
        %get3A_228 = arith.index_cast %get3A_227 : i32 to index
        %get3A_229 = arith.constant 32 : index
        %get3A_230 = tpu.vector_load %arg5[%get3A_228, %get3A_229] {strides = array<i32>} : memref<4x128xf32, #tpu.memory_space<vmem>>, vector<16xf32>,
        %get3A_231 = arith.constant 1 : i32
        %get3A_232 = arith.index_cast %get3A_231 : i32 to index
        %get3A_233 = arith.constant 32 : index
        %get3A_234 = tpu.vector_load %arg5[%get3A_232, %get3A_233] {strides = array<i32>} : memref<4x128xf32, #tpu.memory_space<vmem>>, vector<16xf32>,
        %add3A_235 = arith.addf %get3A_230, %get3A_234 : vector<16xf32>
        %get3A_236 = arith.constant 2 : i32
        %get3A_237 = arith.index_cast %get3A_236 : i32 to index
        %get3A_238 = arith.constant 32 : index
        %get3A_239 = tpu.vector_load %arg5[%get3A_237, %get3A_238] {strides = array<i32>} : memref<4x128xf32, #tpu.memory_space<vmem>>, vector<16xf32>,
        %add3A_240 = arith.addf %add3A_235, %get3A_239 : vector<16xf32>
        %get3A_241 = arith.constant 3 : i32
        %get3A_242 = arith.index_cast %get3A_241 : i32 to index
        %get3A_243 = arith.constant 32 : index
        %get3A_244 = tpu.vector_load %arg5[%get3A_242, %get3A_243] {strides = array<i32>} : memref<4x128xf32, #tpu.memory_space<vmem>>, vector<16xf32>,
        %add3A_245 = arith.addf %add3A_240, %get3A_244 : vector<16xf32>
        %swap3A_246 = arith.constant 32 : index
        %swap3A_247 = tpu.vector_load %arg6[%swap3A_246] {strides = array<i32>} : memref<128xf32, #tpu.memory_space<vmem>>, vector<16xf32>,
        tpu.vector_store %arg6[%swap3A_246], %add3A_245 {strides = array<i32>} : memref<128xf32, #tpu.memory_space<vmem>>, vector<16xf32>,
        %get3A_248 = arith.constant 0 : i32
        %get3A_249 = arith.index_cast %get3A_248 : i32 to index
        %get3A_250 = arith.constant 48 : index
        %get3A_251 = tpu.vector_load %arg5[%get3A_249, %get3A_250] {strides = array<i32>} : memref<4x128xf32, #tpu.memory_space<vmem>>, vector<16xf32>,
        %get3A_252 = arith.constant 1 : i32
        %get3A_253 = arith.index_cast %get3A_252 : i32 to index
        %get3A_254 = arith.constant 48 : index
        %get3A_255 = tpu.vector_load %arg5[%get3A_253, %get3A_254] {strides = array<i32>} : memref<4x128xf32, #tpu.memory_space<vmem>>, vector<16xf32>,
        %add3A_256 = arith.addf %get3A_251, %get3A_255 : vector<16xf32>
        %get3A_257 = arith.constant 2 : i32
        %get3A_258 = arith.index_cast %get3A_257 : i32 to index
        %get3A_259 = arith.constant 48 : index
        %get3A_260 = tpu.vector_load %arg5[%get3A_258, %get3A_259] {strides = array<i32>} : memref<4x128xf32, #tpu.memory_space<vmem>>, vector<16xf32>,
        %add3A_261 = arith.addf %add3A_256, %get3A_260 : vector<16xf32>
        %get3A_262 = arith.constant 3 : i32
        %get3A_263 = arith.index_cast %get3A_262 : i32 to index
        %get3A_264 = arith.constant 48 : index
        %get3A_265 = tpu.vector_load %arg5[%get3A_263, %get3A_264] {strides = array<i32>} : memref<4x128xf32, #tpu.memory_space<vmem>>, vector<16xf32>,
        %add3A_266 = arith.addf %add3A_261, %get3A_265 : vector<16xf32>
        %swap3A_267 = arith.constant 48 : index
        %swap3A_268 = tpu.vector_load %arg6[%swap3A_267] {strides = array<i32>} : memref<128xf32, #tpu.memory_space<vmem>>, vector<16xf32>,
        tpu.vector_store %arg6[%swap3A_267], %add3A_266 {strides = array<i32>} : memref<128xf32, #tpu.memory_space<vmem>>, vector<16xf32>,
        %get3A_269 = arith.constant 0 : i32
        %get3A_270 = arith.index_cast %get3A_269 : i32 to index
        %get3A_271 = arith.constant 64 : index
        %get3A_272 = tpu.vector_load %arg5[%get3A_270, %get3A_271] {strides = array<i32>} : memref<4x128xf32, #tpu.memory_space<vmem>>, vector<16xf32>,
        %get3A_273 = arith.constant 1 : i32
        %get3A_274 = arith.index_cast %get3A_273 : i32 to index
        %get3A_275 = arith.constant 64 : index
        %get3A_276 = tpu.vector_load %arg5[%get3A_274, %get3A_275] {strides = array<i32>} : memref<4x128xf32, #tpu.memory_space<vmem>>, vector<16xf32>,
        %add3A_277 = arith.addf %get3A_272, %get3A_276 : vector<16xf32>
        %get3A_278 = arith.constant 2 : i32
        %get3A_279 = arith.index_cast %get3A_278 : i32 to index
        %get3A_280 = arith.constant 64 : index
        %get3A_281 = tpu.vector_load %arg5[%get3A_279, %get3A_280] {strides = array<i32>} : memref<4x128xf32, #tpu.memory_space<vmem>>, vector<16xf32>,
        %add3A_282 = arith.addf %add3A_277, %get3A_281 : vector<16xf32>
        %get3A_283 = arith.constant 3 : i32
        %get3A_284 = arith.index_cast %get3A_283 : i32 to index
        %get3A_285 = arith.constant 64 : index
        %get3A_286 = tpu.vector_load %arg5[%get3A_284, %get3A_285] {strides = array<i32>} : memref<4x128xf32, #tpu.memory_space<vmem>>, vector<16xf32>,
        %add3A_287 = arith.addf %add3A_282, %get3A_286 : vector<16xf32>
        %swap3A_288 = arith.constant 64 : index
        %swap3A_289 = tpu.vector_load %arg6[%swap3A_288] {strides = array<i32>} : memref<128xf32, #tpu.memory_space<vmem>>, vector<16xf32>,
        tpu.vector_store %arg6[%swap3A_288], %add3A_287 {strides = array<i32>} : memref<128xf32, #tpu.memory_space<vmem>>, vector<16xf32>,
        %get3A_290 = arith.constant 0 : i32
        %get3A_291 = arith.index_cast %get3A_290 : i32 to index
        %get3A_292 = arith.constant 80 : index
        %get3A_293 = tpu.vector_load %arg5[%get3A_291, %get3A_292] {strides = array<i32>} : memref<4x128xf32, #tpu.memory_space<vmem>>, vector<16xf32>,
        %get3A_294 = arith.constant 1 : i32
        %get3A_295 = arith.index_cast %get3A_294 : i32 to index
        %get3A_296 = arith.constant 80 : index
        %get3A_297 = tpu.vector_load %arg5[%get3A_295, %get3A_296] {strides = array<i32>} : memref<4x128xf32, #tpu.memory_space<vmem>>, vector<16xf32>,
        %add3A_298 = arith.addf %get3A_293, %get3A_297 : vector<16xf32>
        %get3A_299 = arith.constant 2 : i32
        %get3A_300 = arith.index_cast %get3A_299 : i32 to index
        %get3A_301 = arith.constant 80 : index
        %get3A_302 = tpu.vector_load %arg5[%get3A_300, %get3A_301] {strides = array<i32>} : memref<4x128xf32, #tpu.memory_space<vmem>>, vector<16xf32>,
        %add3A_303 = arith.addf %add3A_298, %get3A_302 : vector<16xf32>
        %get3A_304 = arith.constant 3 : i32
        %get3A_305 = arith.index_cast %get3A_304 : i32 to index
        %get3A_306 = arith.constant 80 : index
        %get3A_307 = tpu.vector_load %arg5[%get3A_305, %get3A_306] {strides = array<i32>} : memref<4x128xf32, #tpu.memory_space<vmem>>, vector<16xf32>,
        %add3A_308 = arith.addf %add3A_303, %get3A_307 : vector<16xf32>
        %swap3A_309 = arith.constant 80 : index
        %swap3A_310 = tpu.vector_load %arg6[%swap3A_309] {strides = array<i32>} : memref<128xf32, #tpu.memory_space<vmem>>, vector<16xf32>,
        tpu.vector_store %arg6[%swap3A_309], %add3A_308 {strides = array<i32>} : memref<128xf32, #tpu.memory_space<vmem>>, vector<16xf32>,
        %get3A_311 = arith.constant 0 : i32
        %get3A_312 = arith.index_cast %get3A_311 : i32 to index
        %get3A_313 = arith.constant 96 : index
        %get3A_314 = tpu.vector_load %arg5[%get3A_312, %get3A_313] {strides = array<i32>} : memref<4x128xf32, #tpu.memory_space<vmem>>, vector<16xf32>,
        %get3A_315 = arith.constant 1 : i32
        %get3A_316 = arith.index_cast %get3A_315 : i32 to index
        %get3A_317 = arith.constant 96 : index
        %get3A_318 = tpu.vector_load %arg5[%get3A_316, %get3A_317] {strides = array<i32>} : memref<4x128xf32, #tpu.memory_space<vmem>>, vector<16xf32>,
        %add3A_319 = arith.addf %get3A_314, %get3A_318 : vector<16xf32>
        %get3A_320 = arith.constant 2 : i32
        %get3A_321 = arith.index_cast %get3A_320 : i32 to index
        %get3A_322 = arith.constant 96 : index
        %get3A_323 = tpu.vector_load %arg5[%get3A_321, %get3A_322] {strides = array<i32>} : memref<4x128xf32, #tpu.memory_space<vmem>>, vector<16xf32>,
        %add3A_324 = arith.addf %add3A_319, %get3A_323 : vector<16xf32>
        %get3A_325 = arith.constant 3 : i32
        %get3A_326 = arith.index_cast %get3A_325 : i32 to index
        %get3A_327 = arith.constant 96 : index
        %get3A_328 = tpu.vector_load %arg5[%get3A_326, %get3A_327] {strides = array<i32>} : memref<4x128xf32, #tpu.memory_space<vmem>>, vector<16xf32>,
        %add3A_329 = arith.addf %add3A_324, %get3A_328 : vector<16xf32>
        %swap3A_330 = arith.constant 96 : index
        %swap3A_331 = tpu.vector_load %arg6[%swap3A_330] {strides = array<i32>} : memref<128xf32, #tpu.memory_space<vmem>>, vector<16xf32>,
        tpu.vector_store %arg6[%swap3A_330], %add3A_329 {strides = array<i32>} : memref<128xf32, #tpu.memory_space<vmem>>, vector<16xf32>,
        %get3A_332 = arith.constant 0 : i32
        %get3A_333 = arith.index_cast %get3A_332 : i32 to index
        %get3A_334 = arith.constant 112 : index
        %get3A_335 = tpu.vector_load %arg5[%get3A_333, %get3A_334] {strides = array<i32>} : memref<4x128xf32, #tpu.memory_space<vmem>>, vector<16xf32>,
        %get3A_336 = arith.constant 1 : i32
        %get3A_337 = arith.index_cast %get3A_336 : i32 to index
        %get3A_338 = arith.constant 112 : index
        %get3A_339 = tpu.vector_load %arg5[%get3A_337, %get3A_338] {strides = array<i32>} : memref<4x128xf32, #tpu.memory_space<vmem>>, vector<16xf32>,
        %add3A_340 = arith.addf %get3A_335, %get3A_339 : vector<16xf32>
        %get3A_341 = arith.constant 2 : i32
        %get3A_342 = arith.index_cast %get3A_341 : i32 to index
        %get3A_343 = arith.constant 112 : index
        %get3A_344 = tpu.vector_load %arg5[%get3A_342, %get3A_343] {strides = array<i32>} : memref<4x128xf32, #tpu.memory_space<vmem>>, vector<16xf32>,
        %add3A_345 = arith.addf %add3A_340, %get3A_344 : vector<16xf32>
        %get3A_346 = arith.constant 3 : i32
        %get3A_347 = arith.index_cast %get3A_346 : i32 to index
        %get3A_348 = arith.constant 112 : index
        %get3A_349 = tpu.vector_load %arg5[%get3A_347, %get3A_348] {strides = array<i32>} : memref<4x128xf32, #tpu.memory_space<vmem>>, vector<16xf32>,
        %add3A_350 = arith.addf %add3A_345, %get3A_349 : vector<16xf32>
        %swap3A_351 = arith.constant 112 : index
        %swap3A_352 = tpu.vector_load %arg6[%swap3A_351] {strides = array<i32>} : memref<128xf32, #tpu.memory_space<vmem>>, vector<16xf32>,
        tpu.vector_store %arg6[%swap3A_351], %add3A_350 {strides = array<i32>} : memref<128xf32, #tpu.memory_space<vmem>>, vector<16xf32>,
      } else {
      }
      %eq3A_6 = arith.constant 15 : i32
      %eq3A_7 = arith.cmpi eq, %arg1, %eq3A_6 : i32
      %convert_element_type3A_8 = arith.extui %eq3A_7 : i1 to i32
      %cond3A_9 = arith.constant 0 : i32
      %cond3A_10 = arith.cmpi ne, %convert_element_type3A_8, %cond3A_9 : i32
      scf.if %cond3A_10 {
        %mul3A = arith.constant 3136 : i32
        %mul3A_16 = arith.muli %arg1, %mul3A : i32
        "tpu.region"() ({
          %run_scoped3A = tpu.sem_alloc : memref<!tpu.dma_semaphore, #tpu.memory_space<semaphore_mem>>
          %dma_start3A = arith.constant 0 : i32
          %dma_start3A_323 = tpu.memref_slice %arg4[%dma_start3A] : memref<3136xi32, #tpu.memory_space<vmem>> -> memref<2960xi32, #tpu.memory_space<vmem>>
          %dma_start3A_324 = tpu.memref_slice %arg2[%mul3A_16] : memref<50000xi32, #tpu.memory_space<hbm>> -> memref<2960xi32, #tpu.memory_space<hbm>>
          %dma_start3A_325 = arith.constant 0 : i32
          %dma_start3A_326 = tpu.memref_slice %arg4[%dma_start3A_325] : memref<3136xi32, #tpu.memory_space<vmem>> -> memref<2960xi32, #tpu.memory_space<vmem>>
          %dma_start3A_327 = tpu.memref_slice %arg2[%mul3A_16] : memref<50000xi32, #tpu.memory_space<hbm>> -> memref<2960xi32, #tpu.memory_space<hbm>>
          tpu.enqueue_dma source(%dma_start3A_327 : memref<2960xi32, #tpu.memory_space<hbm>>) target(%dma_start3A_326 : memref<2960xi32, #tpu.memory_space<vmem>>) target_semaphore(%run_scoped3A : memref<!tpu.dma_semaphore, #tpu.memory_space<semaphore_mem>>)
          %dma_wait3A = arith.constant 0 : i32
          %dma_wait3A_328 = tpu.memref_slice %arg4[%dma_wait3A] : memref<3136xi32, #tpu.memory_space<vmem>> -> memref<2960xi32, #tpu.memory_space<vmem>>
          %dma_wait3A_329 = tpu.memref_slice %arg2[%mul3A_16] : memref<50000xi32, #tpu.memory_space<hbm>> -> memref<2960xi32, #tpu.memory_space<hbm>>
          %dma_wait3A_330 = arith.constant 0 : i32
          %dma_wait3A_331 = tpu.memref_slice %arg4[%dma_wait3A_330] : memref<3136xi32, #tpu.memory_space<vmem>> -> memref<2960xi32, #tpu.memory_space<vmem>>
          %dma_wait3A_332 = tpu.memref_slice %arg2[%mul3A_16] : memref<50000xi32, #tpu.memory_space<hbm>> -> memref<2960xi32, #tpu.memory_space<hbm>>
          tpu.wait_dma2 semaphore(%run_scoped3A : memref<!tpu.dma_semaphore, #tpu.memory_space<semaphore_mem>>) src(%dma_wait3A_332 : memref<2960xi32, #tpu.memory_space<hbm>>) dst(%dma_wait3A_331 : memref<2960xi32, #tpu.memory_space<vmem>>)
          tpu.yield
        }) : () -> ()
        %broadcast_in_dim3A = arith.constant 0.000000e+00 : f32
        %broadcast_in_dim3A_17 = vector.broadcast %broadcast_in_dim3A : f32 to vector<16xf32>
        %swap3A = arith.constant 0 : i32
        %swap3A_18 = arith.index_cast %swap3A : i32 to index
        %swap3A_19 = arith.constant 0 : index
        %swap3A_20 = tpu.vector_load %arg5[%swap3A_18, %swap3A_19] {strides = array<i32>} : memref<4x128xf32, #tpu.memory_space<vmem>>, vector<16xf32>,
        tpu.vector_store %arg5[%swap3A_18, %swap3A_19], %broadcast_in_dim3A_17 {strides = array<i32>} : memref<4x128xf32, #tpu.memory_space<vmem>>, vector<16xf32>,
        %swap3A_21 = arith.constant 0 : i32
        %swap3A_22 = arith.index_cast %swap3A_21 : i32 to index
        %swap3A_23 = arith.constant 16 : index
        %swap3A_24 = tpu.vector_load %arg5[%swap3A_22, %swap3A_23] {strides = array<i32>} : memref<4x128xf32, #tpu.memory_space<vmem>>, vector<16xf32>,
        tpu.vector_store %arg5[%swap3A_22, %swap3A_23], %broadcast_in_dim3A_17 {strides = array<i32>} : memref<4x128xf32, #tpu.memory_space<vmem>>, vector<16xf32>,
        %swap3A_25 = arith.constant 0 : i32
        %swap3A_26 = arith.index_cast %swap3A_25 : i32 to index
        %swap3A_27 = arith.constant 32 : index
        %swap3A_28 = tpu.vector_load %arg5[%swap3A_26, %swap3A_27] {strides = array<i32>} : memref<4x128xf32, #tpu.memory_space<vmem>>, vector<16xf32>,
        tpu.vector_store %arg5[%swap3A_26, %swap3A_27], %broadcast_in_dim3A_17 {strides = array<i32>} : memref<4x128xf32, #tpu.memory_space<vmem>>, vector<16xf32>,
        %swap3A_29 = arith.constant 0 : i32
        %swap3A_30 = arith.index_cast %swap3A_29 : i32 to index
        %swap3A_31 = arith.constant 48 : index
        %swap3A_32 = tpu.vector_load %arg5[%swap3A_30, %swap3A_31] {strides = array<i32>} : memref<4x128xf32, #tpu.memory_space<vmem>>, vector<16xf32>,
        tpu.vector_store %arg5[%swap3A_30, %swap3A_31], %broadcast_in_dim3A_17 {strides = array<i32>} : memref<4x128xf32, #tpu.memory_space<vmem>>, vector<16xf32>,
        %swap3A_33 = arith.constant 0 : i32
        %swap3A_34 = arith.index_cast %swap3A_33 : i32 to index
        %swap3A_35 = arith.constant 64 : index
        %swap3A_36 = tpu.vector_load %arg5[%swap3A_34, %swap3A_35] {strides = array<i32>} : memref<4x128xf32, #tpu.memory_space<vmem>>, vector<16xf32>,
        tpu.vector_store %arg5[%swap3A_34, %swap3A_35], %broadcast_in_dim3A_17 {strides = array<i32>} : memref<4x128xf32, #tpu.memory_space<vmem>>, vector<16xf32>,
        %swap3A_37 = arith.constant 0 : i32
        %swap3A_38 = arith.index_cast %swap3A_37 : i32 to index
        %swap3A_39 = arith.constant 80 : index
        %swap3A_40 = tpu.vector_load %arg5[%swap3A_38, %swap3A_39] {strides = array<i32>} : memref<4x128xf32, #tpu.memory_space<vmem>>, vector<16xf32>,
        tpu.vector_store %arg5[%swap3A_38, %swap3A_39], %broadcast_in_dim3A_17 {strides = array<i32>} : memref<4x128xf32, #tpu.memory_space<vmem>>, vector<16xf32>,
        %swap3A_41 = arith.constant 0 : i32
        %swap3A_42 = arith.index_cast %swap3A_41 : i32 to index
        %swap3A_43 = arith.constant 96 : index
        %swap3A_44 = tpu.vector_load %arg5[%swap3A_42, %swap3A_43] {strides = array<i32>} : memref<4x128xf32, #tpu.memory_space<vmem>>, vector<16xf32>,
        tpu.vector_store %arg5[%swap3A_42, %swap3A_43], %broadcast_in_dim3A_17 {strides = array<i32>} : memref<4x128xf32, #tpu.memory_space<vmem>>, vector<16xf32>,
        %swap3A_45 = arith.constant 0 : i32
        %swap3A_46 = arith.index_cast %swap3A_45 : i32 to index
        %swap3A_47 = arith.constant 112 : index
        %swap3A_48 = tpu.vector_load %arg5[%swap3A_46, %swap3A_47] {strides = array<i32>} : memref<4x128xf32, #tpu.memory_space<vmem>>, vector<16xf32>,
        tpu.vector_store %arg5[%swap3A_46, %swap3A_47], %broadcast_in_dim3A_17 {strides = array<i32>} : memref<4x128xf32, #tpu.memory_space<vmem>>, vector<16xf32>,
        %swap3A_49 = arith.constant 1 : i32
        %swap3A_50 = arith.index_cast %swap3A_49 : i32 to index
        %swap3A_51 = arith.constant 0 : index
        %swap3A_52 = tpu.vector_load %arg5[%swap3A_50, %swap3A_51] {strides = array<i32>} : memref<4x128xf32, #tpu.memory_space<vmem>>, vector<16xf32>,
        tpu.vector_store %arg5[%swap3A_50, %swap3A_51], %broadcast_in_dim3A_17 {strides = array<i32>} : memref<4x128xf32, #tpu.memory_space<vmem>>, vector<16xf32>,
        %swap3A_53 = arith.constant 1 : i32
        %swap3A_54 = arith.index_cast %swap3A_53 : i32 to index
        %swap3A_55 = arith.constant 16 : index
        %swap3A_56 = tpu.vector_load %arg5[%swap3A_54, %swap3A_55] {strides = array<i32>} : memref<4x128xf32, #tpu.memory_space<vmem>>, vector<16xf32>,
        tpu.vector_store %arg5[%swap3A_54, %swap3A_55], %broadcast_in_dim3A_17 {strides = array<i32>} : memref<4x128xf32, #tpu.memory_space<vmem>>, vector<16xf32>,
        %swap3A_57 = arith.constant 1 : i32
        %swap3A_58 = arith.index_cast %swap3A_57 : i32 to index
        %swap3A_59 = arith.constant 32 : index
        %swap3A_60 = tpu.vector_load %arg5[%swap3A_58, %swap3A_59] {strides = array<i32>} : memref<4x128xf32, #tpu.memory_space<vmem>>, vector<16xf32>,
        tpu.vector_store %arg5[%swap3A_58, %swap3A_59], %broadcast_in_dim3A_17 {strides = array<i32>} : memref<4x128xf32, #tpu.memory_space<vmem>>, vector<16xf32>,
        %swap3A_61 = arith.constant 1 : i32
        %swap3A_62 = arith.index_cast %swap3A_61 : i32 to index
        %swap3A_63 = arith.constant 48 : index
        %swap3A_64 = tpu.vector_load %arg5[%swap3A_62, %swap3A_63] {strides = array<i32>} : memref<4x128xf32, #tpu.memory_space<vmem>>, vector<16xf32>,
        tpu.vector_store %arg5[%swap3A_62, %swap3A_63], %broadcast_in_dim3A_17 {strides = array<i32>} : memref<4x128xf32, #tpu.memory_space<vmem>>, vector<16xf32>,
        %swap3A_65 = arith.constant 1 : i32
        %swap3A_66 = arith.index_cast %swap3A_65 : i32 to index
        %swap3A_67 = arith.constant 64 : index
        %swap3A_68 = tpu.vector_load %arg5[%swap3A_66, %swap3A_67] {strides = array<i32>} : memref<4x128xf32, #tpu.memory_space<vmem>>, vector<16xf32>,
        tpu.vector_store %arg5[%swap3A_66, %swap3A_67], %broadcast_in_dim3A_17 {strides = array<i32>} : memref<4x128xf32, #tpu.memory_space<vmem>>, vector<16xf32>,
        %swap3A_69 = arith.constant 1 : i32
        %swap3A_70 = arith.index_cast %swap3A_69 : i32 to index
        %swap3A_71 = arith.constant 80 : index
        %swap3A_72 = tpu.vector_load %arg5[%swap3A_70, %swap3A_71] {strides = array<i32>} : memref<4x128xf32, #tpu.memory_space<vmem>>, vector<16xf32>,
        tpu.vector_store %arg5[%swap3A_70, %swap3A_71], %broadcast_in_dim3A_17 {strides = array<i32>} : memref<4x128xf32, #tpu.memory_space<vmem>>, vector<16xf32>,
        %swap3A_73 = arith.constant 1 : i32
        %swap3A_74 = arith.index_cast %swap3A_73 : i32 to index
        %swap3A_75 = arith.constant 96 : index
        %swap3A_76 = tpu.vector_load %arg5[%swap3A_74, %swap3A_75] {strides = array<i32>} : memref<4x128xf32, #tpu.memory_space<vmem>>, vector<16xf32>,
        tpu.vector_store %arg5[%swap3A_74, %swap3A_75], %broadcast_in_dim3A_17 {strides = array<i32>} : memref<4x128xf32, #tpu.memory_space<vmem>>, vector<16xf32>,
        %swap3A_77 = arith.constant 1 : i32
        %swap3A_78 = arith.index_cast %swap3A_77 : i32 to index
        %swap3A_79 = arith.constant 112 : index
        %swap3A_80 = tpu.vector_load %arg5[%swap3A_78, %swap3A_79] {strides = array<i32>} : memref<4x128xf32, #tpu.memory_space<vmem>>, vector<16xf32>,
        tpu.vector_store %arg5[%swap3A_78, %swap3A_79], %broadcast_in_dim3A_17 {strides = array<i32>} : memref<4x128xf32, #tpu.memory_space<vmem>>, vector<16xf32>,
        %swap3A_81 = arith.constant 2 : i32
        %swap3A_82 = arith.index_cast %swap3A_81 : i32 to index
        %swap3A_83 = arith.constant 0 : index
        %swap3A_84 = tpu.vector_load %arg5[%swap3A_82, %swap3A_83] {strides = array<i32>} : memref<4x128xf32, #tpu.memory_space<vmem>>, vector<16xf32>,
        tpu.vector_store %arg5[%swap3A_82, %swap3A_83], %broadcast_in_dim3A_17 {strides = array<i32>} : memref<4x128xf32, #tpu.memory_space<vmem>>, vector<16xf32>,
        %swap3A_85 = arith.constant 2 : i32
        %swap3A_86 = arith.index_cast %swap3A_85 : i32 to index
        %swap3A_87 = arith.constant 16 : index
        %swap3A_88 = tpu.vector_load %arg5[%swap3A_86, %swap3A_87] {strides = array<i32>} : memref<4x128xf32, #tpu.memory_space<vmem>>, vector<16xf32>,
        tpu.vector_store %arg5[%swap3A_86, %swap3A_87], %broadcast_in_dim3A_17 {strides = array<i32>} : memref<4x128xf32, #tpu.memory_space<vmem>>, vector<16xf32>,
        %swap3A_89 = arith.constant 2 : i32
        %swap3A_90 = arith.index_cast %swap3A_89 : i32 to index
        %swap3A_91 = arith.constant 32 : index
        %swap3A_92 = tpu.vector_load %arg5[%swap3A_90, %swap3A_91] {strides = array<i32>} : memref<4x128xf32, #tpu.memory_space<vmem>>, vector<16xf32>,
        tpu.vector_store %arg5[%swap3A_90, %swap3A_91], %broadcast_in_dim3A_17 {strides = array<i32>} : memref<4x128xf32, #tpu.memory_space<vmem>>, vector<16xf32>,
        %swap3A_93 = arith.constant 2 : i32
        %swap3A_94 = arith.index_cast %swap3A_93 : i32 to index
        %swap3A_95 = arith.constant 48 : index
        %swap3A_96 = tpu.vector_load %arg5[%swap3A_94, %swap3A_95] {strides = array<i32>} : memref<4x128xf32, #tpu.memory_space<vmem>>, vector<16xf32>,
        tpu.vector_store %arg5[%swap3A_94, %swap3A_95], %broadcast_in_dim3A_17 {strides = array<i32>} : memref<4x128xf32, #tpu.memory_space<vmem>>, vector<16xf32>,
        %swap3A_97 = arith.constant 2 : i32
        %swap3A_98 = arith.index_cast %swap3A_97 : i32 to index
        %swap3A_99 = arith.constant 64 : index
        %swap3A_100 = tpu.vector_load %arg5[%swap3A_98, %swap3A_99] {strides = array<i32>} : memref<4x128xf32, #tpu.memory_space<vmem>>, vector<16xf32>,
        tpu.vector_store %arg5[%swap3A_98, %swap3A_99], %broadcast_in_dim3A_17 {strides = array<i32>} : memref<4x128xf32, #tpu.memory_space<vmem>>, vector<16xf32>,
        %swap3A_101 = arith.constant 2 : i32
        %swap3A_102 = arith.index_cast %swap3A_101 : i32 to index
        %swap3A_103 = arith.constant 80 : index
        %swap3A_104 = tpu.vector_load %arg5[%swap3A_102, %swap3A_103] {strides = array<i32>} : memref<4x128xf32, #tpu.memory_space<vmem>>, vector<16xf32>,
        tpu.vector_store %arg5[%swap3A_102, %swap3A_103], %broadcast_in_dim3A_17 {strides = array<i32>} : memref<4x128xf32, #tpu.memory_space<vmem>>, vector<16xf32>,
        %swap3A_105 = arith.constant 2 : i32
        %swap3A_106 = arith.index_cast %swap3A_105 : i32 to index
        %swap3A_107 = arith.constant 96 : index
        %swap3A_108 = tpu.vector_load %arg5[%swap3A_106, %swap3A_107] {strides = array<i32>} : memref<4x128xf32, #tpu.memory_space<vmem>>, vector<16xf32>,
        tpu.vector_store %arg5[%swap3A_106, %swap3A_107], %broadcast_in_dim3A_17 {strides = array<i32>} : memref<4x128xf32, #tpu.memory_space<vmem>>, vector<16xf32>,
        %swap3A_109 = arith.constant 2 : i32
        %swap3A_110 = arith.index_cast %swap3A_109 : i32 to index
        %swap3A_111 = arith.constant 112 : index
        %swap3A_112 = tpu.vector_load %arg5[%swap3A_110, %swap3A_111] {strides = array<i32>} : memref<4x128xf32, #tpu.memory_space<vmem>>, vector<16xf32>,
        tpu.vector_store %arg5[%swap3A_110, %swap3A_111], %broadcast_in_dim3A_17 {strides = array<i32>} : memref<4x128xf32, #tpu.memory_space<vmem>>, vector<16xf32>,
        %swap3A_113 = arith.constant 3 : i32
        %swap3A_114 = arith.index_cast %swap3A_113 : i32 to index
        %swap3A_115 = arith.constant 0 : index
        %swap3A_116 = tpu.vector_load %arg5[%swap3A_114, %swap3A_115] {strides = array<i32>} : memref<4x128xf32, #tpu.memory_space<vmem>>, vector<16xf32>,
        tpu.vector_store %arg5[%swap3A_114, %swap3A_115], %broadcast_in_dim3A_17 {strides = array<i32>} : memref<4x128xf32, #tpu.memory_space<vmem>>, vector<16xf32>,
        %swap3A_117 = arith.constant 3 : i32
        %swap3A_118 = arith.index_cast %swap3A_117 : i32 to index
        %swap3A_119 = arith.constant 16 : index
        %swap3A_120 = tpu.vector_load %arg5[%swap3A_118, %swap3A_119] {strides = array<i32>} : memref<4x128xf32, #tpu.memory_space<vmem>>, vector<16xf32>,
        tpu.vector_store %arg5[%swap3A_118, %swap3A_119], %broadcast_in_dim3A_17 {strides = array<i32>} : memref<4x128xf32, #tpu.memory_space<vmem>>, vector<16xf32>,
        %swap3A_121 = arith.constant 3 : i32
        %swap3A_122 = arith.index_cast %swap3A_121 : i32 to index
        %swap3A_123 = arith.constant 32 : index
        %swap3A_124 = tpu.vector_load %arg5[%swap3A_122, %swap3A_123] {strides = array<i32>} : memref<4x128xf32, #tpu.memory_space<vmem>>, vector<16xf32>,
        tpu.vector_store %arg5[%swap3A_122, %swap3A_123], %broadcast_in_dim3A_17 {strides = array<i32>} : memref<4x128xf32, #tpu.memory_space<vmem>>, vector<16xf32>,
        %swap3A_125 = arith.constant 3 : i32
        %swap3A_126 = arith.index_cast %swap3A_125 : i32 to index
        %swap3A_127 = arith.constant 48 : index
        %swap3A_128 = tpu.vector_load %arg5[%swap3A_126, %swap3A_127] {strides = array<i32>} : memref<4x128xf32, #tpu.memory_space<vmem>>, vector<16xf32>,
        tpu.vector_store %arg5[%swap3A_126, %swap3A_127], %broadcast_in_dim3A_17 {strides = array<i32>} : memref<4x128xf32, #tpu.memory_space<vmem>>, vector<16xf32>,
        %swap3A_129 = arith.constant 3 : i32
        %swap3A_130 = arith.index_cast %swap3A_129 : i32 to index
        %swap3A_131 = arith.constant 64 : index
        %swap3A_132 = tpu.vector_load %arg5[%swap3A_130, %swap3A_131] {strides = array<i32>} : memref<4x128xf32, #tpu.memory_space<vmem>>, vector<16xf32>,
        tpu.vector_store %arg5[%swap3A_130, %swap3A_131], %broadcast_in_dim3A_17 {strides = array<i32>} : memref<4x128xf32, #tpu.memory_space<vmem>>, vector<16xf32>,
        %swap3A_133 = arith.constant 3 : i32
        %swap3A_134 = arith.index_cast %swap3A_133 : i32 to index
        %swap3A_135 = arith.constant 80 : index
        %swap3A_136 = tpu.vector_load %arg5[%swap3A_134, %swap3A_135] {strides = array<i32>} : memref<4x128xf32, #tpu.memory_space<vmem>>, vector<16xf32>,
        tpu.vector_store %arg5[%swap3A_134, %swap3A_135], %broadcast_in_dim3A_17 {strides = array<i32>} : memref<4x128xf32, #tpu.memory_space<vmem>>, vector<16xf32>,
        %swap3A_137 = arith.constant 3 : i32
        %swap3A_138 = arith.index_cast %swap3A_137 : i32 to index
        %swap3A_139 = arith.constant 96 : index
        %swap3A_140 = tpu.vector_load %arg5[%swap3A_138, %swap3A_139] {strides = array<i32>} : memref<4x128xf32, #tpu.memory_space<vmem>>, vector<16xf32>,
        tpu.vector_store %arg5[%swap3A_138, %swap3A_139], %broadcast_in_dim3A_17 {strides = array<i32>} : memref<4x128xf32, #tpu.memory_space<vmem>>, vector<16xf32>,
        %swap3A_141 = arith.constant 3 : i32
        %swap3A_142 = arith.index_cast %swap3A_141 : i32 to index
        %swap3A_143 = arith.constant 112 : index
        %swap3A_144 = tpu.vector_load %arg5[%swap3A_142, %swap3A_143] {strides = array<i32>} : memref<4x128xf32, #tpu.memory_space<vmem>>, vector<16xf32>,
        tpu.vector_store %arg5[%swap3A_142, %swap3A_143], %broadcast_in_dim3A_17 {strides = array<i32>} : memref<4x128xf32, #tpu.memory_space<vmem>>, vector<16xf32>,
        %broadcast_in_dim3A_145 = arith.constant 1.000000e+00 : f32
        %broadcast_in_dim3A_146 = vector.broadcast %broadcast_in_dim3A_145 : f32 to vector<16xf32>
        %scan3A = arith.constant 0 : i32
        %scan3A_147 = arith.constant 0 : i32
        %scan3A_148 = arith.constant 46 : i32
        %scan3A_149 = arith.addi %scan3A_147, %scan3A_148 : i32
        %scan3A_150 = arith.constant 2 : i32
        scf.for %scan3A_323 = %scan3A_147 to %scan3A_149 step %scan3A_150  : i32 {
          %mul3A_324 = arith.constant 64 : i32
          %mul3A_325 = arith.muli %scan3A_323, %mul3A_324 : i32
          %add3A_326 = arith.constant 0 : i32
          %add3A_327 = arith.addi %mul3A_325, %add3A_326 : i32
          %get3A_328 = arith.index_cast %add3A_327 : i32 to index
          %get3A_329 = tpu.vector_load %arg4[%get3A_328] {strides = array<i32>} : memref<3136xi32, #tpu.memory_space<vmem>>, vector<16xi32>,
          %scatter3A_330 = arith.constant 0 : i32
          %scatter3A_331 = arith.constant 0 : i32
          %scatter3A_332 = tpu.memref_slice %arg5[%scatter3A_330, %scatter3A_331] : memref<4x128xf32, #tpu.memory_space<vmem>> -> memref<1x128xf32, #tpu.memory_space<vmem>>
          %scatter3A_333 = tpu.memref_squeeze %scatter3A_332 : memref<1x128xf32, #tpu.memory_space<vmem>> -> memref<128xf32, #tpu.memory_space<vmem>>
          tpu.vector_store_idx %scatter3A_333[%get3A_329], %broadcast_in_dim3A_146 {add = true} : memref<128xf32, #tpu.memory_space<vmem>>[vector<16xi32>], vector<16xf32>,
          %add3A_334 = arith.constant 16 : i32
          %add3A_335 = arith.addi %mul3A_325, %add3A_334 : i32
          %get3A_336 = arith.index_cast %add3A_335 : i32 to index
          %get3A_337 = tpu.vector_load %arg4[%get3A_336] {strides = array<i32>} : memref<3136xi32, #tpu.memory_space<vmem>>, vector<16xi32>,
          %scatter3A_338 = arith.constant 1 : i32
          %scatter3A_339 = arith.constant 0 : i32
          %scatter3A_340 = tpu.memref_slice %arg5[%scatter3A_338, %scatter3A_339] : memref<4x128xf32, #tpu.memory_space<vmem>> -> memref<1x128xf32, #tpu.memory_space<vmem>>
          %scatter3A_341 = tpu.memref_squeeze %scatter3A_340 : memref<1x128xf32, #tpu.memory_space<vmem>> -> memref<128xf32, #tpu.memory_space<vmem>>
          tpu.vector_store_idx %scatter3A_341[%get3A_337], %broadcast_in_dim3A_146 {add = true} : memref<128xf32, #tpu.memory_space<vmem>>[vector<16xi32>], vector<16xf32>,
          %add3A_342 = arith.constant 32 : i32
          %add3A_343 = arith.addi %mul3A_325, %add3A_342 : i32
          %get3A_344 = arith.index_cast %add3A_343 : i32 to index
          %get3A_345 = tpu.vector_load %arg4[%get3A_344] {strides = array<i32>} : memref<3136xi32, #tpu.memory_space<vmem>>, vector<16xi32>,
          %scatter3A_346 = arith.constant 2 : i32
          %scatter3A_347 = arith.constant 0 : i32
          %scatter3A_348 = tpu.memref_slice %arg5[%scatter3A_346, %scatter3A_347] : memref<4x128xf32, #tpu.memory_space<vmem>> -> memref<1x128xf32, #tpu.memory_space<vmem>>
          %scatter3A_349 = tpu.memref_squeeze %scatter3A_348 : memref<1x128xf32, #tpu.memory_space<vmem>> -> memref<128xf32, #tpu.memory_space<vmem>>
          tpu.vector_store_idx %scatter3A_349[%get3A_345], %broadcast_in_dim3A_146 {add = true} : memref<128xf32, #tpu.memory_space<vmem>>[vector<16xi32>], vector<16xf32>,
          %add3A_350 = arith.constant 48 : i32
          %add3A_351 = arith.addi %mul3A_325, %add3A_350 : i32
          %get3A_352 = arith.index_cast %add3A_351 : i32 to index
          %get3A_353 = tpu.vector_load %arg4[%get3A_352] {strides = array<i32>} : memref<3136xi32, #tpu.memory_space<vmem>>, vector<16xi32>,
          %scatter3A_354 = arith.constant 3 : i32
          %scatter3A_355 = arith.constant 0 : i32
          %scatter3A_356 = tpu.memref_slice %arg5[%scatter3A_354, %scatter3A_355] : memref<4x128xf32, #tpu.memory_space<vmem>> -> memref<1x128xf32, #tpu.memory_space<vmem>>
          %scatter3A_357 = tpu.memref_squeeze %scatter3A_356 : memref<1x128xf32, #tpu.memory_space<vmem>> -> memref<128xf32, #tpu.memory_space<vmem>>
          tpu.vector_store_idx %scatter3A_357[%get3A_353], %broadcast_in_dim3A_146 {add = true} : memref<128xf32, #tpu.memory_space<vmem>>[vector<16xi32>], vector<16xf32>,
          %scan3A_358 = arith.constant 1 : i32
          %scan3A_359 = arith.addi %scan3A_323, %scan3A_358 : i32
          %mul3A_360 = arith.constant 64 : i32
          %mul3A_361 = arith.muli %scan3A_359, %mul3A_360 : i32
          %add3A_362 = arith.constant 0 : i32
          %add3A_363 = arith.addi %mul3A_361, %add3A_362 : i32
          %get3A_364 = arith.index_cast %add3A_363 : i32 to index
          %get3A_365 = tpu.vector_load %arg4[%get3A_364] {strides = array<i32>} : memref<3136xi32, #tpu.memory_space<vmem>>, vector<16xi32>,
          %scatter3A_366 = arith.constant 0 : i32
          %scatter3A_367 = arith.constant 0 : i32
          %scatter3A_368 = tpu.memref_slice %arg5[%scatter3A_366, %scatter3A_367] : memref<4x128xf32, #tpu.memory_space<vmem>> -> memref<1x128xf32, #tpu.memory_space<vmem>>
          %scatter3A_369 = tpu.memref_squeeze %scatter3A_368 : memref<1x128xf32, #tpu.memory_space<vmem>> -> memref<128xf32, #tpu.memory_space<vmem>>
          tpu.vector_store_idx %scatter3A_369[%get3A_365], %broadcast_in_dim3A_146 {add = true} : memref<128xf32, #tpu.memory_space<vmem>>[vector<16xi32>], vector<16xf32>,
          %add3A_370 = arith.constant 16 : i32
          %add3A_371 = arith.addi %mul3A_361, %add3A_370 : i32
          %get3A_372 = arith.index_cast %add3A_371 : i32 to index
          %get3A_373 = tpu.vector_load %arg4[%get3A_372] {strides = array<i32>} : memref<3136xi32, #tpu.memory_space<vmem>>, vector<16xi32>,
          %scatter3A_374 = arith.constant 1 : i32
          %scatter3A_375 = arith.constant 0 : i32
          %scatter3A_376 = tpu.memref_slice %arg5[%scatter3A_374, %scatter3A_375] : memref<4x128xf32, #tpu.memory_space<vmem>> -> memref<1x128xf32, #tpu.memory_space<vmem>>
          %scatter3A_377 = tpu.memref_squeeze %scatter3A_376 : memref<1x128xf32, #tpu.memory_space<vmem>> -> memref<128xf32, #tpu.memory_space<vmem>>
          tpu.vector_store_idx %scatter3A_377[%get3A_373], %broadcast_in_dim3A_146 {add = true} : memref<128xf32, #tpu.memory_space<vmem>>[vector<16xi32>], vector<16xf32>,
          %add3A_378 = arith.constant 32 : i32
          %add3A_379 = arith.addi %mul3A_361, %add3A_378 : i32
          %get3A_380 = arith.index_cast %add3A_379 : i32 to index
          %get3A_381 = tpu.vector_load %arg4[%get3A_380] {strides = array<i32>} : memref<3136xi32, #tpu.memory_space<vmem>>, vector<16xi32>,
          %scatter3A_382 = arith.constant 2 : i32
          %scatter3A_383 = arith.constant 0 : i32
          %scatter3A_384 = tpu.memref_slice %arg5[%scatter3A_382, %scatter3A_383] : memref<4x128xf32, #tpu.memory_space<vmem>> -> memref<1x128xf32, #tpu.memory_space<vmem>>
          %scatter3A_385 = tpu.memref_squeeze %scatter3A_384 : memref<1x128xf32, #tpu.memory_space<vmem>> -> memref<128xf32, #tpu.memory_space<vmem>>
          tpu.vector_store_idx %scatter3A_385[%get3A_381], %broadcast_in_dim3A_146 {add = true} : memref<128xf32, #tpu.memory_space<vmem>>[vector<16xi32>], vector<16xf32>,
          %add3A_386 = arith.constant 48 : i32
          %add3A_387 = arith.addi %mul3A_361, %add3A_386 : i32
          %get3A_388 = arith.index_cast %add3A_387 : i32 to index
          %get3A_389 = tpu.vector_load %arg4[%get3A_388] {strides = array<i32>} : memref<3136xi32, #tpu.memory_space<vmem>>, vector<16xi32>,
          %scatter3A_390 = arith.constant 3 : i32
          %scatter3A_391 = arith.constant 0 : i32
          %scatter3A_392 = tpu.memref_slice %arg5[%scatter3A_390, %scatter3A_391] : memref<4x128xf32, #tpu.memory_space<vmem>> -> memref<1x128xf32, #tpu.memory_space<vmem>>
          %scatter3A_393 = tpu.memref_squeeze %scatter3A_392 : memref<1x128xf32, #tpu.memory_space<vmem>> -> memref<128xf32, #tpu.memory_space<vmem>>
          tpu.vector_store_idx %scatter3A_393[%get3A_389], %broadcast_in_dim3A_146 {add = true} : memref<128xf32, #tpu.memory_space<vmem>>[vector<16xi32>], vector<16xf32>,
        }
        %scan3A_151 = arith.constant 46 : i32
        %get3A = arith.constant 2944 : index
        %get3A_152 = tpu.vector_load %arg4[%get3A] {strides = array<i32>} : memref<3136xi32, #tpu.memory_space<vmem>>, vector<16xi32>,
        %scatter3A = arith.constant 0 : i32
        %scatter3A_153 = arith.constant 0 : i32
        %scatter3A_154 = tpu.memref_slice %arg5[%scatter3A, %scatter3A_153] : memref<4x128xf32, #tpu.memory_space<vmem>> -> memref<1x128xf32, #tpu.memory_space<vmem>>
        %scatter3A_155 = tpu.memref_squeeze %scatter3A_154 : memref<1x128xf32, #tpu.memory_space<vmem>> -> memref<128xf32, #tpu.memory_space<vmem>>
        tpu.vector_store_idx %scatter3A_155[%get3A_152], %broadcast_in_dim3A_146 {add = true} : memref<128xf32, #tpu.memory_space<vmem>>[vector<16xi32>], vector<16xf32>,
        %get3A_156 = arith.constant 0 : i32
        %get3A_157 = arith.index_cast %get3A_156 : i32 to index
        %get3A_158 = arith.constant 0 : index
        %get3A_159 = tpu.vector_load %arg5[%get3A_157, %get3A_158] {strides = array<i32>} : memref<4x128xf32, #tpu.memory_space<vmem>>, vector<16xf32>,
        %get3A_160 = arith.constant 1 : i32
        %get3A_161 = arith.index_cast %get3A_160 : i32 to index
        %get3A_162 = arith.constant 0 : index
        %get3A_163 = tpu.vector_load %arg5[%get3A_161, %get3A_162] {strides = array<i32>} : memref<4x128xf32, #tpu.memory_space<vmem>>, vector<16xf32>,
        %add3A = arith.addf %get3A_159, %get3A_163 : vector<16xf32>
        %get3A_164 = arith.constant 2 : i32
        %get3A_165 = arith.index_cast %get3A_164 : i32 to index
        %get3A_166 = arith.constant 0 : index
        %get3A_167 = tpu.vector_load %arg5[%get3A_165, %get3A_166] {strides = array<i32>} : memref<4x128xf32, #tpu.memory_space<vmem>>, vector<16xf32>,
        %add3A_168 = arith.addf %add3A, %get3A_167 : vector<16xf32>
        %get3A_169 = arith.constant 3 : i32
        %get3A_170 = arith.index_cast %get3A_169 : i32 to index
        %get3A_171 = arith.constant 0 : index
        %get3A_172 = tpu.vector_load %arg5[%get3A_170, %get3A_171] {strides = array<i32>} : memref<4x128xf32, #tpu.memory_space<vmem>>, vector<16xf32>,
        %add3A_173 = arith.addf %add3A_168, %get3A_172 : vector<16xf32>
        %swap3A_174 = arith.constant 0 : index
        %swap3A_175 = tpu.vector_load %arg6[%swap3A_174] {strides = array<i32>} : memref<128xf32, #tpu.memory_space<vmem>>, vector<16xf32>,
        tpu.vector_store %arg6[%swap3A_174], %add3A_173 {strides = array<i32>} : memref<128xf32, #tpu.memory_space<vmem>>, vector<16xf32>,
        %get3A_176 = arith.constant 0 : i32
        %get3A_177 = arith.index_cast %get3A_176 : i32 to index
        %get3A_178 = arith.constant 16 : index
        %get3A_179 = tpu.vector_load %arg5[%get3A_177, %get3A_178] {strides = array<i32>} : memref<4x128xf32, #tpu.memory_space<vmem>>, vector<16xf32>,
        %get3A_180 = arith.constant 1 : i32
        %get3A_181 = arith.index_cast %get3A_180 : i32 to index
        %get3A_182 = arith.constant 16 : index
        %get3A_183 = tpu.vector_load %arg5[%get3A_181, %get3A_182] {strides = array<i32>} : memref<4x128xf32, #tpu.memory_space<vmem>>, vector<16xf32>,
        %add3A_184 = arith.addf %get3A_179, %get3A_183 : vector<16xf32>
        %get3A_185 = arith.constant 2 : i32
        %get3A_186 = arith.index_cast %get3A_185 : i32 to index
        %get3A_187 = arith.constant 16 : index
        %get3A_188 = tpu.vector_load %arg5[%get3A_186, %get3A_187] {strides = array<i32>} : memref<4x128xf32, #tpu.memory_space<vmem>>, vector<16xf32>,
        %add3A_189 = arith.addf %add3A_184, %get3A_188 : vector<16xf32>
        %get3A_190 = arith.constant 3 : i32
        %get3A_191 = arith.index_cast %get3A_190 : i32 to index
        %get3A_192 = arith.constant 16 : index
        %get3A_193 = tpu.vector_load %arg5[%get3A_191, %get3A_192] {strides = array<i32>} : memref<4x128xf32, #tpu.memory_space<vmem>>, vector<16xf32>,
        %add3A_194 = arith.addf %add3A_189, %get3A_193 : vector<16xf32>
        %swap3A_195 = arith.constant 16 : index
        %swap3A_196 = tpu.vector_load %arg6[%swap3A_195] {strides = array<i32>} : memref<128xf32, #tpu.memory_space<vmem>>, vector<16xf32>,
        tpu.vector_store %arg6[%swap3A_195], %add3A_194 {strides = array<i32>} : memref<128xf32, #tpu.memory_space<vmem>>, vector<16xf32>,
        %get3A_197 = arith.constant 0 : i32
        %get3A_198 = arith.index_cast %get3A_197 : i32 to index
        %get3A_199 = arith.constant 32 : index
        %get3A_200 = tpu.vector_load %arg5[%get3A_198, %get3A_199] {strides = array<i32>} : memref<4x128xf32, #tpu.memory_space<vmem>>, vector<16xf32>,
        %get3A_201 = arith.constant 1 : i32
        %get3A_202 = arith.index_cast %get3A_201 : i32 to index
        %get3A_203 = arith.constant 32 : index
        %get3A_204 = tpu.vector_load %arg5[%get3A_202, %get3A_203] {strides = array<i32>} : memref<4x128xf32, #tpu.memory_space<vmem>>, vector<16xf32>,
        %add3A_205 = arith.addf %get3A_200, %get3A_204 : vector<16xf32>
        %get3A_206 = arith.constant 2 : i32
        %get3A_207 = arith.index_cast %get3A_206 : i32 to index
        %get3A_208 = arith.constant 32 : index
        %get3A_209 = tpu.vector_load %arg5[%get3A_207, %get3A_208] {strides = array<i32>} : memref<4x128xf32, #tpu.memory_space<vmem>>, vector<16xf32>,
        %add3A_210 = arith.addf %add3A_205, %get3A_209 : vector<16xf32>
        %get3A_211 = arith.constant 3 : i32
        %get3A_212 = arith.index_cast %get3A_211 : i32 to index
        %get3A_213 = arith.constant 32 : index
        %get3A_214 = tpu.vector_load %arg5[%get3A_212, %get3A_213] {strides = array<i32>} : memref<4x128xf32, #tpu.memory_space<vmem>>, vector<16xf32>,
        %add3A_215 = arith.addf %add3A_210, %get3A_214 : vector<16xf32>
        %swap3A_216 = arith.constant 32 : index
        %swap3A_217 = tpu.vector_load %arg6[%swap3A_216] {strides = array<i32>} : memref<128xf32, #tpu.memory_space<vmem>>, vector<16xf32>,
        tpu.vector_store %arg6[%swap3A_216], %add3A_215 {strides = array<i32>} : memref<128xf32, #tpu.memory_space<vmem>>, vector<16xf32>,
        %get3A_218 = arith.constant 0 : i32
        %get3A_219 = arith.index_cast %get3A_218 : i32 to index
        %get3A_220 = arith.constant 48 : index
        %get3A_221 = tpu.vector_load %arg5[%get3A_219, %get3A_220] {strides = array<i32>} : memref<4x128xf32, #tpu.memory_space<vmem>>, vector<16xf32>,
        %get3A_222 = arith.constant 1 : i32
        %get3A_223 = arith.index_cast %get3A_222 : i32 to index
        %get3A_224 = arith.constant 48 : index
        %get3A_225 = tpu.vector_load %arg5[%get3A_223, %get3A_224] {strides = array<i32>} : memref<4x128xf32, #tpu.memory_space<vmem>>, vector<16xf32>,
        %add3A_226 = arith.addf %get3A_221, %get3A_225 : vector<16xf32>
        %get3A_227 = arith.constant 2 : i32
        %get3A_228 = arith.index_cast %get3A_227 : i32 to index
        %get3A_229 = arith.constant 48 : index
        %get3A_230 = tpu.vector_load %arg5[%get3A_228, %get3A_229] {strides = array<i32>} : memref<4x128xf32, #tpu.memory_space<vmem>>, vector<16xf32>,
        %add3A_231 = arith.addf %add3A_226, %get3A_230 : vector<16xf32>
        %get3A_232 = arith.constant 3 : i32
        %get3A_233 = arith.index_cast %get3A_232 : i32 to index
        %get3A_234 = arith.constant 48 : index
        %get3A_235 = tpu.vector_load %arg5[%get3A_233, %get3A_234] {strides = array<i32>} : memref<4x128xf32, #tpu.memory_space<vmem>>, vector<16xf32>,
        %add3A_236 = arith.addf %add3A_231, %get3A_235 : vector<16xf32>
        %swap3A_237 = arith.constant 48 : index
        %swap3A_238 = tpu.vector_load %arg6[%swap3A_237] {strides = array<i32>} : memref<128xf32, #tpu.memory_space<vmem>>, vector<16xf32>,
        tpu.vector_store %arg6[%swap3A_237], %add3A_236 {strides = array<i32>} : memref<128xf32, #tpu.memory_space<vmem>>, vector<16xf32>,
        %get3A_239 = arith.constant 0 : i32
        %get3A_240 = arith.index_cast %get3A_239 : i32 to index
        %get3A_241 = arith.constant 64 : index
        %get3A_242 = tpu.vector_load %arg5[%get3A_240, %get3A_241] {strides = array<i32>} : memref<4x128xf32, #tpu.memory_space<vmem>>, vector<16xf32>,
        %get3A_243 = arith.constant 1 : i32
        %get3A_244 = arith.index_cast %get3A_243 : i32 to index
        %get3A_245 = arith.constant 64 : index
        %get3A_246 = tpu.vector_load %arg5[%get3A_244, %get3A_245] {strides = array<i32>} : memref<4x128xf32, #tpu.memory_space<vmem>>, vector<16xf32>,
        %add3A_247 = arith.addf %get3A_242, %get3A_246 : vector<16xf32>
        %get3A_248 = arith.constant 2 : i32
        %get3A_249 = arith.index_cast %get3A_248 : i32 to index
        %get3A_250 = arith.constant 64 : index
        %get3A_251 = tpu.vector_load %arg5[%get3A_249, %get3A_250] {strides = array<i32>} : memref<4x128xf32, #tpu.memory_space<vmem>>, vector<16xf32>,
        %add3A_252 = arith.addf %add3A_247, %get3A_251 : vector<16xf32>
        %get3A_253 = arith.constant 3 : i32
        %get3A_254 = arith.index_cast %get3A_253 : i32 to index
        %get3A_255 = arith.constant 64 : index
        %get3A_256 = tpu.vector_load %arg5[%get3A_254, %get3A_255] {strides = array<i32>} : memref<4x128xf32, #tpu.memory_space<vmem>>, vector<16xf32>,
        %add3A_257 = arith.addf %add3A_252, %get3A_256 : vector<16xf32>
        %swap3A_258 = arith.constant 64 : index
        %swap3A_259 = tpu.vector_load %arg6[%swap3A_258] {strides = array<i32>} : memref<128xf32, #tpu.memory_space<vmem>>, vector<16xf32>,
        tpu.vector_store %arg6[%swap3A_258], %add3A_257 {strides = array<i32>} : memref<128xf32, #tpu.memory_space<vmem>>, vector<16xf32>,
        %get3A_260 = arith.constant 0 : i32
        %get3A_261 = arith.index_cast %get3A_260 : i32 to index
        %get3A_262 = arith.constant 80 : index
        %get3A_263 = tpu.vector_load %arg5[%get3A_261, %get3A_262] {strides = array<i32>} : memref<4x128xf32, #tpu.memory_space<vmem>>, vector<16xf32>,
        %get3A_264 = arith.constant 1 : i32
        %get3A_265 = arith.index_cast %get3A_264 : i32 to index
        %get3A_266 = arith.constant 80 : index
        %get3A_267 = tpu.vector_load %arg5[%get3A_265, %get3A_266] {strides = array<i32>} : memref<4x128xf32, #tpu.memory_space<vmem>>, vector<16xf32>,
        %add3A_268 = arith.addf %get3A_263, %get3A_267 : vector<16xf32>
        %get3A_269 = arith.constant 2 : i32
        %get3A_270 = arith.index_cast %get3A_269 : i32 to index
        %get3A_271 = arith.constant 80 : index
        %get3A_272 = tpu.vector_load %arg5[%get3A_270, %get3A_271] {strides = array<i32>} : memref<4x128xf32, #tpu.memory_space<vmem>>, vector<16xf32>,
        %add3A_273 = arith.addf %add3A_268, %get3A_272 : vector<16xf32>
        %get3A_274 = arith.constant 3 : i32
        %get3A_275 = arith.index_cast %get3A_274 : i32 to index
        %get3A_276 = arith.constant 80 : index
        %get3A_277 = tpu.vector_load %arg5[%get3A_275, %get3A_276] {strides = array<i32>} : memref<4x128xf32, #tpu.memory_space<vmem>>, vector<16xf32>,
        %add3A_278 = arith.addf %add3A_273, %get3A_277 : vector<16xf32>
        %swap3A_279 = arith.constant 80 : index
        %swap3A_280 = tpu.vector_load %arg6[%swap3A_279] {strides = array<i32>} : memref<128xf32, #tpu.memory_space<vmem>>, vector<16xf32>,
        tpu.vector_store %arg6[%swap3A_279], %add3A_278 {strides = array<i32>} : memref<128xf32, #tpu.memory_space<vmem>>, vector<16xf32>,
        %get3A_281 = arith.constant 0 : i32
        %get3A_282 = arith.index_cast %get3A_281 : i32 to index
        %get3A_283 = arith.constant 96 : index
        %get3A_284 = tpu.vector_load %arg5[%get3A_282, %get3A_283] {strides = array<i32>} : memref<4x128xf32, #tpu.memory_space<vmem>>, vector<16xf32>,
        %get3A_285 = arith.constant 1 : i32
        %get3A_286 = arith.index_cast %get3A_285 : i32 to index
        %get3A_287 = arith.constant 96 : index
        %get3A_288 = tpu.vector_load %arg5[%get3A_286, %get3A_287] {strides = array<i32>} : memref<4x128xf32, #tpu.memory_space<vmem>>, vector<16xf32>,
        %add3A_289 = arith.addf %get3A_284, %get3A_288 : vector<16xf32>
        %get3A_290 = arith.constant 2 : i32
        %get3A_291 = arith.index_cast %get3A_290 : i32 to index
        %get3A_292 = arith.constant 96 : index
        %get3A_293 = tpu.vector_load %arg5[%get3A_291, %get3A_292] {strides = array<i32>} : memref<4x128xf32, #tpu.memory_space<vmem>>, vector<16xf32>,
        %add3A_294 = arith.addf %add3A_289, %get3A_293 : vector<16xf32>
        %get3A_295 = arith.constant 3 : i32
        %get3A_296 = arith.index_cast %get3A_295 : i32 to index
        %get3A_297 = arith.constant 96 : index
        %get3A_298 = tpu.vector_load %arg5[%get3A_296, %get3A_297] {strides = array<i32>} : memref<4x128xf32, #tpu.memory_space<vmem>>, vector<16xf32>,
        %add3A_299 = arith.addf %add3A_294, %get3A_298 : vector<16xf32>
        %swap3A_300 = arith.constant 96 : index
        %swap3A_301 = tpu.vector_load %arg6[%swap3A_300] {strides = array<i32>} : memref<128xf32, #tpu.memory_space<vmem>>, vector<16xf32>,
        tpu.vector_store %arg6[%swap3A_300], %add3A_299 {strides = array<i32>} : memref<128xf32, #tpu.memory_space<vmem>>, vector<16xf32>,
        %get3A_302 = arith.constant 0 : i32
        %get3A_303 = arith.index_cast %get3A_302 : i32 to index
        %get3A_304 = arith.constant 112 : index
        %get3A_305 = tpu.vector_load %arg5[%get3A_303, %get3A_304] {strides = array<i32>} : memref<4x128xf32, #tpu.memory_space<vmem>>, vector<16xf32>,
        %get3A_306 = arith.constant 1 : i32
        %get3A_307 = arith.index_cast %get3A_306 : i32 to index
        %get3A_308 = arith.constant 112 : index
        %get3A_309 = tpu.vector_load %arg5[%get3A_307, %get3A_308] {strides = array<i32>} : memref<4x128xf32, #tpu.memory_space<vmem>>, vector<16xf32>,
        %add3A_310 = arith.addf %get3A_305, %get3A_309 : vector<16xf32>
        %get3A_311 = arith.constant 2 : i32
        %get3A_312 = arith.index_cast %get3A_311 : i32 to index
        %get3A_313 = arith.constant 112 : index
        %get3A_314 = tpu.vector_load %arg5[%get3A_312, %get3A_313] {strides = array<i32>} : memref<4x128xf32, #tpu.memory_space<vmem>>, vector<16xf32>,
        %add3A_315 = arith.addf %add3A_310, %get3A_314 : vector<16xf32>
        %get3A_316 = arith.constant 3 : i32
        %get3A_317 = arith.index_cast %get3A_316 : i32 to index
        %get3A_318 = arith.constant 112 : index
        %get3A_319 = tpu.vector_load %arg5[%get3A_317, %get3A_318] {strides = array<i32>} : memref<4x128xf32, #tpu.memory_space<vmem>>, vector<16xf32>,
        %add3A_320 = arith.addf %add3A_315, %get3A_319 : vector<16xf32>
        %swap3A_321 = arith.constant 112 : index
        %swap3A_322 = tpu.vector_load %arg6[%swap3A_321] {strides = array<i32>} : memref<128xf32, #tpu.memory_space<vmem>>, vector<16xf32>,
        tpu.vector_store %arg6[%swap3A_321], %add3A_320 {strides = array<i32>} : memref<128xf32, #tpu.memory_space<vmem>>, vector<16xf32>,
      } else {
      }
      "tpu.region"() ({
        %run_scoped3A = tpu.sem_alloc : memref<!tpu.dma_semaphore, #tpu.memory_space<semaphore_mem>>
        %dma_start3A = arith.constant 0 : i32
        %dma_start3A_16 = tpu.memref_slice %arg7[%arg1, %dma_start3A] : memref<16x128xf32, #tpu.memory_space<vmem_shared>> -> memref<1x128xf32, #tpu.memory_space<vmem_shared>>
        %dma_start3A_17 = tpu.memref_squeeze %dma_start3A_16 : memref<1x128xf32, #tpu.memory_space<vmem_shared>> -> memref<128xf32, #tpu.memory_space<vmem_shared>>
        %dma_start3A_18 = arith.constant 0 : i32
        %dma_start3A_19 = tpu.memref_slice %arg7[%arg1, %dma_start3A_18] : memref<16x128xf32, #tpu.memory_space<vmem_shared>> -> memref<1x128xf32, #tpu.memory_space<vmem_shared>>
        %dma_start3A_20 = tpu.memref_squeeze %dma_start3A_19 : memref<1x128xf32, #tpu.memory_space<vmem_shared>> -> memref<128xf32, #tpu.memory_space<vmem_shared>>
        tpu.enqueue_dma source(%arg6 : memref<128xf32, #tpu.memory_space<vmem>>) target(%dma_start3A_20 : memref<128xf32, #tpu.memory_space<vmem_shared>>) target_semaphore(%run_scoped3A : memref<!tpu.dma_semaphore, #tpu.memory_space<semaphore_mem>>)
        %dma_wait3A = arith.constant 0 : i32
        %dma_wait3A_21 = tpu.memref_slice %arg7[%arg1, %dma_wait3A] : memref<16x128xf32, #tpu.memory_space<vmem_shared>> -> memref<1x128xf32, #tpu.memory_space<vmem_shared>>
        %dma_wait3A_22 = tpu.memref_squeeze %dma_wait3A_21 : memref<1x128xf32, #tpu.memory_space<vmem_shared>> -> memref<128xf32, #tpu.memory_space<vmem_shared>>
        %dma_wait3A_23 = arith.constant 0 : i32
        %dma_wait3A_24 = tpu.memref_slice %arg7[%arg1, %dma_wait3A_23] : memref<16x128xf32, #tpu.memory_space<vmem_shared>> -> memref<1x128xf32, #tpu.memory_space<vmem_shared>>
        %dma_wait3A_25 = tpu.memref_squeeze %dma_wait3A_24 : memref<1x128xf32, #tpu.memory_space<vmem_shared>> -> memref<128xf32, #tpu.memory_space<vmem_shared>>
        tpu.wait_dma2 semaphore(%run_scoped3A : memref<!tpu.dma_semaphore, #tpu.memory_space<semaphore_mem>>) src(%arg6 : memref<128xf32, #tpu.memory_space<vmem>>) dst(%dma_wait3A_25 : memref<128xf32, #tpu.memory_space<vmem_shared>>)
        tpu.yield
      }) : () -> ()
      %barrier3A = arith.constant 0 : index
      tpu.barrier barrier_id(%barrier3A)
      %eq3A_11 = arith.constant 0 : i32
      %eq3A_12 = arith.cmpi eq, %arg1, %eq3A_11 : i32
      %convert_element_type3A_13 = arith.extui %eq3A_12 : i1 to i32
      %cond3A_14 = arith.constant 0 : i32
      %cond3A_15 = arith.cmpi ne, %convert_element_type3A_13, %cond3A_14 : i32
      scf.if %cond3A_15 {
        "tpu.region"() ({
          %run_scoped3A = tpu.sem_alloc : memref<!tpu.dma_semaphore, #tpu.memory_space<semaphore_mem>>
          tpu.enqueue_dma source(%arg7 : memref<16x128xf32, #tpu.memory_space<vmem_shared>>) target(%arg8 : memref<16x128xf32, #tpu.memory_space<vmem>>) target_semaphore(%run_scoped3A : memref<!tpu.dma_semaphore, #tpu.memory_space<semaphore_mem>>)
          tpu.wait_dma2 semaphore(%run_scoped3A : memref<!tpu.dma_semaphore, #tpu.memory_space<semaphore_mem>>) src(%arg7 : memref<16x128xf32, #tpu.memory_space<vmem_shared>>) dst(%arg8 : memref<16x128xf32, #tpu.memory_space<vmem>>)
          tpu.yield
        }) : () -> ()
        %get3A = arith.constant 0 : i32
        %get3A_16 = arith.index_cast %get3A : i32 to index
        %get3A_17 = arith.constant 0 : index
        %get3A_18 = tpu.vector_load %arg8[%get3A_16, %get3A_17] {strides = array<i32>} : memref<16x128xf32, #tpu.memory_space<vmem>>, vector<16xf32>,
        %get3A_19 = arith.constant 1 : i32
        %get3A_20 = arith.index_cast %get3A_19 : i32 to index
        %get3A_21 = arith.constant 0 : index
        %get3A_22 = tpu.vector_load %arg8[%get3A_20, %get3A_21] {strides = array<i32>} : memref<16x128xf32, #tpu.memory_space<vmem>>, vector<16xf32>,
        %add3A = arith.addf %get3A_18, %get3A_22 : vector<16xf32>
        %get3A_23 = arith.constant 2 : i32
        %get3A_24 = arith.index_cast %get3A_23 : i32 to index
        %get3A_25 = arith.constant 0 : index
        %get3A_26 = tpu.vector_load %arg8[%get3A_24, %get3A_25] {strides = array<i32>} : memref<16x128xf32, #tpu.memory_space<vmem>>, vector<16xf32>,
        %add3A_27 = arith.addf %add3A, %get3A_26 : vector<16xf32>
        %get3A_28 = arith.constant 3 : i32
        %get3A_29 = arith.index_cast %get3A_28 : i32 to index
        %get3A_30 = arith.constant 0 : index
        %get3A_31 = tpu.vector_load %arg8[%get3A_29, %get3A_30] {strides = array<i32>} : memref<16x128xf32, #tpu.memory_space<vmem>>, vector<16xf32>,
        %add3A_32 = arith.addf %add3A_27, %get3A_31 : vector<16xf32>
        %get3A_33 = arith.constant 4 : i32
        %get3A_34 = arith.index_cast %get3A_33 : i32 to index
        %get3A_35 = arith.constant 0 : index
        %get3A_36 = tpu.vector_load %arg8[%get3A_34, %get3A_35] {strides = array<i32>} : memref<16x128xf32, #tpu.memory_space<vmem>>, vector<16xf32>,
        %add3A_37 = arith.addf %add3A_32, %get3A_36 : vector<16xf32>
        %get3A_38 = arith.constant 5 : i32
        %get3A_39 = arith.index_cast %get3A_38 : i32 to index
        %get3A_40 = arith.constant 0 : index
        %get3A_41 = tpu.vector_load %arg8[%get3A_39, %get3A_40] {strides = array<i32>} : memref<16x128xf32, #tpu.memory_space<vmem>>, vector<16xf32>,
        %add3A_42 = arith.addf %add3A_37, %get3A_41 : vector<16xf32>
        %get3A_43 = arith.constant 6 : i32
        %get3A_44 = arith.index_cast %get3A_43 : i32 to index
        %get3A_45 = arith.constant 0 : index
        %get3A_46 = tpu.vector_load %arg8[%get3A_44, %get3A_45] {strides = array<i32>} : memref<16x128xf32, #tpu.memory_space<vmem>>, vector<16xf32>,
        %add3A_47 = arith.addf %add3A_42, %get3A_46 : vector<16xf32>
        %get3A_48 = arith.constant 7 : i32
        %get3A_49 = arith.index_cast %get3A_48 : i32 to index
        %get3A_50 = arith.constant 0 : index
        %get3A_51 = tpu.vector_load %arg8[%get3A_49, %get3A_50] {strides = array<i32>} : memref<16x128xf32, #tpu.memory_space<vmem>>, vector<16xf32>,
        %add3A_52 = arith.addf %add3A_47, %get3A_51 : vector<16xf32>
        %get3A_53 = arith.constant 8 : i32
        %get3A_54 = arith.index_cast %get3A_53 : i32 to index
        %get3A_55 = arith.constant 0 : index
        %get3A_56 = tpu.vector_load %arg8[%get3A_54, %get3A_55] {strides = array<i32>} : memref<16x128xf32, #tpu.memory_space<vmem>>, vector<16xf32>,
        %add3A_57 = arith.addf %add3A_52, %get3A_56 : vector<16xf32>
        %get3A_58 = arith.constant 9 : i32
        %get3A_59 = arith.index_cast %get3A_58 : i32 to index
        %get3A_60 = arith.constant 0 : index
        %get3A_61 = tpu.vector_load %arg8[%get3A_59, %get3A_60] {strides = array<i32>} : memref<16x128xf32, #tpu.memory_space<vmem>>, vector<16xf32>,
        %add3A_62 = arith.addf %add3A_57, %get3A_61 : vector<16xf32>
        %get3A_63 = arith.constant 10 : i32
        %get3A_64 = arith.index_cast %get3A_63 : i32 to index
        %get3A_65 = arith.constant 0 : index
        %get3A_66 = tpu.vector_load %arg8[%get3A_64, %get3A_65] {strides = array<i32>} : memref<16x128xf32, #tpu.memory_space<vmem>>, vector<16xf32>,
        %add3A_67 = arith.addf %add3A_62, %get3A_66 : vector<16xf32>
        %get3A_68 = arith.constant 11 : i32
        %get3A_69 = arith.index_cast %get3A_68 : i32 to index
        %get3A_70 = arith.constant 0 : index
        %get3A_71 = tpu.vector_load %arg8[%get3A_69, %get3A_70] {strides = array<i32>} : memref<16x128xf32, #tpu.memory_space<vmem>>, vector<16xf32>,
        %add3A_72 = arith.addf %add3A_67, %get3A_71 : vector<16xf32>
        %get3A_73 = arith.constant 12 : i32
        %get3A_74 = arith.index_cast %get3A_73 : i32 to index
        %get3A_75 = arith.constant 0 : index
        %get3A_76 = tpu.vector_load %arg8[%get3A_74, %get3A_75] {strides = array<i32>} : memref<16x128xf32, #tpu.memory_space<vmem>>, vector<16xf32>,
        %add3A_77 = arith.addf %add3A_72, %get3A_76 : vector<16xf32>
        %get3A_78 = arith.constant 13 : i32
        %get3A_79 = arith.index_cast %get3A_78 : i32 to index
        %get3A_80 = arith.constant 0 : index
        %get3A_81 = tpu.vector_load %arg8[%get3A_79, %get3A_80] {strides = array<i32>} : memref<16x128xf32, #tpu.memory_space<vmem>>, vector<16xf32>,
        %add3A_82 = arith.addf %add3A_77, %get3A_81 : vector<16xf32>
        %get3A_83 = arith.constant 14 : i32
        %get3A_84 = arith.index_cast %get3A_83 : i32 to index
        %get3A_85 = arith.constant 0 : index
        %get3A_86 = tpu.vector_load %arg8[%get3A_84, %get3A_85] {strides = array<i32>} : memref<16x128xf32, #tpu.memory_space<vmem>>, vector<16xf32>,
        %add3A_87 = arith.addf %add3A_82, %get3A_86 : vector<16xf32>
        %get3A_88 = arith.constant 15 : i32
        %get3A_89 = arith.index_cast %get3A_88 : i32 to index
        %get3A_90 = arith.constant 0 : index
        %get3A_91 = tpu.vector_load %arg8[%get3A_89, %get3A_90] {strides = array<i32>} : memref<16x128xf32, #tpu.memory_space<vmem>>, vector<16xf32>,
        %add3A_92 = arith.addf %add3A_87, %get3A_91 : vector<16xf32>
        %swap3A = arith.constant 0 : index
        %swap3A_93 = tpu.vector_load %arg6[%swap3A] {strides = array<i32>} : memref<128xf32, #tpu.memory_space<vmem>>, vector<16xf32>,
        tpu.vector_store %arg6[%swap3A], %add3A_92 {strides = array<i32>} : memref<128xf32, #tpu.memory_space<vmem>>, vector<16xf32>,
        %get3A_94 = arith.constant 0 : i32
        %get3A_95 = arith.index_cast %get3A_94 : i32 to index
        %get3A_96 = arith.constant 16 : index
        %get3A_97 = tpu.vector_load %arg8[%get3A_95, %get3A_96] {strides = array<i32>} : memref<16x128xf32, #tpu.memory_space<vmem>>, vector<16xf32>,
        %get3A_98 = arith.constant 1 : i32
        %get3A_99 = arith.index_cast %get3A_98 : i32 to index
        %get3A_100 = arith.constant 16 : index
        %get3A_101 = tpu.vector_load %arg8[%get3A_99, %get3A_100] {strides = array<i32>} : memref<16x128xf32, #tpu.memory_space<vmem>>, vector<16xf32>,
        %add3A_102 = arith.addf %get3A_97, %get3A_101 : vector<16xf32>
        %get3A_103 = arith.constant 2 : i32
        %get3A_104 = arith.index_cast %get3A_103 : i32 to index
        %get3A_105 = arith.constant 16 : index
        %get3A_106 = tpu.vector_load %arg8[%get3A_104, %get3A_105] {strides = array<i32>} : memref<16x128xf32, #tpu.memory_space<vmem>>, vector<16xf32>,
        %add3A_107 = arith.addf %add3A_102, %get3A_106 : vector<16xf32>
        %get3A_108 = arith.constant 3 : i32
        %get3A_109 = arith.index_cast %get3A_108 : i32 to index
        %get3A_110 = arith.constant 16 : index
        %get3A_111 = tpu.vector_load %arg8[%get3A_109, %get3A_110] {strides = array<i32>} : memref<16x128xf32, #tpu.memory_space<vmem>>, vector<16xf32>,
        %add3A_112 = arith.addf %add3A_107, %get3A_111 : vector<16xf32>
        %get3A_113 = arith.constant 4 : i32
        %get3A_114 = arith.index_cast %get3A_113 : i32 to index
        %get3A_115 = arith.constant 16 : index
        %get3A_116 = tpu.vector_load %arg8[%get3A_114, %get3A_115] {strides = array<i32>} : memref<16x128xf32, #tpu.memory_space<vmem>>, vector<16xf32>,
        %add3A_117 = arith.addf %add3A_112, %get3A_116 : vector<16xf32>
        %get3A_118 = arith.constant 5 : i32
        %get3A_119 = arith.index_cast %get3A_118 : i32 to index
        %get3A_120 = arith.constant 16 : index
        %get3A_121 = tpu.vector_load %arg8[%get3A_119, %get3A_120] {strides = array<i32>} : memref<16x128xf32, #tpu.memory_space<vmem>>, vector<16xf32>,
        %add3A_122 = arith.addf %add3A_117, %get3A_121 : vector<16xf32>
        %get3A_123 = arith.constant 6 : i32
        %get3A_124 = arith.index_cast %get3A_123 : i32 to index
        %get3A_125 = arith.constant 16 : index
        %get3A_126 = tpu.vector_load %arg8[%get3A_124, %get3A_125] {strides = array<i32>} : memref<16x128xf32, #tpu.memory_space<vmem>>, vector<16xf32>,
        %add3A_127 = arith.addf %add3A_122, %get3A_126 : vector<16xf32>
        %get3A_128 = arith.constant 7 : i32
        %get3A_129 = arith.index_cast %get3A_128 : i32 to index
        %get3A_130 = arith.constant 16 : index
        %get3A_131 = tpu.vector_load %arg8[%get3A_129, %get3A_130] {strides = array<i32>} : memref<16x128xf32, #tpu.memory_space<vmem>>, vector<16xf32>,
        %add3A_132 = arith.addf %add3A_127, %get3A_131 : vector<16xf32>
        %get3A_133 = arith.constant 8 : i32
        %get3A_134 = arith.index_cast %get3A_133 : i32 to index
        %get3A_135 = arith.constant 16 : index
        %get3A_136 = tpu.vector_load %arg8[%get3A_134, %get3A_135] {strides = array<i32>} : memref<16x128xf32, #tpu.memory_space<vmem>>, vector<16xf32>,
        %add3A_137 = arith.addf %add3A_132, %get3A_136 : vector<16xf32>
        %get3A_138 = arith.constant 9 : i32
        %get3A_139 = arith.index_cast %get3A_138 : i32 to index
        %get3A_140 = arith.constant 16 : index
        %get3A_141 = tpu.vector_load %arg8[%get3A_139, %get3A_140] {strides = array<i32>} : memref<16x128xf32, #tpu.memory_space<vmem>>, vector<16xf32>,
        %add3A_142 = arith.addf %add3A_137, %get3A_141 : vector<16xf32>
        %get3A_143 = arith.constant 10 : i32
        %get3A_144 = arith.index_cast %get3A_143 : i32 to index
        %get3A_145 = arith.constant 16 : index
        %get3A_146 = tpu.vector_load %arg8[%get3A_144, %get3A_145] {strides = array<i32>} : memref<16x128xf32, #tpu.memory_space<vmem>>, vector<16xf32>,
        %add3A_147 = arith.addf %add3A_142, %get3A_146 : vector<16xf32>
        %get3A_148 = arith.constant 11 : i32
        %get3A_149 = arith.index_cast %get3A_148 : i32 to index
        %get3A_150 = arith.constant 16 : index
        %get3A_151 = tpu.vector_load %arg8[%get3A_149, %get3A_150] {strides = array<i32>} : memref<16x128xf32, #tpu.memory_space<vmem>>, vector<16xf32>,
        %add3A_152 = arith.addf %add3A_147, %get3A_151 : vector<16xf32>
        %get3A_153 = arith.constant 12 : i32
        %get3A_154 = arith.index_cast %get3A_153 : i32 to index
        %get3A_155 = arith.constant 16 : index
        %get3A_156 = tpu.vector_load %arg8[%get3A_154, %get3A_155] {strides = array<i32>} : memref<16x128xf32, #tpu.memory_space<vmem>>, vector<16xf32>,
        %add3A_157 = arith.addf %add3A_152, %get3A_156 : vector<16xf32>
        %get3A_158 = arith.constant 13 : i32
        %get3A_159 = arith.index_cast %get3A_158 : i32 to index
        %get3A_160 = arith.constant 16 : index
        %get3A_161 = tpu.vector_load %arg8[%get3A_159, %get3A_160] {strides = array<i32>} : memref<16x128xf32, #tpu.memory_space<vmem>>, vector<16xf32>,
        %add3A_162 = arith.addf %add3A_157, %get3A_161 : vector<16xf32>
        %get3A_163 = arith.constant 14 : i32
        %get3A_164 = arith.index_cast %get3A_163 : i32 to index
        %get3A_165 = arith.constant 16 : index
        %get3A_166 = tpu.vector_load %arg8[%get3A_164, %get3A_165] {strides = array<i32>} : memref<16x128xf32, #tpu.memory_space<vmem>>, vector<16xf32>,
        %add3A_167 = arith.addf %add3A_162, %get3A_166 : vector<16xf32>
        %get3A_168 = arith.constant 15 : i32
        %get3A_169 = arith.index_cast %get3A_168 : i32 to index
        %get3A_170 = arith.constant 16 : index
        %get3A_171 = tpu.vector_load %arg8[%get3A_169, %get3A_170] {strides = array<i32>} : memref<16x128xf32, #tpu.memory_space<vmem>>, vector<16xf32>,
        %add3A_172 = arith.addf %add3A_167, %get3A_171 : vector<16xf32>
        %swap3A_173 = arith.constant 16 : index
        %swap3A_174 = tpu.vector_load %arg6[%swap3A_173] {strides = array<i32>} : memref<128xf32, #tpu.memory_space<vmem>>, vector<16xf32>,
        tpu.vector_store %arg6[%swap3A_173], %add3A_172 {strides = array<i32>} : memref<128xf32, #tpu.memory_space<vmem>>, vector<16xf32>,
        %get3A_175 = arith.constant 0 : i32
        %get3A_176 = arith.index_cast %get3A_175 : i32 to index
        %get3A_177 = arith.constant 32 : index
        %get3A_178 = tpu.vector_load %arg8[%get3A_176, %get3A_177] {strides = array<i32>} : memref<16x128xf32, #tpu.memory_space<vmem>>, vector<16xf32>,
        %get3A_179 = arith.constant 1 : i32
        %get3A_180 = arith.index_cast %get3A_179 : i32 to index
        %get3A_181 = arith.constant 32 : index
        %get3A_182 = tpu.vector_load %arg8[%get3A_180, %get3A_181] {strides = array<i32>} : memref<16x128xf32, #tpu.memory_space<vmem>>, vector<16xf32>,
        %add3A_183 = arith.addf %get3A_178, %get3A_182 : vector<16xf32>
        %get3A_184 = arith.constant 2 : i32
        %get3A_185 = arith.index_cast %get3A_184 : i32 to index
        %get3A_186 = arith.constant 32 : index
        %get3A_187 = tpu.vector_load %arg8[%get3A_185, %get3A_186] {strides = array<i32>} : memref<16x128xf32, #tpu.memory_space<vmem>>, vector<16xf32>,
        %add3A_188 = arith.addf %add3A_183, %get3A_187 : vector<16xf32>
        %get3A_189 = arith.constant 3 : i32
        %get3A_190 = arith.index_cast %get3A_189 : i32 to index
        %get3A_191 = arith.constant 32 : index
        %get3A_192 = tpu.vector_load %arg8[%get3A_190, %get3A_191] {strides = array<i32>} : memref<16x128xf32, #tpu.memory_space<vmem>>, vector<16xf32>,
        %add3A_193 = arith.addf %add3A_188, %get3A_192 : vector<16xf32>
        %get3A_194 = arith.constant 4 : i32
        %get3A_195 = arith.index_cast %get3A_194 : i32 to index
        %get3A_196 = arith.constant 32 : index
        %get3A_197 = tpu.vector_load %arg8[%get3A_195, %get3A_196] {strides = array<i32>} : memref<16x128xf32, #tpu.memory_space<vmem>>, vector<16xf32>,
        %add3A_198 = arith.addf %add3A_193, %get3A_197 : vector<16xf32>
        %get3A_199 = arith.constant 5 : i32
        %get3A_200 = arith.index_cast %get3A_199 : i32 to index
        %get3A_201 = arith.constant 32 : index
        %get3A_202 = tpu.vector_load %arg8[%get3A_200, %get3A_201] {strides = array<i32>} : memref<16x128xf32, #tpu.memory_space<vmem>>, vector<16xf32>,
        %add3A_203 = arith.addf %add3A_198, %get3A_202 : vector<16xf32>
        %get3A_204 = arith.constant 6 : i32
        %get3A_205 = arith.index_cast %get3A_204 : i32 to index
        %get3A_206 = arith.constant 32 : index
        %get3A_207 = tpu.vector_load %arg8[%get3A_205, %get3A_206] {strides = array<i32>} : memref<16x128xf32, #tpu.memory_space<vmem>>, vector<16xf32>,
        %add3A_208 = arith.addf %add3A_203, %get3A_207 : vector<16xf32>
        %get3A_209 = arith.constant 7 : i32
        %get3A_210 = arith.index_cast %get3A_209 : i32 to index
        %get3A_211 = arith.constant 32 : index
        %get3A_212 = tpu.vector_load %arg8[%get3A_210, %get3A_211] {strides = array<i32>} : memref<16x128xf32, #tpu.memory_space<vmem>>, vector<16xf32>,
        %add3A_213 = arith.addf %add3A_208, %get3A_212 : vector<16xf32>
        %get3A_214 = arith.constant 8 : i32
        %get3A_215 = arith.index_cast %get3A_214 : i32 to index
        %get3A_216 = arith.constant 32 : index
        %get3A_217 = tpu.vector_load %arg8[%get3A_215, %get3A_216] {strides = array<i32>} : memref<16x128xf32, #tpu.memory_space<vmem>>, vector<16xf32>,
        %add3A_218 = arith.addf %add3A_213, %get3A_217 : vector<16xf32>
        %get3A_219 = arith.constant 9 : i32
        %get3A_220 = arith.index_cast %get3A_219 : i32 to index
        %get3A_221 = arith.constant 32 : index
        %get3A_222 = tpu.vector_load %arg8[%get3A_220, %get3A_221] {strides = array<i32>} : memref<16x128xf32, #tpu.memory_space<vmem>>, vector<16xf32>,
        %add3A_223 = arith.addf %add3A_218, %get3A_222 : vector<16xf32>
        %get3A_224 = arith.constant 10 : i32
        %get3A_225 = arith.index_cast %get3A_224 : i32 to index
        %get3A_226 = arith.constant 32 : index
        %get3A_227 = tpu.vector_load %arg8[%get3A_225, %get3A_226] {strides = array<i32>} : memref<16x128xf32, #tpu.memory_space<vmem>>, vector<16xf32>,
        %add3A_228 = arith.addf %add3A_223, %get3A_227 : vector<16xf32>
        %get3A_229 = arith.constant 11 : i32
        %get3A_230 = arith.index_cast %get3A_229 : i32 to index
        %get3A_231 = arith.constant 32 : index
        %get3A_232 = tpu.vector_load %arg8[%get3A_230, %get3A_231] {strides = array<i32>} : memref<16x128xf32, #tpu.memory_space<vmem>>, vector<16xf32>,
        %add3A_233 = arith.addf %add3A_228, %get3A_232 : vector<16xf32>
        %get3A_234 = arith.constant 12 : i32
        %get3A_235 = arith.index_cast %get3A_234 : i32 to index
        %get3A_236 = arith.constant 32 : index
        %get3A_237 = tpu.vector_load %arg8[%get3A_235, %get3A_236] {strides = array<i32>} : memref<16x128xf32, #tpu.memory_space<vmem>>, vector<16xf32>,
        %add3A_238 = arith.addf %add3A_233, %get3A_237 : vector<16xf32>
        %get3A_239 = arith.constant 13 : i32
        %get3A_240 = arith.index_cast %get3A_239 : i32 to index
        %get3A_241 = arith.constant 32 : index
        %get3A_242 = tpu.vector_load %arg8[%get3A_240, %get3A_241] {strides = array<i32>} : memref<16x128xf32, #tpu.memory_space<vmem>>, vector<16xf32>,
        %add3A_243 = arith.addf %add3A_238, %get3A_242 : vector<16xf32>
        %get3A_244 = arith.constant 14 : i32
        %get3A_245 = arith.index_cast %get3A_244 : i32 to index
        %get3A_246 = arith.constant 32 : index
        %get3A_247 = tpu.vector_load %arg8[%get3A_245, %get3A_246] {strides = array<i32>} : memref<16x128xf32, #tpu.memory_space<vmem>>, vector<16xf32>,
        %add3A_248 = arith.addf %add3A_243, %get3A_247 : vector<16xf32>
        %get3A_249 = arith.constant 15 : i32
        %get3A_250 = arith.index_cast %get3A_249 : i32 to index
        %get3A_251 = arith.constant 32 : index
        %get3A_252 = tpu.vector_load %arg8[%get3A_250, %get3A_251] {strides = array<i32>} : memref<16x128xf32, #tpu.memory_space<vmem>>, vector<16xf32>,
        %add3A_253 = arith.addf %add3A_248, %get3A_252 : vector<16xf32>
        %swap3A_254 = arith.constant 32 : index
        %swap3A_255 = tpu.vector_load %arg6[%swap3A_254] {strides = array<i32>} : memref<128xf32, #tpu.memory_space<vmem>>, vector<16xf32>,
        tpu.vector_store %arg6[%swap3A_254], %add3A_253 {strides = array<i32>} : memref<128xf32, #tpu.memory_space<vmem>>, vector<16xf32>,
        %get3A_256 = arith.constant 0 : i32
        %get3A_257 = arith.index_cast %get3A_256 : i32 to index
        %get3A_258 = arith.constant 48 : index
        %get3A_259 = tpu.vector_load %arg8[%get3A_257, %get3A_258] {strides = array<i32>} : memref<16x128xf32, #tpu.memory_space<vmem>>, vector<16xf32>,
        %get3A_260 = arith.constant 1 : i32
        %get3A_261 = arith.index_cast %get3A_260 : i32 to index
        %get3A_262 = arith.constant 48 : index
        %get3A_263 = tpu.vector_load %arg8[%get3A_261, %get3A_262] {strides = array<i32>} : memref<16x128xf32, #tpu.memory_space<vmem>>, vector<16xf32>,
        %add3A_264 = arith.addf %get3A_259, %get3A_263 : vector<16xf32>
        %get3A_265 = arith.constant 2 : i32
        %get3A_266 = arith.index_cast %get3A_265 : i32 to index
        %get3A_267 = arith.constant 48 : index
        %get3A_268 = tpu.vector_load %arg8[%get3A_266, %get3A_267] {strides = array<i32>} : memref<16x128xf32, #tpu.memory_space<vmem>>, vector<16xf32>,
        %add3A_269 = arith.addf %add3A_264, %get3A_268 : vector<16xf32>
        %get3A_270 = arith.constant 3 : i32
        %get3A_271 = arith.index_cast %get3A_270 : i32 to index
        %get3A_272 = arith.constant 48 : index
        %get3A_273 = tpu.vector_load %arg8[%get3A_271, %get3A_272] {strides = array<i32>} : memref<16x128xf32, #tpu.memory_space<vmem>>, vector<16xf32>,
        %add3A_274 = arith.addf %add3A_269, %get3A_273 : vector<16xf32>
        %get3A_275 = arith.constant 4 : i32
        %get3A_276 = arith.index_cast %get3A_275 : i32 to index
        %get3A_277 = arith.constant 48 : index
        %get3A_278 = tpu.vector_load %arg8[%get3A_276, %get3A_277] {strides = array<i32>} : memref<16x128xf32, #tpu.memory_space<vmem>>, vector<16xf32>,
        %add3A_279 = arith.addf %add3A_274, %get3A_278 : vector<16xf32>
        %get3A_280 = arith.constant 5 : i32
        %get3A_281 = arith.index_cast %get3A_280 : i32 to index
        %get3A_282 = arith.constant 48 : index
        %get3A_283 = tpu.vector_load %arg8[%get3A_281, %get3A_282] {strides = array<i32>} : memref<16x128xf32, #tpu.memory_space<vmem>>, vector<16xf32>,
        %add3A_284 = arith.addf %add3A_279, %get3A_283 : vector<16xf32>
        %get3A_285 = arith.constant 6 : i32
        %get3A_286 = arith.index_cast %get3A_285 : i32 to index
        %get3A_287 = arith.constant 48 : index
        %get3A_288 = tpu.vector_load %arg8[%get3A_286, %get3A_287] {strides = array<i32>} : memref<16x128xf32, #tpu.memory_space<vmem>>, vector<16xf32>,
        %add3A_289 = arith.addf %add3A_284, %get3A_288 : vector<16xf32>
        %get3A_290 = arith.constant 7 : i32
        %get3A_291 = arith.index_cast %get3A_290 : i32 to index
        %get3A_292 = arith.constant 48 : index
        %get3A_293 = tpu.vector_load %arg8[%get3A_291, %get3A_292] {strides = array<i32>} : memref<16x128xf32, #tpu.memory_space<vmem>>, vector<16xf32>,
        %add3A_294 = arith.addf %add3A_289, %get3A_293 : vector<16xf32>
        %get3A_295 = arith.constant 8 : i32
        %get3A_296 = arith.index_cast %get3A_295 : i32 to index
        %get3A_297 = arith.constant 48 : index
        %get3A_298 = tpu.vector_load %arg8[%get3A_296, %get3A_297] {strides = array<i32>} : memref<16x128xf32, #tpu.memory_space<vmem>>, vector<16xf32>,
        %add3A_299 = arith.addf %add3A_294, %get3A_298 : vector<16xf32>
        %get3A_300 = arith.constant 9 : i32
        %get3A_301 = arith.index_cast %get3A_300 : i32 to index
        %get3A_302 = arith.constant 48 : index
        %get3A_303 = tpu.vector_load %arg8[%get3A_301, %get3A_302] {strides = array<i32>} : memref<16x128xf32, #tpu.memory_space<vmem>>, vector<16xf32>,
        %add3A_304 = arith.addf %add3A_299, %get3A_303 : vector<16xf32>
        %get3A_305 = arith.constant 10 : i32
        %get3A_306 = arith.index_cast %get3A_305 : i32 to index
        %get3A_307 = arith.constant 48 : index
        %get3A_308 = tpu.vector_load %arg8[%get3A_306, %get3A_307] {strides = array<i32>} : memref<16x128xf32, #tpu.memory_space<vmem>>, vector<16xf32>,
        %add3A_309 = arith.addf %add3A_304, %get3A_308 : vector<16xf32>
        %get3A_310 = arith.constant 11 : i32
        %get3A_311 = arith.index_cast %get3A_310 : i32 to index
        %get3A_312 = arith.constant 48 : index
        %get3A_313 = tpu.vector_load %arg8[%get3A_311, %get3A_312] {strides = array<i32>} : memref<16x128xf32, #tpu.memory_space<vmem>>, vector<16xf32>,
        %add3A_314 = arith.addf %add3A_309, %get3A_313 : vector<16xf32>
        %get3A_315 = arith.constant 12 : i32
        %get3A_316 = arith.index_cast %get3A_315 : i32 to index
        %get3A_317 = arith.constant 48 : index
        %get3A_318 = tpu.vector_load %arg8[%get3A_316, %get3A_317] {strides = array<i32>} : memref<16x128xf32, #tpu.memory_space<vmem>>, vector<16xf32>,
        %add3A_319 = arith.addf %add3A_314, %get3A_318 : vector<16xf32>
        %get3A_320 = arith.constant 13 : i32
        %get3A_321 = arith.index_cast %get3A_320 : i32 to index
        %get3A_322 = arith.constant 48 : index
        %get3A_323 = tpu.vector_load %arg8[%get3A_321, %get3A_322] {strides = array<i32>} : memref<16x128xf32, #tpu.memory_space<vmem>>, vector<16xf32>,
        %add3A_324 = arith.addf %add3A_319, %get3A_323 : vector<16xf32>
        %get3A_325 = arith.constant 14 : i32
        %get3A_326 = arith.index_cast %get3A_325 : i32 to index
        %get3A_327 = arith.constant 48 : index
        %get3A_328 = tpu.vector_load %arg8[%get3A_326, %get3A_327] {strides = array<i32>} : memref<16x128xf32, #tpu.memory_space<vmem>>, vector<16xf32>,
        %add3A_329 = arith.addf %add3A_324, %get3A_328 : vector<16xf32>
        %get3A_330 = arith.constant 15 : i32
        %get3A_331 = arith.index_cast %get3A_330 : i32 to index
        %get3A_332 = arith.constant 48 : index
        %get3A_333 = tpu.vector_load %arg8[%get3A_331, %get3A_332] {strides = array<i32>} : memref<16x128xf32, #tpu.memory_space<vmem>>, vector<16xf32>,
        %add3A_334 = arith.addf %add3A_329, %get3A_333 : vector<16xf32>
        %swap3A_335 = arith.constant 48 : index
        %swap3A_336 = tpu.vector_load %arg6[%swap3A_335] {strides = array<i32>} : memref<128xf32, #tpu.memory_space<vmem>>, vector<16xf32>,
        tpu.vector_store %arg6[%swap3A_335], %add3A_334 {strides = array<i32>} : memref<128xf32, #tpu.memory_space<vmem>>, vector<16xf32>,
        %get3A_337 = arith.constant 0 : i32
        %get3A_338 = arith.index_cast %get3A_337 : i32 to index
        %get3A_339 = arith.constant 64 : index
        %get3A_340 = tpu.vector_load %arg8[%get3A_338, %get3A_339] {strides = array<i32>} : memref<16x128xf32, #tpu.memory_space<vmem>>, vector<16xf32>,
        %get3A_341 = arith.constant 1 : i32
        %get3A_342 = arith.index_cast %get3A_341 : i32 to index
        %get3A_343 = arith.constant 64 : index
        %get3A_344 = tpu.vector_load %arg8[%get3A_342, %get3A_343] {strides = array<i32>} : memref<16x128xf32, #tpu.memory_space<vmem>>, vector<16xf32>,
        %add3A_345 = arith.addf %get3A_340, %get3A_344 : vector<16xf32>
        %get3A_346 = arith.constant 2 : i32
        %get3A_347 = arith.index_cast %get3A_346 : i32 to index
        %get3A_348 = arith.constant 64 : index
        %get3A_349 = tpu.vector_load %arg8[%get3A_347, %get3A_348] {strides = array<i32>} : memref<16x128xf32, #tpu.memory_space<vmem>>, vector<16xf32>,
        %add3A_350 = arith.addf %add3A_345, %get3A_349 : vector<16xf32>
        %get3A_351 = arith.constant 3 : i32
        %get3A_352 = arith.index_cast %get3A_351 : i32 to index
        %get3A_353 = arith.constant 64 : index
        %get3A_354 = tpu.vector_load %arg8[%get3A_352, %get3A_353] {strides = array<i32>} : memref<16x128xf32, #tpu.memory_space<vmem>>, vector<16xf32>,
        %add3A_355 = arith.addf %add3A_350, %get3A_354 : vector<16xf32>
        %get3A_356 = arith.constant 4 : i32
        %get3A_357 = arith.index_cast %get3A_356 : i32 to index
        %get3A_358 = arith.constant 64 : index
        %get3A_359 = tpu.vector_load %arg8[%get3A_357, %get3A_358] {strides = array<i32>} : memref<16x128xf32, #tpu.memory_space<vmem>>, vector<16xf32>,
        %add3A_360 = arith.addf %add3A_355, %get3A_359 : vector<16xf32>
        %get3A_361 = arith.constant 5 : i32
        %get3A_362 = arith.index_cast %get3A_361 : i32 to index
        %get3A_363 = arith.constant 64 : index
        %get3A_364 = tpu.vector_load %arg8[%get3A_362, %get3A_363] {strides = array<i32>} : memref<16x128xf32, #tpu.memory_space<vmem>>, vector<16xf32>,
        %add3A_365 = arith.addf %add3A_360, %get3A_364 : vector<16xf32>
        %get3A_366 = arith.constant 6 : i32
        %get3A_367 = arith.index_cast %get3A_366 : i32 to index
        %get3A_368 = arith.constant 64 : index
        %get3A_369 = tpu.vector_load %arg8[%get3A_367, %get3A_368] {strides = array<i32>} : memref<16x128xf32, #tpu.memory_space<vmem>>, vector<16xf32>,
        %add3A_370 = arith.addf %add3A_365, %get3A_369 : vector<16xf32>
        %get3A_371 = arith.constant 7 : i32
        %get3A_372 = arith.index_cast %get3A_371 : i32 to index
        %get3A_373 = arith.constant 64 : index
        %get3A_374 = tpu.vector_load %arg8[%get3A_372, %get3A_373] {strides = array<i32>} : memref<16x128xf32, #tpu.memory_space<vmem>>, vector<16xf32>,
        %add3A_375 = arith.addf %add3A_370, %get3A_374 : vector<16xf32>
        %get3A_376 = arith.constant 8 : i32
        %get3A_377 = arith.index_cast %get3A_376 : i32 to index
        %get3A_378 = arith.constant 64 : index
        %get3A_379 = tpu.vector_load %arg8[%get3A_377, %get3A_378] {strides = array<i32>} : memref<16x128xf32, #tpu.memory_space<vmem>>, vector<16xf32>,
        %add3A_380 = arith.addf %add3A_375, %get3A_379 : vector<16xf32>
        %get3A_381 = arith.constant 9 : i32
        %get3A_382 = arith.index_cast %get3A_381 : i32 to index
        %get3A_383 = arith.constant 64 : index
        %get3A_384 = tpu.vector_load %arg8[%get3A_382, %get3A_383] {strides = array<i32>} : memref<16x128xf32, #tpu.memory_space<vmem>>, vector<16xf32>,
        %add3A_385 = arith.addf %add3A_380, %get3A_384 : vector<16xf32>
        %get3A_386 = arith.constant 10 : i32
        %get3A_387 = arith.index_cast %get3A_386 : i32 to index
        %get3A_388 = arith.constant 64 : index
        %get3A_389 = tpu.vector_load %arg8[%get3A_387, %get3A_388] {strides = array<i32>} : memref<16x128xf32, #tpu.memory_space<vmem>>, vector<16xf32>,
        %add3A_390 = arith.addf %add3A_385, %get3A_389 : vector<16xf32>
        %get3A_391 = arith.constant 11 : i32
        %get3A_392 = arith.index_cast %get3A_391 : i32 to index
        %get3A_393 = arith.constant 64 : index
        %get3A_394 = tpu.vector_load %arg8[%get3A_392, %get3A_393] {strides = array<i32>} : memref<16x128xf32, #tpu.memory_space<vmem>>, vector<16xf32>,
        %add3A_395 = arith.addf %add3A_390, %get3A_394 : vector<16xf32>
        %get3A_396 = arith.constant 12 : i32
        %get3A_397 = arith.index_cast %get3A_396 : i32 to index
        %get3A_398 = arith.constant 64 : index
        %get3A_399 = tpu.vector_load %arg8[%get3A_397, %get3A_398] {strides = array<i32>} : memref<16x128xf32, #tpu.memory_space<vmem>>, vector<16xf32>,
        %add3A_400 = arith.addf %add3A_395, %get3A_399 : vector<16xf32>
        %get3A_401 = arith.constant 13 : i32
        %get3A_402 = arith.index_cast %get3A_401 : i32 to index
        %get3A_403 = arith.constant 64 : index
        %get3A_404 = tpu.vector_load %arg8[%get3A_402, %get3A_403] {strides = array<i32>} : memref<16x128xf32, #tpu.memory_space<vmem>>, vector<16xf32>,
        %add3A_405 = arith.addf %add3A_400, %get3A_404 : vector<16xf32>
        %get3A_406 = arith.constant 14 : i32
        %get3A_407 = arith.index_cast %get3A_406 : i32 to index
        %get3A_408 = arith.constant 64 : index
        %get3A_409 = tpu.vector_load %arg8[%get3A_407, %get3A_408] {strides = array<i32>} : memref<16x128xf32, #tpu.memory_space<vmem>>, vector<16xf32>,
        %add3A_410 = arith.addf %add3A_405, %get3A_409 : vector<16xf32>
        %get3A_411 = arith.constant 15 : i32
        %get3A_412 = arith.index_cast %get3A_411 : i32 to index
        %get3A_413 = arith.constant 64 : index
        %get3A_414 = tpu.vector_load %arg8[%get3A_412, %get3A_413] {strides = array<i32>} : memref<16x128xf32, #tpu.memory_space<vmem>>, vector<16xf32>,
        %add3A_415 = arith.addf %add3A_410, %get3A_414 : vector<16xf32>
        %swap3A_416 = arith.constant 64 : index
        %swap3A_417 = tpu.vector_load %arg6[%swap3A_416] {strides = array<i32>} : memref<128xf32, #tpu.memory_space<vmem>>, vector<16xf32>,
        tpu.vector_store %arg6[%swap3A_416], %add3A_415 {strides = array<i32>} : memref<128xf32, #tpu.memory_space<vmem>>, vector<16xf32>,
        %get3A_418 = arith.constant 0 : i32
        %get3A_419 = arith.index_cast %get3A_418 : i32 to index
        %get3A_420 = arith.constant 80 : index
        %get3A_421 = tpu.vector_load %arg8[%get3A_419, %get3A_420] {strides = array<i32>} : memref<16x128xf32, #tpu.memory_space<vmem>>, vector<16xf32>,
        %get3A_422 = arith.constant 1 : i32
        %get3A_423 = arith.index_cast %get3A_422 : i32 to index
        %get3A_424 = arith.constant 80 : index
        %get3A_425 = tpu.vector_load %arg8[%get3A_423, %get3A_424] {strides = array<i32>} : memref<16x128xf32, #tpu.memory_space<vmem>>, vector<16xf32>,
        %add3A_426 = arith.addf %get3A_421, %get3A_425 : vector<16xf32>
        %get3A_427 = arith.constant 2 : i32
        %get3A_428 = arith.index_cast %get3A_427 : i32 to index
        %get3A_429 = arith.constant 80 : index
        %get3A_430 = tpu.vector_load %arg8[%get3A_428, %get3A_429] {strides = array<i32>} : memref<16x128xf32, #tpu.memory_space<vmem>>, vector<16xf32>,
        %add3A_431 = arith.addf %add3A_426, %get3A_430 : vector<16xf32>
        %get3A_432 = arith.constant 3 : i32
        %get3A_433 = arith.index_cast %get3A_432 : i32 to index
        %get3A_434 = arith.constant 80 : index
        %get3A_435 = tpu.vector_load %arg8[%get3A_433, %get3A_434] {strides = array<i32>} : memref<16x128xf32, #tpu.memory_space<vmem>>, vector<16xf32>,
        %add3A_436 = arith.addf %add3A_431, %get3A_435 : vector<16xf32>
        %get3A_437 = arith.constant 4 : i32
        %get3A_438 = arith.index_cast %get3A_437 : i32 to index
        %get3A_439 = arith.constant 80 : index
        %get3A_440 = tpu.vector_load %arg8[%get3A_438, %get3A_439] {strides = array<i32>} : memref<16x128xf32, #tpu.memory_space<vmem>>, vector<16xf32>,
        %add3A_441 = arith.addf %add3A_436, %get3A_440 : vector<16xf32>
        %get3A_442 = arith.constant 5 : i32
        %get3A_443 = arith.index_cast %get3A_442 : i32 to index
        %get3A_444 = arith.constant 80 : index
        %get3A_445 = tpu.vector_load %arg8[%get3A_443, %get3A_444] {strides = array<i32>} : memref<16x128xf32, #tpu.memory_space<vmem>>, vector<16xf32>,
        %add3A_446 = arith.addf %add3A_441, %get3A_445 : vector<16xf32>
        %get3A_447 = arith.constant 6 : i32
        %get3A_448 = arith.index_cast %get3A_447 : i32 to index
        %get3A_449 = arith.constant 80 : index
        %get3A_450 = tpu.vector_load %arg8[%get3A_448, %get3A_449] {strides = array<i32>} : memref<16x128xf32, #tpu.memory_space<vmem>>, vector<16xf32>,
        %add3A_451 = arith.addf %add3A_446, %get3A_450 : vector<16xf32>
        %get3A_452 = arith.constant 7 : i32
        %get3A_453 = arith.index_cast %get3A_452 : i32 to index
        %get3A_454 = arith.constant 80 : index
        %get3A_455 = tpu.vector_load %arg8[%get3A_453, %get3A_454] {strides = array<i32>} : memref<16x128xf32, #tpu.memory_space<vmem>>, vector<16xf32>,
        %add3A_456 = arith.addf %add3A_451, %get3A_455 : vector<16xf32>
        %get3A_457 = arith.constant 8 : i32
        %get3A_458 = arith.index_cast %get3A_457 : i32 to index
        %get3A_459 = arith.constant 80 : index
        %get3A_460 = tpu.vector_load %arg8[%get3A_458, %get3A_459] {strides = array<i32>} : memref<16x128xf32, #tpu.memory_space<vmem>>, vector<16xf32>,
        %add3A_461 = arith.addf %add3A_456, %get3A_460 : vector<16xf32>
        %get3A_462 = arith.constant 9 : i32
        %get3A_463 = arith.index_cast %get3A_462 : i32 to index
        %get3A_464 = arith.constant 80 : index
        %get3A_465 = tpu.vector_load %arg8[%get3A_463, %get3A_464] {strides = array<i32>} : memref<16x128xf32, #tpu.memory_space<vmem>>, vector<16xf32>,
        %add3A_466 = arith.addf %add3A_461, %get3A_465 : vector<16xf32>
        %get3A_467 = arith.constant 10 : i32
        %get3A_468 = arith.index_cast %get3A_467 : i32 to index
        %get3A_469 = arith.constant 80 : index
        %get3A_470 = tpu.vector_load %arg8[%get3A_468, %get3A_469] {strides = array<i32>} : memref<16x128xf32, #tpu.memory_space<vmem>>, vector<16xf32>,
        %add3A_471 = arith.addf %add3A_466, %get3A_470 : vector<16xf32>
        %get3A_472 = arith.constant 11 : i32
        %get3A_473 = arith.index_cast %get3A_472 : i32 to index
        %get3A_474 = arith.constant 80 : index
        %get3A_475 = tpu.vector_load %arg8[%get3A_473, %get3A_474] {strides = array<i32>} : memref<16x128xf32, #tpu.memory_space<vmem>>, vector<16xf32>,
        %add3A_476 = arith.addf %add3A_471, %get3A_475 : vector<16xf32>
        %get3A_477 = arith.constant 12 : i32
        %get3A_478 = arith.index_cast %get3A_477 : i32 to index
        %get3A_479 = arith.constant 80 : index
        %get3A_480 = tpu.vector_load %arg8[%get3A_478, %get3A_479] {strides = array<i32>} : memref<16x128xf32, #tpu.memory_space<vmem>>, vector<16xf32>,
        %add3A_481 = arith.addf %add3A_476, %get3A_480 : vector<16xf32>
        %get3A_482 = arith.constant 13 : i32
        %get3A_483 = arith.index_cast %get3A_482 : i32 to index
        %get3A_484 = arith.constant 80 : index
        %get3A_485 = tpu.vector_load %arg8[%get3A_483, %get3A_484] {strides = array<i32>} : memref<16x128xf32, #tpu.memory_space<vmem>>, vector<16xf32>,
        %add3A_486 = arith.addf %add3A_481, %get3A_485 : vector<16xf32>
        %get3A_487 = arith.constant 14 : i32
        %get3A_488 = arith.index_cast %get3A_487 : i32 to index
        %get3A_489 = arith.constant 80 : index
        %get3A_490 = tpu.vector_load %arg8[%get3A_488, %get3A_489] {strides = array<i32>} : memref<16x128xf32, #tpu.memory_space<vmem>>, vector<16xf32>,
        %add3A_491 = arith.addf %add3A_486, %get3A_490 : vector<16xf32>
        %get3A_492 = arith.constant 15 : i32
        %get3A_493 = arith.index_cast %get3A_492 : i32 to index
        %get3A_494 = arith.constant 80 : index
        %get3A_495 = tpu.vector_load %arg8[%get3A_493, %get3A_494] {strides = array<i32>} : memref<16x128xf32, #tpu.memory_space<vmem>>, vector<16xf32>,
        %add3A_496 = arith.addf %add3A_491, %get3A_495 : vector<16xf32>
        %swap3A_497 = arith.constant 80 : index
        %swap3A_498 = tpu.vector_load %arg6[%swap3A_497] {strides = array<i32>} : memref<128xf32, #tpu.memory_space<vmem>>, vector<16xf32>,
        tpu.vector_store %arg6[%swap3A_497], %add3A_496 {strides = array<i32>} : memref<128xf32, #tpu.memory_space<vmem>>, vector<16xf32>,
        %get3A_499 = arith.constant 0 : i32
        %get3A_500 = arith.index_cast %get3A_499 : i32 to index
        %get3A_501 = arith.constant 96 : index
        %get3A_502 = tpu.vector_load %arg8[%get3A_500, %get3A_501] {strides = array<i32>} : memref<16x128xf32, #tpu.memory_space<vmem>>, vector<16xf32>,
        %get3A_503 = arith.constant 1 : i32
        %get3A_504 = arith.index_cast %get3A_503 : i32 to index
        %get3A_505 = arith.constant 96 : index
        %get3A_506 = tpu.vector_load %arg8[%get3A_504, %get3A_505] {strides = array<i32>} : memref<16x128xf32, #tpu.memory_space<vmem>>, vector<16xf32>,
        %add3A_507 = arith.addf %get3A_502, %get3A_506 : vector<16xf32>
        %get3A_508 = arith.constant 2 : i32
        %get3A_509 = arith.index_cast %get3A_508 : i32 to index
        %get3A_510 = arith.constant 96 : index
        %get3A_511 = tpu.vector_load %arg8[%get3A_509, %get3A_510] {strides = array<i32>} : memref<16x128xf32, #tpu.memory_space<vmem>>, vector<16xf32>,
        %add3A_512 = arith.addf %add3A_507, %get3A_511 : vector<16xf32>
        %get3A_513 = arith.constant 3 : i32
        %get3A_514 = arith.index_cast %get3A_513 : i32 to index
        %get3A_515 = arith.constant 96 : index
        %get3A_516 = tpu.vector_load %arg8[%get3A_514, %get3A_515] {strides = array<i32>} : memref<16x128xf32, #tpu.memory_space<vmem>>, vector<16xf32>,
        %add3A_517 = arith.addf %add3A_512, %get3A_516 : vector<16xf32>
        %get3A_518 = arith.constant 4 : i32
        %get3A_519 = arith.index_cast %get3A_518 : i32 to index
        %get3A_520 = arith.constant 96 : index
        %get3A_521 = tpu.vector_load %arg8[%get3A_519, %get3A_520] {strides = array<i32>} : memref<16x128xf32, #tpu.memory_space<vmem>>, vector<16xf32>,
        %add3A_522 = arith.addf %add3A_517, %get3A_521 : vector<16xf32>
        %get3A_523 = arith.constant 5 : i32
        %get3A_524 = arith.index_cast %get3A_523 : i32 to index
        %get3A_525 = arith.constant 96 : index
        %get3A_526 = tpu.vector_load %arg8[%get3A_524, %get3A_525] {strides = array<i32>} : memref<16x128xf32, #tpu.memory_space<vmem>>, vector<16xf32>,
        %add3A_527 = arith.addf %add3A_522, %get3A_526 : vector<16xf32>
        %get3A_528 = arith.constant 6 : i32
        %get3A_529 = arith.index_cast %get3A_528 : i32 to index
        %get3A_530 = arith.constant 96 : index
        %get3A_531 = tpu.vector_load %arg8[%get3A_529, %get3A_530] {strides = array<i32>} : memref<16x128xf32, #tpu.memory_space<vmem>>, vector<16xf32>,
        %add3A_532 = arith.addf %add3A_527, %get3A_531 : vector<16xf32>
        %get3A_533 = arith.constant 7 : i32
        %get3A_534 = arith.index_cast %get3A_533 : i32 to index
        %get3A_535 = arith.constant 96 : index
        %get3A_536 = tpu.vector_load %arg8[%get3A_534, %get3A_535] {strides = array<i32>} : memref<16x128xf32, #tpu.memory_space<vmem>>, vector<16xf32>,
        %add3A_537 = arith.addf %add3A_532, %get3A_536 : vector<16xf32>
        %get3A_538 = arith.constant 8 : i32
        %get3A_539 = arith.index_cast %get3A_538 : i32 to index
        %get3A_540 = arith.constant 96 : index
        %get3A_541 = tpu.vector_load %arg8[%get3A_539, %get3A_540] {strides = array<i32>} : memref<16x128xf32, #tpu.memory_space<vmem>>, vector<16xf32>,
        %add3A_542 = arith.addf %add3A_537, %get3A_541 : vector<16xf32>
        %get3A_543 = arith.constant 9 : i32
        %get3A_544 = arith.index_cast %get3A_543 : i32 to index
        %get3A_545 = arith.constant 96 : index
        %get3A_546 = tpu.vector_load %arg8[%get3A_544, %get3A_545] {strides = array<i32>} : memref<16x128xf32, #tpu.memory_space<vmem>>, vector<16xf32>,
        %add3A_547 = arith.addf %add3A_542, %get3A_546 : vector<16xf32>
        %get3A_548 = arith.constant 10 : i32
        %get3A_549 = arith.index_cast %get3A_548 : i32 to index
        %get3A_550 = arith.constant 96 : index
        %get3A_551 = tpu.vector_load %arg8[%get3A_549, %get3A_550] {strides = array<i32>} : memref<16x128xf32, #tpu.memory_space<vmem>>, vector<16xf32>,
        %add3A_552 = arith.addf %add3A_547, %get3A_551 : vector<16xf32>
        %get3A_553 = arith.constant 11 : i32
        %get3A_554 = arith.index_cast %get3A_553 : i32 to index
        %get3A_555 = arith.constant 96 : index
        %get3A_556 = tpu.vector_load %arg8[%get3A_554, %get3A_555] {strides = array<i32>} : memref<16x128xf32, #tpu.memory_space<vmem>>, vector<16xf32>,
        %add3A_557 = arith.addf %add3A_552, %get3A_556 : vector<16xf32>
        %get3A_558 = arith.constant 12 : i32
        %get3A_559 = arith.index_cast %get3A_558 : i32 to index
        %get3A_560 = arith.constant 96 : index
        %get3A_561 = tpu.vector_load %arg8[%get3A_559, %get3A_560] {strides = array<i32>} : memref<16x128xf32, #tpu.memory_space<vmem>>, vector<16xf32>,
        %add3A_562 = arith.addf %add3A_557, %get3A_561 : vector<16xf32>
        %get3A_563 = arith.constant 13 : i32
        %get3A_564 = arith.index_cast %get3A_563 : i32 to index
        %get3A_565 = arith.constant 96 : index
        %get3A_566 = tpu.vector_load %arg8[%get3A_564, %get3A_565] {strides = array<i32>} : memref<16x128xf32, #tpu.memory_space<vmem>>, vector<16xf32>,
        %add3A_567 = arith.addf %add3A_562, %get3A_566 : vector<16xf32>
        %get3A_568 = arith.constant 14 : i32
        %get3A_569 = arith.index_cast %get3A_568 : i32 to index
        %get3A_570 = arith.constant 96 : index
        %get3A_571 = tpu.vector_load %arg8[%get3A_569, %get3A_570] {strides = array<i32>} : memref<16x128xf32, #tpu.memory_space<vmem>>, vector<16xf32>,
        %add3A_572 = arith.addf %add3A_567, %get3A_571 : vector<16xf32>
        %get3A_573 = arith.constant 15 : i32
        %get3A_574 = arith.index_cast %get3A_573 : i32 to index
        %get3A_575 = arith.constant 96 : index
        %get3A_576 = tpu.vector_load %arg8[%get3A_574, %get3A_575] {strides = array<i32>} : memref<16x128xf32, #tpu.memory_space<vmem>>, vector<16xf32>,
        %add3A_577 = arith.addf %add3A_572, %get3A_576 : vector<16xf32>
        %swap3A_578 = arith.constant 96 : index
        %swap3A_579 = tpu.vector_load %arg6[%swap3A_578] {strides = array<i32>} : memref<128xf32, #tpu.memory_space<vmem>>, vector<16xf32>,
        tpu.vector_store %arg6[%swap3A_578], %add3A_577 {strides = array<i32>} : memref<128xf32, #tpu.memory_space<vmem>>, vector<16xf32>,
        %get3A_580 = arith.constant 0 : i32
        %get3A_581 = arith.index_cast %get3A_580 : i32 to index
        %get3A_582 = arith.constant 112 : index
        %get3A_583 = tpu.vector_load %arg8[%get3A_581, %get3A_582] {strides = array<i32>} : memref<16x128xf32, #tpu.memory_space<vmem>>, vector<16xf32>,
        %get3A_584 = arith.constant 1 : i32
        %get3A_585 = arith.index_cast %get3A_584 : i32 to index
        %get3A_586 = arith.constant 112 : index
        %get3A_587 = tpu.vector_load %arg8[%get3A_585, %get3A_586] {strides = array<i32>} : memref<16x128xf32, #tpu.memory_space<vmem>>, vector<16xf32>,
        %add3A_588 = arith.addf %get3A_583, %get3A_587 : vector<16xf32>
        %get3A_589 = arith.constant 2 : i32
        %get3A_590 = arith.index_cast %get3A_589 : i32 to index
        %get3A_591 = arith.constant 112 : index
        %get3A_592 = tpu.vector_load %arg8[%get3A_590, %get3A_591] {strides = array<i32>} : memref<16x128xf32, #tpu.memory_space<vmem>>, vector<16xf32>,
        %add3A_593 = arith.addf %add3A_588, %get3A_592 : vector<16xf32>
        %get3A_594 = arith.constant 3 : i32
        %get3A_595 = arith.index_cast %get3A_594 : i32 to index
        %get3A_596 = arith.constant 112 : index
        %get3A_597 = tpu.vector_load %arg8[%get3A_595, %get3A_596] {strides = array<i32>} : memref<16x128xf32, #tpu.memory_space<vmem>>, vector<16xf32>,
        %add3A_598 = arith.addf %add3A_593, %get3A_597 : vector<16xf32>
        %get3A_599 = arith.constant 4 : i32
        %get3A_600 = arith.index_cast %get3A_599 : i32 to index
        %get3A_601 = arith.constant 112 : index
        %get3A_602 = tpu.vector_load %arg8[%get3A_600, %get3A_601] {strides = array<i32>} : memref<16x128xf32, #tpu.memory_space<vmem>>, vector<16xf32>,
        %add3A_603 = arith.addf %add3A_598, %get3A_602 : vector<16xf32>
        %get3A_604 = arith.constant 5 : i32
        %get3A_605 = arith.index_cast %get3A_604 : i32 to index
        %get3A_606 = arith.constant 112 : index
        %get3A_607 = tpu.vector_load %arg8[%get3A_605, %get3A_606] {strides = array<i32>} : memref<16x128xf32, #tpu.memory_space<vmem>>, vector<16xf32>,
        %add3A_608 = arith.addf %add3A_603, %get3A_607 : vector<16xf32>
        %get3A_609 = arith.constant 6 : i32
        %get3A_610 = arith.index_cast %get3A_609 : i32 to index
        %get3A_611 = arith.constant 112 : index
        %get3A_612 = tpu.vector_load %arg8[%get3A_610, %get3A_611] {strides = array<i32>} : memref<16x128xf32, #tpu.memory_space<vmem>>, vector<16xf32>,
        %add3A_613 = arith.addf %add3A_608, %get3A_612 : vector<16xf32>
        %get3A_614 = arith.constant 7 : i32
        %get3A_615 = arith.index_cast %get3A_614 : i32 to index
        %get3A_616 = arith.constant 112 : index
        %get3A_617 = tpu.vector_load %arg8[%get3A_615, %get3A_616] {strides = array<i32>} : memref<16x128xf32, #tpu.memory_space<vmem>>, vector<16xf32>,
        %add3A_618 = arith.addf %add3A_613, %get3A_617 : vector<16xf32>
        %get3A_619 = arith.constant 8 : i32
        %get3A_620 = arith.index_cast %get3A_619 : i32 to index
        %get3A_621 = arith.constant 112 : index
        %get3A_622 = tpu.vector_load %arg8[%get3A_620, %get3A_621] {strides = array<i32>} : memref<16x128xf32, #tpu.memory_space<vmem>>, vector<16xf32>,
        %add3A_623 = arith.addf %add3A_618, %get3A_622 : vector<16xf32>
        %get3A_624 = arith.constant 9 : i32
        %get3A_625 = arith.index_cast %get3A_624 : i32 to index
        %get3A_626 = arith.constant 112 : index
        %get3A_627 = tpu.vector_load %arg8[%get3A_625, %get3A_626] {strides = array<i32>} : memref<16x128xf32, #tpu.memory_space<vmem>>, vector<16xf32>,
        %add3A_628 = arith.addf %add3A_623, %get3A_627 : vector<16xf32>
        %get3A_629 = arith.constant 10 : i32
        %get3A_630 = arith.index_cast %get3A_629 : i32 to index
        %get3A_631 = arith.constant 112 : index
        %get3A_632 = tpu.vector_load %arg8[%get3A_630, %get3A_631] {strides = array<i32>} : memref<16x128xf32, #tpu.memory_space<vmem>>, vector<16xf32>,
        %add3A_633 = arith.addf %add3A_628, %get3A_632 : vector<16xf32>
        %get3A_634 = arith.constant 11 : i32
        %get3A_635 = arith.index_cast %get3A_634 : i32 to index
        %get3A_636 = arith.constant 112 : index
        %get3A_637 = tpu.vector_load %arg8[%get3A_635, %get3A_636] {strides = array<i32>} : memref<16x128xf32, #tpu.memory_space<vmem>>, vector<16xf32>,
        %add3A_638 = arith.addf %add3A_633, %get3A_637 : vector<16xf32>
        %get3A_639 = arith.constant 12 : i32
        %get3A_640 = arith.index_cast %get3A_639 : i32 to index
        %get3A_641 = arith.constant 112 : index
        %get3A_642 = tpu.vector_load %arg8[%get3A_640, %get3A_641] {strides = array<i32>} : memref<16x128xf32, #tpu.memory_space<vmem>>, vector<16xf32>,
        %add3A_643 = arith.addf %add3A_638, %get3A_642 : vector<16xf32>
        %get3A_644 = arith.constant 13 : i32
        %get3A_645 = arith.index_cast %get3A_644 : i32 to index
        %get3A_646 = arith.constant 112 : index
        %get3A_647 = tpu.vector_load %arg8[%get3A_645, %get3A_646] {strides = array<i32>} : memref<16x128xf32, #tpu.memory_space<vmem>>, vector<16xf32>,
        %add3A_648 = arith.addf %add3A_643, %get3A_647 : vector<16xf32>
        %get3A_649 = arith.constant 14 : i32
        %get3A_650 = arith.index_cast %get3A_649 : i32 to index
        %get3A_651 = arith.constant 112 : index
        %get3A_652 = tpu.vector_load %arg8[%get3A_650, %get3A_651] {strides = array<i32>} : memref<16x128xf32, #tpu.memory_space<vmem>>, vector<16xf32>,
        %add3A_653 = arith.addf %add3A_648, %get3A_652 : vector<16xf32>
        %get3A_654 = arith.constant 15 : i32
        %get3A_655 = arith.index_cast %get3A_654 : i32 to index
        %get3A_656 = arith.constant 112 : index
        %get3A_657 = tpu.vector_load %arg8[%get3A_655, %get3A_656] {strides = array<i32>} : memref<16x128xf32, #tpu.memory_space<vmem>>, vector<16xf32>,
        %add3A_658 = arith.addf %add3A_653, %get3A_657 : vector<16xf32>
        %swap3A_659 = arith.constant 112 : index
        %swap3A_660 = tpu.vector_load %arg6[%swap3A_659] {strides = array<i32>} : memref<128xf32, #tpu.memory_space<vmem>>, vector<16xf32>,
        tpu.vector_store %arg6[%swap3A_659], %add3A_658 {strides = array<i32>} : memref<128xf32, #tpu.memory_space<vmem>>, vector<16xf32>,
        "tpu.region"() ({
          %run_scoped3A = tpu.sem_alloc : memref<!tpu.dma_semaphore, #tpu.memory_space<semaphore_mem>>
          tpu.enqueue_dma source(%arg6 : memref<128xf32, #tpu.memory_space<vmem>>) target(%arg3 : memref<128xf32, #tpu.memory_space<hbm>>) target_semaphore(%run_scoped3A : memref<!tpu.dma_semaphore, #tpu.memory_space<semaphore_mem>>)
          tpu.wait_dma2 semaphore(%run_scoped3A : memref<!tpu.dma_semaphore, #tpu.memory_space<semaphore_mem>>) src(%arg6 : memref<128xf32, #tpu.memory_space<vmem>>) dst(%arg3 : memref<128xf32, #tpu.memory_space<hbm>>)
          tpu.yield
        }) : () -> ()
      } else {
      }
    } else {
    }
    return
  }
}

module attributes {stable_mosaic.version = 14 : i64} {
  func.func @_rowsum_body(%arg0: i32, %arg1: memref<5120x256xf32, #tpu.memory_space<vmem>>, %arg2: memref<5120x256xf32, #tpu.memory_space<vmem>>, %arg3: memref<5120xf32, #tpu.memory_space<vmem>>) attributes {dimension_semantics = [#tpu.dimension_semantics<arbitrary>], iteration_bounds = array<i64: 10>, scalar_prefetch = 0 : i64, scratch_operands = 0 : i64, tpu.core_type = #tpu.core_type<tc>, window_params = [{transform_indices = @transform_0, window_bounds = array<i64: 5120, 256>}, {transform_indices = @transform_1, window_bounds = array<i64: 5120, 256>}, {transform_indices = @transform_2, window_bounds = array<i64: 5120>}]} {
    %get3A = arith.constant 0 : index
    %get3A_0 = arith.constant 0 : index
    %get3A_1 = vector.load %arg1[%get3A, %get3A_0] : memref<5120x256xf32, #tpu.memory_space<vmem>>, vector<5120x256xf32>
    %get3A_2 = arith.constant 0 : index
    %get3A_3 = arith.constant 0 : index
    %get3A_4 = vector.load %arg2[%get3A_2, %get3A_3] : memref<5120x256xf32, #tpu.memory_space<vmem>>, vector<5120x256xf32>
    %sub3A = arith.subf %get3A_1, %get3A_4 : vector<5120x256xf32>
    %abs3A = math.absf %sub3A : vector<5120x256xf32>
    %reduce_sum3A = arith.constant dense<0.000000e+00> : vector<5120xf32>
    %reduce_sum3A_5 = vector.multi_reduction <add>, %abs3A, %reduce_sum3A [1] : vector<5120x256xf32> to vector<5120xf32>
    %swap3A = arith.constant 0 : index
    %swap3A_6 = vector.load %arg3[%swap3A] : memref<5120xf32, #tpu.memory_space<vmem>>, vector<5120xf32>
    tpu.vector_store %arg3[%swap3A], %reduce_sum3A_5 {strides = array<i32>} : memref<5120xf32, #tpu.memory_space<vmem>>, vector<5120xf32>,
    return
  }
  func.func @transform_0(%arg0: i32) -> (i32, i32) {
    %c0_i32 = arith.constant 0 : i32
    %c0_i32_0 = arith.constant 0 : i32
    return %arg0, %c0_i32 : i32, i32
  }
  func.func @transform_1(%arg0: i32) -> (i32, i32) {
    %c0_i32 = arith.constant 0 : i32
    %c0_i32_0 = arith.constant 0 : i32
    return %arg0, %c0_i32 : i32, i32
  }
  func.func @transform_2(%arg0: i32) -> i32 {
    %c0_i32 = arith.constant 0 : i32
    return %arg0 : i32
  }
}

</mosaic_0001>

<sc_bundles>
// kernel: kernel.5.cloned.1.call-start
scs
__scs_entry_jumppad:
0x0: {  	(pc) =	sbr.rel $0x88, $3  }
0x1: {  	(tag) =	ssettag $0x0;
	lr =	simm.s32 $0x1  }
0x2: {  	[smem:$0x3F9E] =	sst lr;
	_ =	strace $0xD0000000  }
0x3: {  	_ = 	snop  }
0x4: {  	_ = 	snop  }
0x5: {  	_ = 	snop  }
0x6: {  	_ = 	snop  }
0x7: {  	_ = 	snop  }
__scs_overlays_trampoline_lowered:
0x8: {  	[smem:$0x3FAD] =	sst s0  }
0x9: {  	[smem:$0x3FAE] =	sst s1  }
0xa: {  	[smem:$0x3FAF] =	sst s2  }
0xb: {  	[smem:$0x3FB0] =	sst s3  }
0xc: {  	[smem:$0x3FB1] =	sst s4  }
0xd: {  	[smem:$0x3FB2] =	sst s5  }
0xe: {  	[smem:$0x3FB3] =	sst s6  }
0xf: {  	[smem:$0x3FB4] =	sst s7  }
0x10: {  	[smem:$0x3FB5] =	sst s8  }
0x11: {  	[smem:$0x3FB6] =	sst s9;
	s0 =	simm.s32 @!p0 $0x0  }
0x12: {  	s1 =	sld [smem:$0x3F9C];
	s0 =	simm.s32 @p0 $0x1  }
0x13: {  	[smem:$0x3FB7] =	sst s0;
	s0 =	simm.s32 @!p1 $0x0  }
0x14: {  	s2 =	sld [smem:$0x3F9B];
	s0 =	simm.s32 @p1 $0x1  }
0x15: {  	[smem:$0x3FB8] =	sst s0;
	s0 =	simm.s32 @!p2 $0x0  }
0x16: {  	s3 =	sld [smem:$0x3FDB];
	s0 =	simm.s32 @p2 $0x1  }
0x17: {  	s4 =	simm.s32 $0x1BF5;
	[smem:$0x3FBA] =	sst s0  }
0x18: {  	s0 =	sld [smem:$0x3F9D];
	_ =	swait.ge [sflag:s4], $0x0  }
0x19: {  	s7 =	sld [smem:$0x3F9E]  }
0x1a: {  	s8 =	sadd.s32 $0xFFFFE003, lr  }
0x1b: {  	s9 =	sadd.s32 $0xFFFFFEF7, lr;
	s5 =	simm.s32 $0xFFFFFFFF;
	p2 =	slt.u32 s8, $0xFFFFF086  }
0x1c: {  	p1 =	slt.u32 s9, $0xF7A;
	s5 =	simm.s32 @!p2 $0x0  }
0x1d: {  	s5 =	simm.s32 @p1 $0x1;
	p0 =	seq.s32 s7, s2  }
0x1e: {  	s7 =	smul.u32 @!p0 $0xF7A, s2;
	p2 =	seq.s32 @!p0 s5, $0x0  }
0x1f: {  	s9 =	smul.u32 $0xF7A, s1;
	s8 =	simm.s32 @!p0 $0x1BF5;
	p2 =	por !p2, p0  }
0x20: {  	[sflag:s8] =	ssyncset.s32 @!p0 $0xFFFFF086;
	s6 =	sadd.s32 @!p0 s3, s7;
	s7 =	simm.s32 @!p0 $0x108  }
0x21: {  	s3 =	sadd.s32 s3, s9;
	s6 =	sadd.s32 @!p0 $0x88, s6;
	s7 =	simm.s32 @p2 $0x1082  }
0x22: {  	[simem:s7], [sflag:s8] =	dma.local @!p0 [hbm:s6], $0xF7A  }
0x23: {  	s9 =	sor.u32 $0xD0000000, s2;
	s6 =	simm.s32 $0x108;
	_ =	swait.ge @!p0 [sflag:s8], $0x0  }
0x24: {  	s3 =	sadd.s32 $0x88, s3;
	s6 =	simm.s32 @!p1 $0x1082;
	[sflag:s4] =	ssyncset.s32 $0xFFFFF086  }
0x25: {  	[simem:s6], [sflag:s4] =	dma.local [hbm:s3], $0xF7A  }
0x26: {  	[smem:$0x3F9E] =	sst s1;
	(tag) =	ssettag s2;
	_ =	strace s9  }
0x27: {  	s1 =	sld [smem:$0x3FAE]  }
0x28: {  	s2 =	sld [smem:$0x3FAF]  }
0x29: {  	s4 =	sld [smem:$0x3FB1]  }
0x2a: {  	p0 =	seq.s32 s5, $0x0;
	s5 =	sld [smem:$0x3FB2]  }
0x2b: {  	s6 =	sld [smem:$0x3FB3]  }
0x2c: {  	s7 =	sld [smem:$0x3FB4]  }
0x2d: {  	s3 =	simm.s32 $0x108;
	s8 =	sld [smem:$0x3FB5]  }
0x2e: {  	s3 =	simm.s32 @!p0 $0x1082;
	s9 =	sld [smem:$0x3FB6]  }
0x2f: {  	lr =	sadd.s32 s0, s3;
	s0 =	sld [smem:$0x3FAD]  }
0x30: {  	s3 =	sld [smem:$0x3FB0]  }
0x31: {  	[smem:$0x3FB9] =	sst s10  }
0x32: {  	s10 =	sld [smem:$0x3FB7];
	_ =	sdelay $0x3  }
0x33: {  	p0 =	seq.s32 s10, $0x1;
	s10 =	sld [smem:$0x3FB9];
	_ =	sdelay $0x3  }
0x34: {  	[smem:$0x3FB9] =	sst s10  }
0x35: {  	s10 =	sld [smem:$0x3FB8];
	_ =	sdelay $0x3  }
0x36: {  	p1 =	seq.s32 s10, $0x1;
	s10 =	sld [smem:$0x3FB9];
	_ =	sdelay $0x3  }
0x37: {  	[smem:$0x3FB9] =	sst s10  }
0x38: {  	s10 =	sld [smem:$0x3FBA]  }
0x39: {  	_ = 	snop;
	(pc) =	sbr.ind lr, $3  }
0x3a: {  	_ = 	snop  }
0x3b: {  	_ = 	snop  }
0x3c: {  	p2 =	seq.s32 s10, $0x1;
	s10 =	sld [smem:$0x3FB9]  }
0x3d: {  	_ =	shalt  }
0x3e: {  	_ =	shalt  }
0x3f: {  	_ =	shalt  }
0x40: {  	_ =	shalt  }
0x41: {  	_ =	shalt  }
0x42: {  	_ =	shalt  }
0x43: {  	_ =	shalt  }
0x44: {  	_ =	shalt  }
0x45: {  	_ =	shalt  }
0x46: {  	_ =	shalt  }
0x47: {  	_ =	shalt  }
0x48: {  	_ =	shalt  }
0x49: {  	_ =	shalt  }
0x4a: {  	_ =	shalt  }
0x4b: {  	_ =	shalt  }
0x4c: {  	_ =	shalt  }
0x4d: {  	_ =	shalt  }
0x4e: {  	_ =	shalt  }
0x4f: {  	_ =	shalt  }
0x50: {  	_ =	shalt  }
0x51: {  	_ =	shalt  }
0x52: {  	_ =	shalt  }
0x53: {  	_ =	shalt  }
0x54: {  	_ =	shalt  }
0x55: {  	_ =	shalt  }
0x56: {  	_ =	shalt  }
0x57: {  	_ =	shalt  }
0x58: {  	_ =	shalt  }
0x59: {  	_ =	shalt  }
0x5a: {  	_ =	shalt  }
0x5b: {  	_ =	shalt  }
0x5c: {  	_ =	shalt  }
0x5d: {  	_ =	shalt  }
0x5e: {  	_ =	shalt  }
0x5f: {  	_ =	shalt  }
0x60: {  	_ =	shalt  }
0x61: {  	_ =	shalt  }
0x62: {  	_ =	shalt  }
0x63: {  	_ =	shalt  }
0x64: {  	_ =	shalt  }
0x65: {  	_ =	shalt  }
0x66: {  	_ =	shalt  }
0x67: {  	_ =	shalt  }
0x68: {  	_ =	shalt  }
0x69: {  	_ =	shalt  }
0x6a: {  	_ =	shalt  }
0x6b: {  	_ =	shalt  }
0x6c: {  	_ =	shalt  }
0x6d: {  	_ =	shalt  }
0x6e: {  	_ =	shalt  }
0x6f: {  	_ =	shalt  }
0x70: {  	_ =	shalt  }
0x71: {  	_ =	shalt  }
0x72: {  	_ =	shalt  }
0x73: {  	_ =	shalt  }
0x74: {  	_ =	shalt  }
0x75: {  	_ =	shalt  }
0x76: {  	_ =	shalt  }
0x77: {  	_ =	shalt  }
0x78: {  	_ =	shalt  }
0x79: {  	_ =	shalt  }
0x7a: {  	_ =	shalt  }
0x7b: {  	_ =	shalt  }
0x7c: {  	_ =	shalt  }
0x7d: {  	_ =	shalt  }
0x7e: {  	_ =	shalt  }
0x7f: {  	_ =	shalt  }
0x80: {  	_ =	shalt  }
0x81: {  	_ =	shalt  }
0x82: {  	_ =	shalt  }
0x83: {  	_ =	shalt  }
0x84: {  	_ =	shalt  }
0x85: {  	_ =	shalt  }
0x86: {  	_ =	shalt  }
0x87: {  	_ =	shalt  }
.Lfunc_end0:
.L_simem_size_0:
called_computation_lowered:
.L_overlay_start_0:
0x88: {  	s2 =	sld [smem:$0x3FD9]  }
0x89: {  	s3 =	sld [smem:$0x3FFE];
	_ =	sdelay $0x1  }
0x8a: {  	s1 =	srdreg.scid  }
0x8b: {  	s0 =	sand.u32 $0x1, s1  }
0x8c: {  	s17 =	sshll.u32 s0, $0xA;
	s2 =	sadd.s32 s3, s2  }
0x8d: {  	s2 =	sadd.s32 s2, s17  }
0x8e: {  	[smem:$0x3FC5] =	sst s2  }
0x8f: {  	_ = 	snop  }
0x90: {  	s2 =	sld [smem:$0x3FC7];
	(tm) =	ssettm $0x1  }
0x91: {  	s18 =	sld [smem:$0x3FFB];
	_ =	sdelay $0x3  }
0x92: {  	_ =	strace s18  }
0x93: {  	s3 =	sld [smem:$0x3FFC];
	_ =	sdelay $0x3  }
0x94: {  	_ =	strace s3  }
0x95: {  	s3 =	sld [smem:$0x3FFD];
	_ =	sdelay $0x3  }
0x96: {  	_ =	strace s3  }
0x97: {  	_ =	strace $0x8FFFFFFF  }
0x98: {  	s19 =	sld [smem:$0x3FDB];
	_ =	sdelay $0x1  }
0x99: {  	s4 =	simm.s32 $_scs_section_size  }
0x9a: {  	s5 =	simm.s32 $_size__tile_overlayer_lowered;
	s6 =	simm.s32 $_tile_overlayer_lowered  }
0x9b: {  	s22 =	simm.s32 $0x1BFF;
	s21 =	sshll.u32 s6, $0x1;
	s3 =	sadd.s32 s4, s19  }
0x9c: {  	s7 =	simm.s32 $0x0;
	s20 =	sshll.u32 s5, $0x1;
	s5 =	sadd.s32 s21, s3  }
0x9d: {  	[timem:s7], [sflag:s22] =	dma.local [hbm:s5], s20  }
0x9e: {  	_ =	swait.ge [sflag:s22], s20  }
0x9f: {  	s4 =	ssub.s32 $0x0, s20;
	[sflag:s22] =	ssyncset.done $0x0  }
0xa0: {  	[sflag:s22] =	ssyncadd.s32 s4;
	_ =	sdelay $0x1  }
0xa1: {  	s23 =	simm.s32 $0x1B8B  }
0xa2: {  	_ =	swait.ge [sflag:s23], $0x1  }
0xa3: {  	[sflag:s23] =	ssyncset.done $0x0  }
0xa4: {  	s25 =	simm.s32 $0x1B8E;
	s24 =	sld [smem:$0x3FFE];
	[sflag:s23] =	ssyncadd.s32 $0xFFFFFFFF  }
0xa5: {  	s26 =	simm.s32 $execute0_lowered;
	[smem:$0x3FD2] =	sst s25  }
0xa6: {  	s5 =	sshll.u32 s26, $0x1;
	_ =	strace $0x80000046;
	[dreg:$0x1] =	wrdreg $0xFFFFFFFF  }
0xa7: {  	s28 =	simm.s32 $_size_execute0_lowered;
	s3 =	sadd.s32 s3, s5;
	[dreg:$0x0] =	wrdreg $0x0  }
0xa8: {  	s5 =	sshll.u32 s28, $0x1;
	[dreg:$0x2] =	wrdreg s3  }
0xa9: {  	[dreg:$0x3] =	wrdreg s5  }
0xaa: {  	[dreg:$0x4] =	wrdreg $0xC0  }
0xab: {  	_ =	task [dreg:s7], $0x5FFFF  }
0xac: {  	[dreg:$0x1] =	wrdreg $0xFFFFFFFF  }
0xad: {  	[dreg:$0x0] =	wrdreg $0x60  }
0xae: {  	[dreg:$0x2] =	wrdreg s2  }
0xaf: {  	[dreg:$0x3] =	wrdreg s24  }
0xb0: {  	[dreg:$0x4] =	wrdreg $0xF000  }
0xb1: {  	[dreg:$0x5] =	wrdreg $0x9  }
0xb2: {  	_ =	task.clear_ibuf [dreg:s7], $0x6FFFF;
	_ =	strace $0x90000046  }
0xb3: {  	s29 =	simm.s32 $0x9;
	_ =	strace $0x80000048  }
0xb4: {  	_ =	swait.ge [sflag:s29], $0x1  }
0xb5: {  	[sflag:s29] =	ssyncadd.s32 $0xFFFFFFFF  }
0xb6: {  	_ =	strace $0x90000048  }
0xb7: {  	_ =	sfence  }
0xb8: {  	s30 =	sld [smem:$0x0];
	_ =	sdelay $0x2  }
0xb9: {  	s31 =	sshll.u32 s1, $0xD;
	s1 =	sshrl.u32 s1, $0x2  }
0xba: {  	s3 =	sand.u32 $0x4000, s31;
	s1 =	sadd.s32 s1, s30  }
0xbb: {  	s0 =	sor.u32 s3, s0;
	s1 =	sshll.u32 s1, $0x11  }
0xbc: {  	s0 =	sor.u32 s1, s0  }
0xbd: {  	s0 =	sadd.s32 $0x8F2B, s0  }
0xbe: {  	[sflag:s0] =	ssyncadd.remote.s32 $0x1  }
0xbf: {  	_ =	sfence.sel $0xFFFF  }
0xc0: {  	[dreg:$0x0] =	wrdreg $0xFFFFFFFF;
	(pc) =	sbr.abs _section_cstart, $3  }
0xc1: {  	[dreg:$0x1] =	wrdreg $0xFFFFFFFF  }
0xc2: {  	_ =	task.clear_ibuf [dreg:s7], $0x2FFFF;
	_ =	strace $0x9FFFFFFF  }
0xc3: {  	(tm) =	ssettm $0x7FFFFFFF  }
tec
execute0_lowered:
.L_overlay_start_1:
0x0: {  	(tag) =	ssettag $0x1  }
0x1: {  	s1 =	srdreg.scid  }
0x2: {  	s1 =	sand.u32 $0x1, s1  }
0x3: {  	p0 =	seq.s32 s1, $0x1  }
.Ltmp0:
0x4: {  	s4 =	rddreg [dreg:$0x0];
	(pc) =	sbr.rel @p0 .LBB2_10-.Ltmp0, $4  }
0x5: {  	s2 =	rddreg [dreg:$0x1]  }
0x6: {  	s5 =	rddreg [dreg:$0x2];
	s3 =	simm.s32 $0x0  }
0x7: {  	[smem:$0x7FF] =	sst s3  }
0x8: {  	s0 =	rddreg [dreg:$0x3];
	_ =	strace $0x80000047;
	s1 =	stileid.u32  }
0x9: {  	p0 =	seq.s32 s1, $0xF  }
.Ltmp1:
0xa: {  	_ = 	snop;
	(pc) =	sbr.rel @!p0 .LBB2_2-.Ltmp1, $3  }
0xb: {  	_ =	sdelay $0x1  }
0xc: {  	s3 =	sshll.u32 s1, $0x7  }
0xd: {  	s3 =	sadd.s32 s3, s5  }
0xe: {  	s4 =	sadd.s32 $0x16F8, s4;
	s6 =	simm.s32 $0x0;
	s31 =	simm.s32 $0x1  }
0xf: {  	[tilespmem:s6], [sflag:$0x1] =	stream.linear.gather [hbm4b:s4+s6], $0xB90, $0x38;
	[tilespmem:$0x1780] =	vst v63  }
0x10: {  	_ =	swait.ge [sflag:s31], $0xB90  }
0x11: {  	[sflag:s31] =	ssyncset.done $0x0  }
0x12: {  	v0 =	vimm.f32 $0.0e+00;
	[sflag:s31] =	ssyncadd.s32 $0xFFFFF470  }
0x13: {  	[tilespmem:$0xC80] =	vst v0  }
0x14: {  	[tilespmem:$0xC90] =	vst v0  }
0x15: {  	[tilespmem:$0xCA0] =	vst v0  }
0x16: {  	[tilespmem:$0xCB0] =	vst v0  }
0x17: {  	[tilespmem:$0xCC0] =	vst v0  }
0x18: {  	[tilespmem:$0xCD0] =	vst v0  }
0x19: {  	[tilespmem:$0xCE0] =	vst v0  }
0x1a: {  	[tilespmem:$0xCF0] =	vst v0  }
0x1b: {  	[tilespmem:$0xD00] =	vst v0  }
0x1c: {  	[tilespmem:$0xD10] =	vst v0  }
0x1d: {  	[tilespmem:$0xD20] =	vst v0  }
0x1e: {  	[tilespmem:$0xD30] =	vst v0  }
0x1f: {  	[tilespmem:$0xD40] =	vst v0  }
0x20: {  	[tilespmem:$0xD50] =	vst v0  }
0x21: {  	[tilespmem:$0xD60] =	vst v0  }
0x22: {  	[tilespmem:$0xD70] =	vst v0  }
0x23: {  	[tilespmem:$0xD80] =	vst v0  }
0x24: {  	[tilespmem:$0xD90] =	vst v0  }
0x25: {  	[tilespmem:$0xDA0] =	vst v0  }
0x26: {  	[tilespmem:$0xDB0] =	vst v0  }
0x27: {  	[tilespmem:$0xDC0] =	vst v0  }
0x28: {  	[tilespmem:$0xDD0] =	vst v0  }
0x29: {  	[tilespmem:$0xDE0] =	vst v0  }
0x2a: {  	[tilespmem:$0xDF0] =	vst v0  }
0x2b: {  	[tilespmem:$0xE00] =	vst v0  }
0x2c: {  	[tilespmem:$0xE10] =	vst v0  }
0x2d: {  	[tilespmem:$0xE20] =	vst v0  }
0x2e: {  	[tilespmem:$0xE30] =	vst v0  }
0x2f: {  	[tilespmem:$0xE40] =	vst v0  }
0x30: {  	[tilespmem:$0xE50] =	vst v0  }
0x31: {  	s7 =	simm.s32 $0xC80;
	s8 =	simm.s32 $0xD00;
	s9 =	simm.s32 $0xD80;
	[tilespmem:$0xE60] =	vst v0  }
0x32: {  	s10 =	simm.s32 $0xE00;
	s4 =	simm.s32 $0xFFFFFFFE;
	s6 =	simm.s32 $0x40;
	[tilespmem:$0xE70] =	vst v0;
	v0 =	vimm.f32 $1.000000000e+00  }
.LBB2_6:
0x33: {  	v1 =	vld [tilespmem:s6+$0xFFFFFFC0];
	_ =	sdelay $0x7  }
0x34: {  	[tilespmem:v1+s7+$0x0] =	vst.idx.add.f32.msk $0xffff, v0  }
0x35: {  	v1 =	vld [tilespmem:s6+$0xFFFFFFD0];
	_ =	sdelay $0x7  }
0x36: {  	[tilespmem:v1+s8+$0x0] =	vst.idx.add.f32.msk $0xffff, v0  }
0x37: {  	v1 =	vld [tilespmem:s6+$0xFFFFFFE0];
	_ =	sdelay $0x7  }
0x38: {  	[tilespmem:v1+s9+$0x0] =	vst.idx.add.f32.msk $0xffff, v0  }
0x39: {  	v1 =	vld [tilespmem:s6+$0xFFFFFFF0];
	_ =	sdelay $0x7  }
0x3a: {  	[tilespmem:v1+s10+$0x0] =	vst.idx.add.f32.msk $0xffff, v0  }
0x3b: {  	v1 =	vld [tilespmem:s6+$0x0];
	_ =	sdelay $0x7  }
0x3c: {  	[tilespmem:v1+s7+$0x0] =	vst.idx.add.f32.msk $0xffff, v0  }
0x3d: {  	v1 =	vld [tilespmem:s6+$0x10];
	_ =	sdelay $0x7  }
0x3e: {  	[tilespmem:v1+s8+$0x0] =	vst.idx.add.f32.msk $0xffff, v0  }
0x3f: {  	v1 =	vld [tilespmem:s6+$0x20];
	_ =	sdelay $0x7  }
0x40: {  	[tilespmem:v1+s9+$0x0] =	vst.idx.add.f32.msk $0xffff, v0  }
0x41: {  	v1 =	vld [tilespmem:s6+$0x30];
	_ =	sdelay $0x1  }
0x42: {  	s4 =	sadd.s32 $0x2, s4  }
0x43: {  	p0 =	slt.u32 s4, $0x2C  }
.Ltmp2:
0x44: {  	_ = 	snop;
	(pc) =	sbr.rel @p0 .LBB2_6-.Ltmp2, $2  }
0x45: {  	_ =	sdelay $0x2  }
0x46: {  	s6 =	sadd.s32 $0x80, s6;
	[tilespmem:v1+s10+$0x0] =	vst.idx.add.f32.msk $0xffff, v0  }
0x47: {  	v0 =	vld [tilespmem:$0xB80];
	_ =	sdelay $0x3  }
.Ltmp3:
0x48: {  	_ = 	snop;
	(pc) =	sbr.rel .LBB2_8-.Ltmp3, $3  }
0x49: {  	_ =	sdelay $0x1  }
0x4a: {  	v1 =	vimm.f32 $1.000000000e+00;
	s4 =	simm.s32 $0xC80  }
0x4b: {  	[tilespmem:v0+s4+$0x0] =	vst.idx.add.f32.msk $0xffff, v1  }
.LBB2_2:
0x4c: {  	s6 =	smul.u32 $0x188, s1;
	_ =	sdelay $0x1  }
0x4d: {  	s30 =	simm.s32 $0x0;
	s31 =	simm.s32 $0x1;
	s4 =	sadd.s32 s4, s6  }
0x4e: {  	[tilespmem:s30], [sflag:$0x1] =	stream.linear.gather [hbm4b:s4+s30], $0xC40, $0x38;
	[tilespmem:$0x1780] =	vst v63  }
0x4f: {  	_ =	swait.ge [sflag:s31], $0xC40  }
0x50: {  	[sflag:s31] =	ssyncset.done $0x0  }
0x51: {  	v0 =	vimm.f32 $0.0e+00;
	[sflag:s31] =	ssyncadd.s32 $0xFFFFF3C0  }
0x52: {  	[tilespmem:$0xC80] =	vst v0  }
0x53: {  	[tilespmem:$0xC90] =	vst v0  }
0x54: {  	[tilespmem:$0xCA0] =	vst v0  }
0x55: {  	[tilespmem:$0xCB0] =	vst v0  }
0x56: {  	[tilespmem:$0xCC0] =	vst v0  }
0x57: {  	[tilespmem:$0xCD0] =	vst v0  }
0x58: {  	[tilespmem:$0xCE0] =	vst v0  }
0x59: {  	[tilespmem:$0xCF0] =	vst v0  }
0x5a: {  	[tilespmem:$0xD00] =	vst v0  }
0x5b: {  	[tilespmem:$0xD10] =	vst v0  }
0x5c: {  	[tilespmem:$0xD20] =	vst v0  }
0x5d: {  	[tilespmem:$0xD30] =	vst v0  }
0x5e: {  	[tilespmem:$0xD40] =	vst v0  }
0x5f: {  	[tilespmem:$0xD50] =	vst v0  }
0x60: {  	[tilespmem:$0xD60] =	vst v0  }
0x61: {  	[tilespmem:$0xD70] =	vst v0  }
0x62: {  	[tilespmem:$0xD80] =	vst v0  }
0x63: {  	[tilespmem:$0xD90] =	vst v0  }
0x64: {  	[tilespmem:$0xDA0] =	vst v0  }
0x65: {  	[tilespmem:$0xDB0] =	vst v0  }
0x66: {  	[tilespmem:$0xDC0] =	vst v0  }
0x67: {  	[tilespmem:$0xDD0] =	vst v0  }
0x68: {  	[tilespmem:$0xDE0] =	vst v0  }
0x69: {  	[tilespmem:$0xDF0] =	vst v0  }
0x6a: {  	[tilespmem:$0xE00] =	vst v0  }
0x6b: {  	[tilespmem:$0xE10] =	vst v0  }
0x6c: {  	[tilespmem:$0xE20] =	vst v0  }
0x6d: {  	[tilespmem:$0xE30] =	vst v0  }
0x6e: {  	[tilespmem:$0xE40] =	vst v0  }
0x6f: {  	[tilespmem:$0xE50] =	vst v0  }
0x70: {  	s7 =	simm.s32 $0xC80;
	s8 =	simm.s32 $0xD00;
	s9 =	simm.s32 $0xD80;
	[tilespmem:$0xE60] =	vst v0  }
0x71: {  	s10 =	simm.s32 $0xE00;
	s6 =	simm.s32 $0x40;
	s4 =	simm.s32 $0xFFFFFFFE;
	[tilespmem:$0xE70] =	vst v0;
	v0 =	vimm.f32 $1.000000000e+00  }
.LBB2_3:
0x72: {  	v1 =	vld [tilespmem:s6+$0xFFFFFFC0];
	_ =	sdelay $0x7  }
0x73: {  	[tilespmem:v1+s7+$0x0] =	vst.idx.add.f32.msk $0xffff, v0  }
0x74: {  	v1 =	vld [tilespmem:s6+$0xFFFFFFD0];
	_ =	sdelay $0x7  }
0x75: {  	[tilespmem:v1+s8+$0x0] =	vst.idx.add.f32.msk $0xffff, v0  }
0x76: {  	v1 =	vld [tilespmem:s6+$0xFFFFFFE0];
	_ =	sdelay $0x7  }
0x77: {  	[tilespmem:v1+s9+$0x0] =	vst.idx.add.f32.msk $0xffff, v0  }
0x78: {  	v1 =	vld [tilespmem:s6+$0xFFFFFFF0];
	_ =	sdelay $0x7  }
0x79: {  	[tilespmem:v1+s10+$0x0] =	vst.idx.add.f32.msk $0xffff, v0  }
0x7a: {  	v1 =	vld [tilespmem:s6+$0x0];
	_ =	sdelay $0x7  }
0x7b: {  	[tilespmem:v1+s7+$0x0] =	vst.idx.add.f32.msk $0xffff, v0  }
0x7c: {  	v1 =	vld [tilespmem:s6+$0x10];
	_ =	sdelay $0x7  }
0x7d: {  	[tilespmem:v1+s8+$0x0] =	vst.idx.add.f32.msk $0xffff, v0  }
0x7e: {  	v1 =	vld [tilespmem:s6+$0x20];
	_ =	sdelay $0x7  }
0x7f: {  	[tilespmem:v1+s9+$0x0] =	vst.idx.add.f32.msk $0xffff, v0  }
0x80: {  	v1 =	vld [tilespmem:s6+$0x30];
	_ =	sdelay $0x1  }
0x81: {  	s4 =	sadd.s32 $0x2, s4  }
0x82: {  	p0 =	slt.u32 s4, $0x2E  }
.Ltmp4:
0x83: {  	_ = 	snop;
	(pc) =	sbr.rel @p0 .LBB2_3-.Ltmp4, $2  }
0x84: {  	_ =	sdelay $0x2  }
0x85: {  	s6 =	sadd.s32 $0x80, s6;
	[tilespmem:v1+s10+$0x0] =	vst.idx.add.f32.msk $0xffff, v0  }
0x86: {  	v0 =	vld [tilespmem:$0xC00];
	_ =	sdelay $0x6  }
0x87: {  	v1 =	vimm.f32 $1.000000000e+00;
	s4 =	simm.s32 $0xC80  }
0x88: {  	[tilespmem:v0+s4+$0x0] =	vst.idx.add.f32.msk $0xffff, v1  }
0x89: {  	v0 =	vld [tilespmem:$0xC10];
	_ =	sdelay $0x6  }
0x8a: {  	s29 =	simm.s32 $0xD00  }
0x8b: {  	[tilespmem:v0+s29+$0x0] =	vst.idx.add.f32.msk $0xffff, v1  }
0x8c: {  	v0 =	vld [tilespmem:$0xC20];
	_ =	sdelay $0x6  }
0x8d: {  	s30 =	simm.s32 $0xD80  }
0x8e: {  	[tilespmem:v0+s30+$0x0] =	vst.idx.add.f32.msk $0xffff, v1  }
0x8f: {  	v0 =	vld [tilespmem:$0xC30];
	_ =	sdelay $0x6  }
0x90: {  	s31 =	simm.s32 $0xE00  }
0x91: {  	[tilespmem:v0+s31+$0x0] =	vst.idx.add.f32.msk $0xffff, v1  }
.LBB2_8:
0x92: {  	v0 =	vld [tilespmem:$0xC80]  }
0x93: {  	v1 =	vld [tilespmem:$0xD00]  }
0x94: {  	v2 =	vld [tilespmem:$0xD80]  }
0x95: {  	v3 =	vld [tilespmem:$0xE00]  }
0x96: {  	v4 =	vld [tilespmem:$0xC90]  }
0x97: {  	v5 =	vld [tilespmem:$0xD10]  }
0x98: {  	v6 =	vld [tilespmem:$0xD90]  }
0x99: {  	v7 =	vld [tilespmem:$0xE10]  }
0x9a: {  	v8 =	vld [tilespmem:$0xCA0]  }
0x9b: {  	v9 =	vld [tilespmem:$0xD20]  }
0x9c: {  	v10 =	vld [tilespmem:$0xDA0]  }
0x9d: {  	v11 =	vld [tilespmem:$0xE20]  }
0x9e: {  	v12 =	vld [tilespmem:$0xCB0]  }
0x9f: {  	v13 =	vld [tilespmem:$0xD30]  }
0xa0: {  	v14 =	vld [tilespmem:$0xDB0]  }
0xa1: {  	v15 =	vld [tilespmem:$0xE30]  }
0xa2: {  	v16 =	vld [tilespmem:$0xCC0]  }
0xa3: {  	v17 =	vld [tilespmem:$0xD40]  }
0xa4: {  	v18 =	vld [tilespmem:$0xDC0]  }
0xa5: {  	v20 =	vld [tilespmem:$0xCD0]  }
0xa6: {  	v21 =	vld [tilespmem:$0xD50]  }
0xa7: {  	v47 =	vld [tilespmem:$0xCE0]  }
0xa8: {  	v49 =	vld [tilespmem:$0xD60]  }
0xa9: {  	v22 =	vld [tilespmem:$0xDD0]  }
0xaa: {  	v46 =	vld [tilespmem:$0xE50];
	v0 =	vadd.f32 v1, v0;
	v4 =	vadd.f32 v5, v4  }
0xab: {  	v51 =	vld [tilespmem:$0xCF0];
	v48 =	vadd.f32 v9, v8;
	v50 =	vadd.f32 v13, v12  }
0xac: {  	v53 =	vld [tilespmem:$0xDE0];
	v54 =	vadd.f32 v17, v16;
	v56 =	vadd.f32 v21, v20  }
0xad: {  	v52 =	vld [tilespmem:$0xD70];
	v5 =	vadd.f32 v49, v47;
	v0 =	vadd.f32 v2, v0  }
0xae: {  	v55 =	vld [tilespmem:$0xDF0];
	v4 =	vadd.f32 v6, v4;
	v2 =	vadd.f32 v10, v48  }
0xaf: {  	v57 =	vld [tilespmem:$0xE60];
	v6 =	vadd.f32 v14, v50;
	v0 =	vadd.f32 v3, v0  }
0xb0: {  	v19 =	vld [tilespmem:$0xE40];
	v60 =	vadd.f32 v22, v56;
	v4 =	vadd.f32 v7, v4  }
0xb1: {  	v59 =	vld [tilespmem:$0xE70];
	v61 =	vadd.f32 v53, v5;
	v2 =	vadd.f32 v11, v2;
	[tilespmem:$0xE80] =	vst v0  }
0xb2: {  	v6 =	vadd.f32 v15, v6;
	v3 =	vadd.f32 v52, v51;
	[tilespmem:$0xE90] =	vst v4  }
0xb3: {  	v58 =	vadd.f32 v18, v54;
	v1 =	vadd.f32 v46, v60;
	[tilespmem:$0xEA0] =	vst v2  }
0xb4: {  	v62 =	vadd.f32 v57, v61;
	[tilespmem:$0xEB0] =	vst v6;
	v3 =	vadd.f32 v55, v3  }
0xb5: {  	v0 =	vadd.f32 v19, v58;
	[tilespmem:$0xED0] =	vst v1  }
0xb6: {  	[tilespmem:$0xEE0] =	vst v62;
	v63 =	vadd.f32 v59, v3  }
0xb7: {  	[tilespmem:$0xEC0] =	vst v0  }
0xb8: {  	s4 =	simm.s32 $0xE80;
	[tilespmem:$0xEF0] =	vst v63  }
0xb9: {  	[spmem:s3] =	stream.linear.scatter [tilespmem:s4], [sflag:$0x1], $0x80, $0x38;
	[tilespmem:$0x1780] =	vst v63  }
0xba: {  	p0 =	sne.s32 s1, $0x0;
	s3 =	simm.s32 $0x1  }
.Ltmp5:
0xbb: {  	_ =	swait.ge [sflag:s3], $0x80;
	(pc) =	sbr.rel @p0 .LBB2_10-.Ltmp5, $3  }
0xbc: {  	[sflag:s3] =	ssyncset.done $0x0  }
0xbd: {  	[sflag:s3] =	ssyncadd.s32 $0xFFFFFF80  }
0xbe: {  	[bflag:$0x0] =	sbarrier.arrive $0xFFFF;
	_ =	sdelay $0x1  }
0xbf: {  	s6 =	simm.s32 $0xF80  }
0xc0: {  	[tilespmem:s6], [sflag:$0x1] =	stream.linear.gather [spmem:s5], $0x800, $0x38;
	[tilespmem:$0x1780] =	vst v63  }
0xc1: {  	_ =	swait.ge [sflag:s3], $0x800  }
0xc2: {  	[sflag:s3] =	ssyncset.done $0x0  }
0xc3: {  	[sflag:s3] =	ssyncadd.s32 $0xFFFFF800  }
0xc4: {  	v0 =	vld [tilespmem:$0xF80]  }
0xc5: {  	v1 =	vld [tilespmem:$0x1000]  }
0xc6: {  	v2 =	vld [tilespmem:$0x1080]  }
0xc7: {  	v3 =	vld [tilespmem:$0x1100]  }
0xc8: {  	v9 =	vld [tilespmem:$0x1180]  }
0xc9: {  	v10 =	vld [tilespmem:$0x1200]  }
0xca: {  	v11 =	vld [tilespmem:$0x1280]  }
0xcb: {  	v12 =	vld [tilespmem:$0x1300]  }
0xcc: {  	v14 =	vld [tilespmem:$0x1380]  }
0xcd: {  	v16 =	vld [tilespmem:$0x1400]  }
0xce: {  	v18 =	vld [tilespmem:$0x1480]  }
0xcf: {  	v4 =	vld [tilespmem:$0x1500]  }
0xd0: {  	v44 =	vld [tilespmem:$0x1580]  }
0xd1: {  	v45 =	vld [tilespmem:$0x1600]  }
0xd2: {  	v46 =	vld [tilespmem:$0x1680]  }
0xd3: {  	v47 =	vld [tilespmem:$0x1700]  }
0xd4: {  	v5 =	vld [tilespmem:$0xF90]  }
0xd5: {  	v7 =	vld [tilespmem:$0x1010]  }
0xd6: {  	v19 =	vld [tilespmem:$0x1090]  }
0xd7: {  	v20 =	vld [tilespmem:$0x1110]  }
0xd8: {  	v21 =	vld [tilespmem:$0x1190]  }
0xd9: {  	v22 =	vld [tilespmem:$0x1210]  }
0xda: {  	v23 =	vld [tilespmem:$0x1290]  }
0xdb: {  	v24 =	vld [tilespmem:$0x1310]  }
0xdc: {  	v25 =	vld [tilespmem:$0x1390]  }
0xdd: {  	v26 =	vld [tilespmem:$0x1410]  }
0xde: {  	v27 =	vld [tilespmem:$0x1490]  }
0xdf: {  	v28 =	vld [tilespmem:$0x1510]  }
0xe0: {  	v29 =	vld [tilespmem:$0x1590]  }
0xe1: {  	v31 =	vld [tilespmem:$0x1610]  }
0xe2: {  	v48 =	vld [tilespmem:$0x1690]  }
0xe3: {  	v49 =	vld [tilespmem:$0x1710]  }
0xe4: {  	v8 =	vld [tilespmem:$0xFA0]  }
0xe5: {  	v33 =	vld [tilespmem:$0x1020]  }
0xe6: {  	v34 =	vld [tilespmem:$0x10A0]  }
0xe7: {  	v35 =	vld [tilespmem:$0x1120]  }
0xe8: {  	v36 =	vld [tilespmem:$0x11A0]  }
0xe9: {  	v37 =	vld [tilespmem:$0x1220]  }
0xea: {  	v38 =	vld [tilespmem:$0x12A0]  }
0xeb: {  	v39 =	vld [tilespmem:$0x1320]  }
0xec: {  	v40 =	vld [tilespmem:$0x13A0]  }
0xed: {  	v41 =	vld [tilespmem:$0x1420]  }
0xee: {  	v42 =	vld [tilespmem:$0x14A0]  }
0xef: {  	v43 =	vld [tilespmem:$0x1520]  }
0xf0: {  	v50 =	vld [tilespmem:$0x10B0]  }
0xf1: {  	v51 =	vld [tilespmem:$0x1130]  }
0xf2: {  	v52 =	vld [tilespmem:$0x11B0]  }
0xf3: {  	v53 =	vld [tilespmem:$0x1230]  }
0xf4: {  	v54 =	vld [tilespmem:$0x12B0]  }
0xf5: {  	v55 =	vld [tilespmem:$0x1330]  }
0xf6: {  	v56 =	vld [tilespmem:$0x13B0]  }
0xf7: {  	v57 =	vld [tilespmem:$0x1430]  }
0xf8: {  	v58 =	vld [tilespmem:$0x14B0]  }
0xf9: {  	v59 =	vld [tilespmem:$0x1530]  }
0xfa: {  	v60 =	vld [tilespmem:$0x15B0]  }
0xfb: {  	v61 =	vld [tilespmem:$0x1630]  }
0xfc: {  	v62 =	vld [tilespmem:$0x16B0]  }
0xfd: {  	v63 =	vld [tilespmem:$0x1730]  }
0xfe: {  	v6 =	vld [tilespmem:$0xFC0]  }
0xff: {  	v13 =	vld [tilespmem:$0x10C0]  }
0x100: {  	v15 =	vld [tilespmem:$0x1140]  }
0x101: {  	v17 =	vld [tilespmem:$0x11C0]  }
0x102: {  	v30 =	vld [tilespmem:$0x1240]  }
0x103: {  	v32 =	vld [tilespmem:$0x12C0]  }
0x104: {  	[tilespmem:$0x1FF90] =	vst v44;
	v44 =	vld [tilespmem:$0x15A0]  }
0x105: {  	[tilespmem:$0x1FFA0] =	vst v45;
	v45 =	vld [tilespmem:$0x1620]  }
0x106: {  	[tilespmem:$0x1FFB0] =	vst v46;
	v46 =	vld [tilespmem:$0x16A0]  }
0x107: {  	[tilespmem:$0x1FFD0] =	vst v47;
	v47 =	vld [tilespmem:$0x1720]  }
0x108: {  	[tilespmem:$0x1FFC0] =	vst v48;
	v48 =	vld [tilespmem:$0xFB0]  }
0x109: {  	[tilespmem:$0x1FFE0] =	vst v49;
	v49 =	vld [tilespmem:$0x1030]  }
0x10a: {  	[tilespmem:$0x1FF80] =	vst v4;
	v4 =	vld [tilespmem:$0x1040]  }
0x10b: {  	v0 =	vadd.f32 v1, v0;
	v1 =	vld [tilespmem:$0x1340]  }
0x10c: {  	v5 =	vadd.f32 v7, v5;
	v7 =	vld [tilespmem:$0x13C0]  }
0x10d: {  	[tilespmem:$0x1FFF0] =	vst v32;
	v32 =	vld [tilespmem:$0x1550]  }
0x10e: {  	v0 =	vadd.f32 v2, v0;
	v2 =	vadd.f32 v33, v8;
	v8 =	vld [tilespmem:$0x1440]  }
0x10f: {  	v33 =	vadd.f32 v19, v5;
	v19 =	vld [tilespmem:$0x14C0]  }
0x110: {  	v5 =	vld [tilespmem:$0x1540]  }
0x111: {  	v0 =	vadd.f32 v3, v0;
	v3 =	vld [tilespmem:$0x15C0]  }
0x112: {  	v2 =	vadd.f32 v34, v2;
	v20 =	vadd.f32 v20, v33;
	v33 =	vld [tilespmem:$0x1050]  }
0x113: {  	v48 =	vadd.f32 v49, v48;
	v49 =	vld [tilespmem:$0x1FFC0]  }
0x114: {  	v34 =	vadd.f32 v35, v2;
	v2 =	vld [tilespmem:$0x1640]  }
0x115: {  	v0 =	vadd.f32 v9, v0;
	v9 =	vld [tilespmem:$0x16C0]  }
0x116: {  	v35 =	vld [tilespmem:$0x1750]  }
0x117: {  	v20 =	vadd.f32 v21, v20;
	v50 =	vadd.f32 v50, v48;
	v48 =	vld [tilespmem:$0x1060]  }
0x118: {  	v10 =	vadd.f32 v10, v0;
	v0 =	vld [tilespmem:$0x1740]  }
0x119: {  	v4 =	vadd.f32 v4, v6;
	v20 =	vadd.f32 v22, v20;
	v22 =	vld [tilespmem:$0xFD0]  }
0x11a: {  	v36 =	vadd.f32 v36, v34;
	v34 =	vld [tilespmem:$0x1650]  }
0x11b: {  	v4 =	vadd.f32 v13, v4;
	v51 =	vadd.f32 v51, v50;
	v50 =	vld [tilespmem:$0xFF0]  }
0x11c: {  	v20 =	vadd.f32 v23, v20;
	v23 =	vld [tilespmem:$0x10D0]  }
0x11d: {  	v4 =	vadd.f32 v15, v4;
	v37 =	vadd.f32 v37, v36;
	v36 =	vld [tilespmem:$0x12F0]  }
0x11e: {  	v10 =	vadd.f32 v11, v10;
	v21 =	vadd.f32 v52, v51;
	v51 =	vld [tilespmem:$0x1FFD0]  }
0x11f: {  	v52 =	vld [tilespmem:$0x1070]  }
0x120: {  	v4 =	vadd.f32 v17, v4;
	v10 =	vadd.f32 v12, v10;
	v12 =	vld [tilespmem:$0x1150]  }
0x121: {  	v11 =	vadd.f32 v38, v37;
	v20 =	vadd.f32 v24, v20;
	v24 =	vld [tilespmem:$0x11D0]  }
0x122: {  	v37 =	vld [tilespmem:$0x1360];
	v21 =	vadd.f32 v53, v21;
	v22 =	vadd.f32 v33, v22  }
0x123: {  	v38 =	vld [tilespmem:$0x1FFF0];
	v4 =	vadd.f32 v30, v4;
	v10 =	vadd.f32 v14, v10  }
0x124: {  	v53 =	vld [tilespmem:$0x1FFE0];
	v11 =	vadd.f32 v39, v11;
	v20 =	vadd.f32 v25, v20  }
0x125: {  	v33 =	vld [tilespmem:$0x12E0];
	v21 =	vadd.f32 v54, v21;
	v22 =	vadd.f32 v23, v22  }
0x126: {  	v14 =	vld [tilespmem:$0x1250];
	v10 =	vadd.f32 v16, v10;
	v11 =	vadd.f32 v40, v11  }
0x127: {  	v25 =	vld [tilespmem:$0x12D0];
	v20 =	vadd.f32 v26, v20;
	v21 =	vadd.f32 v55, v21  }
0x128: {  	v39 =	vld [tilespmem:$0x1370];
	v12 =	vadd.f32 v12, v22;
	v4 =	vadd.f32 v38, v4  }
0x129: {  	v40 =	vld [tilespmem:$0x1FF80];
	v10 =	vadd.f32 v18, v10;
	v21 =	vadd.f32 v56, v21  }
0x12a: {  	v54 =	vld [tilespmem:$0x10E0];
	v11 =	vadd.f32 v41, v11;
	v20 =	vadd.f32 v27, v20  }
0x12b: {  	v16 =	vld [tilespmem:$0x1350];
	v12 =	vadd.f32 v24, v12;
	v21 =	vadd.f32 v57, v21  }
0x12c: {  	v41 =	vld [tilespmem:$0x1FF90];
	v1 =	vadd.f32 v1, v4;
	v11 =	vadd.f32 v42, v11  }
0x12d: {  	v26 =	vld [tilespmem:$0x13D0];
	v20 =	vadd.f32 v28, v20;
	v21 =	vadd.f32 v58, v21  }
0x12e: {  	v10 =	vadd.f32 v40, v10;
	v11 =	vadd.f32 v43, v11;
	v43 =	vld [tilespmem:$0xFE0]  }
0x12f: {  	v55 =	vld [tilespmem:$0x10F0];
	v12 =	vadd.f32 v14, v12;
	v21 =	vadd.f32 v59, v21  }
0x130: {  	v18 =	vld [tilespmem:$0x1450];
	v1 =	vadd.f32 v7, v1;
	v20 =	vadd.f32 v29, v20  }
0x131: {  	v56 =	vld [tilespmem:$0x1160];
	v10 =	vadd.f32 v41, v10;
	v21 =	vadd.f32 v60, v21  }
0x132: {  	v42 =	vld [tilespmem:$0x1FFA0];
	v12 =	vadd.f32 v25, v12;
	v1 =	vadd.f32 v8, v1  }
0x133: {  	v58 =	vld [tilespmem:$0x1170];
	v57 =	vadd.f32 v48, v43;
	v21 =	vadd.f32 v61, v21  }
0x134: {  	v11 =	vadd.f32 v44, v11;
	v59 =	vadd.f32 v52, v50;
	v60 =	vld [tilespmem:$0x11E0]  }
0x135: {  	v13 =	vadd.f32 v54, v57;
	v61 =	vld [tilespmem:$0x11F0];
	v21 =	vadd.f32 v62, v21  }
0x136: {  	v20 =	vadd.f32 v31, v20;
	v6 =	vadd.f32 v55, v59;
	v62 =	vld [tilespmem:$0x1260]  }
0x137: {  	v13 =	vadd.f32 v56, v13;
	v21 =	vadd.f32 v63, v21;
	v63 =	vld [tilespmem:$0x1270]  }
0x138: {  	v27 =	vld [tilespmem:$0x14D0];
	v10 =	vadd.f32 v42, v10;
	v6 =	vadd.f32 v58, v6  }
0x139: {  	v28 =	vld [tilespmem:$0x15D0];
	v12 =	vadd.f32 v16, v12;
	v13 =	vadd.f32 v60, v13  }
0x13a: {  	v44 =	vld [tilespmem:$0x1FFB0];
	v1 =	vadd.f32 v19, v1;
	v6 =	vadd.f32 v61, v6  }
0x13b: {  	v40 =	vld [tilespmem:$0x13E0];
	v11 =	vadd.f32 v45, v11;
	v13 =	vadd.f32 v62, v13  }
0x13c: {  	v29 =	vld [tilespmem:$0x16D0];
	v20 =	vadd.f32 v49, v20;
	v6 =	vadd.f32 v63, v6  }
0x13d: {  	v42 =	vld [tilespmem:$0x13F0];
	v12 =	vadd.f32 v26, v12;
	v41 =	vadd.f32 v33, v13  }
0x13e: {  	v43 =	vld [tilespmem:$0x1460];
	v1 =	vadd.f32 v5, v1;
	v6 =	vadd.f32 v36, v6  }
0x13f: {  	v10 =	vadd.f32 v44, v10;
	v44 =	vld [tilespmem:$0x1470];
	v4 =	vadd.f32 v37, v41  }
0x140: {  	v45 =	vld [tilespmem:$0x14E0];
	v11 =	vadd.f32 v46, v11;
	v6 =	vadd.f32 v39, v6  }
0x141: {  	v46 =	vld [tilespmem:$0x14F0];
	v12 =	vadd.f32 v18, v12;
	v4 =	vadd.f32 v40, v4  }
0x142: {  	v11 =	vadd.f32 v47, v11;
	v47 =	vld [tilespmem:$0x1560];
	v6 =	vadd.f32 v42, v6  }
0x143: {  	v48 =	vld [tilespmem:$0x1570];
	v20 =	vadd.f32 v53, v20;
	v4 =	vadd.f32 v43, v4  }
0x144: {  	v49 =	vld [tilespmem:$0x15E0];
	v12 =	vadd.f32 v27, v12;
	v6 =	vadd.f32 v44, v6  }
0x145: {  	v50 =	vld [tilespmem:$0x15F0];
	v10 =	vadd.f32 v51, v10;
	v4 =	vadd.f32 v45, v4  }
0x146: {  	v51 =	vld [tilespmem:$0x1660];
	v12 =	vadd.f32 v32, v12;
	v6 =	vadd.f32 v46, v6  }
0x147: {  	v53 =	vld [tilespmem:$0x1670];
	v1 =	vadd.f32 v3, v1;
	v52 =	vadd.f32 v47, v4  }
0x148: {  	v54 =	vld [tilespmem:$0x16E0];
	v12 =	vadd.f32 v28, v12;
	v6 =	vadd.f32 v48, v6  }
0x149: {  	v1 =	vadd.f32 v2, v1;
	v56 =	vld [tilespmem:$0x16F0];
	v55 =	vadd.f32 v49, v52  }
0x14a: {  	v58 =	vld [tilespmem:$0x1760];
	v57 =	vadd.f32 v34, v12;
	v5 =	vadd.f32 v50, v6  }
0x14b: {  	v59 =	vld [tilespmem:$0x1770];
	[tilespmem:$0xE90] =	vst v20;
	v1 =	vadd.f32 v9, v1;
	v2 =	vadd.f32 v51, v55  }
0x14c: {  	[tilespmem:$0xEA0] =	vst v11;
	v7 =	vadd.f32 v29, v57;
	v4 =	vadd.f32 v53, v5  }
0x14d: {  	[tilespmem:$0xE80] =	vst v10;
	v0 =	vadd.f32 v0, v1;
	v60 =	vadd.f32 v54, v2  }
0x14e: {  	[tilespmem:$0xEB0] =	vst v21;
	v61 =	vadd.f32 v35, v7;
	v3 =	vadd.f32 v56, v4  }
0x14f: {  	[tilespmem:$0xEC0] =	vst v0;
	v62 =	vadd.f32 v58, v60  }
0x150: {  	[tilespmem:$0xED0] =	vst v61;
	v63 =	vadd.f32 v59, v3  }
0x151: {  	[tilespmem:$0xEE0] =	vst v62  }
0x152: {  	s2 =	sadd.s32 $0xA00, s2;
	s31 =	simm.s32 $0x0;
	[tilespmem:$0xEF0] =	vst v63  }
0x153: {  	[hbm4b:s2+s31] =	stream.linear.scatter [tilespmem:s4], [sflag:$0x1], $0x80, $0x38;
	[tilespmem:$0x1780] =	vst v63  }
0x154: {  	_ =	swait.ge [sflag:s3], $0x80  }
0x155: {  	[sflag:s3] =	ssyncset.done $0x0  }
0x156: {  	[sflag:s3] =	ssyncadd.s32 $0xFFFFFF80  }
.LBB2_10:
0x157: {  	_ =	sfence.sel $0x180000  }
0x158: {  	[bflag:$0x0] =	sbarrier.arrive $0xFFFF  }
0x159: {  	p0 =	sne.s32 s1, $0x0;
	_ =	strace $0x90000047  }
0x15a: {  	s0 =	sadd.s32 @!p0 $0x100000, s0;
	[bflag:$0x2] =	sbarrier.arrive $0xFFFF  }
0x15b: {  	[sflag:s0] =	ssyncadd.tile.s32 @!p0 $0x1;
	_ =	shalt  }
.Lfunc_end2:
_tile_overlayer_lowered:
.L_overlay_start_2:
0x15c: {  	(tag) =	ssettag $0x2  }
0x15d: {  	s0 =	rddreg [dreg:$0x0];
	s2 =	stileid.u32  }
0x15e: {  	s1 =	rddreg [dreg:$0x1];
	p0 =	sne.s32 s2, $0x0  }
0x15f: {  	s3 =	rddreg [dreg:$0x2];
	[bflag:$0x3] =	sbarrier.arrive $0xFFFF;
	s2 =	simm.s32 @!p0 $0x1C01  }
0x160: {  	[timem:s3], [sflag:s2] =	dma.local @!p0 [hbm:s0], s1  }
0x161: {  	s0 =	simm.s32 @!p0 $0x1  }
0x162: {  	_ =	swait.ge @!p0 [sflag:s0], s1  }
0x163: {  	s1 =	ssub.s32 @!p0 $0x0, s1;
	[sflag:s0] =	ssyncset.done @!p0 $0x0  }
0x164: {  	[sflag:s0] =	ssyncadd.s32 @!p0 s1  }
0x165: {  	[bflag:$0x3] =	sbarrier.arrive $0xFFFF  }
0x166: {  	_ =	shalt  }

// kernel: kernel.8.cloned.1.call-start
scs
__scs_entry_jumppad:
0x0: {  	(pc) =	sbr.rel $0x88, $3  }
0x1: {  	(tag) =	ssettag $0x0;
	lr =	simm.s32 $0x1  }
0x2: {  	[smem:$0x3F9E] =	sst lr;
	_ =	strace $0xD0000000  }
0x3: {  	_ = 	snop  }
0x4: {  	_ = 	snop  }
0x5: {  	_ = 	snop  }
0x6: {  	_ = 	snop  }
0x7: {  	_ = 	snop  }
__scs_overlays_trampoline_lowered:
0x8: {  	[smem:$0x3FAD] =	sst s0  }
0x9: {  	[smem:$0x3FAE] =	sst s1  }
0xa: {  	[smem:$0x3FAF] =	sst s2  }
0xb: {  	[smem:$0x3FB0] =	sst s3  }
0xc: {  	[smem:$0x3FB1] =	sst s4  }
0xd: {  	[smem:$0x3FB2] =	sst s5  }
0xe: {  	[smem:$0x3FB3] =	sst s6  }
0xf: {  	[smem:$0x3FB4] =	sst s7  }
0x10: {  	[smem:$0x3FB5] =	sst s8  }
0x11: {  	[smem:$0x3FB6] =	sst s9;
	s0 =	simm.s32 @!p0 $0x0  }
0x12: {  	s1 =	sld [smem:$0x3F9C];
	s0 =	simm.s32 @p0 $0x1  }
0x13: {  	[smem:$0x3FB7] =	sst s0;
	s0 =	simm.s32 @!p1 $0x0  }
0x14: {  	s2 =	sld [smem:$0x3F9B];
	s0 =	simm.s32 @p1 $0x1  }
0x15: {  	[smem:$0x3FB8] =	sst s0;
	s0 =	simm.s32 @!p2 $0x0  }
0x16: {  	s3 =	sld [smem:$0x3FDB];
	s0 =	simm.s32 @p2 $0x1  }
0x17: {  	s4 =	simm.s32 $0x1BF5;
	[smem:$0x3FBA] =	sst s0  }
0x18: {  	s0 =	sld [smem:$0x3F9D];
	_ =	swait.ge [sflag:s4], $0x0  }
0x19: {  	s7 =	sld [smem:$0x3F9E]  }
0x1a: {  	s8 =	sadd.s32 $0xFFFFE003, lr  }
0x1b: {  	s9 =	sadd.s32 $0xFFFFFEF7, lr;
	s5 =	simm.s32 $0xFFFFFFFF;
	p2 =	slt.u32 s8, $0xFFFFF086  }
0x1c: {  	p1 =	slt.u32 s9, $0xF7A;
	s5 =	simm.s32 @!p2 $0x0  }
0x1d: {  	s5 =	simm.s32 @p1 $0x1;
	p0 =	seq.s32 s7, s2  }
0x1e: {  	s7 =	smul.u32 @!p0 $0xF7A, s2;
	p2 =	seq.s32 @!p0 s5, $0x0  }
0x1f: {  	s9 =	smul.u32 $0xF7A, s1;
	s8 =	simm.s32 @!p0 $0x1BF5;
	p2 =	por !p2, p0  }
0x20: {  	[sflag:s8] =	ssyncset.s32 @!p0 $0xFFFFF086;
	s6 =	sadd.s32 @!p0 s3, s7;
	s7 =	simm.s32 @!p0 $0x108  }
0x21: {  	s3 =	sadd.s32 s3, s9;
	s6 =	sadd.s32 @!p0 $0x88, s6;
	s7 =	simm.s32 @p2 $0x1082  }
0x22: {  	[simem:s7], [sflag:s8] =	dma.local @!p0 [hbm:s6], $0xF7A  }
0x23: {  	s9 =	sor.u32 $0xD0000000, s2;
	s6 =	simm.s32 $0x108;
	_ =	swait.ge @!p0 [sflag:s8], $0x0  }
0x24: {  	s3 =	sadd.s32 $0x88, s3;
	s6 =	simm.s32 @!p1 $0x1082;
	[sflag:s4] =	ssyncset.s32 $0xFFFFF086  }
0x25: {  	[simem:s6], [sflag:s4] =	dma.local [hbm:s3], $0xF7A  }
0x26: {  	[smem:$0x3F9E] =	sst s1;
	(tag) =	ssettag s2;
	_ =	strace s9  }
0x27: {  	s1 =	sld [smem:$0x3FAE]  }
0x28: {  	s2 =	sld [smem:$0x3FAF]  }
0x29: {  	s4 =	sld [smem:$0x3FB1]  }
0x2a: {  	p0 =	seq.s32 s5, $0x0;
	s5 =	sld [smem:$0x3FB2]  }
0x2b: {  	s6 =	sld [smem:$0x3FB3]  }
0x2c: {  	s7 =	sld [smem:$0x3FB4]  }
0x2d: {  	s3 =	simm.s32 $0x108;
	s8 =	sld [smem:$0x3FB5]  }
0x2e: {  	s3 =	simm.s32 @!p0 $0x1082;
	s9 =	sld [smem:$0x3FB6]  }
0x2f: {  	lr =	sadd.s32 s0, s3;
	s0 =	sld [smem:$0x3FAD]  }
0x30: {  	s3 =	sld [smem:$0x3FB0]  }
0x31: {  	[smem:$0x3FB9] =	sst s10  }
0x32: {  	s10 =	sld [smem:$0x3FB7];
	_ =	sdelay $0x3  }
0x33: {  	p0 =	seq.s32 s10, $0x1;
	s10 =	sld [smem:$0x3FB9];
	_ =	sdelay $0x3  }
0x34: {  	[smem:$0x3FB9] =	sst s10  }
0x35: {  	s10 =	sld [smem:$0x3FB8];
	_ =	sdelay $0x3  }
0x36: {  	p1 =	seq.s32 s10, $0x1;
	s10 =	sld [smem:$0x3FB9];
	_ =	sdelay $0x3  }
0x37: {  	[smem:$0x3FB9] =	sst s10  }
0x38: {  	s10 =	sld [smem:$0x3FBA]  }
0x39: {  	_ = 	snop;
	(pc) =	sbr.ind lr, $3  }
0x3a: {  	_ = 	snop  }
0x3b: {  	_ = 	snop  }
0x3c: {  	p2 =	seq.s32 s10, $0x1;
	s10 =	sld [smem:$0x3FB9]  }
0x3d: {  	_ =	shalt  }
0x3e: {  	_ =	shalt  }
0x3f: {  	_ =	shalt  }
0x40: {  	_ =	shalt  }
0x41: {  	_ =	shalt  }
0x42: {  	_ =	shalt  }
0x43: {  	_ =	shalt  }
0x44: {  	_ =	shalt  }
0x45: {  	_ =	shalt  }
0x46: {  	_ =	shalt  }
0x47: {  	_ =	shalt  }
0x48: {  	_ =	shalt  }
0x49: {  	_ =	shalt  }
0x4a: {  	_ =	shalt  }
0x4b: {  	_ =	shalt  }
0x4c: {  	_ =	shalt  }
0x4d: {  	_ =	shalt  }
0x4e: {  	_ =	shalt  }
0x4f: {  	_ =	shalt  }
0x50: {  	_ =	shalt  }
0x51: {  	_ =	shalt  }
0x52: {  	_ =	shalt  }
0x53: {  	_ =	shalt  }
0x54: {  	_ =	shalt  }
0x55: {  	_ =	shalt  }
0x56: {  	_ =	shalt  }
0x57: {  	_ =	shalt  }
0x58: {  	_ =	shalt  }
0x59: {  	_ =	shalt  }
0x5a: {  	_ =	shalt  }
0x5b: {  	_ =	shalt  }
0x5c: {  	_ =	shalt  }
0x5d: {  	_ =	shalt  }
0x5e: {  	_ =	shalt  }
0x5f: {  	_ =	shalt  }
0x60: {  	_ =	shalt  }
0x61: {  	_ =	shalt  }
0x62: {  	_ =	shalt  }
0x63: {  	_ =	shalt  }
0x64: {  	_ =	shalt  }
0x65: {  	_ =	shalt  }
0x66: {  	_ =	shalt  }
0x67: {  	_ =	shalt  }
0x68: {  	_ =	shalt  }
0x69: {  	_ =	shalt  }
0x6a: {  	_ =	shalt  }
0x6b: {  	_ =	shalt  }
0x6c: {  	_ =	shalt  }
0x6d: {  	_ =	shalt  }
0x6e: {  	_ =	shalt  }
0x6f: {  	_ =	shalt  }
0x70: {  	_ =	shalt  }
0x71: {  	_ =	shalt  }
0x72: {  	_ =	shalt  }
0x73: {  	_ =	shalt  }
0x74: {  	_ =	shalt  }
0x75: {  	_ =	shalt  }
0x76: {  	_ =	shalt  }
0x77: {  	_ =	shalt  }
0x78: {  	_ =	shalt  }
0x79: {  	_ =	shalt  }
0x7a: {  	_ =	shalt  }
0x7b: {  	_ =	shalt  }
0x7c: {  	_ =	shalt  }
0x7d: {  	_ =	shalt  }
0x7e: {  	_ =	shalt  }
0x7f: {  	_ =	shalt  }
0x80: {  	_ =	shalt  }
0x81: {  	_ =	shalt  }
0x82: {  	_ =	shalt  }
0x83: {  	_ =	shalt  }
0x84: {  	_ =	shalt  }
0x85: {  	_ =	shalt  }
0x86: {  	_ =	shalt  }
0x87: {  	_ =	shalt  }
.Lfunc_end0:
.L_simem_size_0:
called_computation.1_lowered:
.L_overlay_start_0:
0x88: {  	s2 =	sld [smem:$0x3FD9]  }
0x89: {  	s3 =	sld [smem:$0x3FFE];
	_ =	sdelay $0x1  }
0x8a: {  	s1 =	srdreg.scid  }
0x8b: {  	s0 =	sand.u32 $0x1, s1  }
0x8c: {  	s17 =	sshll.u32 s0, $0xA;
	s2 =	sadd.s32 s3, s2  }
0x8d: {  	s2 =	sadd.s32 s2, s17  }
0x8e: {  	[smem:$0x3FC5] =	sst s2  }
0x8f: {  	_ = 	snop  }
0x90: {  	s2 =	sld [smem:$0x3FC7]  }
0x91: {  	s18 =	sld [smem:$0x3FD0];
	(tm) =	ssettm $0x1  }
0x92: {  	s4 =	sld [smem:$0x3FFB];
	_ =	sdelay $0x3  }
0x93: {  	_ =	strace s4  }
0x94: {  	s4 =	sld [smem:$0x3FFC];
	_ =	sdelay $0x3  }
0x95: {  	_ =	strace s4  }
0x96: {  	s4 =	sld [smem:$0x3FFD];
	_ =	sdelay $0x3  }
0x97: {  	_ =	strace s4  }
0x98: {  	_ =	strace $0x8FFFFFFF  }
0x99: {  	s19 =	sld [smem:$0x3FDB];
	_ =	sdelay $0x1  }
0x9a: {  	s5 =	simm.s32 $_scs_section_size  }
0x9b: {  	s6 =	simm.s32 $_size__tile_overlayer_lowered;
	s7 =	simm.s32 $_tile_overlayer_lowered  }
0x9c: {  	s22 =	simm.s32 $0x1BFF;
	s21 =	sshll.u32 s7, $0x1;
	s4 =	sadd.s32 s5, s19  }
0x9d: {  	s8 =	simm.s32 $0x0;
	s20 =	sshll.u32 s6, $0x1;
	s6 =	sadd.s32 s21, s4  }
0x9e: {  	[timem:s8], [sflag:s22] =	dma.local [hbm:s6], s20  }
0x9f: {  	_ =	swait.ge [sflag:s22], s20  }
0xa0: {  	s5 =	ssub.s32 $0x0, s20;
	[sflag:s22] =	ssyncset.done $0x0  }
0xa1: {  	[sflag:s22] =	ssyncadd.s32 s5;
	_ =	sdelay $0x1  }
0xa2: {  	s23 =	simm.s32 $0x1B8B  }
0xa3: {  	_ =	swait.ge [sflag:s23], $0x1  }
0xa4: {  	[sflag:s23] =	ssyncset.done $0x0  }
0xa5: {  	s25 =	simm.s32 $0x1B8E;
	s24 =	sld [smem:$0x3FFE];
	[sflag:s23] =	ssyncadd.s32 $0xFFFFFFFF  }
0xa6: {  	s26 =	simm.s32 $execute0_lowered;
	[smem:$0x3FD2] =	sst s25  }
0xa7: {  	s6 =	sshll.u32 s26, $0x1;
	_ =	strace $0x80000049;
	[dreg:$0x1] =	wrdreg $0xFFFFFFFF  }
0xa8: {  	s28 =	simm.s32 $_size_execute0_lowered;
	s4 =	sadd.s32 s4, s6;
	[dreg:$0x0] =	wrdreg $0x0  }
0xa9: {  	s6 =	sshll.u32 s28, $0x1;
	[dreg:$0x2] =	wrdreg s4  }
0xaa: {  	[dreg:$0x3] =	wrdreg s6  }
0xab: {  	[dreg:$0x4] =	wrdreg $0xC0  }
0xac: {  	_ =	task [dreg:s8], $0x5FFFF  }
0xad: {  	[dreg:$0x1] =	wrdreg $0xFFFFFFFF  }
0xae: {  	[dreg:$0x0] =	wrdreg $0x60  }
0xaf: {  	[dreg:$0x2] =	wrdreg s24  }
0xb0: {  	[dreg:$0x3] =	wrdreg s2  }
0xb1: {  	[dreg:$0x4] =	wrdreg s18  }
0xb2: {  	[dreg:$0x5] =	wrdreg $0x1C000  }
0xb3: {  	[dreg:$0x6] =	wrdreg $0x9  }
0xb4: {  	_ =	task.clear_ibuf [dreg:s8], $0x7FFFF;
	_ =	strace $0x90000049  }
0xb5: {  	s29 =	simm.s32 $0x9;
	_ =	strace $0x8000004B  }
0xb6: {  	_ =	swait.ge [sflag:s29], $0x1  }
0xb7: {  	[sflag:s29] =	ssyncadd.s32 $0xFFFFFFFF  }
0xb8: {  	_ =	strace $0x9000004B  }
0xb9: {  	_ =	sfence  }
0xba: {  	s30 =	sld [smem:$0x0];
	_ =	sdelay $0x2  }
0xbb: {  	s31 =	sshll.u32 s1, $0xD;
	s1 =	sshrl.u32 s1, $0x2  }
0xbc: {  	s3 =	sand.u32 $0x4000, s31;
	s1 =	sadd.s32 s1, s30  }
0xbd: {  	s0 =	sor.u32 s3, s0;
	s1 =	sshll.u32 s1, $0x11  }
0xbe: {  	s0 =	sor.u32 s1, s0  }
0xbf: {  	s0 =	sadd.s32 $0x8F2B, s0  }
0xc0: {  	[sflag:s0] =	ssyncadd.remote.s32 $0x1  }
0xc1: {  	_ =	sfence.sel $0xFFFF  }
0xc2: {  	[dreg:$0x0] =	wrdreg $0xFFFFFFFF;
	(pc) =	sbr.abs _section_cstart, $3  }
0xc3: {  	[dreg:$0x1] =	wrdreg $0xFFFFFFFF  }
0xc4: {  	_ =	task.clear_ibuf [dreg:s8], $0x2FFFF;
	_ =	strace $0x9FFFFFFF  }
0xc5: {  	(tm) =	ssettm $0x7FFFFFFF  }
tec
execute0_lowered:
.L_overlay_start_1:
0x0: {  	(tag) =	ssettag $0x1  }
0x1: {  	s2 =	srdreg.scid  }
0x2: {  	s2 =	sand.u32 $0x1, s2  }
0x3: {  	s4 =	rddreg [dreg:$0x0];
	p0 =	seq.s32 s2, $0x1  }
.Ltmp0:
0x4: {  	s6 =	rddreg [dreg:$0x1];
	(pc) =	sbr.rel @p0 .LBB2_10-.Ltmp0, $4  }
0x5: {  	s1 =	rddreg [dreg:$0x2]  }
0x6: {  	s3 =	rddreg [dreg:$0x3];
	s5 =	simm.s32 $0x0  }
0x7: {  	[smem:$0x7FF] =	sst s5  }
0x8: {  	s0 =	rddreg [dreg:$0x4];
	_ =	strace $0x8000004A;
	s2 =	stileid.u32  }
0x9: {  	p0 =	seq.s32 s2, $0xF  }
.Ltmp1:
0xa: {  	_ = 	snop;
	(pc) =	sbr.rel @!p0 .LBB2_2-.Ltmp1, $3  }
0xb: {  	_ =	sdelay $0x1  }
0xc: {  	s5 =	sshll.u32 s2, $0x7  }
0xd: {  	s5 =	sadd.s32 s5, s3  }
0xe: {  	s7 =	sadd.s32 $0x22F8, s4;
	s8 =	simm.s32 $0x0  }
0xf: {  	[tilespmem:s8], [sflag:$0x1] =	stream.linear.gather [hbm4b:s7+s8], $0xB90, $0x38;
	[tilespmem:$0x2500] =	vst v63  }
0x10: {  	s6 =	sadd.s32 $0x16F8, s6;
	s29 =	simm.s32 $0xC80  }
0x11: {  	v0 =	vimm.f32 $0.0e+00;
	[tilespmem:s29], [sflag:$0x2] =	stream.linear.gather [hbm4b:s6+s8], $0xB90, $0x38;
	[tilespmem:$0x2500] =	vst v63  }
0x12: {  	[tilespmem:$0x1900] =	vst v0  }
0x13: {  	[tilespmem:$0x1910] =	vst v0  }
0x14: {  	[tilespmem:$0x1920] =	vst v0  }
0x15: {  	[tilespmem:$0x1930] =	vst v0  }
0x16: {  	[tilespmem:$0x1940] =	vst v0  }
0x17: {  	[tilespmem:$0x1950] =	vst v0  }
0x18: {  	[tilespmem:$0x1960] =	vst v0  }
0x19: {  	[tilespmem:$0x1970] =	vst v0  }
0x1a: {  	[tilespmem:$0x1980] =	vst v0  }
0x1b: {  	[tilespmem:$0x1990] =	vst v0  }
0x1c: {  	[tilespmem:$0x19A0] =	vst v0  }
0x1d: {  	[tilespmem:$0x19B0] =	vst v0  }
0x1e: {  	[tilespmem:$0x19C0] =	vst v0  }
0x1f: {  	[tilespmem:$0x19D0] =	vst v0  }
0x20: {  	[tilespmem:$0x19E0] =	vst v0  }
0x21: {  	[tilespmem:$0x19F0] =	vst v0  }
0x22: {  	[tilespmem:$0x1A00] =	vst v0  }
0x23: {  	[tilespmem:$0x1A10] =	vst v0  }
0x24: {  	[tilespmem:$0x1A20] =	vst v0  }
0x25: {  	[tilespmem:$0x1A30] =	vst v0  }
0x26: {  	[tilespmem:$0x1A40] =	vst v0  }
0x27: {  	[tilespmem:$0x1A50] =	vst v0  }
0x28: {  	[tilespmem:$0x1A60] =	vst v0  }
0x29: {  	[tilespmem:$0x1A70] =	vst v0  }
0x2a: {  	[tilespmem:$0x1A80] =	vst v0  }
0x2b: {  	[tilespmem:$0x1A90] =	vst v0  }
0x2c: {  	[tilespmem:$0x1AA0] =	vst v0  }
0x2d: {  	[tilespmem:$0x1AB0] =	vst v0  }
0x2e: {  	[tilespmem:$0x1AC0] =	vst v0  }
0x2f: {  	[tilespmem:$0x1AD0] =	vst v0  }
0x30: {  	[tilespmem:$0x1AE0] =	vst v0  }
0x31: {  	s30 =	simm.s32 $0x1;
	[tilespmem:$0x1AF0] =	vst v0  }
0x32: {  	_ =	swait.ge [sflag:s30], $0xB90  }
0x33: {  	[sflag:s30] =	ssyncset.done $0x0  }
0x34: {  	s31 =	simm.s32 $0x2;
	s9 =	simm.s32 $0x1900;
	[sflag:s30] =	ssyncadd.s32 $0xFFFFF470  }
0x35: {  	s10 =	simm.s32 $0x1980;
	s11 =	simm.s32 $0x1A00;
	_ =	swait.ge [sflag:s31], $0xB90  }
0x36: {  	s12 =	simm.s32 $0x1A80;
	s7 =	simm.s32 $0xCC0;
	[sflag:s31] =	ssyncset.done $0x0  }
0x37: {  	s6 =	simm.s32 $0xFFFFFFFE;
	s8 =	simm.s32 $0x40;
	[sflag:s31] =	ssyncadd.s32 $0xFFFFF470  }
.LBB2_6:
0x38: {  	v0 =	vld [tilespmem:s7+$0xFFFFFFC0];
	_ =	sdelay $0x2  }
0x39: {  	v1 =	vld [tilespmem:s8+$0xFFFFFFC0];
	_ =	sdelay $0x4  }
0x3a: {  	[tilespmem:v0+s9+$0x0] =	vst.idx.add.f32.msk $0xffff, v1  }
0x3b: {  	v0 =	vld [tilespmem:s7+$0xFFFFFFD0];
	_ =	sdelay $0x2  }
0x3c: {  	v1 =	vld [tilespmem:s8+$0xFFFFFFD0];
	_ =	sdelay $0x4  }
0x3d: {  	[tilespmem:v0+s10+$0x0] =	vst.idx.add.f32.msk $0xffff, v1  }
0x3e: {  	v0 =	vld [tilespmem:s7+$0xFFFFFFE0];
	_ =	sdelay $0x2  }
0x3f: {  	v1 =	vld [tilespmem:s8+$0xFFFFFFE0];
	_ =	sdelay $0x4  }
0x40: {  	[tilespmem:v0+s11+$0x0] =	vst.idx.add.f32.msk $0xffff, v1  }
0x41: {  	v0 =	vld [tilespmem:s7+$0xFFFFFFF0];
	_ =	sdelay $0x2  }
0x42: {  	v1 =	vld [tilespmem:s8+$0xFFFFFFF0];
	_ =	sdelay $0x4  }
0x43: {  	[tilespmem:v0+s12+$0x0] =	vst.idx.add.f32.msk $0xffff, v1  }
0x44: {  	v0 =	vld [tilespmem:s7+$0x0];
	_ =	sdelay $0x2  }
0x45: {  	v1 =	vld [tilespmem:s8+$0x0];
	_ =	sdelay $0x4  }
0x46: {  	[tilespmem:v0+s9+$0x0] =	vst.idx.add.f32.msk $0xffff, v1  }
0x47: {  	v0 =	vld [tilespmem:s7+$0x10];
	_ =	sdelay $0x2  }
0x48: {  	v1 =	vld [tilespmem:s8+$0x10];
	_ =	sdelay $0x4  }
0x49: {  	[tilespmem:v0+s10+$0x0] =	vst.idx.add.f32.msk $0xffff, v1  }
0x4a: {  	v0 =	vld [tilespmem:s7+$0x20];
	_ =	sdelay $0x2  }
0x4b: {  	v1 =	vld [tilespmem:s8+$0x20];
	_ =	sdelay $0x4  }
0x4c: {  	[tilespmem:v0+s11+$0x0] =	vst.idx.add.f32.msk $0xffff, v1  }
0x4d: {  	v0 =	vld [tilespmem:s7+$0x30];
	_ =	sdelay $0x1  }
0x4e: {  	s6 =	sadd.s32 $0x2, s6  }
0x4f: {  	p0 =	slt.u32 s6, $0x2C;
	v1 =	vld [tilespmem:s8+$0x30]  }
.Ltmp2:
0x50: {  	_ = 	snop;
	(pc) =	sbr.rel @p0 .LBB2_6-.Ltmp2, $2  }
0x51: {  	_ =	sdelay $0x2  }
0x52: {  	s7 =	sadd.s32 $0x80, s7;
	s8 =	sadd.s32 $0x80, s8;
	[tilespmem:v0+s12+$0x0] =	vst.idx.add.f32.msk $0xffff, v1  }
0x53: {  	v0 =	vld [tilespmem:$0x1800];
	_ =	sdelay $0x2  }
0x54: {  	v1 =	vld [tilespmem:$0xB80]  }
.Ltmp3:
0x55: {  	_ = 	snop;
	(pc) =	sbr.rel .LBB2_8-.Ltmp3, $3  }
0x56: {  	_ =	sdelay $0x1  }
0x57: {  	s6 =	simm.s32 $0x1900  }
0x58: {  	[tilespmem:v0+s6+$0x0] =	vst.idx.add.f32.msk $0xffff, v1  }
.LBB2_2:
0x59: {  	s7 =	smul.u32 $0x188, s2;
	_ =	sdelay $0x1  }
0x5a: {  	s8 =	sadd.s32 s7, s4  }
0x5b: {  	s9 =	simm.s32 $0x0;
	s8 =	sadd.s32 $0xC00, s8  }
0x5c: {  	[tilespmem:s9], [sflag:$0x1] =	stream.linear.gather [hbm4b:s8+s9], $0xC40, $0x38;
	[tilespmem:$0x2500] =	vst v63  }
0x5d: {  	s29 =	simm.s32 $0xC80;
	s6 =	sadd.s32 s6, s7  }
0x5e: {  	v0 =	vimm.f32 $0.0e+00;
	[tilespmem:s29], [sflag:$0x2] =	stream.linear.gather [hbm4b:s6+s9], $0xC40, $0x38;
	[tilespmem:$0x2500] =	vst v63  }
0x5f: {  	[tilespmem:$0x1900] =	vst v0  }
0x60: {  	[tilespmem:$0x1910] =	vst v0  }
0x61: {  	[tilespmem:$0x1920] =	vst v0  }
0x62: {  	[tilespmem:$0x1930] =	vst v0  }
0x63: {  	[tilespmem:$0x1940] =	vst v0  }
0x64: {  	[tilespmem:$0x1950] =	vst v0  }
0x65: {  	[tilespmem:$0x1960] =	vst v0  }
0x66: {  	[tilespmem:$0x1970] =	vst v0  }
0x67: {  	[tilespmem:$0x1980] =	vst v0  }
0x68: {  	[tilespmem:$0x1990] =	vst v0  }
0x69: {  	[tilespmem:$0x19A0] =	vst v0  }
0x6a: {  	[tilespmem:$0x19B0] =	vst v0  }
0x6b: {  	[tilespmem:$0x19C0] =	vst v0  }
0x6c: {  	[tilespmem:$0x19D0] =	vst v0  }
0x6d: {  	[tilespmem:$0x19E0] =	vst v0  }
0x6e: {  	[tilespmem:$0x19F0] =	vst v0  }
0x6f: {  	[tilespmem:$0x1A00] =	vst v0  }
0x70: {  	[tilespmem:$0x1A10] =	vst v0  }
0x71: {  	[tilespmem:$0x1A20] =	vst v0  }
0x72: {  	[tilespmem:$0x1A30] =	vst v0  }
0x73: {  	[tilespmem:$0x1A40] =	vst v0  }
0x74: {  	[tilespmem:$0x1A50] =	vst v0  }
0x75: {  	[tilespmem:$0x1A60] =	vst v0  }
0x76: {  	[tilespmem:$0x1A70] =	vst v0  }
0x77: {  	[tilespmem:$0x1A80] =	vst v0  }
0x78: {  	[tilespmem:$0x1A90] =	vst v0  }
0x79: {  	[tilespmem:$0x1AA0] =	vst v0  }
0x7a: {  	[tilespmem:$0x1AB0] =	vst v0  }
0x7b: {  	[tilespmem:$0x1AC0] =	vst v0  }
0x7c: {  	[tilespmem:$0x1AD0] =	vst v0  }
0x7d: {  	[tilespmem:$0x1AE0] =	vst v0  }
0x7e: {  	s30 =	simm.s32 $0x1;
	[tilespmem:$0x1AF0] =	vst v0  }
0x7f: {  	_ =	swait.ge [sflag:s30], $0xC40  }
0x80: {  	[sflag:s30] =	ssyncset.done $0x0  }
0x81: {  	s31 =	simm.s32 $0x2;
	s10 =	simm.s32 $0x1980;
	[sflag:s30] =	ssyncadd.s32 $0xFFFFF3C0  }
0x82: {  	s11 =	simm.s32 $0x1A00;
	s12 =	simm.s32 $0x1A80;
	_ =	swait.ge [sflag:s31], $0xC40  }
0x83: {  	s7 =	simm.s32 $0xCC0;
	s8 =	simm.s32 $0x40;
	[sflag:s31] =	ssyncset.done $0x0  }
0x84: {  	s6 =	simm.s32 $0xFFFFFFFE;
	s9 =	simm.s32 $0x1900;
	[sflag:s31] =	ssyncadd.s32 $0xFFFFF3C0  }
.LBB2_3:
0x85: {  	v0 =	vld [tilespmem:s7+$0xFFFFFFC0];
	_ =	sdelay $0x2  }
0x86: {  	v1 =	vld [tilespmem:s8+$0xFFFFFFC0];
	_ =	sdelay $0x4  }
0x87: {  	[tilespmem:v0+s9+$0x0] =	vst.idx.add.f32.msk $0xffff, v1  }
0x88: {  	v0 =	vld [tilespmem:s7+$0xFFFFFFD0];
	_ =	sdelay $0x2  }
0x89: {  	v1 =	vld [tilespmem:s8+$0xFFFFFFD0];
	_ =	sdelay $0x4  }
0x8a: {  	[tilespmem:v0+s10+$0x0] =	vst.idx.add.f32.msk $0xffff, v1  }
0x8b: {  	v0 =	vld [tilespmem:s7+$0xFFFFFFE0];
	_ =	sdelay $0x2  }
0x8c: {  	v1 =	vld [tilespmem:s8+$0xFFFFFFE0];
	_ =	sdelay $0x4  }
0x8d: {  	[tilespmem:v0+s11+$0x0] =	vst.idx.add.f32.msk $0xffff, v1  }
0x8e: {  	v0 =	vld [tilespmem:s7+$0xFFFFFFF0];
	_ =	sdelay $0x2  }
0x8f: {  	v1 =	vld [tilespmem:s8+$0xFFFFFFF0];
	_ =	sdelay $0x4  }
0x90: {  	[tilespmem:v0+s12+$0x0] =	vst.idx.add.f32.msk $0xffff, v1  }
0x91: {  	v0 =	vld [tilespmem:s7+$0x0];
	_ =	sdelay $0x2  }
0x92: {  	v1 =	vld [tilespmem:s8+$0x0];
	_ =	sdelay $0x4  }
0x93: {  	[tilespmem:v0+s9+$0x0] =	vst.idx.add.f32.msk $0xffff, v1  }
0x94: {  	v0 =	vld [tilespmem:s7+$0x10];
	_ =	sdelay $0x2  }
0x95: {  	v1 =	vld [tilespmem:s8+$0x10];
	_ =	sdelay $0x4  }
0x96: {  	[tilespmem:v0+s10+$0x0] =	vst.idx.add.f32.msk $0xffff, v1  }
0x97: {  	v0 =	vld [tilespmem:s7+$0x20];
	_ =	sdelay $0x2  }
0x98: {  	v1 =	vld [tilespmem:s8+$0x20];
	_ =	sdelay $0x4  }
0x99: {  	[tilespmem:v0+s11+$0x0] =	vst.idx.add.f32.msk $0xffff, v1  }
0x9a: {  	v0 =	vld [tilespmem:s7+$0x30];
	_ =	sdelay $0x1  }
0x9b: {  	s6 =	sadd.s32 $0x2, s6  }
0x9c: {  	p0 =	slt.u32 s6, $0x2E;
	v1 =	vld [tilespmem:s8+$0x30]  }
.Ltmp4:
0x9d: {  	_ = 	snop;
	(pc) =	sbr.rel @p0 .LBB2_3-.Ltmp4, $2  }
0x9e: {  	_ =	sdelay $0x2  }
0x9f: {  	s7 =	sadd.s32 $0x80, s7;
	s8 =	sadd.s32 $0x80, s8;
	[tilespmem:v0+s12+$0x0] =	vst.idx.add.f32.msk $0xffff, v1  }
0xa0: {  	v0 =	vld [tilespmem:$0x1880];
	_ =	sdelay $0x2  }
0xa1: {  	v1 =	vld [tilespmem:$0xC00];
	_ =	sdelay $0x3  }
0xa2: {  	s6 =	simm.s32 $0x1900  }
0xa3: {  	[tilespmem:v0+s6+$0x0] =	vst.idx.add.f32.msk $0xffff, v1  }
0xa4: {  	v0 =	vld [tilespmem:$0x1890];
	_ =	sdelay $0x2  }
0xa5: {  	v1 =	vld [tilespmem:$0xC10];
	_ =	sdelay $0x3  }
0xa6: {  	s29 =	simm.s32 $0x1980  }
0xa7: {  	[tilespmem:v0+s29+$0x0] =	vst.idx.add.f32.msk $0xffff, v1  }
0xa8: {  	v0 =	vld [tilespmem:$0x18A0];
	_ =	sdelay $0x2  }
0xa9: {  	v1 =	vld [tilespmem:$0xC20];
	_ =	sdelay $0x3  }
0xaa: {  	s30 =	simm.s32 $0x1A00  }
0xab: {  	[tilespmem:v0+s30+$0x0] =	vst.idx.add.f32.msk $0xffff, v1  }
0xac: {  	v0 =	vld [tilespmem:$0x18B0];
	_ =	sdelay $0x2  }
0xad: {  	v1 =	vld [tilespmem:$0xC30];
	_ =	sdelay $0x3  }
0xae: {  	s31 =	simm.s32 $0x1A80  }
0xaf: {  	[tilespmem:v0+s31+$0x0] =	vst.idx.add.f32.msk $0xffff, v1  }
.LBB2_8:
0xb0: {  	v0 =	vld [tilespmem:$0x1900]  }
0xb1: {  	v1 =	vld [tilespmem:$0x1980]  }
0xb2: {  	v2 =	vld [tilespmem:$0x1A00]  }
0xb3: {  	v3 =	vld [tilespmem:$0x1A80]  }
0xb4: {  	v4 =	vld [tilespmem:$0x1910]  }
0xb5: {  	v5 =	vld [tilespmem:$0x1990]  }
0xb6: {  	v6 =	vld [tilespmem:$0x1A10]  }
0xb7: {  	v7 =	vld [tilespmem:$0x1A90]  }
0xb8: {  	v8 =	vld [tilespmem:$0x1920]  }
0xb9: {  	v9 =	vld [tilespmem:$0x19A0]  }
0xba: {  	v10 =	vld [tilespmem:$0x1A20]  }
0xbb: {  	v11 =	vld [tilespmem:$0x1AA0]  }
0xbc: {  	v12 =	vld [tilespmem:$0x1930]  }
0xbd: {  	v13 =	vld [tilespmem:$0x19B0]  }
0xbe: {  	v14 =	vld [tilespmem:$0x1A30]  }
0xbf: {  	v15 =	vld [tilespmem:$0x1AB0]  }
0xc0: {  	v16 =	vld [tilespmem:$0x1940]  }
0xc1: {  	v17 =	vld [tilespmem:$0x19C0]  }
0xc2: {  	v18 =	vld [tilespmem:$0x1A40]  }
0xc3: {  	v20 =	vld [tilespmem:$0x1950]  }
0xc4: {  	v21 =	vld [tilespmem:$0x19D0]  }
0xc5: {  	v47 =	vld [tilespmem:$0x1960]  }
0xc6: {  	v49 =	vld [tilespmem:$0x19E0]  }
0xc7: {  	v22 =	vld [tilespmem:$0x1A50]  }
0xc8: {  	v46 =	vld [tilespmem:$0x1AD0];
	v0 =	vadd.f32 v1, v0;
	v4 =	vadd.f32 v5, v4  }
0xc9: {  	v51 =	vld [tilespmem:$0x1970];
	v48 =	vadd.f32 v9, v8;
	v50 =	vadd.f32 v13, v12  }
0xca: {  	v53 =	vld [tilespmem:$0x1A60];
	v54 =	vadd.f32 v17, v16;
	v56 =	vadd.f32 v21, v20  }
0xcb: {  	v52 =	vld [tilespmem:$0x19F0];
	v5 =	vadd.f32 v49, v47;
	v0 =	vadd.f32 v2, v0  }
0xcc: {  	v55 =	vld [tilespmem:$0x1A70];
	v4 =	vadd.f32 v6, v4;
	v2 =	vadd.f32 v10, v48  }
0xcd: {  	v57 =	vld [tilespmem:$0x1AE0];
	v6 =	vadd.f32 v14, v50;
	v0 =	vadd.f32 v3, v0  }
0xce: {  	v19 =	vld [tilespmem:$0x1AC0];
	v60 =	vadd.f32 v22, v56;
	v4 =	vadd.f32 v7, v4  }
0xcf: {  	v59 =	vld [tilespmem:$0x1AF0];
	v61 =	vadd.f32 v53, v5;
	v2 =	vadd.f32 v11, v2;
	[tilespmem:$0x1B00] =	vst v0  }
0xd0: {  	v6 =	vadd.f32 v15, v6;
	v3 =	vadd.f32 v52, v51;
	[tilespmem:$0x1B10] =	vst v4  }
0xd1: {  	v58 =	vadd.f32 v18, v54;
	v1 =	vadd.f32 v46, v60;
	[tilespmem:$0x1B20] =	vst v2  }
0xd2: {  	v62 =	vadd.f32 v57, v61;
	[tilespmem:$0x1B30] =	vst v6;
	v3 =	vadd.f32 v55, v3  }
0xd3: {  	v0 =	vadd.f32 v19, v58;
	[tilespmem:$0x1B50] =	vst v1  }
0xd4: {  	[tilespmem:$0x1B60] =	vst v62;
	v63 =	vadd.f32 v59, v3  }
0xd5: {  	[tilespmem:$0x1B40] =	vst v0  }
0xd6: {  	s6 =	simm.s32 $0x1B00;
	[tilespmem:$0x1B70] =	vst v63  }
0xd7: {  	[spmem:s5] =	stream.linear.scatter [tilespmem:s6], [sflag:$0x3], $0x80, $0x38;
	[tilespmem:$0x2500] =	vst v63  }
0xd8: {  	p0 =	sne.s32 s2, $0x0;
	s5 =	simm.s32 $0x3  }
.Ltmp5:
0xd9: {  	_ =	swait.ge [sflag:s5], $0x80;
	(pc) =	sbr.rel @p0 .LBB2_10-.Ltmp5, $3  }
0xda: {  	[sflag:s5] =	ssyncset.done $0x0  }
0xdb: {  	[sflag:s5] =	ssyncadd.s32 $0xFFFFFF80  }
0xdc: {  	[bflag:$0x0] =	sbarrier.arrive $0xFFFF;
	_ =	sdelay $0x1  }
0xdd: {  	s6 =	sadd.s32 $0xA00, s4;
	s26 =	simm.s32 $0x0;
	s7 =	simm.s32 $0x1B80  }
0xde: {  	[tilespmem:s7], [sflag:$0x1] =	stream.linear.gather [hbm4b:s6+s26], $0x80, $0x38;
	[tilespmem:$0x2500] =	vst v63  }
0xdf: {  	s28 =	simm.s32 $0x1C80  }
0xe0: {  	[tilespmem:s28], [sflag:$0x3] =	stream.linear.gather [spmem:s3], $0x800, $0x38;
	[tilespmem:$0x2500] =	vst v63  }
0xe1: {  	_ =	swait.ge [sflag:s5], $0x800  }
0xe2: {  	[sflag:s5] =	ssyncset.done $0x0  }
0xe3: {  	s29 =	simm.s32 $0x1;
	[sflag:s5] =	ssyncadd.s32 $0xFFFFF800  }
0xe4: {  	_ =	swait.ge [sflag:s29], $0x80  }
0xe5: {  	[sflag:s29] =	ssyncset.done $0x0  }
0xe6: {  	[sflag:s29] =	ssyncadd.s32 $0xFFFFFF80  }
0xe7: {  	v0 =	vld [tilespmem:$0x1C80]  }
0xe8: {  	v1 =	vld [tilespmem:$0x1D00]  }
0xe9: {  	v2 =	vld [tilespmem:$0x1D80]  }
0xea: {  	v3 =	vld [tilespmem:$0x1E00]  }
0xeb: {  	v4 =	vld [tilespmem:$0x1E80]  }
0xec: {  	v5 =	vld [tilespmem:$0x1F00]  }
0xed: {  	v6 =	vld [tilespmem:$0x1F80]  }
0xee: {  	v7 =	vld [tilespmem:$0x2000]  }
0xef: {  	v8 =	vld [tilespmem:$0x2080]  }
0xf0: {  	v9 =	vld [tilespmem:$0x2100]  }
0xf1: {  	v10 =	vld [tilespmem:$0x2180]  }
0xf2: {  	v11 =	vld [tilespmem:$0x2200]  }
0xf3: {  	v12 =	vld [tilespmem:$0x2280]  }
0xf4: {  	v13 =	vld [tilespmem:$0x2300]  }
0xf5: {  	v14 =	vld [tilespmem:$0x2380]  }
0xf6: {  	v15 =	vld [tilespmem:$0x2400]  }
0xf7: {  	v16 =	vld [tilespmem:$0x1B80]  }
0xf8: {  	v17 =	vld [tilespmem:$0x1C90]  }
0xf9: {  	v18 =	vld [tilespmem:$0x1D10]  }
0xfa: {  	v19 =	vld [tilespmem:$0x1D90]  }
0xfb: {  	v20 =	vld [tilespmem:$0x1E10]  }
0xfc: {  	v21 =	vld [tilespmem:$0x1E90]  }
0xfd: {  	v22 =	vld [tilespmem:$0x1F10]  }
0xfe: {  	v23 =	vld [tilespmem:$0x1F90]  }
0xff: {  	v24 =	vld [tilespmem:$0x2010]  }
0x100: {  	v25 =	vld [tilespmem:$0x2090]  }
0x101: {  	v26 =	vld [tilespmem:$0x2110]  }
0x102: {  	v27 =	vld [tilespmem:$0x2190]  }
0x103: {  	v28 =	vld [tilespmem:$0x2210]  }
0x104: {  	v29 =	vld [tilespmem:$0x2290]  }
0x105: {  	v30 =	vld [tilespmem:$0x2310]  }
0x106: {  	v31 =	vld [tilespmem:$0x2390]  }
0x107: {  	v32 =	vld [tilespmem:$0x2410]  }
0x108: {  	v53 =	vld [tilespmem:$0x1B90]  }
0x109: {  	v33 =	vld [tilespmem:$0x1CA0]  }
0x10a: {  	v54 =	vld [tilespmem:$0x1D20]  }
0x10b: {  	v34 =	vld [tilespmem:$0x1DA0]  }
0x10c: {  	v55 =	vld [tilespmem:$0x1E20];
	v0 =	vadd.f32 v1, v0  }
0x10d: {  	v56 =	vld [tilespmem:$0x1CB0]  }
0x10e: {  	v57 =	vld [tilespmem:$0x1D30];
	v17 =	vadd.f32 v18, v17;
	v0 =	vadd.f32 v2, v0  }
0x10f: {  	v35 =	vld [tilespmem:$0x1EA0]  }
0x110: {  	v59 =	vld [tilespmem:$0x1DB0];
	v17 =	vadd.f32 v19, v17;
	v0 =	vadd.f32 v3, v0  }
0x111: {  	v58 =	vld [tilespmem:$0x1F20];
	v2 =	vadd.f32 v54, v33  }
0x112: {  	v61 =	vld [tilespmem:$0x1E30];
	v17 =	vadd.f32 v20, v17;
	v0 =	vadd.f32 v4, v0  }
0x113: {  	v60 =	vld [tilespmem:$0x1FA0];
	v2 =	vadd.f32 v34, v2;
	v4 =	vadd.f32 v57, v56  }
0x114: {  	v63 =	vld [tilespmem:$0x1EB0];
	v17 =	vadd.f32 v21, v17;
	v0 =	vadd.f32 v5, v0  }
0x115: {  	v62 =	vld [tilespmem:$0x2020];
	v2 =	vadd.f32 v55, v2;
	v4 =	vadd.f32 v59, v4  }
0x116: {  	v17 =	vadd.f32 v22, v17;
	v22 =	vld [tilespmem:$0x1F30];
	v0 =	vadd.f32 v6, v0  }
0x117: {  	v37 =	vld [tilespmem:$0x2030];
	v2 =	vadd.f32 v35, v2;
	v4 =	vadd.f32 v61, v4  }
0x118: {  	v34 =	vld [tilespmem:$0x1FB0];
	v0 =	vadd.f32 v7, v0  }
0x119: {  	v38 =	vld [tilespmem:$0x2220];
	v2 =	vadd.f32 v58, v2;
	v3 =	vadd.f32 v63, v4  }
0x11a: {  	v21 =	vld [tilespmem:$0x20A0];
	v17 =	vadd.f32 v23, v17;
	v0 =	vadd.f32 v8, v0  }
0x11b: {  	v39 =	vld [tilespmem:$0x20B0];
	v2 =	vadd.f32 v60, v2;
	v3 =	vadd.f32 v22, v3  }
0x11c: {  	v33 =	vld [tilespmem:$0x2120];
	v36 =	vadd.f32 v24, v17;
	v0 =	vadd.f32 v9, v0  }
0x11d: {  	v40 =	vld [tilespmem:$0x1BA0];
	v2 =	vadd.f32 v62, v2;
	v3 =	vadd.f32 v34, v3  }
0x11e: {  	v35 =	vld [tilespmem:$0x21A0];
	v0 =	vadd.f32 v10, v0;
	v10 =	vadd.f32 v25, v36  }
0x11f: {  	v41 =	vld [tilespmem:$0x2130];
	v2 =	vadd.f32 v21, v2  }
0x120: {  	v44 =	vld [tilespmem:$0x1BB0];
	v42 =	vmul.f32 $2.560000000e+02, v16;
	v3 =	vadd.f32 v37, v3;
	v10 =	vadd.f32 v26, v10  }
0x121: {  	v43 =	vld [tilespmem:$0x21B0];
	v1 =	vmul.f32 $2.560000000e+02, v53;
	v2 =	vadd.f32 v33, v2;
	v0 =	vadd.f32 v11, v0  }
0x122: {  	v45 =	vld [tilespmem:$0x22A0];
	(erf) = vrcp.f32 v42;
	v3 =	vadd.f32 v39, v3;
	v10 =	vadd.f32 v27, v10  }
0x123: {  	v46 =	vld [tilespmem:$0x2230];
	(erf) = vrcp.f32 v1;
	v2 =	vadd.f32 v35, v2;
	v0 =	vadd.f32 v12, v0  }
0x124: {  	v48 =	vld [tilespmem:$0x2320];
	v5 =	vmul.f32 $2.560000000e+02, v40;
	v47 =	vadd.f32 v41, v3;
	v10 =	vadd.f32 v28, v10  }
0x125: {  	v50 =	vld [tilespmem:$0x22B0];
	v52 =	vmul.f32 $2.560000000e+02, v44;
	v2 =	vadd.f32 v38, v2;
	v0 =	vadd.f32 v13, v0  }
0x126: {  	v51 =	vld [tilespmem:$0x23A0];
	(erf) = vrcp.f32 v5;
	v1 =	vadd.f32 v43, v47;
	v49 =	vadd.f32 v29, v10  }
0x127: {  	v53 =	vld [tilespmem:$0x2330];
	v2 =	vadd.f32 v45, v2;
	v0 =	vadd.f32 v14, v0  }
0x128: {  	v54 =	vld [tilespmem:$0x2420];
	(erf) = vrcp.f32 v52;
	v1 =	vadd.f32 v46, v1;
	v8 =	vadd.f32 v30, v49  }
0x129: {  	v55 =	vld [tilespmem:$0x23B0];
	v2 =	vadd.f32 v48, v2;
	v0 =	vadd.f32 v15, v0  }
0x12a: {  	v1 =	vadd.f32 v50, v1;
	v56 =	vadd.f32 v31, v8  }
0x12b: {  	v58 =	vld [tilespmem:$0x2430];
	v57 =	vpop (erf);
	v2 =	vadd.f32 v51, v2  }
0x12c: {  	v0 =	vmul.f32 v57, v0;
	v1 =	vadd.f32 v53, v1;
	v6 =	vadd.f32 v32, v56  }
0x12d: {  	v59 =	vpop (erf);
	v2 =	vadd.f32 v54, v2  }
0x12e: {  	v0 =	vadd.f32 $0.0e+00, v0;
	v1 =	vadd.f32 v55, v1;
	v60 =	vmul.f32 v59, v6  }
0x12f: {  	v61 =	vpop (erf)  }
0x130: {  	v2 =	vmul.f32 v61, v2;
	v1 =	vadd.f32 v58, v1;
	v0 =	vadd.f32 v60, v0  }
0x131: {  	v62 =	vpop (erf)  }
0x132: {  	v1 =	vmul.f32 v62, v1;
	v0 =	vadd.f32 v2, v0;
	_ =	sdelay $0x1  }
0x133: {  	v0 =	vadd.f32 v1, v0;
	_ =	sdelay $0x1  }
0x134: {  	(xrf2) =	vadd.scan.msk.f32 $0xffff, v0;
	_ =	sdelay $0x9  }
0x135: {  	v0, _, _ =	vpop (xrf2)  }
0x136: {  	(v2sf) =	vpush v0, $0xF;
	_ =	sdelay $0xe  }
0x137: {  	s30 =	spop (v2sf)  }
0x138: {  	s3 =	smul.f32 $1.562500000e+02, s30;
	_ =	sdelay $0x1  }
0x139: {  	v63 =	vmov s3  }
0x13a: {  	s31 =	simm.s32 $0x2480;
	[tilespmem:$0x2480] =	vst v63  }
0x13b: {  	[hbm4b:s1+s26] =	stream.linear.scatter [tilespmem:s31], [sflag:$0x3], $0x1, $0x38;
	[tilespmem:$0x2500] =	vst v63  }
0x13c: {  	_ =	swait.ge [sflag:s5], $0x1  }
0x13d: {  	[sflag:s5] =	ssyncset.done $0x0  }
0x13e: {  	[sflag:s5] =	ssyncadd.s32 $0xFFFFFFFF  }
.LBB2_10:
0x13f: {  	_ =	sfence.sel $0x180000  }
0x140: {  	[bflag:$0x0] =	sbarrier.arrive $0xFFFF  }
0x141: {  	p0 =	sne.s32 s2, $0x0;
	_ =	strace $0x9000004A  }
0x142: {  	s0 =	sadd.s32 @!p0 $0x100000, s0;
	[bflag:$0x2] =	sbarrier.arrive $0xFFFF  }
0x143: {  	[sflag:s0] =	ssyncadd.tile.s32 @!p0 $0x1;
	_ =	shalt  }
.Lfunc_end2:
_tile_overlayer_lowered:
.L_overlay_start_2:
0x144: {  	(tag) =	ssettag $0x2  }
0x145: {  	s0 =	rddreg [dreg:$0x0];
	s2 =	stileid.u32  }
0x146: {  	s1 =	rddreg [dreg:$0x1];
	p0 =	sne.s32 s2, $0x0  }
0x147: {  	s3 =	rddreg [dreg:$0x2];
	[bflag:$0x3] =	sbarrier.arrive $0xFFFF;
	s2 =	simm.s32 @!p0 $0x1C03  }
0x148: {  	[timem:s3], [sflag:s2] =	dma.local @!p0 [hbm:s0], s1  }
0x149: {  	s0 =	simm.s32 @!p0 $0x3  }
0x14a: {  	_ =	swait.ge @!p0 [sflag:s0], s1  }
0x14b: {  	s1 =	ssub.s32 @!p0 $0x0, s1;
	[sflag:s0] =	ssyncset.done @!p0 $0x0  }
0x14c: {  	[sflag:s0] =	ssyncadd.s32 @!p0 s1  }
0x14d: {  	[bflag:$0x3] =	sbarrier.arrive $0xFFFF  }
0x14e: {  	_ =	shalt  }

</sc_bundles>
